<compile_context>
chip_gen: v7x
topology: tpu7x:2x2x1
jax: 0.10.2.dev20260603
libtpu: 0.0.44.dev20260713+nightly
codegen_flags: <defaults>
</compile_context>

<pallas_src>
import functools

import jax
import jax.numpy as jnp
from jax import lax
from jax.experimental import pallas as pl
from jax.experimental.pallas import tpu as pltpu
from jax.experimental.pallas import tpu_sc as plsc

N = 10000
NFEAT = 128
NHID = 16
NPAD = 10240
E = 320000
NCORES = 2
NSUB = 16
NWORK = NCORES * NSUB
CHUNK = 128
EPW = 10240
NCHUNKS = EPW // CHUNK
EPAD = NWORK * EPW
RPS = NPAD // NSUB
GRP = 8
NBUF = 2 * GRP
NBATCH = NCHUNKS // GRP

_mesh = plsc.VectorSubcoreMesh(core_axis_name="c", subcore_axis_name="s")
_sc_params = pltpu.CompilerParams(use_tc_tiling_on_sc=False)


def _zero_fill(buf, nrows):
    @pl.loop(0, nrows)
    def _(i):
        buf[i, :] = jnp.zeros((16,), jnp.float32)


@functools.partial(
    pl.kernel,
    out_type=jax.ShapeDtypeStruct((NCORES * NPAD, 16), jnp.float32),
    mesh=_mesh,
    scratch_types=[
        pltpu.VMEM((CHUNK, 16), jnp.float32),
        pltpu.VMEM((NCHUNKS, CHUNK), jnp.int32),
        pltpu.VMEM((RPS, 16), jnp.float32),
        pltpu.VMEM_SHARED((NPAD, 16), jnp.float32),
        pltpu.SemaphoreType.DMA,
    ],
    compiler_params=_sc_params,
)
def _deg_pass(row_hbm, out_hbm, ones_v, rv_all, zero_v, accum, sem):
    cid = lax.axis_index("c")
    sid = lax.axis_index("s")

    @pl.loop(0, CHUNK)
    def _(i):
        ones_v[i, :] = jnp.ones((16,), jnp.float32)

    _zero_fill(zero_v, RPS)
    pltpu.sync_copy(zero_v, accum.at[pl.ds(sid * RPS, RPS)])
    wbase = (cid * NSUB + sid) * NCHUNKS
    pltpu.sync_copy(row_hbm.at[pl.ds(wbase, NCHUNKS)], rv_all)
    plsc.subcore_barrier()

    @pl.loop(0, NCHUNKS)
    def _(k):
        pltpu.async_copy(ones_v, accum.at[rv_all.at[k]], sem, add=True)

    @pl.loop(0, NCHUNKS)
    def _(k):
        pltpu.make_async_copy(ones_v, accum.at[rv_all.at[0]], sem).wait()

    plsc.subcore_barrier()
    pltpu.sync_copy(
        accum.at[pl.ds(sid * RPS, RPS)],
        out_hbm.at[pl.ds(cid * NPAD + sid * RPS, RPS)],
    )


@functools.partial(
    pl.kernel,
    out_type=jax.ShapeDtypeStruct((NCORES * NPAD, 16), jnp.float32),
    mesh=_mesh,
    scratch_types=[
        pltpu.VMEM((NCHUNKS, CHUNK), jnp.int32),
        pltpu.VMEM((NCHUNKS, CHUNK), jnp.int32),
        pltpu.VMEM((NBUF, CHUNK, 16), jnp.float32),
        pltpu.VMEM((RPS, 16), jnp.float32),
        pltpu.VMEM_SHARED((NPAD, 16), jnp.float32),
        pltpu.VMEM_SHARED((NPAD, 16), jnp.float32),
        pltpu.SemaphoreType.DMA,
        pltpu.SemaphoreType.DMA,
    ],
    compiler_params=_sc_params,
)
def _agg_pass(hp_hbm, row_hbm, col_hbm, out_hbm, rv_all, cv_all, msg_v,
              zero_v, hp_s, accum, sem_g, sem_s):
    cid = lax.axis_index("c")
    sid = lax.axis_index("s")

    _zero_fill(zero_v, RPS)
    pltpu.sync_copy(zero_v, accum.at[pl.ds(sid * RPS, RPS)])
    pltpu.sync_copy(hp_hbm.at[pl.ds(sid * RPS, RPS)],
                    hp_s.at[pl.ds(sid * RPS, RPS)])
    wbase = (cid * NSUB + sid) * NCHUNKS
    pltpu.sync_copy(row_hbm.at[pl.ds(wbase, NCHUNKS)], rv_all)
    pltpu.sync_copy(col_hbm.at[pl.ds(wbase, NCHUNKS)], cv_all)
    plsc.subcore_barrier()

    for j in range(GRP):
        pltpu.async_copy(hp_s.at[rv_all.at[j]], msg_v.at[j], sem_g)
    for j in range(GRP):
        pltpu.make_async_copy(hp_s.at[rv_all.at[0]], msg_v.at[0],
                              sem_g).wait()
    for j in range(GRP):
        pltpu.async_copy(msg_v.at[j], accum.at[cv_all.at[j]], sem_s,
                         add=True)
    for j in range(GRP):
        pltpu.async_copy(hp_s.at[rv_all.at[GRP + j]], msg_v.at[GRP + j],
                         sem_g)

    @pl.loop(1, NBATCH)
    def _(k):
        half = (k % 2) * GRP
        nhalf = ((k + 1) % 2) * GRP
        base = k * GRP
        nbase = ((k + 1) % NBATCH) * GRP
        for j in range(GRP):
            pltpu.make_async_copy(hp_s.at[rv_all.at[0]], msg_v.at[0],
                                  sem_g).wait()
        for j in range(GRP):
            pltpu.make_async_copy(msg_v.at[0], accum.at[cv_all.at[0]],
                                  sem_s).wait()
        for j in range(GRP):
            pltpu.async_copy(msg_v.at[half + j],
                             accum.at[cv_all.at[base + j]], sem_s, add=True)
        for j in range(GRP):
            pltpu.async_copy(hp_s.at[rv_all.at[nbase + j]],
                             msg_v.at[nhalf + j], sem_g)

    for j in range(GRP):
        pltpu.make_async_copy(hp_s.at[rv_all.at[0]], msg_v.at[0],
                              sem_g).wait()
    for j in range(GRP):
        pltpu.make_async_copy(msg_v.at[0], accum.at[cv_all.at[0]],
                              sem_s).wait()

    plsc.subcore_barrier()
    pltpu.sync_copy(
        accum.at[pl.ds(sid * RPS, RPS)],
        out_hbm.at[pl.ds(cid * NPAD + sid * RPS, RPS)],
    )


def _tc_mm1(x_ref, w1t_ref, b1_ref, h1_ref):
    h1_ref[...] = lax.dot_general(
        x_ref[...], w1t_ref[...], (((1,), (0,)), ((), ())),
        preferred_element_type=jnp.float32,
    ) + b1_ref[...]


def _tc_scale1(deg_ref, h1_ref, hp_ref, dis_ref):
    deg = deg_ref[0, :N, :] + deg_ref[1, :N, :] + 1.0
    dis = lax.rsqrt(deg)
    hp_ref[:N, :] = dis * h1_ref[...]
    hp_ref[N:, :] = jnp.zeros((NPAD - N, 16), jnp.float32)
    dis_ref[...] = dis


def _tc_mid(p_ref, hp1_ref, dis_ref, w2t_ref, b2_ref, hp2_ref):
    dis = dis_ref[...]
    s = p_ref[0, :N, :] + p_ref[1, :N, :] + hp1_ref[:N, :]
    out1 = jnp.maximum(dis * s, 0.0)
    h2 = lax.dot_general(
        out1, w2t_ref[...], (((1,), (0,)), ((), ())),
        preferred_element_type=jnp.float32,
    ) + b2_ref[...]
    hp2_ref[:N, :] = dis * h2
    hp2_ref[N:, :] = jnp.zeros((NPAD - N, 16), jnp.float32)


def _tc_post(q_ref, hp2_ref, dis_ref, o_ref):
    o = dis_ref[...] * (q_ref[0, :N, :] + q_ref[1, :N, :] + hp2_ref[:N, :])
    m = jnp.max(o, axis=1, keepdims=True)
    lse = jnp.log(jnp.sum(jnp.exp(o - m), axis=1, keepdims=True)) + m
    o_ref[...] = o - lse


_mm1_call = pl.pallas_call(
    _tc_mm1,
    out_shape=jax.ShapeDtypeStruct((N, 16), jnp.float32),
)

_scale1_call = pl.pallas_call(
    _tc_scale1,
    out_shape=(
        jax.ShapeDtypeStruct((NPAD, 16), jnp.float32),
        jax.ShapeDtypeStruct((N, 16), jnp.float32),
    ),
)

_mid_call = pl.pallas_call(
    _tc_mid,
    out_shape=jax.ShapeDtypeStruct((NPAD, 16), jnp.float32),
)

_post_call = pl.pallas_call(
    _tc_post,
    out_shape=jax.ShapeDtypeStruct((N, 16), jnp.float32),
)


def kernel(x, edge_index, W1, b1, W2, b2):
    pad = jnp.full((2, EPAD - E), N, jnp.int32)
    ei = jnp.concatenate([edge_index, pad], axis=1)
    row2d = ei[0].reshape(NWORK * NCHUNKS, CHUNK)
    col2d = ei[1].reshape(NWORK * NCHUNKS, CHUNK)

    degp = _deg_pass(row2d).reshape(NCORES, NPAD, 16)
    h1 = _mm1_call(x, W1.T, b1.reshape(1, NHID))
    hp1, dis = _scale1_call(degp, h1)
    p = _agg_pass(hp1, row2d, col2d).reshape(NCORES, NPAD, 16)
    hp2 = _mid_call(p, hp1, dis, W2.T, b2.reshape(1, NHID))
    q = _agg_pass(hp2, row2d, col2d).reshape(NCORES, NPAD, 16)
    return _post_call(q, hp2, dis)

# --- scband reference (transcript-rebuilt; emitter-appended) ---
"""Pipeline reference for scband-net-22557168238620 (READ-ONLY COPY).

The authoritative reference and input builder live on the scoring server;
editing this copy changes nothing except your own understanding.
"""

import jax, jax.numpy as jnp
import numpy as np

N = 10000
E = 320000
NFEAT = 128
NHID = 16
NCLASS = 16


def setup_inputs(seed: int = 0) -> dict:
    key = jax.random.key(seed)
    k1, k2, k3, k4 = jax.random.split(key, 4)
    x = jax.random.normal(k1, (N, NFEAT), dtype=jnp.float32)
    edge_index = jax.random.randint(k2, (2, E), 0, N, dtype=jnp.int32)
    W1 = jax.random.normal(k3, (NHID, NFEAT), dtype=jnp.float32) * 0.05
    b1 = jnp.zeros((NHID,), dtype=jnp.float32)
    W2 = jax.random.normal(k4, (NCLASS, NHID), dtype=jnp.float32) * 0.05
    b2 = jnp.zeros((NCLASS,), dtype=jnp.float32)
    return {"x": x, "edge_index": edge_index, "W1": W1, "b1": b1, "W2": W2, "b2": b2}


def _add_self_loops(edge_index, num_nodes):
    loop = jnp.arange(num_nodes, dtype=edge_index.dtype)
    loops = jnp.stack([loop, loop], axis=0)
    return jnp.concatenate([edge_index, loops], axis=1)


def _gcn_layer(x, edge_index, W, b):
    num_nodes = x.shape[0]
    ei = _add_self_loops(edge_index, num_nodes)
    x = x @ W.T + b
    row, col = ei[0], ei[1]
    # degree of source nodes (matches degree(row, size[0]) in torch)
    deg = jnp.zeros((num_nodes,), dtype=x.dtype).at[row].add(1.0)
    deg_inv_sqrt = deg ** -0.5
    norm = deg_inv_sqrt[row] * deg_inv_sqrt[col]
    msg = norm[:, None] * jnp.take(x, row, axis=0)
    out = jnp.zeros((num_nodes, x.shape[1]), dtype=x.dtype).at[col].add(msg)
    return out


def reference(x, edge_index, W1, b1, W2, b2):
    h = _gcn_layer(x, edge_index, W1, b1)
    h = jax.nn.relu(h)
    # dropout is identity in eval mode (deterministic reference)
    h = _gcn_layer(h, edge_index, W2, b2)
    return jax.nn.log_softmax(h, axis=1)

if __name__ == "__main__":
    import jax
    _d = setup_inputs()
    print(jax.jit(kernel)(*tuple(_d.values())))

</pallas_src>

<mosaic_0001>
#map = affine_map<(d0, d1) -> (0, 0)>
module attributes {stable_mosaic.version = 14 : i64} {
  func.func @_deg_pass(%arg0: i32, %arg1: i32, %arg2: memref<2560x128xi32, #tpu.memory_space<hbm>>, %arg3: memref<20480x16xf32, #tpu.memory_space<hbm>>, %arg4: memref<128x16xf32, #tpu.memory_space<vmem>>, %arg5: memref<80x128xi32, #tpu.memory_space<vmem>>, %arg6: memref<640x16xf32, #tpu.memory_space<vmem>>, %arg7: memref<10240x16xf32, #tpu.memory_space<vmem_shared>>, %arg8: memref<!tpu.dma_semaphore, #tpu.memory_space<semaphore_mem>>) attributes {dimension_semantics = [#tpu.dimension_semantics<core_parallel>, #tpu.dimension_semantics<subcore_parallel>], iteration_bounds = array<i64: 2, 16>, scalar_prefetch = 0 : i64, scratch_operands = 5 : i64, tpu.core_type = #tpu.core_type<sc_vector_subcore>, window_params = [{transform_indices = #map}, {transform_indices = #map}]} {
    %scan3A = arith.constant 0 : i32
    %scan3A_0 = arith.constant 128 : i32
    %scan3A_1 = arith.addi %scan3A, %scan3A_0 : i32
    %scan3A_2 = arith.constant 1 : i32
    scf.for %scan3A_32 = %scan3A to %scan3A_1 step %scan3A_2  : i32 {
      %mul3A_33 = arith.constant 1 : i32
      %mul3A_34 = arith.muli %scan3A_32, %mul3A_33 : i32
      %add3A_35 = arith.constant 0 : i32
      %add3A_36 = arith.addi %add3A_35, %mul3A_34 : i32
      %broadcast_in_dim3A = arith.constant 1.000000e+00 : f32
      %broadcast_in_dim3A_37 = vector.broadcast %broadcast_in_dim3A : f32 to vector<16xf32>
      %swap3A = arith.index_cast %add3A_36 : i32 to index
      %swap3A_38 = arith.constant 0 : index
      %swap3A_39 = tpu.vector_load %arg4[%swap3A, %swap3A_38] {strides = array<i32>} : memref<128x16xf32, #tpu.memory_space<vmem>>, vector<1x16xf32>,
      %swap3A_40 = vector.shape_cast %swap3A_39 : vector<1x16xf32> to vector<16xf32>
      %swap3A_41 = vector.shape_cast %broadcast_in_dim3A_37 : vector<16xf32> to vector<1x16xf32>
      tpu.vector_store %arg4[%swap3A, %swap3A_38], %swap3A_41 {strides = array<i32>} : memref<128x16xf32, #tpu.memory_space<vmem>>, vector<1x16xf32>,
    }
    %scan3A_3 = arith.constant 128 : i32
    %scan3A_4 = arith.constant 0 : i32
    %scan3A_5 = arith.constant 640 : i32
    %scan3A_6 = arith.addi %scan3A_4, %scan3A_5 : i32
    %scan3A_7 = arith.constant 1 : i32
    scf.for %scan3A_32 = %scan3A_4 to %scan3A_6 step %scan3A_7  : i32 {
      %mul3A_33 = arith.constant 1 : i32
      %mul3A_34 = arith.muli %scan3A_32, %mul3A_33 : i32
      %add3A_35 = arith.constant 0 : i32
      %add3A_36 = arith.addi %add3A_35, %mul3A_34 : i32
      %broadcast_in_dim3A = arith.constant 0.000000e+00 : f32
      %broadcast_in_dim3A_37 = vector.broadcast %broadcast_in_dim3A : f32 to vector<16xf32>
      %swap3A = arith.index_cast %add3A_36 : i32 to index
      %swap3A_38 = arith.constant 0 : index
      %swap3A_39 = tpu.vector_load %arg6[%swap3A, %swap3A_38] {strides = array<i32>} : memref<640x16xf32, #tpu.memory_space<vmem>>, vector<1x16xf32>,
      %swap3A_40 = vector.shape_cast %swap3A_39 : vector<1x16xf32> to vector<16xf32>
      %swap3A_41 = vector.shape_cast %broadcast_in_dim3A_37 : vector<16xf32> to vector<1x16xf32>
      tpu.vector_store %arg6[%swap3A, %swap3A_38], %swap3A_41 {strides = array<i32>} : memref<640x16xf32, #tpu.memory_space<vmem>>, vector<1x16xf32>,
    }
    %scan3A_8 = arith.constant 640 : i32
    %mul3A = arith.constant 640 : i32
    %mul3A_9 = arith.muli %arg1, %mul3A : i32
    "tpu.region"() ({
      %run_scoped3A = tpu.sem_alloc : memref<!tpu.dma_semaphore, #tpu.memory_space<semaphore_mem>>
      %dma_start3A = arith.constant 0 : i32
      %dma_start3A_32 = tpu.memref_slice %arg7[%mul3A_9, %dma_start3A] : memref<10240x16xf32, #tpu.memory_space<vmem_shared>> -> memref<640x16xf32, #tpu.memory_space<vmem_shared>>
      %dma_start3A_33 = arith.constant 0 : i32
      %dma_start3A_34 = tpu.memref_slice %arg7[%mul3A_9, %dma_start3A_33] : memref<10240x16xf32, #tpu.memory_space<vmem_shared>> -> memref<640x16xf32, #tpu.memory_space<vmem_shared>>
      tpu.enqueue_dma source(%arg6 : memref<640x16xf32, #tpu.memory_space<vmem>>) target(%dma_start3A_34 : memref<640x16xf32, #tpu.memory_space<vmem_shared>>) target_semaphore(%run_scoped3A : memref<!tpu.dma_semaphore, #tpu.memory_space<semaphore_mem>>)
      %dma_wait3A = arith.constant 0 : i32
      %dma_wait3A_35 = tpu.memref_slice %arg7[%mul3A_9, %dma_wait3A] : memref<10240x16xf32, #tpu.memory_space<vmem_shared>> -> memref<640x16xf32, #tpu.memory_space<vmem_shared>>
      %dma_wait3A_36 = arith.constant 0 : i32
      %dma_wait3A_37 = tpu.memref_slice %arg7[%mul3A_9, %dma_wait3A_36] : memref<10240x16xf32, #tpu.memory_space<vmem_shared>> -> memref<640x16xf32, #tpu.memory_space<vmem_shared>>
      tpu.wait_dma2 semaphore(%run_scoped3A : memref<!tpu.dma_semaphore, #tpu.memory_space<semaphore_mem>>) src(%arg6 : memref<640x16xf32, #tpu.memory_space<vmem>>) dst(%dma_wait3A_37 : memref<640x16xf32, #tpu.memory_space<vmem_shared>>)
      tpu.yield
    }) : () -> ()
    %mul3A_10 = arith.constant 16 : i32
    %mul3A_11 = arith.muli %arg0, %mul3A_10 : i32
    %add3A = arith.addi %mul3A_11, %arg1 : i32
    %mul3A_12 = arith.constant 80 : i32
    %mul3A_13 = arith.muli %add3A, %mul3A_12 : i32
    "tpu.region"() ({
      %run_scoped3A = tpu.sem_alloc : memref<!tpu.dma_semaphore, #tpu.memory_space<semaphore_mem>>
      %dma_start3A = arith.constant 0 : i32
      %dma_start3A_32 = tpu.memref_slice %arg2[%mul3A_13, %dma_start3A] : memref<2560x128xi32, #tpu.memory_space<hbm>> -> memref<80x128xi32, #tpu.memory_space<hbm>>
      %dma_start3A_33 = arith.constant 0 : i32
      %dma_start3A_34 = tpu.memref_slice %arg2[%mul3A_13, %dma_start3A_33] : memref<2560x128xi32, #tpu.memory_space<hbm>> -> memref<80x128xi32, #tpu.memory_space<hbm>>
      tpu.enqueue_dma source(%dma_start3A_34 : memref<80x128xi32, #tpu.memory_space<hbm>>) target(%arg5 : memref<80x128xi32, #tpu.memory_space<vmem>>) target_semaphore(%run_scoped3A : memref<!tpu.dma_semaphore, #tpu.memory_space<semaphore_mem>>)
      %dma_wait3A = arith.constant 0 : i32
      %dma_wait3A_35 = tpu.memref_slice %arg2[%mul3A_13, %dma_wait3A] : memref<2560x128xi32, #tpu.memory_space<hbm>> -> memref<80x128xi32, #tpu.memory_space<hbm>>
      %dma_wait3A_36 = arith.constant 0 : i32
      %dma_wait3A_37 = tpu.memref_slice %arg2[%mul3A_13, %dma_wait3A_36] : memref<2560x128xi32, #tpu.memory_space<hbm>> -> memref<80x128xi32, #tpu.memory_space<hbm>>
      tpu.wait_dma2 semaphore(%run_scoped3A : memref<!tpu.dma_semaphore, #tpu.memory_space<semaphore_mem>>) src(%dma_wait3A_37 : memref<80x128xi32, #tpu.memory_space<hbm>>) dst(%arg5 : memref<80x128xi32, #tpu.memory_space<vmem>>)
      tpu.yield
    }) : () -> ()
    %barrier3A = arith.constant 0 : index
    tpu.barrier barrier_id(%barrier3A)
    %scan3A_14 = arith.constant 0 : i32
    %scan3A_15 = arith.constant 80 : i32
    %scan3A_16 = arith.addi %scan3A_14, %scan3A_15 : i32
    %scan3A_17 = arith.constant 1 : i32
    scf.for %scan3A_32 = %scan3A_14 to %scan3A_16 step %scan3A_17  : i32 {
      %mul3A_33 = arith.constant 1 : i32
      %mul3A_34 = arith.muli %scan3A_32, %mul3A_33 : i32
      %add3A_35 = arith.constant 0 : i32
      %add3A_36 = arith.addi %add3A_35, %mul3A_34 : i32
      %dma_start3A = arith.constant 0 : i32
      %dma_start3A_37 = tpu.memref_slice %arg5[%add3A_36, %dma_start3A] : memref<80x128xi32, #tpu.memory_space<vmem>> -> memref<1x128xi32, #tpu.memory_space<vmem>>
      %dma_start3A_38 = tpu.memref_squeeze %dma_start3A_37 : memref<1x128xi32, #tpu.memory_space<vmem>> -> memref<128xi32, #tpu.memory_space<vmem>>
      %dma_start3A_39 = arith.constant 0 : i32
      %dma_start3A_40 = arith.constant 0 : i32
      %dma_start3A_41 = tpu.memref_slice %arg7[%dma_start3A_39, %dma_start3A_40] : memref<10240x16xf32, #tpu.memory_space<vmem_shared>> -> memref<10240x16xf32, #tpu.memory_space<vmem_shared>>
      tpu.enqueue_indirect_dma source(%arg4 : memref<128x16xf32, #tpu.memory_space<vmem>>) target(%dma_start3A_41 : memref<10240x16xf32, #tpu.memory_space<vmem_shared>>) offsets(%dma_start3A_38 : memref<128xi32, #tpu.memory_space<vmem>>) semaphore(%arg8 : memref<!tpu.dma_semaphore, #tpu.memory_space<semaphore_mem>>) {add = true}
    }
    %scan3A_18 = arith.constant 80 : i32
    %scan3A_19 = arith.constant 0 : i32
    %scan3A_20 = arith.constant 80 : i32
    %scan3A_21 = arith.addi %scan3A_19, %scan3A_20 : i32
    %scan3A_22 = arith.constant 1 : i32
    scf.for %scan3A_32 = %scan3A_19 to %scan3A_21 step %scan3A_22  : i32 {
      %mul3A_33 = arith.constant 1 : i32
      %mul3A_34 = arith.muli %scan3A_32, %mul3A_33 : i32
      %add3A_35 = arith.constant 0 : i32
      %add3A_36 = arith.addi %add3A_35, %mul3A_34 : i32
      %dma_wait3A = arith.constant 0 : i32
      %dma_wait3A_37 = arith.constant 0 : i32
      %dma_wait3A_38 = tpu.memref_slice %arg5[%dma_wait3A, %dma_wait3A_37] : memref<80x128xi32, #tpu.memory_space<vmem>> -> memref<1x128xi32, #tpu.memory_space<vmem>>
      %dma_wait3A_39 = tpu.memref_squeeze %dma_wait3A_38 : memref<1x128xi32, #tpu.memory_space<vmem>> -> memref<128xi32, #tpu.memory_space<vmem>>
      %dma_wait3A_40 = arith.constant 0 : i32
      %dma_wait3A_41 = arith.constant 0 : i32
      %dma_wait3A_42 = tpu.memref_slice %arg7[%dma_wait3A_40, %dma_wait3A_41] : memref<10240x16xf32, #tpu.memory_space<vmem_shared>> -> memref<10240x16xf32, #tpu.memory_space<vmem_shared>>
      tpu.wait_indirect_dma semaphore(%arg8 : memref<!tpu.dma_semaphore, #tpu.memory_space<semaphore_mem>>) src(%arg4 : memref<128x16xf32, #tpu.memory_space<vmem>>) dst(%dma_wait3A_42 : memref<10240x16xf32, #tpu.memory_space<vmem_shared>>)
    }
    %scan3A_23 = arith.constant 80 : i32
    %barrier3A_24 = arith.constant 0 : index
    tpu.barrier barrier_id(%barrier3A_24)
    %mul3A_25 = arith.constant 640 : i32
    %mul3A_26 = arith.muli %arg1, %mul3A_25 : i32
    %mul3A_27 = arith.constant 10240 : i32
    %mul3A_28 = arith.muli %arg0, %mul3A_27 : i32
    %mul3A_29 = arith.constant 640 : i32
    %mul3A_30 = arith.muli %arg1, %mul3A_29 : i32
    %add3A_31 = arith.addi %mul3A_28, %mul3A_30 : i32
    "tpu.region"() ({
      %run_scoped3A = tpu.sem_alloc : memref<!tpu.dma_semaphore, #tpu.memory_space<semaphore_mem>>
      %dma_start3A = arith.constant 0 : i32
      %dma_start3A_32 = tpu.memref_slice %arg3[%add3A_31, %dma_start3A] : memref<20480x16xf32, #tpu.memory_space<hbm>> -> memref<640x16xf32, #tpu.memory_space<hbm>>
      %dma_start3A_33 = arith.constant 0 : i32
      %dma_start3A_34 = tpu.memref_slice %arg7[%mul3A_26, %dma_start3A_33] : memref<10240x16xf32, #tpu.memory_space<vmem_shared>> -> memref<640x16xf32, #tpu.memory_space<vmem_shared>>
      tpu.enqueue_dma source(%dma_start3A_34 : memref<640x16xf32, #tpu.memory_space<vmem_shared>>) target(%dma_start3A_32 : memref<640x16xf32, #tpu.memory_space<hbm>>) target_semaphore(%run_scoped3A : memref<!tpu.dma_semaphore, #tpu.memory_space<semaphore_mem>>)
      %dma_wait3A = arith.constant 0 : i32
      %dma_wait3A_35 = tpu.memref_slice %arg3[%add3A_31, %dma_wait3A] : memref<20480x16xf32, #tpu.memory_space<hbm>> -> memref<640x16xf32, #tpu.memory_space<hbm>>
      %dma_wait3A_36 = arith.constant 0 : i32
      %dma_wait3A_37 = tpu.memref_slice %arg7[%mul3A_26, %dma_wait3A_36] : memref<10240x16xf32, #tpu.memory_space<vmem_shared>> -> memref<640x16xf32, #tpu.memory_space<vmem_shared>>
      tpu.wait_dma2 semaphore(%run_scoped3A : memref<!tpu.dma_semaphore, #tpu.memory_space<semaphore_mem>>) src(%dma_wait3A_37 : memref<640x16xf32, #tpu.memory_space<vmem_shared>>) dst(%dma_wait3A_35 : memref<640x16xf32, #tpu.memory_space<hbm>>)
      tpu.yield
    }) : () -> ()
    return
  }
}

#map = affine_map<(d0, d1) -> (0, 0)>
module attributes {stable_mosaic.version = 14 : i64} {
  func.func @_agg_pass(%arg0: i32, %arg1: i32, %arg2: memref<10240x16xf32, #tpu.memory_space<hbm>>, %arg3: memref<2560x128xi32, #tpu.memory_space<hbm>>, %arg4: memref<2560x128xi32, #tpu.memory_space<hbm>>, %arg5: memref<20480x16xf32, #tpu.memory_space<hbm>>, %arg6: memref<80x128xi32, #tpu.memory_space<vmem>>, %arg7: memref<80x128xi32, #tpu.memory_space<vmem>>, %arg8: memref<16x128x16xf32, #tpu.memory_space<vmem>>, %arg9: memref<640x16xf32, #tpu.memory_space<vmem>>, %arg10: memref<10240x16xf32, #tpu.memory_space<vmem_shared>>, %arg11: memref<10240x16xf32, #tpu.memory_space<vmem_shared>>, %arg12: memref<!tpu.dma_semaphore, #tpu.memory_space<semaphore_mem>>, %arg13: memref<!tpu.dma_semaphore, #tpu.memory_space<semaphore_mem>>) attributes {dimension_semantics = [#tpu.dimension_semantics<core_parallel>, #tpu.dimension_semantics<subcore_parallel>], iteration_bounds = array<i64: 2, 16>, scalar_prefetch = 0 : i64, scratch_operands = 8 : i64, tpu.core_type = #tpu.core_type<sc_vector_subcore>, window_params = [{transform_indices = #map}, {transform_indices = #map}, {transform_indices = #map}, {transform_indices = #map}]} {
    %scan3A = arith.constant 0 : i32
    %scan3A_0 = arith.constant 640 : i32
    %scan3A_1 = arith.addi %scan3A, %scan3A_0 : i32
    %scan3A_2 = arith.constant 1 : i32
    scf.for %scan3A_600 = %scan3A to %scan3A_1 step %scan3A_2  : i32 {
      %mul3A_601 = arith.constant 1 : i32
      %mul3A_602 = arith.muli %scan3A_600, %mul3A_601 : i32
      %add3A_603 = arith.constant 0 : i32
      %add3A_604 = arith.addi %add3A_603, %mul3A_602 : i32
      %broadcast_in_dim3A = arith.constant 0.000000e+00 : f32
      %broadcast_in_dim3A_605 = vector.broadcast %broadcast_in_dim3A : f32 to vector<16xf32>
      %swap3A = arith.index_cast %add3A_604 : i32 to index
      %swap3A_606 = arith.constant 0 : index
      %swap3A_607 = tpu.vector_load %arg9[%swap3A, %swap3A_606] {strides = array<i32>} : memref<640x16xf32, #tpu.memory_space<vmem>>, vector<1x16xf32>,
      %swap3A_608 = vector.shape_cast %swap3A_607 : vector<1x16xf32> to vector<16xf32>
      %swap3A_609 = vector.shape_cast %broadcast_in_dim3A_605 : vector<16xf32> to vector<1x16xf32>
      tpu.vector_store %arg9[%swap3A, %swap3A_606], %swap3A_609 {strides = array<i32>} : memref<640x16xf32, #tpu.memory_space<vmem>>, vector<1x16xf32>,
    }
    %scan3A_3 = arith.constant 640 : i32
    %mul3A = arith.constant 640 : i32
    %mul3A_4 = arith.muli %arg1, %mul3A : i32
    "tpu.region"() ({
      %run_scoped3A = tpu.sem_alloc : memref<!tpu.dma_semaphore, #tpu.memory_space<semaphore_mem>>
      %dma_start3A_600 = arith.constant 0 : i32
      %dma_start3A_601 = tpu.memref_slice %arg11[%mul3A_4, %dma_start3A_600] : memref<10240x16xf32, #tpu.memory_space<vmem_shared>> -> memref<640x16xf32, #tpu.memory_space<vmem_shared>>
      %dma_start3A_602 = arith.constant 0 : i32
      %dma_start3A_603 = tpu.memref_slice %arg11[%mul3A_4, %dma_start3A_602] : memref<10240x16xf32, #tpu.memory_space<vmem_shared>> -> memref<640x16xf32, #tpu.memory_space<vmem_shared>>
      tpu.enqueue_dma source(%arg9 : memref<640x16xf32, #tpu.memory_space<vmem>>) target(%dma_start3A_603 : memref<640x16xf32, #tpu.memory_space<vmem_shared>>) target_semaphore(%run_scoped3A : memref<!tpu.dma_semaphore, #tpu.memory_space<semaphore_mem>>)
      %dma_wait3A_604 = arith.constant 0 : i32
      %dma_wait3A_605 = tpu.memref_slice %arg11[%mul3A_4, %dma_wait3A_604] : memref<10240x16xf32, #tpu.memory_space<vmem_shared>> -> memref<640x16xf32, #tpu.memory_space<vmem_shared>>
      %dma_wait3A_606 = arith.constant 0 : i32
      %dma_wait3A_607 = tpu.memref_slice %arg11[%mul3A_4, %dma_wait3A_606] : memref<10240x16xf32, #tpu.memory_space<vmem_shared>> -> memref<640x16xf32, #tpu.memory_space<vmem_shared>>
      tpu.wait_dma2 semaphore(%run_scoped3A : memref<!tpu.dma_semaphore, #tpu.memory_space<semaphore_mem>>) src(%arg9 : memref<640x16xf32, #tpu.memory_space<vmem>>) dst(%dma_wait3A_607 : memref<640x16xf32, #tpu.memory_space<vmem_shared>>)
      tpu.yield
    }) : () -> ()
    %mul3A_5 = arith.constant 640 : i32
    %mul3A_6 = arith.muli %arg1, %mul3A_5 : i32
    %mul3A_7 = arith.constant 640 : i32
    %mul3A_8 = arith.muli %arg1, %mul3A_7 : i32
    "tpu.region"() ({
      %run_scoped3A = tpu.sem_alloc : memref<!tpu.dma_semaphore, #tpu.memory_space<semaphore_mem>>
      %dma_start3A_600 = arith.constant 0 : i32
      %dma_start3A_601 = tpu.memref_slice %arg10[%mul3A_8, %dma_start3A_600] : memref<10240x16xf32, #tpu.memory_space<vmem_shared>> -> memref<640x16xf32, #tpu.memory_space<vmem_shared>>
      %dma_start3A_602 = arith.constant 0 : i32
      %dma_start3A_603 = tpu.memref_slice %arg2[%mul3A_6, %dma_start3A_602] : memref<10240x16xf32, #tpu.memory_space<hbm>> -> memref<640x16xf32, #tpu.memory_space<hbm>>
      tpu.enqueue_dma source(%dma_start3A_603 : memref<640x16xf32, #tpu.memory_space<hbm>>) target(%dma_start3A_601 : memref<640x16xf32, #tpu.memory_space<vmem_shared>>) target_semaphore(%run_scoped3A : memref<!tpu.dma_semaphore, #tpu.memory_space<semaphore_mem>>)
      %dma_wait3A_604 = arith.constant 0 : i32
      %dma_wait3A_605 = tpu.memref_slice %arg10[%mul3A_8, %dma_wait3A_604] : memref<10240x16xf32, #tpu.memory_space<vmem_shared>> -> memref<640x16xf32, #tpu.memory_space<vmem_shared>>
      %dma_wait3A_606 = arith.constant 0 : i32
      %dma_wait3A_607 = tpu.memref_slice %arg2[%mul3A_6, %dma_wait3A_606] : memref<10240x16xf32, #tpu.memory_space<hbm>> -> memref<640x16xf32, #tpu.memory_space<hbm>>
      tpu.wait_dma2 semaphore(%run_scoped3A : memref<!tpu.dma_semaphore, #tpu.memory_space<semaphore_mem>>) src(%dma_wait3A_607 : memref<640x16xf32, #tpu.memory_space<hbm>>) dst(%dma_wait3A_605 : memref<640x16xf32, #tpu.memory_space<vmem_shared>>)
      tpu.yield
    }) : () -> ()
    %mul3A_9 = arith.constant 16 : i32
    %mul3A_10 = arith.muli %arg0, %mul3A_9 : i32
    %add3A = arith.addi %mul3A_10, %arg1 : i32
    %mul3A_11 = arith.constant 80 : i32
    %mul3A_12 = arith.muli %add3A, %mul3A_11 : i32
    "tpu.region"() ({
      %run_scoped3A = tpu.sem_alloc : memref<!tpu.dma_semaphore, #tpu.memory_space<semaphore_mem>>
      %dma_start3A_600 = arith.constant 0 : i32
      %dma_start3A_601 = tpu.memref_slice %arg3[%mul3A_12, %dma_start3A_600] : memref<2560x128xi32, #tpu.memory_space<hbm>> -> memref<80x128xi32, #tpu.memory_space<hbm>>
      %dma_start3A_602 = arith.constant 0 : i32
      %dma_start3A_603 = tpu.memref_slice %arg3[%mul3A_12, %dma_start3A_602] : memref<2560x128xi32, #tpu.memory_space<hbm>> -> memref<80x128xi32, #tpu.memory_space<hbm>>
      tpu.enqueue_dma source(%dma_start3A_603 : memref<80x128xi32, #tpu.memory_space<hbm>>) target(%arg6 : memref<80x128xi32, #tpu.memory_space<vmem>>) target_semaphore(%run_scoped3A : memref<!tpu.dma_semaphore, #tpu.memory_space<semaphore_mem>>)
      %dma_wait3A_604 = arith.constant 0 : i32
      %dma_wait3A_605 = tpu.memref_slice %arg3[%mul3A_12, %dma_wait3A_604] : memref<2560x128xi32, #tpu.memory_space<hbm>> -> memref<80x128xi32, #tpu.memory_space<hbm>>
      %dma_wait3A_606 = arith.constant 0 : i32
      %dma_wait3A_607 = tpu.memref_slice %arg3[%mul3A_12, %dma_wait3A_606] : memref<2560x128xi32, #tpu.memory_space<hbm>> -> memref<80x128xi32, #tpu.memory_space<hbm>>
      tpu.wait_dma2 semaphore(%run_scoped3A : memref<!tpu.dma_semaphore, #tpu.memory_space<semaphore_mem>>) src(%dma_wait3A_607 : memref<80x128xi32, #tpu.memory_space<hbm>>) dst(%arg6 : memref<80x128xi32, #tpu.memory_space<vmem>>)
      tpu.yield
    }) : () -> ()
    "tpu.region"() ({
      %run_scoped3A = tpu.sem_alloc : memref<!tpu.dma_semaphore, #tpu.memory_space<semaphore_mem>>
      %dma_start3A_600 = arith.constant 0 : i32
      %dma_start3A_601 = tpu.memref_slice %arg4[%mul3A_12, %dma_start3A_600] : memref<2560x128xi32, #tpu.memory_space<hbm>> -> memref<80x128xi32, #tpu.memory_space<hbm>>
      %dma_start3A_602 = arith.constant 0 : i32
      %dma_start3A_603 = tpu.memref_slice %arg4[%mul3A_12, %dma_start3A_602] : memref<2560x128xi32, #tpu.memory_space<hbm>> -> memref<80x128xi32, #tpu.memory_space<hbm>>
      tpu.enqueue_dma source(%dma_start3A_603 : memref<80x128xi32, #tpu.memory_space<hbm>>) target(%arg7 : memref<80x128xi32, #tpu.memory_space<vmem>>) target_semaphore(%run_scoped3A : memref<!tpu.dma_semaphore, #tpu.memory_space<semaphore_mem>>)
      %dma_wait3A_604 = arith.constant 0 : i32
      %dma_wait3A_605 = tpu.memref_slice %arg4[%mul3A_12, %dma_wait3A_604] : memref<2560x128xi32, #tpu.memory_space<hbm>> -> memref<80x128xi32, #tpu.memory_space<hbm>>
      %dma_wait3A_606 = arith.constant 0 : i32
      %dma_wait3A_607 = tpu.memref_slice %arg4[%mul3A_12, %dma_wait3A_606] : memref<2560x128xi32, #tpu.memory_space<hbm>> -> memref<80x128xi32, #tpu.memory_space<hbm>>
      tpu.wait_dma2 semaphore(%run_scoped3A : memref<!tpu.dma_semaphore, #tpu.memory_space<semaphore_mem>>) src(%dma_wait3A_607 : memref<80x128xi32, #tpu.memory_space<hbm>>) dst(%arg7 : memref<80x128xi32, #tpu.memory_space<vmem>>)
      tpu.yield
    }) : () -> ()
    %barrier3A = arith.constant 0 : index
    tpu.barrier barrier_id(%barrier3A)
    %dma_start3A = arith.constant 0 : i32
    %dma_start3A_13 = arith.constant 0 : i32
    %dma_start3A_14 = arith.constant 0 : i32
    %dma_start3A_15 = arith.constant 0 : i32
    %dma_start3A_16 = tpu.memref_slice %arg8[%dma_start3A_13, %dma_start3A_14, %dma_start3A_15] : memref<16x128x16xf32, #tpu.memory_space<vmem>> -> memref<1x128x16xf32, #tpu.memory_space<vmem>>
    %dma_start3A_17 = tpu.memref_squeeze %dma_start3A_16 : memref<1x128x16xf32, #tpu.memory_space<vmem>> -> memref<128x16xf32, #tpu.memory_space<vmem>>
    %dma_start3A_18 = arith.constant 0 : i32
    %dma_start3A_19 = tpu.memref_slice %arg6[%dma_start3A, %dma_start3A_18] : memref<80x128xi32, #tpu.memory_space<vmem>> -> memref<1x128xi32, #tpu.memory_space<vmem>>
    %dma_start3A_20 = tpu.memref_squeeze %dma_start3A_19 : memref<1x128xi32, #tpu.memory_space<vmem>> -> memref<128xi32, #tpu.memory_space<vmem>>
    %dma_start3A_21 = arith.constant 0 : i32
    %dma_start3A_22 = arith.constant 0 : i32
    %dma_start3A_23 = tpu.memref_slice %arg10[%dma_start3A_21, %dma_start3A_22] : memref<10240x16xf32, #tpu.memory_space<vmem_shared>> -> memref<10240x16xf32, #tpu.memory_space<vmem_shared>>
    tpu.enqueue_indirect_dma source(%dma_start3A_23 : memref<10240x16xf32, #tpu.memory_space<vmem_shared>>) target(%dma_start3A_17 : memref<128x16xf32, #tpu.memory_space<vmem>>) offsets(%dma_start3A_20 : memref<128xi32, #tpu.memory_space<vmem>>) semaphore(%arg12 : memref<!tpu.dma_semaphore, #tpu.memory_space<semaphore_mem>>)
    %dma_start3A_24 = arith.constant 1 : i32
    %dma_start3A_25 = arith.constant 1 : i32
    %dma_start3A_26 = arith.constant 0 : i32
    %dma_start3A_27 = arith.constant 0 : i32
    %dma_start3A_28 = tpu.memref_slice %arg8[%dma_start3A_25, %dma_start3A_26, %dma_start3A_27] : memref<16x128x16xf32, #tpu.memory_space<vmem>> -> memref<1x128x16xf32, #tpu.memory_space<vmem>>
    %dma_start3A_29 = tpu.memref_squeeze %dma_start3A_28 : memref<1x128x16xf32, #tpu.memory_space<vmem>> -> memref<128x16xf32, #tpu.memory_space<vmem>>
    %dma_start3A_30 = arith.constant 0 : i32
    %dma_start3A_31 = tpu.memref_slice %arg6[%dma_start3A_24, %dma_start3A_30] : memref<80x128xi32, #tpu.memory_space<vmem>> -> memref<1x128xi32, #tpu.memory_space<vmem>>
    %dma_start3A_32 = tpu.memref_squeeze %dma_start3A_31 : memref<1x128xi32, #tpu.memory_space<vmem>> -> memref<128xi32, #tpu.memory_space<vmem>>
    %dma_start3A_33 = arith.constant 0 : i32
    %dma_start3A_34 = arith.constant 0 : i32
    %dma_start3A_35 = tpu.memref_slice %arg10[%dma_start3A_33, %dma_start3A_34] : memref<10240x16xf32, #tpu.memory_space<vmem_shared>> -> memref<10240x16xf32, #tpu.memory_space<vmem_shared>>
    tpu.enqueue_indirect_dma source(%dma_start3A_35 : memref<10240x16xf32, #tpu.memory_space<vmem_shared>>) target(%dma_start3A_29 : memref<128x16xf32, #tpu.memory_space<vmem>>) offsets(%dma_start3A_32 : memref<128xi32, #tpu.memory_space<vmem>>) semaphore(%arg12 : memref<!tpu.dma_semaphore, #tpu.memory_space<semaphore_mem>>)
    %dma_start3A_36 = arith.constant 2 : i32
    %dma_start3A_37 = arith.constant 2 : i32
    %dma_start3A_38 = arith.constant 0 : i32
    %dma_start3A_39 = arith.constant 0 : i32
    %dma_start3A_40 = tpu.memref_slice %arg8[%dma_start3A_37, %dma_start3A_38, %dma_start3A_39] : memref<16x128x16xf32, #tpu.memory_space<vmem>> -> memref<1x128x16xf32, #tpu.memory_space<vmem>>
    %dma_start3A_41 = tpu.memref_squeeze %dma_start3A_40 : memref<1x128x16xf32, #tpu.memory_space<vmem>> -> memref<128x16xf32, #tpu.memory_space<vmem>>
    %dma_start3A_42 = arith.constant 0 : i32
    %dma_start3A_43 = tpu.memref_slice %arg6[%dma_start3A_36, %dma_start3A_42] : memref<80x128xi32, #tpu.memory_space<vmem>> -> memref<1x128xi32, #tpu.memory_space<vmem>>
    %dma_start3A_44 = tpu.memref_squeeze %dma_start3A_43 : memref<1x128xi32, #tpu.memory_space<vmem>> -> memref<128xi32, #tpu.memory_space<vmem>>
    %dma_start3A_45 = arith.constant 0 : i32
    %dma_start3A_46 = arith.constant 0 : i32
    %dma_start3A_47 = tpu.memref_slice %arg10[%dma_start3A_45, %dma_start3A_46] : memref<10240x16xf32, #tpu.memory_space<vmem_shared>> -> memref<10240x16xf32, #tpu.memory_space<vmem_shared>>
    tpu.enqueue_indirect_dma source(%dma_start3A_47 : memref<10240x16xf32, #tpu.memory_space<vmem_shared>>) target(%dma_start3A_41 : memref<128x16xf32, #tpu.memory_space<vmem>>) offsets(%dma_start3A_44 : memref<128xi32, #tpu.memory_space<vmem>>) semaphore(%arg12 : memref<!tpu.dma_semaphore, #tpu.memory_space<semaphore_mem>>)
    %dma_start3A_48 = arith.constant 3 : i32
    %dma_start3A_49 = arith.constant 3 : i32
    %dma_start3A_50 = arith.constant 0 : i32
    %dma_start3A_51 = arith.constant 0 : i32
    %dma_start3A_52 = tpu.memref_slice %arg8[%dma_start3A_49, %dma_start3A_50, %dma_start3A_51] : memref<16x128x16xf32, #tpu.memory_space<vmem>> -> memref<1x128x16xf32, #tpu.memory_space<vmem>>
    %dma_start3A_53 = tpu.memref_squeeze %dma_start3A_52 : memref<1x128x16xf32, #tpu.memory_space<vmem>> -> memref<128x16xf32, #tpu.memory_space<vmem>>
    %dma_start3A_54 = arith.constant 0 : i32
    %dma_start3A_55 = tpu.memref_slice %arg6[%dma_start3A_48, %dma_start3A_54] : memref<80x128xi32, #tpu.memory_space<vmem>> -> memref<1x128xi32, #tpu.memory_space<vmem>>
    %dma_start3A_56 = tpu.memref_squeeze %dma_start3A_55 : memref<1x128xi32, #tpu.memory_space<vmem>> -> memref<128xi32, #tpu.memory_space<vmem>>
    %dma_start3A_57 = arith.constant 0 : i32
    %dma_start3A_58 = arith.constant 0 : i32
    %dma_start3A_59 = tpu.memref_slice %arg10[%dma_start3A_57, %dma_start3A_58] : memref<10240x16xf32, #tpu.memory_space<vmem_shared>> -> memref<10240x16xf32, #tpu.memory_space<vmem_shared>>
    tpu.enqueue_indirect_dma source(%dma_start3A_59 : memref<10240x16xf32, #tpu.memory_space<vmem_shared>>) target(%dma_start3A_53 : memref<128x16xf32, #tpu.memory_space<vmem>>) offsets(%dma_start3A_56 : memref<128xi32, #tpu.memory_space<vmem>>) semaphore(%arg12 : memref<!tpu.dma_semaphore, #tpu.memory_space<semaphore_mem>>)
    %dma_start3A_60 = arith.constant 4 : i32
    %dma_start3A_61 = arith.constant 4 : i32
    %dma_start3A_62 = arith.constant 0 : i32
    %dma_start3A_63 = arith.constant 0 : i32
    %dma_start3A_64 = tpu.memref_slice %arg8[%dma_start3A_61, %dma_start3A_62, %dma_start3A_63] : memref<16x128x16xf32, #tpu.memory_space<vmem>> -> memref<1x128x16xf32, #tpu.memory_space<vmem>>
    %dma_start3A_65 = tpu.memref_squeeze %dma_start3A_64 : memref<1x128x16xf32, #tpu.memory_space<vmem>> -> memref<128x16xf32, #tpu.memory_space<vmem>>
    %dma_start3A_66 = arith.constant 0 : i32
    %dma_start3A_67 = tpu.memref_slice %arg6[%dma_start3A_60, %dma_start3A_66] : memref<80x128xi32, #tpu.memory_space<vmem>> -> memref<1x128xi32, #tpu.memory_space<vmem>>
    %dma_start3A_68 = tpu.memref_squeeze %dma_start3A_67 : memref<1x128xi32, #tpu.memory_space<vmem>> -> memref<128xi32, #tpu.memory_space<vmem>>
    %dma_start3A_69 = arith.constant 0 : i32
    %dma_start3A_70 = arith.constant 0 : i32
    %dma_start3A_71 = tpu.memref_slice %arg10[%dma_start3A_69, %dma_start3A_70] : memref<10240x16xf32, #tpu.memory_space<vmem_shared>> -> memref<10240x16xf32, #tpu.memory_space<vmem_shared>>
    tpu.enqueue_indirect_dma source(%dma_start3A_71 : memref<10240x16xf32, #tpu.memory_space<vmem_shared>>) target(%dma_start3A_65 : memref<128x16xf32, #tpu.memory_space<vmem>>) offsets(%dma_start3A_68 : memref<128xi32, #tpu.memory_space<vmem>>) semaphore(%arg12 : memref<!tpu.dma_semaphore, #tpu.memory_space<semaphore_mem>>)
    %dma_start3A_72 = arith.constant 5 : i32
    %dma_start3A_73 = arith.constant 5 : i32
    %dma_start3A_74 = arith.constant 0 : i32
    %dma_start3A_75 = arith.constant 0 : i32
    %dma_start3A_76 = tpu.memref_slice %arg8[%dma_start3A_73, %dma_start3A_74, %dma_start3A_75] : memref<16x128x16xf32, #tpu.memory_space<vmem>> -> memref<1x128x16xf32, #tpu.memory_space<vmem>>
    %dma_start3A_77 = tpu.memref_squeeze %dma_start3A_76 : memref<1x128x16xf32, #tpu.memory_space<vmem>> -> memref<128x16xf32, #tpu.memory_space<vmem>>
    %dma_start3A_78 = arith.constant 0 : i32
    %dma_start3A_79 = tpu.memref_slice %arg6[%dma_start3A_72, %dma_start3A_78] : memref<80x128xi32, #tpu.memory_space<vmem>> -> memref<1x128xi32, #tpu.memory_space<vmem>>
    %dma_start3A_80 = tpu.memref_squeeze %dma_start3A_79 : memref<1x128xi32, #tpu.memory_space<vmem>> -> memref<128xi32, #tpu.memory_space<vmem>>
    %dma_start3A_81 = arith.constant 0 : i32
    %dma_start3A_82 = arith.constant 0 : i32
    %dma_start3A_83 = tpu.memref_slice %arg10[%dma_start3A_81, %dma_start3A_82] : memref<10240x16xf32, #tpu.memory_space<vmem_shared>> -> memref<10240x16xf32, #tpu.memory_space<vmem_shared>>
    tpu.enqueue_indirect_dma source(%dma_start3A_83 : memref<10240x16xf32, #tpu.memory_space<vmem_shared>>) target(%dma_start3A_77 : memref<128x16xf32, #tpu.memory_space<vmem>>) offsets(%dma_start3A_80 : memref<128xi32, #tpu.memory_space<vmem>>) semaphore(%arg12 : memref<!tpu.dma_semaphore, #tpu.memory_space<semaphore_mem>>)
    %dma_start3A_84 = arith.constant 6 : i32
    %dma_start3A_85 = arith.constant 6 : i32
    %dma_start3A_86 = arith.constant 0 : i32
    %dma_start3A_87 = arith.constant 0 : i32
    %dma_start3A_88 = tpu.memref_slice %arg8[%dma_start3A_85, %dma_start3A_86, %dma_start3A_87] : memref<16x128x16xf32, #tpu.memory_space<vmem>> -> memref<1x128x16xf32, #tpu.memory_space<vmem>>
    %dma_start3A_89 = tpu.memref_squeeze %dma_start3A_88 : memref<1x128x16xf32, #tpu.memory_space<vmem>> -> memref<128x16xf32, #tpu.memory_space<vmem>>
    %dma_start3A_90 = arith.constant 0 : i32
    %dma_start3A_91 = tpu.memref_slice %arg6[%dma_start3A_84, %dma_start3A_90] : memref<80x128xi32, #tpu.memory_space<vmem>> -> memref<1x128xi32, #tpu.memory_space<vmem>>
    %dma_start3A_92 = tpu.memref_squeeze %dma_start3A_91 : memref<1x128xi32, #tpu.memory_space<vmem>> -> memref<128xi32, #tpu.memory_space<vmem>>
    %dma_start3A_93 = arith.constant 0 : i32
    %dma_start3A_94 = arith.constant 0 : i32
    %dma_start3A_95 = tpu.memref_slice %arg10[%dma_start3A_93, %dma_start3A_94] : memref<10240x16xf32, #tpu.memory_space<vmem_shared>> -> memref<10240x16xf32, #tpu.memory_space<vmem_shared>>
    tpu.enqueue_indirect_dma source(%dma_start3A_95 : memref<10240x16xf32, #tpu.memory_space<vmem_shared>>) target(%dma_start3A_89 : memref<128x16xf32, #tpu.memory_space<vmem>>) offsets(%dma_start3A_92 : memref<128xi32, #tpu.memory_space<vmem>>) semaphore(%arg12 : memref<!tpu.dma_semaphore, #tpu.memory_space<semaphore_mem>>)
    %dma_start3A_96 = arith.constant 7 : i32
    %dma_start3A_97 = arith.constant 7 : i32
    %dma_start3A_98 = arith.constant 0 : i32
    %dma_start3A_99 = arith.constant 0 : i32
    %dma_start3A_100 = tpu.memref_slice %arg8[%dma_start3A_97, %dma_start3A_98, %dma_start3A_99] : memref<16x128x16xf32, #tpu.memory_space<vmem>> -> memref<1x128x16xf32, #tpu.memory_space<vmem>>
    %dma_start3A_101 = tpu.memref_squeeze %dma_start3A_100 : memref<1x128x16xf32, #tpu.memory_space<vmem>> -> memref<128x16xf32, #tpu.memory_space<vmem>>
    %dma_start3A_102 = arith.constant 0 : i32
    %dma_start3A_103 = tpu.memref_slice %arg6[%dma_start3A_96, %dma_start3A_102] : memref<80x128xi32, #tpu.memory_space<vmem>> -> memref<1x128xi32, #tpu.memory_space<vmem>>
    %dma_start3A_104 = tpu.memref_squeeze %dma_start3A_103 : memref<1x128xi32, #tpu.memory_space<vmem>> -> memref<128xi32, #tpu.memory_space<vmem>>
    %dma_start3A_105 = arith.constant 0 : i32
    %dma_start3A_106 = arith.constant 0 : i32
    %dma_start3A_107 = tpu.memref_slice %arg10[%dma_start3A_105, %dma_start3A_106] : memref<10240x16xf32, #tpu.memory_space<vmem_shared>> -> memref<10240x16xf32, #tpu.memory_space<vmem_shared>>
    tpu.enqueue_indirect_dma source(%dma_start3A_107 : memref<10240x16xf32, #tpu.memory_space<vmem_shared>>) target(%dma_start3A_101 : memref<128x16xf32, #tpu.memory_space<vmem>>) offsets(%dma_start3A_104 : memref<128xi32, #tpu.memory_space<vmem>>) semaphore(%arg12 : memref<!tpu.dma_semaphore, #tpu.memory_space<semaphore_mem>>)
    %dma_wait3A = arith.constant 0 : i32
    %dma_wait3A_108 = arith.constant 0 : i32
    %dma_wait3A_109 = arith.constant 0 : i32
    %dma_wait3A_110 = arith.constant 0 : i32
    %dma_wait3A_111 = tpu.memref_slice %arg8[%dma_wait3A_108, %dma_wait3A_109, %dma_wait3A_110] : memref<16x128x16xf32, #tpu.memory_space<vmem>> -> memref<1x128x16xf32, #tpu.memory_space<vmem>>
    %dma_wait3A_112 = tpu.memref_squeeze %dma_wait3A_111 : memref<1x128x16xf32, #tpu.memory_space<vmem>> -> memref<128x16xf32, #tpu.memory_space<vmem>>
    %dma_wait3A_113 = arith.constant 0 : i32
    %dma_wait3A_114 = tpu.memref_slice %arg6[%dma_wait3A, %dma_wait3A_113] : memref<80x128xi32, #tpu.memory_space<vmem>> -> memref<1x128xi32, #tpu.memory_space<vmem>>
    %dma_wait3A_115 = tpu.memref_squeeze %dma_wait3A_114 : memref<1x128xi32, #tpu.memory_space<vmem>> -> memref<128xi32, #tpu.memory_space<vmem>>
    %dma_wait3A_116 = arith.constant 0 : i32
    %dma_wait3A_117 = arith.constant 0 : i32
    %dma_wait3A_118 = tpu.memref_slice %arg10[%dma_wait3A_116, %dma_wait3A_117] : memref<10240x16xf32, #tpu.memory_space<vmem_shared>> -> memref<10240x16xf32, #tpu.memory_space<vmem_shared>>
    tpu.wait_indirect_dma semaphore(%arg12 : memref<!tpu.dma_semaphore, #tpu.memory_space<semaphore_mem>>) src(%dma_wait3A_118 : memref<10240x16xf32, #tpu.memory_space<vmem_shared>>) dst(%dma_wait3A_112 : memref<128x16xf32, #tpu.memory_space<vmem>>)
    %dma_wait3A_119 = arith.constant 0 : i32
    %dma_wait3A_120 = arith.constant 0 : i32
    %dma_wait3A_121 = arith.constant 0 : i32
    %dma_wait3A_122 = arith.constant 0 : i32
    %dma_wait3A_123 = tpu.memref_slice %arg8[%dma_wait3A_120, %dma_wait3A_121, %dma_wait3A_122] : memref<16x128x16xf32, #tpu.memory_space<vmem>> -> memref<1x128x16xf32, #tpu.memory_space<vmem>>
    %dma_wait3A_124 = tpu.memref_squeeze %dma_wait3A_123 : memref<1x128x16xf32, #tpu.memory_space<vmem>> -> memref<128x16xf32, #tpu.memory_space<vmem>>
    %dma_wait3A_125 = arith.constant 0 : i32
    %dma_wait3A_126 = tpu.memref_slice %arg6[%dma_wait3A_119, %dma_wait3A_125] : memref<80x128xi32, #tpu.memory_space<vmem>> -> memref<1x128xi32, #tpu.memory_space<vmem>>
    %dma_wait3A_127 = tpu.memref_squeeze %dma_wait3A_126 : memref<1x128xi32, #tpu.memory_space<vmem>> -> memref<128xi32, #tpu.memory_space<vmem>>
    %dma_wait3A_128 = arith.constant 0 : i32
    %dma_wait3A_129 = arith.constant 0 : i32
    %dma_wait3A_130 = tpu.memref_slice %arg10[%dma_wait3A_128, %dma_wait3A_129] : memref<10240x16xf32, #tpu.memory_space<vmem_shared>> -> memref<10240x16xf32, #tpu.memory_space<vmem_shared>>
    tpu.wait_indirect_dma semaphore(%arg12 : memref<!tpu.dma_semaphore, #tpu.memory_space<semaphore_mem>>) src(%dma_wait3A_130 : memref<10240x16xf32, #tpu.memory_space<vmem_shared>>) dst(%dma_wait3A_124 : memref<128x16xf32, #tpu.memory_space<vmem>>)
    %dma_wait3A_131 = arith.constant 0 : i32
    %dma_wait3A_132 = arith.constant 0 : i32
    %dma_wait3A_133 = arith.constant 0 : i32
    %dma_wait3A_134 = arith.constant 0 : i32
    %dma_wait3A_135 = tpu.memref_slice %arg8[%dma_wait3A_132, %dma_wait3A_133, %dma_wait3A_134] : memref<16x128x16xf32, #tpu.memory_space<vmem>> -> memref<1x128x16xf32, #tpu.memory_space<vmem>>
    %dma_wait3A_136 = tpu.memref_squeeze %dma_wait3A_135 : memref<1x128x16xf32, #tpu.memory_space<vmem>> -> memref<128x16xf32, #tpu.memory_space<vmem>>
    %dma_wait3A_137 = arith.constant 0 : i32
    %dma_wait3A_138 = tpu.memref_slice %arg6[%dma_wait3A_131, %dma_wait3A_137] : memref<80x128xi32, #tpu.memory_space<vmem>> -> memref<1x128xi32, #tpu.memory_space<vmem>>
    %dma_wait3A_139 = tpu.memref_squeeze %dma_wait3A_138 : memref<1x128xi32, #tpu.memory_space<vmem>> -> memref<128xi32, #tpu.memory_space<vmem>>
    %dma_wait3A_140 = arith.constant 0 : i32
    %dma_wait3A_141 = arith.constant 0 : i32
    %dma_wait3A_142 = tpu.memref_slice %arg10[%dma_wait3A_140, %dma_wait3A_141] : memref<10240x16xf32, #tpu.memory_space<vmem_shared>> -> memref<10240x16xf32, #tpu.memory_space<vmem_shared>>
    tpu.wait_indirect_dma semaphore(%arg12 : memref<!tpu.dma_semaphore, #tpu.memory_space<semaphore_mem>>) src(%dma_wait3A_142 : memref<10240x16xf32, #tpu.memory_space<vmem_shared>>) dst(%dma_wait3A_136 : memref<128x16xf32, #tpu.memory_space<vmem>>)
    %dma_wait3A_143 = arith.constant 0 : i32
    %dma_wait3A_144 = arith.constant 0 : i32
    %dma_wait3A_145 = arith.constant 0 : i32
    %dma_wait3A_146 = arith.constant 0 : i32
    %dma_wait3A_147 = tpu.memref_slice %arg8[%dma_wait3A_144, %dma_wait3A_145, %dma_wait3A_146] : memref<16x128x16xf32, #tpu.memory_space<vmem>> -> memref<1x128x16xf32, #tpu.memory_space<vmem>>
    %dma_wait3A_148 = tpu.memref_squeeze %dma_wait3A_147 : memref<1x128x16xf32, #tpu.memory_space<vmem>> -> memref<128x16xf32, #tpu.memory_space<vmem>>
    %dma_wait3A_149 = arith.constant 0 : i32
    %dma_wait3A_150 = tpu.memref_slice %arg6[%dma_wait3A_143, %dma_wait3A_149] : memref<80x128xi32, #tpu.memory_space<vmem>> -> memref<1x128xi32, #tpu.memory_space<vmem>>
    %dma_wait3A_151 = tpu.memref_squeeze %dma_wait3A_150 : memref<1x128xi32, #tpu.memory_space<vmem>> -> memref<128xi32, #tpu.memory_space<vmem>>
    %dma_wait3A_152 = arith.constant 0 : i32
    %dma_wait3A_153 = arith.constant 0 : i32
    %dma_wait3A_154 = tpu.memref_slice %arg10[%dma_wait3A_152, %dma_wait3A_153] : memref<10240x16xf32, #tpu.memory_space<vmem_shared>> -> memref<10240x16xf32, #tpu.memory_space<vmem_shared>>
    tpu.wait_indirect_dma semaphore(%arg12 : memref<!tpu.dma_semaphore, #tpu.memory_space<semaphore_mem>>) src(%dma_wait3A_154 : memref<10240x16xf32, #tpu.memory_space<vmem_shared>>) dst(%dma_wait3A_148 : memref<128x16xf32, #tpu.memory_space<vmem>>)
    %dma_wait3A_155 = arith.constant 0 : i32
    %dma_wait3A_156 = arith.constant 0 : i32
    %dma_wait3A_157 = arith.constant 0 : i32
    %dma_wait3A_158 = arith.constant 0 : i32
    %dma_wait3A_159 = tpu.memref_slice %arg8[%dma_wait3A_156, %dma_wait3A_157, %dma_wait3A_158] : memref<16x128x16xf32, #tpu.memory_space<vmem>> -> memref<1x128x16xf32, #tpu.memory_space<vmem>>
    %dma_wait3A_160 = tpu.memref_squeeze %dma_wait3A_159 : memref<1x128x16xf32, #tpu.memory_space<vmem>> -> memref<128x16xf32, #tpu.memory_space<vmem>>
    %dma_wait3A_161 = arith.constant 0 : i32
    %dma_wait3A_162 = tpu.memref_slice %arg6[%dma_wait3A_155, %dma_wait3A_161] : memref<80x128xi32, #tpu.memory_space<vmem>> -> memref<1x128xi32, #tpu.memory_space<vmem>>
    %dma_wait3A_163 = tpu.memref_squeeze %dma_wait3A_162 : memref<1x128xi32, #tpu.memory_space<vmem>> -> memref<128xi32, #tpu.memory_space<vmem>>
    %dma_wait3A_164 = arith.constant 0 : i32
    %dma_wait3A_165 = arith.constant 0 : i32
    %dma_wait3A_166 = tpu.memref_slice %arg10[%dma_wait3A_164, %dma_wait3A_165] : memref<10240x16xf32, #tpu.memory_space<vmem_shared>> -> memref<10240x16xf32, #tpu.memory_space<vmem_shared>>
    tpu.wait_indirect_dma semaphore(%arg12 : memref<!tpu.dma_semaphore, #tpu.memory_space<semaphore_mem>>) src(%dma_wait3A_166 : memref<10240x16xf32, #tpu.memory_space<vmem_shared>>) dst(%dma_wait3A_160 : memref<128x16xf32, #tpu.memory_space<vmem>>)
    %dma_wait3A_167 = arith.constant 0 : i32
    %dma_wait3A_168 = arith.constant 0 : i32
    %dma_wait3A_169 = arith.constant 0 : i32
    %dma_wait3A_170 = arith.constant 0 : i32
    %dma_wait3A_171 = tpu.memref_slice %arg8[%dma_wait3A_168, %dma_wait3A_169, %dma_wait3A_170] : memref<16x128x16xf32, #tpu.memory_space<vmem>> -> memref<1x128x16xf32, #tpu.memory_space<vmem>>
    %dma_wait3A_172 = tpu.memref_squeeze %dma_wait3A_171 : memref<1x128x16xf32, #tpu.memory_space<vmem>> -> memref<128x16xf32, #tpu.memory_space<vmem>>
    %dma_wait3A_173 = arith.constant 0 : i32
    %dma_wait3A_174 = tpu.memref_slice %arg6[%dma_wait3A_167, %dma_wait3A_173] : memref<80x128xi32, #tpu.memory_space<vmem>> -> memref<1x128xi32, #tpu.memory_space<vmem>>
    %dma_wait3A_175 = tpu.memref_squeeze %dma_wait3A_174 : memref<1x128xi32, #tpu.memory_space<vmem>> -> memref<128xi32, #tpu.memory_space<vmem>>
    %dma_wait3A_176 = arith.constant 0 : i32
    %dma_wait3A_177 = arith.constant 0 : i32
    %dma_wait3A_178 = tpu.memref_slice %arg10[%dma_wait3A_176, %dma_wait3A_177] : memref<10240x16xf32, #tpu.memory_space<vmem_shared>> -> memref<10240x16xf32, #tpu.memory_space<vmem_shared>>
    tpu.wait_indirect_dma semaphore(%arg12 : memref<!tpu.dma_semaphore, #tpu.memory_space<semaphore_mem>>) src(%dma_wait3A_178 : memref<10240x16xf32, #tpu.memory_space<vmem_shared>>) dst(%dma_wait3A_172 : memref<128x16xf32, #tpu.memory_space<vmem>>)
    %dma_wait3A_179 = arith.constant 0 : i32
    %dma_wait3A_180 = arith.constant 0 : i32
    %dma_wait3A_181 = arith.constant 0 : i32
    %dma_wait3A_182 = arith.constant 0 : i32
    %dma_wait3A_183 = tpu.memref_slice %arg8[%dma_wait3A_180, %dma_wait3A_181, %dma_wait3A_182] : memref<16x128x16xf32, #tpu.memory_space<vmem>> -> memref<1x128x16xf32, #tpu.memory_space<vmem>>
    %dma_wait3A_184 = tpu.memref_squeeze %dma_wait3A_183 : memref<1x128x16xf32, #tpu.memory_space<vmem>> -> memref<128x16xf32, #tpu.memory_space<vmem>>
    %dma_wait3A_185 = arith.constant 0 : i32
    %dma_wait3A_186 = tpu.memref_slice %arg6[%dma_wait3A_179, %dma_wait3A_185] : memref<80x128xi32, #tpu.memory_space<vmem>> -> memref<1x128xi32, #tpu.memory_space<vmem>>
    %dma_wait3A_187 = tpu.memref_squeeze %dma_wait3A_186 : memref<1x128xi32, #tpu.memory_space<vmem>> -> memref<128xi32, #tpu.memory_space<vmem>>
    %dma_wait3A_188 = arith.constant 0 : i32
    %dma_wait3A_189 = arith.constant 0 : i32
    %dma_wait3A_190 = tpu.memref_slice %arg10[%dma_wait3A_188, %dma_wait3A_189] : memref<10240x16xf32, #tpu.memory_space<vmem_shared>> -> memref<10240x16xf32, #tpu.memory_space<vmem_shared>>
    tpu.wait_indirect_dma semaphore(%arg12 : memref<!tpu.dma_semaphore, #tpu.memory_space<semaphore_mem>>) src(%dma_wait3A_190 : memref<10240x16xf32, #tpu.memory_space<vmem_shared>>) dst(%dma_wait3A_184 : memref<128x16xf32, #tpu.memory_space<vmem>>)
    %dma_wait3A_191 = arith.constant 0 : i32
    %dma_wait3A_192 = arith.constant 0 : i32
    %dma_wait3A_193 = arith.constant 0 : i32
    %dma_wait3A_194 = arith.constant 0 : i32
    %dma_wait3A_195 = tpu.memref_slice %arg8[%dma_wait3A_192, %dma_wait3A_193, %dma_wait3A_194] : memref<16x128x16xf32, #tpu.memory_space<vmem>> -> memref<1x128x16xf32, #tpu.memory_space<vmem>>
    %dma_wait3A_196 = tpu.memref_squeeze %dma_wait3A_195 : memref<1x128x16xf32, #tpu.memory_space<vmem>> -> memref<128x16xf32, #tpu.memory_space<vmem>>
    %dma_wait3A_197 = arith.constant 0 : i32
    %dma_wait3A_198 = tpu.memref_slice %arg6[%dma_wait3A_191, %dma_wait3A_197] : memref<80x128xi32, #tpu.memory_space<vmem>> -> memref<1x128xi32, #tpu.memory_space<vmem>>
    %dma_wait3A_199 = tpu.memref_squeeze %dma_wait3A_198 : memref<1x128xi32, #tpu.memory_space<vmem>> -> memref<128xi32, #tpu.memory_space<vmem>>
    %dma_wait3A_200 = arith.constant 0 : i32
    %dma_wait3A_201 = arith.constant 0 : i32
    %dma_wait3A_202 = tpu.memref_slice %arg10[%dma_wait3A_200, %dma_wait3A_201] : memref<10240x16xf32, #tpu.memory_space<vmem_shared>> -> memref<10240x16xf32, #tpu.memory_space<vmem_shared>>
    tpu.wait_indirect_dma semaphore(%arg12 : memref<!tpu.dma_semaphore, #tpu.memory_space<semaphore_mem>>) src(%dma_wait3A_202 : memref<10240x16xf32, #tpu.memory_space<vmem_shared>>) dst(%dma_wait3A_196 : memref<128x16xf32, #tpu.memory_space<vmem>>)
    %dma_start3A_203 = arith.constant 0 : i32
    %dma_start3A_204 = arith.constant 0 : i32
    %dma_start3A_205 = arith.constant 0 : i32
    %dma_start3A_206 = arith.constant 0 : i32
    %dma_start3A_207 = tpu.memref_slice %arg8[%dma_start3A_203, %dma_start3A_205, %dma_start3A_206] : memref<16x128x16xf32, #tpu.memory_space<vmem>> -> memref<1x128x16xf32, #tpu.memory_space<vmem>>
    %dma_start3A_208 = tpu.memref_squeeze %dma_start3A_207 : memref<1x128x16xf32, #tpu.memory_space<vmem>> -> memref<128x16xf32, #tpu.memory_space<vmem>>
    %dma_start3A_209 = arith.constant 0 : i32
    %dma_start3A_210 = tpu.memref_slice %arg7[%dma_start3A_204, %dma_start3A_209] : memref<80x128xi32, #tpu.memory_space<vmem>> -> memref<1x128xi32, #tpu.memory_space<vmem>>
    %dma_start3A_211 = tpu.memref_squeeze %dma_start3A_210 : memref<1x128xi32, #tpu.memory_space<vmem>> -> memref<128xi32, #tpu.memory_space<vmem>>
    %dma_start3A_212 = arith.constant 0 : i32
    %dma_start3A_213 = arith.constant 0 : i32
    %dma_start3A_214 = tpu.memref_slice %arg11[%dma_start3A_212, %dma_start3A_213] : memref<10240x16xf32, #tpu.memory_space<vmem_shared>> -> memref<10240x16xf32, #tpu.memory_space<vmem_shared>>
    tpu.enqueue_indirect_dma source(%dma_start3A_208 : memref<128x16xf32, #tpu.memory_space<vmem>>) target(%dma_start3A_214 : memref<10240x16xf32, #tpu.memory_space<vmem_shared>>) offsets(%dma_start3A_211 : memref<128xi32, #tpu.memory_space<vmem>>) semaphore(%arg13 : memref<!tpu.dma_semaphore, #tpu.memory_space<semaphore_mem>>) {add = true}
    %dma_start3A_215 = arith.constant 1 : i32
    %dma_start3A_216 = arith.constant 1 : i32
    %dma_start3A_217 = arith.constant 0 : i32
    %dma_start3A_218 = arith.constant 0 : i32
    %dma_start3A_219 = tpu.memref_slice %arg8[%dma_start3A_215, %dma_start3A_217, %dma_start3A_218] : memref<16x128x16xf32, #tpu.memory_space<vmem>> -> memref<1x128x16xf32, #tpu.memory_space<vmem>>
    %dma_start3A_220 = tpu.memref_squeeze %dma_start3A_219 : memref<1x128x16xf32, #tpu.memory_space<vmem>> -> memref<128x16xf32, #tpu.memory_space<vmem>>
    %dma_start3A_221 = arith.constant 0 : i32
    %dma_start3A_222 = tpu.memref_slice %arg7[%dma_start3A_216, %dma_start3A_221] : memref<80x128xi32, #tpu.memory_space<vmem>> -> memref<1x128xi32, #tpu.memory_space<vmem>>
    %dma_start3A_223 = tpu.memref_squeeze %dma_start3A_222 : memref<1x128xi32, #tpu.memory_space<vmem>> -> memref<128xi32, #tpu.memory_space<vmem>>
    %dma_start3A_224 = arith.constant 0 : i32
    %dma_start3A_225 = arith.constant 0 : i32
    %dma_start3A_226 = tpu.memref_slice %arg11[%dma_start3A_224, %dma_start3A_225] : memref<10240x16xf32, #tpu.memory_space<vmem_shared>> -> memref<10240x16xf32, #tpu.memory_space<vmem_shared>>
    tpu.enqueue_indirect_dma source(%dma_start3A_220 : memref<128x16xf32, #tpu.memory_space<vmem>>) target(%dma_start3A_226 : memref<10240x16xf32, #tpu.memory_space<vmem_shared>>) offsets(%dma_start3A_223 : memref<128xi32, #tpu.memory_space<vmem>>) semaphore(%arg13 : memref<!tpu.dma_semaphore, #tpu.memory_space<semaphore_mem>>) {add = true}
    %dma_start3A_227 = arith.constant 2 : i32
    %dma_start3A_228 = arith.constant 2 : i32
    %dma_start3A_229 = arith.constant 0 : i32
    %dma_start3A_230 = arith.constant 0 : i32
    %dma_start3A_231 = tpu.memref_slice %arg8[%dma_start3A_227, %dma_start3A_229, %dma_start3A_230] : memref<16x128x16xf32, #tpu.memory_space<vmem>> -> memref<1x128x16xf32, #tpu.memory_space<vmem>>
    %dma_start3A_232 = tpu.memref_squeeze %dma_start3A_231 : memref<1x128x16xf32, #tpu.memory_space<vmem>> -> memref<128x16xf32, #tpu.memory_space<vmem>>
    %dma_start3A_233 = arith.constant 0 : i32
    %dma_start3A_234 = tpu.memref_slice %arg7[%dma_start3A_228, %dma_start3A_233] : memref<80x128xi32, #tpu.memory_space<vmem>> -> memref<1x128xi32, #tpu.memory_space<vmem>>
    %dma_start3A_235 = tpu.memref_squeeze %dma_start3A_234 : memref<1x128xi32, #tpu.memory_space<vmem>> -> memref<128xi32, #tpu.memory_space<vmem>>
    %dma_start3A_236 = arith.constant 0 : i32
    %dma_start3A_237 = arith.constant 0 : i32
    %dma_start3A_238 = tpu.memref_slice %arg11[%dma_start3A_236, %dma_start3A_237] : memref<10240x16xf32, #tpu.memory_space<vmem_shared>> -> memref<10240x16xf32, #tpu.memory_space<vmem_shared>>
    tpu.enqueue_indirect_dma source(%dma_start3A_232 : memref<128x16xf32, #tpu.memory_space<vmem>>) target(%dma_start3A_238 : memref<10240x16xf32, #tpu.memory_space<vmem_shared>>) offsets(%dma_start3A_235 : memref<128xi32, #tpu.memory_space<vmem>>) semaphore(%arg13 : memref<!tpu.dma_semaphore, #tpu.memory_space<semaphore_mem>>) {add = true}
    %dma_start3A_239 = arith.constant 3 : i32
    %dma_start3A_240 = arith.constant 3 : i32
    %dma_start3A_241 = arith.constant 0 : i32
    %dma_start3A_242 = arith.constant 0 : i32
    %dma_start3A_243 = tpu.memref_slice %arg8[%dma_start3A_239, %dma_start3A_241, %dma_start3A_242] : memref<16x128x16xf32, #tpu.memory_space<vmem>> -> memref<1x128x16xf32, #tpu.memory_space<vmem>>
    %dma_start3A_244 = tpu.memref_squeeze %dma_start3A_243 : memref<1x128x16xf32, #tpu.memory_space<vmem>> -> memref<128x16xf32, #tpu.memory_space<vmem>>
    %dma_start3A_245 = arith.constant 0 : i32
    %dma_start3A_246 = tpu.memref_slice %arg7[%dma_start3A_240, %dma_start3A_245] : memref<80x128xi32, #tpu.memory_space<vmem>> -> memref<1x128xi32, #tpu.memory_space<vmem>>
    %dma_start3A_247 = tpu.memref_squeeze %dma_start3A_246 : memref<1x128xi32, #tpu.memory_space<vmem>> -> memref<128xi32, #tpu.memory_space<vmem>>
    %dma_start3A_248 = arith.constant 0 : i32
    %dma_start3A_249 = arith.constant 0 : i32
    %dma_start3A_250 = tpu.memref_slice %arg11[%dma_start3A_248, %dma_start3A_249] : memref<10240x16xf32, #tpu.memory_space<vmem_shared>> -> memref<10240x16xf32, #tpu.memory_space<vmem_shared>>
    tpu.enqueue_indirect_dma source(%dma_start3A_244 : memref<128x16xf32, #tpu.memory_space<vmem>>) target(%dma_start3A_250 : memref<10240x16xf32, #tpu.memory_space<vmem_shared>>) offsets(%dma_start3A_247 : memref<128xi32, #tpu.memory_space<vmem>>) semaphore(%arg13 : memref<!tpu.dma_semaphore, #tpu.memory_space<semaphore_mem>>) {add = true}
    %dma_start3A_251 = arith.constant 4 : i32
    %dma_start3A_252 = arith.constant 4 : i32
    %dma_start3A_253 = arith.constant 0 : i32
    %dma_start3A_254 = arith.constant 0 : i32
    %dma_start3A_255 = tpu.memref_slice %arg8[%dma_start3A_251, %dma_start3A_253, %dma_start3A_254] : memref<16x128x16xf32, #tpu.memory_space<vmem>> -> memref<1x128x16xf32, #tpu.memory_space<vmem>>
    %dma_start3A_256 = tpu.memref_squeeze %dma_start3A_255 : memref<1x128x16xf32, #tpu.memory_space<vmem>> -> memref<128x16xf32, #tpu.memory_space<vmem>>
    %dma_start3A_257 = arith.constant 0 : i32
    %dma_start3A_258 = tpu.memref_slice %arg7[%dma_start3A_252, %dma_start3A_257] : memref<80x128xi32, #tpu.memory_space<vmem>> -> memref<1x128xi32, #tpu.memory_space<vmem>>
    %dma_start3A_259 = tpu.memref_squeeze %dma_start3A_258 : memref<1x128xi32, #tpu.memory_space<vmem>> -> memref<128xi32, #tpu.memory_space<vmem>>
    %dma_start3A_260 = arith.constant 0 : i32
    %dma_start3A_261 = arith.constant 0 : i32
    %dma_start3A_262 = tpu.memref_slice %arg11[%dma_start3A_260, %dma_start3A_261] : memref<10240x16xf32, #tpu.memory_space<vmem_shared>> -> memref<10240x16xf32, #tpu.memory_space<vmem_shared>>
    tpu.enqueue_indirect_dma source(%dma_start3A_256 : memref<128x16xf32, #tpu.memory_space<vmem>>) target(%dma_start3A_262 : memref<10240x16xf32, #tpu.memory_space<vmem_shared>>) offsets(%dma_start3A_259 : memref<128xi32, #tpu.memory_space<vmem>>) semaphore(%arg13 : memref<!tpu.dma_semaphore, #tpu.memory_space<semaphore_mem>>) {add = true}
    %dma_start3A_263 = arith.constant 5 : i32
    %dma_start3A_264 = arith.constant 5 : i32
    %dma_start3A_265 = arith.constant 0 : i32
    %dma_start3A_266 = arith.constant 0 : i32
    %dma_start3A_267 = tpu.memref_slice %arg8[%dma_start3A_263, %dma_start3A_265, %dma_start3A_266] : memref<16x128x16xf32, #tpu.memory_space<vmem>> -> memref<1x128x16xf32, #tpu.memory_space<vmem>>
    %dma_start3A_268 = tpu.memref_squeeze %dma_start3A_267 : memref<1x128x16xf32, #tpu.memory_space<vmem>> -> memref<128x16xf32, #tpu.memory_space<vmem>>
    %dma_start3A_269 = arith.constant 0 : i32
    %dma_start3A_270 = tpu.memref_slice %arg7[%dma_start3A_264, %dma_start3A_269] : memref<80x128xi32, #tpu.memory_space<vmem>> -> memref<1x128xi32, #tpu.memory_space<vmem>>
    %dma_start3A_271 = tpu.memref_squeeze %dma_start3A_270 : memref<1x128xi32, #tpu.memory_space<vmem>> -> memref<128xi32, #tpu.memory_space<vmem>>
    %dma_start3A_272 = arith.constant 0 : i32
    %dma_start3A_273 = arith.constant 0 : i32
    %dma_start3A_274 = tpu.memref_slice %arg11[%dma_start3A_272, %dma_start3A_273] : memref<10240x16xf32, #tpu.memory_space<vmem_shared>> -> memref<10240x16xf32, #tpu.memory_space<vmem_shared>>
    tpu.enqueue_indirect_dma source(%dma_start3A_268 : memref<128x16xf32, #tpu.memory_space<vmem>>) target(%dma_start3A_274 : memref<10240x16xf32, #tpu.memory_space<vmem_shared>>) offsets(%dma_start3A_271 : memref<128xi32, #tpu.memory_space<vmem>>) semaphore(%arg13 : memref<!tpu.dma_semaphore, #tpu.memory_space<semaphore_mem>>) {add = true}
    %dma_start3A_275 = arith.constant 6 : i32
    %dma_start3A_276 = arith.constant 6 : i32
    %dma_start3A_277 = arith.constant 0 : i32
    %dma_start3A_278 = arith.constant 0 : i32
    %dma_start3A_279 = tpu.memref_slice %arg8[%dma_start3A_275, %dma_start3A_277, %dma_start3A_278] : memref<16x128x16xf32, #tpu.memory_space<vmem>> -> memref<1x128x16xf32, #tpu.memory_space<vmem>>
    %dma_start3A_280 = tpu.memref_squeeze %dma_start3A_279 : memref<1x128x16xf32, #tpu.memory_space<vmem>> -> memref<128x16xf32, #tpu.memory_space<vmem>>
    %dma_start3A_281 = arith.constant 0 : i32
    %dma_start3A_282 = tpu.memref_slice %arg7[%dma_start3A_276, %dma_start3A_281] : memref<80x128xi32, #tpu.memory_space<vmem>> -> memref<1x128xi32, #tpu.memory_space<vmem>>
    %dma_start3A_283 = tpu.memref_squeeze %dma_start3A_282 : memref<1x128xi32, #tpu.memory_space<vmem>> -> memref<128xi32, #tpu.memory_space<vmem>>
    %dma_start3A_284 = arith.constant 0 : i32
    %dma_start3A_285 = arith.constant 0 : i32
    %dma_start3A_286 = tpu.memref_slice %arg11[%dma_start3A_284, %dma_start3A_285] : memref<10240x16xf32, #tpu.memory_space<vmem_shared>> -> memref<10240x16xf32, #tpu.memory_space<vmem_shared>>
    tpu.enqueue_indirect_dma source(%dma_start3A_280 : memref<128x16xf32, #tpu.memory_space<vmem>>) target(%dma_start3A_286 : memref<10240x16xf32, #tpu.memory_space<vmem_shared>>) offsets(%dma_start3A_283 : memref<128xi32, #tpu.memory_space<vmem>>) semaphore(%arg13 : memref<!tpu.dma_semaphore, #tpu.memory_space<semaphore_mem>>) {add = true}
    %dma_start3A_287 = arith.constant 7 : i32
    %dma_start3A_288 = arith.constant 7 : i32
    %dma_start3A_289 = arith.constant 0 : i32
    %dma_start3A_290 = arith.constant 0 : i32
    %dma_start3A_291 = tpu.memref_slice %arg8[%dma_start3A_287, %dma_start3A_289, %dma_start3A_290] : memref<16x128x16xf32, #tpu.memory_space<vmem>> -> memref<1x128x16xf32, #tpu.memory_space<vmem>>
    %dma_start3A_292 = tpu.memref_squeeze %dma_start3A_291 : memref<1x128x16xf32, #tpu.memory_space<vmem>> -> memref<128x16xf32, #tpu.memory_space<vmem>>
    %dma_start3A_293 = arith.constant 0 : i32
    %dma_start3A_294 = tpu.memref_slice %arg7[%dma_start3A_288, %dma_start3A_293] : memref<80x128xi32, #tpu.memory_space<vmem>> -> memref<1x128xi32, #tpu.memory_space<vmem>>
    %dma_start3A_295 = tpu.memref_squeeze %dma_start3A_294 : memref<1x128xi32, #tpu.memory_space<vmem>> -> memref<128xi32, #tpu.memory_space<vmem>>
    %dma_start3A_296 = arith.constant 0 : i32
    %dma_start3A_297 = arith.constant 0 : i32
    %dma_start3A_298 = tpu.memref_slice %arg11[%dma_start3A_296, %dma_start3A_297] : memref<10240x16xf32, #tpu.memory_space<vmem_shared>> -> memref<10240x16xf32, #tpu.memory_space<vmem_shared>>
    tpu.enqueue_indirect_dma source(%dma_start3A_292 : memref<128x16xf32, #tpu.memory_space<vmem>>) target(%dma_start3A_298 : memref<10240x16xf32, #tpu.memory_space<vmem_shared>>) offsets(%dma_start3A_295 : memref<128xi32, #tpu.memory_space<vmem>>) semaphore(%arg13 : memref<!tpu.dma_semaphore, #tpu.memory_space<semaphore_mem>>) {add = true}
    %dma_start3A_299 = arith.constant 8 : i32
    %dma_start3A_300 = arith.constant 8 : i32
    %dma_start3A_301 = arith.constant 0 : i32
    %dma_start3A_302 = arith.constant 0 : i32
    %dma_start3A_303 = tpu.memref_slice %arg8[%dma_start3A_300, %dma_start3A_301, %dma_start3A_302] : memref<16x128x16xf32, #tpu.memory_space<vmem>> -> memref<1x128x16xf32, #tpu.memory_space<vmem>>
    %dma_start3A_304 = tpu.memref_squeeze %dma_start3A_303 : memref<1x128x16xf32, #tpu.memory_space<vmem>> -> memref<128x16xf32, #tpu.memory_space<vmem>>
    %dma_start3A_305 = arith.constant 0 : i32
    %dma_start3A_306 = tpu.memref_slice %arg6[%dma_start3A_299, %dma_start3A_305] : memref<80x128xi32, #tpu.memory_space<vmem>> -> memref<1x128xi32, #tpu.memory_space<vmem>>
    %dma_start3A_307 = tpu.memref_squeeze %dma_start3A_306 : memref<1x128xi32, #tpu.memory_space<vmem>> -> memref<128xi32, #tpu.memory_space<vmem>>
    %dma_start3A_308 = arith.constant 0 : i32
    %dma_start3A_309 = arith.constant 0 : i32
    %dma_start3A_310 = tpu.memref_slice %arg10[%dma_start3A_308, %dma_start3A_309] : memref<10240x16xf32, #tpu.memory_space<vmem_shared>> -> memref<10240x16xf32, #tpu.memory_space<vmem_shared>>
    tpu.enqueue_indirect_dma source(%dma_start3A_310 : memref<10240x16xf32, #tpu.memory_space<vmem_shared>>) target(%dma_start3A_304 : memref<128x16xf32, #tpu.memory_space<vmem>>) offsets(%dma_start3A_307 : memref<128xi32, #tpu.memory_space<vmem>>) semaphore(%arg12 : memref<!tpu.dma_semaphore, #tpu.memory_space<semaphore_mem>>)
    %dma_start3A_311 = arith.constant 9 : i32
    %dma_start3A_312 = arith.constant 9 : i32
    %dma_start3A_313 = arith.constant 0 : i32
    %dma_start3A_314 = arith.constant 0 : i32
    %dma_start3A_315 = tpu.memref_slice %arg8[%dma_start3A_312, %dma_start3A_313, %dma_start3A_314] : memref<16x128x16xf32, #tpu.memory_space<vmem>> -> memref<1x128x16xf32, #tpu.memory_space<vmem>>
    %dma_start3A_316 = tpu.memref_squeeze %dma_start3A_315 : memref<1x128x16xf32, #tpu.memory_space<vmem>> -> memref<128x16xf32, #tpu.memory_space<vmem>>
    %dma_start3A_317 = arith.constant 0 : i32
    %dma_start3A_318 = tpu.memref_slice %arg6[%dma_start3A_311, %dma_start3A_317] : memref<80x128xi32, #tpu.memory_space<vmem>> -> memref<1x128xi32, #tpu.memory_space<vmem>>
    %dma_start3A_319 = tpu.memref_squeeze %dma_start3A_318 : memref<1x128xi32, #tpu.memory_space<vmem>> -> memref<128xi32, #tpu.memory_space<vmem>>
    %dma_start3A_320 = arith.constant 0 : i32
    %dma_start3A_321 = arith.constant 0 : i32
    %dma_start3A_322 = tpu.memref_slice %arg10[%dma_start3A_320, %dma_start3A_321] : memref<10240x16xf32, #tpu.memory_space<vmem_shared>> -> memref<10240x16xf32, #tpu.memory_space<vmem_shared>>
    tpu.enqueue_indirect_dma source(%dma_start3A_322 : memref<10240x16xf32, #tpu.memory_space<vmem_shared>>) target(%dma_start3A_316 : memref<128x16xf32, #tpu.memory_space<vmem>>) offsets(%dma_start3A_319 : memref<128xi32, #tpu.memory_space<vmem>>) semaphore(%arg12 : memref<!tpu.dma_semaphore, #tpu.memory_space<semaphore_mem>>)
    %dma_start3A_323 = arith.constant 10 : i32
    %dma_start3A_324 = arith.constant 10 : i32
    %dma_start3A_325 = arith.constant 0 : i32
    %dma_start3A_326 = arith.constant 0 : i32
    %dma_start3A_327 = tpu.memref_slice %arg8[%dma_start3A_324, %dma_start3A_325, %dma_start3A_326] : memref<16x128x16xf32, #tpu.memory_space<vmem>> -> memref<1x128x16xf32, #tpu.memory_space<vmem>>
    %dma_start3A_328 = tpu.memref_squeeze %dma_start3A_327 : memref<1x128x16xf32, #tpu.memory_space<vmem>> -> memref<128x16xf32, #tpu.memory_space<vmem>>
    %dma_start3A_329 = arith.constant 0 : i32
    %dma_start3A_330 = tpu.memref_slice %arg6[%dma_start3A_323, %dma_start3A_329] : memref<80x128xi32, #tpu.memory_space<vmem>> -> memref<1x128xi32, #tpu.memory_space<vmem>>
    %dma_start3A_331 = tpu.memref_squeeze %dma_start3A_330 : memref<1x128xi32, #tpu.memory_space<vmem>> -> memref<128xi32, #tpu.memory_space<vmem>>
    %dma_start3A_332 = arith.constant 0 : i32
    %dma_start3A_333 = arith.constant 0 : i32
    %dma_start3A_334 = tpu.memref_slice %arg10[%dma_start3A_332, %dma_start3A_333] : memref<10240x16xf32, #tpu.memory_space<vmem_shared>> -> memref<10240x16xf32, #tpu.memory_space<vmem_shared>>
    tpu.enqueue_indirect_dma source(%dma_start3A_334 : memref<10240x16xf32, #tpu.memory_space<vmem_shared>>) target(%dma_start3A_328 : memref<128x16xf32, #tpu.memory_space<vmem>>) offsets(%dma_start3A_331 : memref<128xi32, #tpu.memory_space<vmem>>) semaphore(%arg12 : memref<!tpu.dma_semaphore, #tpu.memory_space<semaphore_mem>>)
    %dma_start3A_335 = arith.constant 11 : i32
    %dma_start3A_336 = arith.constant 11 : i32
    %dma_start3A_337 = arith.constant 0 : i32
    %dma_start3A_338 = arith.constant 0 : i32
    %dma_start3A_339 = tpu.memref_slice %arg8[%dma_start3A_336, %dma_start3A_337, %dma_start3A_338] : memref<16x128x16xf32, #tpu.memory_space<vmem>> -> memref<1x128x16xf32, #tpu.memory_space<vmem>>
    %dma_start3A_340 = tpu.memref_squeeze %dma_start3A_339 : memref<1x128x16xf32, #tpu.memory_space<vmem>> -> memref<128x16xf32, #tpu.memory_space<vmem>>
    %dma_start3A_341 = arith.constant 0 : i32
    %dma_start3A_342 = tpu.memref_slice %arg6[%dma_start3A_335, %dma_start3A_341] : memref<80x128xi32, #tpu.memory_space<vmem>> -> memref<1x128xi32, #tpu.memory_space<vmem>>
    %dma_start3A_343 = tpu.memref_squeeze %dma_start3A_342 : memref<1x128xi32, #tpu.memory_space<vmem>> -> memref<128xi32, #tpu.memory_space<vmem>>
    %dma_start3A_344 = arith.constant 0 : i32
    %dma_start3A_345 = arith.constant 0 : i32
    %dma_start3A_346 = tpu.memref_slice %arg10[%dma_start3A_344, %dma_start3A_345] : memref<10240x16xf32, #tpu.memory_space<vmem_shared>> -> memref<10240x16xf32, #tpu.memory_space<vmem_shared>>
    tpu.enqueue_indirect_dma source(%dma_start3A_346 : memref<10240x16xf32, #tpu.memory_space<vmem_shared>>) target(%dma_start3A_340 : memref<128x16xf32, #tpu.memory_space<vmem>>) offsets(%dma_start3A_343 : memref<128xi32, #tpu.memory_space<vmem>>) semaphore(%arg12 : memref<!tpu.dma_semaphore, #tpu.memory_space<semaphore_mem>>)
    %dma_start3A_347 = arith.constant 12 : i32
    %dma_start3A_348 = arith.constant 12 : i32
    %dma_start3A_349 = arith.constant 0 : i32
    %dma_start3A_350 = arith.constant 0 : i32
    %dma_start3A_351 = tpu.memref_slice %arg8[%dma_start3A_348, %dma_start3A_349, %dma_start3A_350] : memref<16x128x16xf32, #tpu.memory_space<vmem>> -> memref<1x128x16xf32, #tpu.memory_space<vmem>>
    %dma_start3A_352 = tpu.memref_squeeze %dma_start3A_351 : memref<1x128x16xf32, #tpu.memory_space<vmem>> -> memref<128x16xf32, #tpu.memory_space<vmem>>
    %dma_start3A_353 = arith.constant 0 : i32
    %dma_start3A_354 = tpu.memref_slice %arg6[%dma_start3A_347, %dma_start3A_353] : memref<80x128xi32, #tpu.memory_space<vmem>> -> memref<1x128xi32, #tpu.memory_space<vmem>>
    %dma_start3A_355 = tpu.memref_squeeze %dma_start3A_354 : memref<1x128xi32, #tpu.memory_space<vmem>> -> memref<128xi32, #tpu.memory_space<vmem>>
    %dma_start3A_356 = arith.constant 0 : i32
    %dma_start3A_357 = arith.constant 0 : i32
    %dma_start3A_358 = tpu.memref_slice %arg10[%dma_start3A_356, %dma_start3A_357] : memref<10240x16xf32, #tpu.memory_space<vmem_shared>> -> memref<10240x16xf32, #tpu.memory_space<vmem_shared>>
    tpu.enqueue_indirect_dma source(%dma_start3A_358 : memref<10240x16xf32, #tpu.memory_space<vmem_shared>>) target(%dma_start3A_352 : memref<128x16xf32, #tpu.memory_space<vmem>>) offsets(%dma_start3A_355 : memref<128xi32, #tpu.memory_space<vmem>>) semaphore(%arg12 : memref<!tpu.dma_semaphore, #tpu.memory_space<semaphore_mem>>)
    %dma_start3A_359 = arith.constant 13 : i32
    %dma_start3A_360 = arith.constant 13 : i32
    %dma_start3A_361 = arith.constant 0 : i32
    %dma_start3A_362 = arith.constant 0 : i32
    %dma_start3A_363 = tpu.memref_slice %arg8[%dma_start3A_360, %dma_start3A_361, %dma_start3A_362] : memref<16x128x16xf32, #tpu.memory_space<vmem>> -> memref<1x128x16xf32, #tpu.memory_space<vmem>>
    %dma_start3A_364 = tpu.memref_squeeze %dma_start3A_363 : memref<1x128x16xf32, #tpu.memory_space<vmem>> -> memref<128x16xf32, #tpu.memory_space<vmem>>
    %dma_start3A_365 = arith.constant 0 : i32
    %dma_start3A_366 = tpu.memref_slice %arg6[%dma_start3A_359, %dma_start3A_365] : memref<80x128xi32, #tpu.memory_space<vmem>> -> memref<1x128xi32, #tpu.memory_space<vmem>>
    %dma_start3A_367 = tpu.memref_squeeze %dma_start3A_366 : memref<1x128xi32, #tpu.memory_space<vmem>> -> memref<128xi32, #tpu.memory_space<vmem>>
    %dma_start3A_368 = arith.constant 0 : i32
    %dma_start3A_369 = arith.constant 0 : i32
    %dma_start3A_370 = tpu.memref_slice %arg10[%dma_start3A_368, %dma_start3A_369] : memref<10240x16xf32, #tpu.memory_space<vmem_shared>> -> memref<10240x16xf32, #tpu.memory_space<vmem_shared>>
    tpu.enqueue_indirect_dma source(%dma_start3A_370 : memref<10240x16xf32, #tpu.memory_space<vmem_shared>>) target(%dma_start3A_364 : memref<128x16xf32, #tpu.memory_space<vmem>>) offsets(%dma_start3A_367 : memref<128xi32, #tpu.memory_space<vmem>>) semaphore(%arg12 : memref<!tpu.dma_semaphore, #tpu.memory_space<semaphore_mem>>)
    %dma_start3A_371 = arith.constant 14 : i32
    %dma_start3A_372 = arith.constant 14 : i32
    %dma_start3A_373 = arith.constant 0 : i32
    %dma_start3A_374 = arith.constant 0 : i32
    %dma_start3A_375 = tpu.memref_slice %arg8[%dma_start3A_372, %dma_start3A_373, %dma_start3A_374] : memref<16x128x16xf32, #tpu.memory_space<vmem>> -> memref<1x128x16xf32, #tpu.memory_space<vmem>>
    %dma_start3A_376 = tpu.memref_squeeze %dma_start3A_375 : memref<1x128x16xf32, #tpu.memory_space<vmem>> -> memref<128x16xf32, #tpu.memory_space<vmem>>
    %dma_start3A_377 = arith.constant 0 : i32
    %dma_start3A_378 = tpu.memref_slice %arg6[%dma_start3A_371, %dma_start3A_377] : memref<80x128xi32, #tpu.memory_space<vmem>> -> memref<1x128xi32, #tpu.memory_space<vmem>>
    %dma_start3A_379 = tpu.memref_squeeze %dma_start3A_378 : memref<1x128xi32, #tpu.memory_space<vmem>> -> memref<128xi32, #tpu.memory_space<vmem>>
    %dma_start3A_380 = arith.constant 0 : i32
    %dma_start3A_381 = arith.constant 0 : i32
    %dma_start3A_382 = tpu.memref_slice %arg10[%dma_start3A_380, %dma_start3A_381] : memref<10240x16xf32, #tpu.memory_space<vmem_shared>> -> memref<10240x16xf32, #tpu.memory_space<vmem_shared>>
    tpu.enqueue_indirect_dma source(%dma_start3A_382 : memref<10240x16xf32, #tpu.memory_space<vmem_shared>>) target(%dma_start3A_376 : memref<128x16xf32, #tpu.memory_space<vmem>>) offsets(%dma_start3A_379 : memref<128xi32, #tpu.memory_space<vmem>>) semaphore(%arg12 : memref<!tpu.dma_semaphore, #tpu.memory_space<semaphore_mem>>)
    %dma_start3A_383 = arith.constant 15 : i32
    %dma_start3A_384 = arith.constant 15 : i32
    %dma_start3A_385 = arith.constant 0 : i32
    %dma_start3A_386 = arith.constant 0 : i32
    %dma_start3A_387 = tpu.memref_slice %arg8[%dma_start3A_384, %dma_start3A_385, %dma_start3A_386] : memref<16x128x16xf32, #tpu.memory_space<vmem>> -> memref<1x128x16xf32, #tpu.memory_space<vmem>>
    %dma_start3A_388 = tpu.memref_squeeze %dma_start3A_387 : memref<1x128x16xf32, #tpu.memory_space<vmem>> -> memref<128x16xf32, #tpu.memory_space<vmem>>
    %dma_start3A_389 = arith.constant 0 : i32
    %dma_start3A_390 = tpu.memref_slice %arg6[%dma_start3A_383, %dma_start3A_389] : memref<80x128xi32, #tpu.memory_space<vmem>> -> memref<1x128xi32, #tpu.memory_space<vmem>>
    %dma_start3A_391 = tpu.memref_squeeze %dma_start3A_390 : memref<1x128xi32, #tpu.memory_space<vmem>> -> memref<128xi32, #tpu.memory_space<vmem>>
    %dma_start3A_392 = arith.constant 0 : i32
    %dma_start3A_393 = arith.constant 0 : i32
    %dma_start3A_394 = tpu.memref_slice %arg10[%dma_start3A_392, %dma_start3A_393] : memref<10240x16xf32, #tpu.memory_space<vmem_shared>> -> memref<10240x16xf32, #tpu.memory_space<vmem_shared>>
    tpu.enqueue_indirect_dma source(%dma_start3A_394 : memref<10240x16xf32, #tpu.memory_space<vmem_shared>>) target(%dma_start3A_388 : memref<128x16xf32, #tpu.memory_space<vmem>>) offsets(%dma_start3A_391 : memref<128xi32, #tpu.memory_space<vmem>>) semaphore(%arg12 : memref<!tpu.dma_semaphore, #tpu.memory_space<semaphore_mem>>)
    %scan3A_395 = arith.constant 0 : i32
    %scan3A_396 = arith.constant 9 : i32
    %scan3A_397 = arith.addi %scan3A_395, %scan3A_396 : i32
    %scan3A_398 = arith.constant 1 : i32
    scf.for %scan3A_600 = %scan3A_395 to %scan3A_397 step %scan3A_398  : i32 {
      %mul3A_601 = arith.constant 1 : i32
      %mul3A_602 = arith.muli %scan3A_600, %mul3A_601 : i32
      %add3A_603 = arith.constant 1 : i32
      %add3A_604 = arith.addi %add3A_603, %mul3A_602 : i32
      %jit3A = arith.constant 2 : i32
      %eq3A = arith.constant 0 : i32
      %eq3A_605 = arith.cmpi eq, %jit3A, %eq3A : i32
      %jit3A_606 = arith.constant 1 : i32
      %select_n3A = arith.select %eq3A_605, %jit3A_606, %jit3A : i32
      %rem3A = arith.remsi %add3A_604, %select_n3A : i32
      %ne3A = arith.constant 0 : i32
      %ne3A_607 = arith.cmpi ne, %rem3A, %ne3A : i32
      %lt3A = arith.constant 0 : i32
      %lt3A_608 = arith.cmpi slt, %rem3A, %lt3A : i32
      %lt3A_609 = arith.constant 0 : i32
      %lt3A_610 = arith.cmpi slt, %select_n3A, %lt3A_609 : i32
      %ne3A_611 = arith.xori %lt3A_608, %lt3A_610 : i1
      %and3A = arith.andi %ne3A_611, %ne3A_607 : i1
      %add3A_612 = arith.addi %rem3A, %select_n3A : i32
      %select_n3A_613 = arith.select %and3A, %add3A_612, %rem3A : i32
      %mul3A_614 = arith.constant 8 : i32
      %mul3A_615 = arith.muli %select_n3A_613, %mul3A_614 : i32
      %add3A_616 = arith.constant 1 : i32
      %add3A_617 = arith.addi %add3A_604, %add3A_616 : i32
      %jit3A_618 = arith.constant 2 : i32
      %eq3A_619 = arith.constant 0 : i32
      %eq3A_620 = arith.cmpi eq, %jit3A_618, %eq3A_619 : i32
      %jit3A_621 = arith.constant 1 : i32
      %select_n3A_622 = arith.select %eq3A_620, %jit3A_621, %jit3A_618 : i32
      %rem3A_623 = arith.remsi %add3A_617, %select_n3A_622 : i32
      %ne3A_624 = arith.constant 0 : i32
      %ne3A_625 = arith.cmpi ne, %rem3A_623, %ne3A_624 : i32
      %lt3A_626 = arith.constant 0 : i32
      %lt3A_627 = arith.cmpi slt, %rem3A_623, %lt3A_626 : i32
      %lt3A_628 = arith.constant 0 : i32
      %lt3A_629 = arith.cmpi slt, %select_n3A_622, %lt3A_628 : i32
      %ne3A_630 = arith.xori %lt3A_627, %lt3A_629 : i1
      %and3A_631 = arith.andi %ne3A_630, %ne3A_625 : i1
      %add3A_632 = arith.addi %rem3A_623, %select_n3A_622 : i32
      %select_n3A_633 = arith.select %and3A_631, %add3A_632, %rem3A_623 : i32
      %mul3A_634 = arith.constant 8 : i32
      %mul3A_635 = arith.muli %select_n3A_633, %mul3A_634 : i32
      %mul3A_636 = arith.constant 8 : i32
      %mul3A_637 = arith.muli %add3A_604, %mul3A_636 : i32
      %add3A_638 = arith.constant 1 : i32
      %add3A_639 = arith.addi %add3A_604, %add3A_638 : i32
      %jit3A_640 = arith.constant 10 : i32
      %eq3A_641 = arith.constant 0 : i32
      %eq3A_642 = arith.cmpi eq, %jit3A_640, %eq3A_641 : i32
      %jit3A_643 = arith.constant 1 : i32
      %select_n3A_644 = arith.select %eq3A_642, %jit3A_643, %jit3A_640 : i32
      %rem3A_645 = arith.remsi %add3A_639, %select_n3A_644 : i32
      %ne3A_646 = arith.constant 0 : i32
      %ne3A_647 = arith.cmpi ne, %rem3A_645, %ne3A_646 : i32
      %lt3A_648 = arith.constant 0 : i32
      %lt3A_649 = arith.cmpi slt, %rem3A_645, %lt3A_648 : i32
      %lt3A_650 = arith.constant 0 : i32
      %lt3A_651 = arith.cmpi slt, %select_n3A_644, %lt3A_650 : i32
      %ne3A_652 = arith.xori %lt3A_649, %lt3A_651 : i1
      %and3A_653 = arith.andi %ne3A_652, %ne3A_647 : i1
      %add3A_654 = arith.addi %rem3A_645, %select_n3A_644 : i32
      %select_n3A_655 = arith.select %and3A_653, %add3A_654, %rem3A_645 : i32
      %mul3A_656 = arith.constant 8 : i32
      %mul3A_657 = arith.muli %select_n3A_655, %mul3A_656 : i32
      %dma_wait3A_658 = arith.constant 0 : i32
      %dma_wait3A_659 = arith.constant 0 : i32
      %dma_wait3A_660 = arith.constant 0 : i32
      %dma_wait3A_661 = arith.constant 0 : i32
      %dma_wait3A_662 = tpu.memref_slice %arg8[%dma_wait3A_659, %dma_wait3A_660, %dma_wait3A_661] : memref<16x128x16xf32, #tpu.memory_space<vmem>> -> memref<1x128x16xf32, #tpu.memory_space<vmem>>
      %dma_wait3A_663 = tpu.memref_squeeze %dma_wait3A_662 : memref<1x128x16xf32, #tpu.memory_space<vmem>> -> memref<128x16xf32, #tpu.memory_space<vmem>>
      %dma_wait3A_664 = arith.constant 0 : i32
      %dma_wait3A_665 = tpu.memref_slice %arg6[%dma_wait3A_658, %dma_wait3A_664] : memref<80x128xi32, #tpu.memory_space<vmem>> -> memref<1x128xi32, #tpu.memory_space<vmem>>
      %dma_wait3A_666 = tpu.memref_squeeze %dma_wait3A_665 : memref<1x128xi32, #tpu.memory_space<vmem>> -> memref<128xi32, #tpu.memory_space<vmem>>
      %dma_wait3A_667 = arith.constant 0 : i32
      %dma_wait3A_668 = arith.constant 0 : i32
      %dma_wait3A_669 = tpu.memref_slice %arg10[%dma_wait3A_667, %dma_wait3A_668] : memref<10240x16xf32, #tpu.memory_space<vmem_shared>> -> memref<10240x16xf32, #tpu.memory_space<vmem_shared>>
      tpu.wait_indirect_dma semaphore(%arg12 : memref<!tpu.dma_semaphore, #tpu.memory_space<semaphore_mem>>) src(%dma_wait3A_669 : memref<10240x16xf32, #tpu.memory_space<vmem_shared>>) dst(%dma_wait3A_663 : memref<128x16xf32, #tpu.memory_space<vmem>>)
      %dma_wait3A_670 = arith.constant 0 : i32
      %dma_wait3A_671 = arith.constant 0 : i32
      %dma_wait3A_672 = arith.constant 0 : i32
      %dma_wait3A_673 = arith.constant 0 : i32
      %dma_wait3A_674 = tpu.memref_slice %arg8[%dma_wait3A_671, %dma_wait3A_672, %dma_wait3A_673] : memref<16x128x16xf32, #tpu.memory_space<vmem>> -> memref<1x128x16xf32, #tpu.memory_space<vmem>>
      %dma_wait3A_675 = tpu.memref_squeeze %dma_wait3A_674 : memref<1x128x16xf32, #tpu.memory_space<vmem>> -> memref<128x16xf32, #tpu.memory_space<vmem>>
      %dma_wait3A_676 = arith.constant 0 : i32
      %dma_wait3A_677 = tpu.memref_slice %arg6[%dma_wait3A_670, %dma_wait3A_676] : memref<80x128xi32, #tpu.memory_space<vmem>> -> memref<1x128xi32, #tpu.memory_space<vmem>>
      %dma_wait3A_678 = tpu.memref_squeeze %dma_wait3A_677 : memref<1x128xi32, #tpu.memory_space<vmem>> -> memref<128xi32, #tpu.memory_space<vmem>>
      %dma_wait3A_679 = arith.constant 0 : i32
      %dma_wait3A_680 = arith.constant 0 : i32
      %dma_wait3A_681 = tpu.memref_slice %arg10[%dma_wait3A_679, %dma_wait3A_680] : memref<10240x16xf32, #tpu.memory_space<vmem_shared>> -> memref<10240x16xf32, #tpu.memory_space<vmem_shared>>
      tpu.wait_indirect_dma semaphore(%arg12 : memref<!tpu.dma_semaphore, #tpu.memory_space<semaphore_mem>>) src(%dma_wait3A_681 : memref<10240x16xf32, #tpu.memory_space<vmem_shared>>) dst(%dma_wait3A_675 : memref<128x16xf32, #tpu.memory_space<vmem>>)
      %dma_wait3A_682 = arith.constant 0 : i32
      %dma_wait3A_683 = arith.constant 0 : i32
      %dma_wait3A_684 = arith.constant 0 : i32
      %dma_wait3A_685 = arith.constant 0 : i32
      %dma_wait3A_686 = tpu.memref_slice %arg8[%dma_wait3A_683, %dma_wait3A_684, %dma_wait3A_685] : memref<16x128x16xf32, #tpu.memory_space<vmem>> -> memref<1x128x16xf32, #tpu.memory_space<vmem>>
      %dma_wait3A_687 = tpu.memref_squeeze %dma_wait3A_686 : memref<1x128x16xf32, #tpu.memory_space<vmem>> -> memref<128x16xf32, #tpu.memory_space<vmem>>
      %dma_wait3A_688 = arith.constant 0 : i32
      %dma_wait3A_689 = tpu.memref_slice %arg6[%dma_wait3A_682, %dma_wait3A_688] : memref<80x128xi32, #tpu.memory_space<vmem>> -> memref<1x128xi32, #tpu.memory_space<vmem>>
      %dma_wait3A_690 = tpu.memref_squeeze %dma_wait3A_689 : memref<1x128xi32, #tpu.memory_space<vmem>> -> memref<128xi32, #tpu.memory_space<vmem>>
      %dma_wait3A_691 = arith.constant 0 : i32
      %dma_wait3A_692 = arith.constant 0 : i32
      %dma_wait3A_693 = tpu.memref_slice %arg10[%dma_wait3A_691, %dma_wait3A_692] : memref<10240x16xf32, #tpu.memory_space<vmem_shared>> -> memref<10240x16xf32, #tpu.memory_space<vmem_shared>>
      tpu.wait_indirect_dma semaphore(%arg12 : memref<!tpu.dma_semaphore, #tpu.memory_space<semaphore_mem>>) src(%dma_wait3A_693 : memref<10240x16xf32, #tpu.memory_space<vmem_shared>>) dst(%dma_wait3A_687 : memref<128x16xf32, #tpu.memory_space<vmem>>)
      %dma_wait3A_694 = arith.constant 0 : i32
      %dma_wait3A_695 = arith.constant 0 : i32
      %dma_wait3A_696 = arith.constant 0 : i32
      %dma_wait3A_697 = arith.constant 0 : i32
      %dma_wait3A_698 = tpu.memref_slice %arg8[%dma_wait3A_695, %dma_wait3A_696, %dma_wait3A_697] : memref<16x128x16xf32, #tpu.memory_space<vmem>> -> memref<1x128x16xf32, #tpu.memory_space<vmem>>
      %dma_wait3A_699 = tpu.memref_squeeze %dma_wait3A_698 : memref<1x128x16xf32, #tpu.memory_space<vmem>> -> memref<128x16xf32, #tpu.memory_space<vmem>>
      %dma_wait3A_700 = arith.constant 0 : i32
      %dma_wait3A_701 = tpu.memref_slice %arg6[%dma_wait3A_694, %dma_wait3A_700] : memref<80x128xi32, #tpu.memory_space<vmem>> -> memref<1x128xi32, #tpu.memory_space<vmem>>
      %dma_wait3A_702 = tpu.memref_squeeze %dma_wait3A_701 : memref<1x128xi32, #tpu.memory_space<vmem>> -> memref<128xi32, #tpu.memory_space<vmem>>
      %dma_wait3A_703 = arith.constant 0 : i32
      %dma_wait3A_704 = arith.constant 0 : i32
      %dma_wait3A_705 = tpu.memref_slice %arg10[%dma_wait3A_703, %dma_wait3A_704] : memref<10240x16xf32, #tpu.memory_space<vmem_shared>> -> memref<10240x16xf32, #tpu.memory_space<vmem_shared>>
      tpu.wait_indirect_dma semaphore(%arg12 : memref<!tpu.dma_semaphore, #tpu.memory_space<semaphore_mem>>) src(%dma_wait3A_705 : memref<10240x16xf32, #tpu.memory_space<vmem_shared>>) dst(%dma_wait3A_699 : memref<128x16xf32, #tpu.memory_space<vmem>>)
      %dma_wait3A_706 = arith.constant 0 : i32
      %dma_wait3A_707 = arith.constant 0 : i32
      %dma_wait3A_708 = arith.constant 0 : i32
      %dma_wait3A_709 = arith.constant 0 : i32
      %dma_wait3A_710 = tpu.memref_slice %arg8[%dma_wait3A_707, %dma_wait3A_708, %dma_wait3A_709] : memref<16x128x16xf32, #tpu.memory_space<vmem>> -> memref<1x128x16xf32, #tpu.memory_space<vmem>>
      %dma_wait3A_711 = tpu.memref_squeeze %dma_wait3A_710 : memref<1x128x16xf32, #tpu.memory_space<vmem>> -> memref<128x16xf32, #tpu.memory_space<vmem>>
      %dma_wait3A_712 = arith.constant 0 : i32
      %dma_wait3A_713 = tpu.memref_slice %arg6[%dma_wait3A_706, %dma_wait3A_712] : memref<80x128xi32, #tpu.memory_space<vmem>> -> memref<1x128xi32, #tpu.memory_space<vmem>>
      %dma_wait3A_714 = tpu.memref_squeeze %dma_wait3A_713 : memref<1x128xi32, #tpu.memory_space<vmem>> -> memref<128xi32, #tpu.memory_space<vmem>>
      %dma_wait3A_715 = arith.constant 0 : i32
      %dma_wait3A_716 = arith.constant 0 : i32
      %dma_wait3A_717 = tpu.memref_slice %arg10[%dma_wait3A_715, %dma_wait3A_716] : memref<10240x16xf32, #tpu.memory_space<vmem_shared>> -> memref<10240x16xf32, #tpu.memory_space<vmem_shared>>
      tpu.wait_indirect_dma semaphore(%arg12 : memref<!tpu.dma_semaphore, #tpu.memory_space<semaphore_mem>>) src(%dma_wait3A_717 : memref<10240x16xf32, #tpu.memory_space<vmem_shared>>) dst(%dma_wait3A_711 : memref<128x16xf32, #tpu.memory_space<vmem>>)
      %dma_wait3A_718 = arith.constant 0 : i32
      %dma_wait3A_719 = arith.constant 0 : i32
      %dma_wait3A_720 = arith.constant 0 : i32
      %dma_wait3A_721 = arith.constant 0 : i32
      %dma_wait3A_722 = tpu.memref_slice %arg8[%dma_wait3A_719, %dma_wait3A_720, %dma_wait3A_721] : memref<16x128x16xf32, #tpu.memory_space<vmem>> -> memref<1x128x16xf32, #tpu.memory_space<vmem>>
      %dma_wait3A_723 = tpu.memref_squeeze %dma_wait3A_722 : memref<1x128x16xf32, #tpu.memory_space<vmem>> -> memref<128x16xf32, #tpu.memory_space<vmem>>
      %dma_wait3A_724 = arith.constant 0 : i32
      %dma_wait3A_725 = tpu.memref_slice %arg6[%dma_wait3A_718, %dma_wait3A_724] : memref<80x128xi32, #tpu.memory_space<vmem>> -> memref<1x128xi32, #tpu.memory_space<vmem>>
      %dma_wait3A_726 = tpu.memref_squeeze %dma_wait3A_725 : memref<1x128xi32, #tpu.memory_space<vmem>> -> memref<128xi32, #tpu.memory_space<vmem>>
      %dma_wait3A_727 = arith.constant 0 : i32
      %dma_wait3A_728 = arith.constant 0 : i32
      %dma_wait3A_729 = tpu.memref_slice %arg10[%dma_wait3A_727, %dma_wait3A_728] : memref<10240x16xf32, #tpu.memory_space<vmem_shared>> -> memref<10240x16xf32, #tpu.memory_space<vmem_shared>>
      tpu.wait_indirect_dma semaphore(%arg12 : memref<!tpu.dma_semaphore, #tpu.memory_space<semaphore_mem>>) src(%dma_wait3A_729 : memref<10240x16xf32, #tpu.memory_space<vmem_shared>>) dst(%dma_wait3A_723 : memref<128x16xf32, #tpu.memory_space<vmem>>)
      %dma_wait3A_730 = arith.constant 0 : i32
      %dma_wait3A_731 = arith.constant 0 : i32
      %dma_wait3A_732 = arith.constant 0 : i32
      %dma_wait3A_733 = arith.constant 0 : i32
      %dma_wait3A_734 = tpu.memref_slice %arg8[%dma_wait3A_731, %dma_wait3A_732, %dma_wait3A_733] : memref<16x128x16xf32, #tpu.memory_space<vmem>> -> memref<1x128x16xf32, #tpu.memory_space<vmem>>
      %dma_wait3A_735 = tpu.memref_squeeze %dma_wait3A_734 : memref<1x128x16xf32, #tpu.memory_space<vmem>> -> memref<128x16xf32, #tpu.memory_space<vmem>>
      %dma_wait3A_736 = arith.constant 0 : i32
      %dma_wait3A_737 = tpu.memref_slice %arg6[%dma_wait3A_730, %dma_wait3A_736] : memref<80x128xi32, #tpu.memory_space<vmem>> -> memref<1x128xi32, #tpu.memory_space<vmem>>
      %dma_wait3A_738 = tpu.memref_squeeze %dma_wait3A_737 : memref<1x128xi32, #tpu.memory_space<vmem>> -> memref<128xi32, #tpu.memory_space<vmem>>
      %dma_wait3A_739 = arith.constant 0 : i32
      %dma_wait3A_740 = arith.constant 0 : i32
      %dma_wait3A_741 = tpu.memref_slice %arg10[%dma_wait3A_739, %dma_wait3A_740] : memref<10240x16xf32, #tpu.memory_space<vmem_shared>> -> memref<10240x16xf32, #tpu.memory_space<vmem_shared>>
      tpu.wait_indirect_dma semaphore(%arg12 : memref<!tpu.dma_semaphore, #tpu.memory_space<semaphore_mem>>) src(%dma_wait3A_741 : memref<10240x16xf32, #tpu.memory_space<vmem_shared>>) dst(%dma_wait3A_735 : memref<128x16xf32, #tpu.memory_space<vmem>>)
      %dma_wait3A_742 = arith.constant 0 : i32
      %dma_wait3A_743 = arith.constant 0 : i32
      %dma_wait3A_744 = arith.constant 0 : i32
      %dma_wait3A_745 = arith.constant 0 : i32
      %dma_wait3A_746 = tpu.memref_slice %arg8[%dma_wait3A_743, %dma_wait3A_744, %dma_wait3A_745] : memref<16x128x16xf32, #tpu.memory_space<vmem>> -> memref<1x128x16xf32, #tpu.memory_space<vmem>>
      %dma_wait3A_747 = tpu.memref_squeeze %dma_wait3A_746 : memref<1x128x16xf32, #tpu.memory_space<vmem>> -> memref<128x16xf32, #tpu.memory_space<vmem>>
      %dma_wait3A_748 = arith.constant 0 : i32
      %dma_wait3A_749 = tpu.memref_slice %arg6[%dma_wait3A_742, %dma_wait3A_748] : memref<80x128xi32, #tpu.memory_space<vmem>> -> memref<1x128xi32, #tpu.memory_space<vmem>>
      %dma_wait3A_750 = tpu.memref_squeeze %dma_wait3A_749 : memref<1x128xi32, #tpu.memory_space<vmem>> -> memref<128xi32, #tpu.memory_space<vmem>>
      %dma_wait3A_751 = arith.constant 0 : i32
      %dma_wait3A_752 = arith.constant 0 : i32
      %dma_wait3A_753 = tpu.memref_slice %arg10[%dma_wait3A_751, %dma_wait3A_752] : memref<10240x16xf32, #tpu.memory_space<vmem_shared>> -> memref<10240x16xf32, #tpu.memory_space<vmem_shared>>
      tpu.wait_indirect_dma semaphore(%arg12 : memref<!tpu.dma_semaphore, #tpu.memory_space<semaphore_mem>>) src(%dma_wait3A_753 : memref<10240x16xf32, #tpu.memory_space<vmem_shared>>) dst(%dma_wait3A_747 : memref<128x16xf32, #tpu.memory_space<vmem>>)
      %dma_wait3A_754 = arith.constant 0 : i32
      %dma_wait3A_755 = arith.constant 0 : i32
      %dma_wait3A_756 = arith.constant 0 : i32
      %dma_wait3A_757 = arith.constant 0 : i32
      %dma_wait3A_758 = tpu.memref_slice %arg8[%dma_wait3A_754, %dma_wait3A_756, %dma_wait3A_757] : memref<16x128x16xf32, #tpu.memory_space<vmem>> -> memref<1x128x16xf32, #tpu.memory_space<vmem>>
      %dma_wait3A_759 = tpu.memref_squeeze %dma_wait3A_758 : memref<1x128x16xf32, #tpu.memory_space<vmem>> -> memref<128x16xf32, #tpu.memory_space<vmem>>
      %dma_wait3A_760 = arith.constant 0 : i32
      %dma_wait3A_761 = tpu.memref_slice %arg7[%dma_wait3A_755, %dma_wait3A_760] : memref<80x128xi32, #tpu.memory_space<vmem>> -> memref<1x128xi32, #tpu.memory_space<vmem>>
      %dma_wait3A_762 = tpu.memref_squeeze %dma_wait3A_761 : memref<1x128xi32, #tpu.memory_space<vmem>> -> memref<128xi32, #tpu.memory_space<vmem>>
      %dma_wait3A_763 = arith.constant 0 : i32
      %dma_wait3A_764 = arith.constant 0 : i32
      %dma_wait3A_765 = tpu.memref_slice %arg11[%dma_wait3A_763, %dma_wait3A_764] : memref<10240x16xf32, #tpu.memory_space<vmem_shared>> -> memref<10240x16xf32, #tpu.memory_space<vmem_shared>>
      tpu.wait_indirect_dma semaphore(%arg13 : memref<!tpu.dma_semaphore, #tpu.memory_space<semaphore_mem>>) src(%dma_wait3A_759 : memref<128x16xf32, #tpu.memory_space<vmem>>) dst(%dma_wait3A_765 : memref<10240x16xf32, #tpu.memory_space<vmem_shared>>)
      %dma_wait3A_766 = arith.constant 0 : i32
      %dma_wait3A_767 = arith.constant 0 : i32
      %dma_wait3A_768 = arith.constant 0 : i32
      %dma_wait3A_769 = arith.constant 0 : i32
      %dma_wait3A_770 = tpu.memref_slice %arg8[%dma_wait3A_766, %dma_wait3A_768, %dma_wait3A_769] : memref<16x128x16xf32, #tpu.memory_space<vmem>> -> memref<1x128x16xf32, #tpu.memory_space<vmem>>
      %dma_wait3A_771 = tpu.memref_squeeze %dma_wait3A_770 : memref<1x128x16xf32, #tpu.memory_space<vmem>> -> memref<128x16xf32, #tpu.memory_space<vmem>>
      %dma_wait3A_772 = arith.constant 0 : i32
      %dma_wait3A_773 = tpu.memref_slice %arg7[%dma_wait3A_767, %dma_wait3A_772] : memref<80x128xi32, #tpu.memory_space<vmem>> -> memref<1x128xi32, #tpu.memory_space<vmem>>
      %dma_wait3A_774 = tpu.memref_squeeze %dma_wait3A_773 : memref<1x128xi32, #tpu.memory_space<vmem>> -> memref<128xi32, #tpu.memory_space<vmem>>
      %dma_wait3A_775 = arith.constant 0 : i32
      %dma_wait3A_776 = arith.constant 0 : i32
      %dma_wait3A_777 = tpu.memref_slice %arg11[%dma_wait3A_775, %dma_wait3A_776] : memref<10240x16xf32, #tpu.memory_space<vmem_shared>> -> memref<10240x16xf32, #tpu.memory_space<vmem_shared>>
      tpu.wait_indirect_dma semaphore(%arg13 : memref<!tpu.dma_semaphore, #tpu.memory_space<semaphore_mem>>) src(%dma_wait3A_771 : memref<128x16xf32, #tpu.memory_space<vmem>>) dst(%dma_wait3A_777 : memref<10240x16xf32, #tpu.memory_space<vmem_shared>>)
      %dma_wait3A_778 = arith.constant 0 : i32
      %dma_wait3A_779 = arith.constant 0 : i32
      %dma_wait3A_780 = arith.constant 0 : i32
      %dma_wait3A_781 = arith.constant 0 : i32
      %dma_wait3A_782 = tpu.memref_slice %arg8[%dma_wait3A_778, %dma_wait3A_780, %dma_wait3A_781] : memref<16x128x16xf32, #tpu.memory_space<vmem>> -> memref<1x128x16xf32, #tpu.memory_space<vmem>>
      %dma_wait3A_783 = tpu.memref_squeeze %dma_wait3A_782 : memref<1x128x16xf32, #tpu.memory_space<vmem>> -> memref<128x16xf32, #tpu.memory_space<vmem>>
      %dma_wait3A_784 = arith.constant 0 : i32
      %dma_wait3A_785 = tpu.memref_slice %arg7[%dma_wait3A_779, %dma_wait3A_784] : memref<80x128xi32, #tpu.memory_space<vmem>> -> memref<1x128xi32, #tpu.memory_space<vmem>>
      %dma_wait3A_786 = tpu.memref_squeeze %dma_wait3A_785 : memref<1x128xi32, #tpu.memory_space<vmem>> -> memref<128xi32, #tpu.memory_space<vmem>>
      %dma_wait3A_787 = arith.constant 0 : i32
      %dma_wait3A_788 = arith.constant 0 : i32
      %dma_wait3A_789 = tpu.memref_slice %arg11[%dma_wait3A_787, %dma_wait3A_788] : memref<10240x16xf32, #tpu.memory_space<vmem_shared>> -> memref<10240x16xf32, #tpu.memory_space<vmem_shared>>
      tpu.wait_indirect_dma semaphore(%arg13 : memref<!tpu.dma_semaphore, #tpu.memory_space<semaphore_mem>>) src(%dma_wait3A_783 : memref<128x16xf32, #tpu.memory_space<vmem>>) dst(%dma_wait3A_789 : memref<10240x16xf32, #tpu.memory_space<vmem_shared>>)
      %dma_wait3A_790 = arith.constant 0 : i32
      %dma_wait3A_791 = arith.constant 0 : i32
      %dma_wait3A_792 = arith.constant 0 : i32
      %dma_wait3A_793 = arith.constant 0 : i32
      %dma_wait3A_794 = tpu.memref_slice %arg8[%dma_wait3A_790, %dma_wait3A_792, %dma_wait3A_793] : memref<16x128x16xf32, #tpu.memory_space<vmem>> -> memref<1x128x16xf32, #tpu.memory_space<vmem>>
      %dma_wait3A_795 = tpu.memref_squeeze %dma_wait3A_794 : memref<1x128x16xf32, #tpu.memory_space<vmem>> -> memref<128x16xf32, #tpu.memory_space<vmem>>
      %dma_wait3A_796 = arith.constant 0 : i32
      %dma_wait3A_797 = tpu.memref_slice %arg7[%dma_wait3A_791, %dma_wait3A_796] : memref<80x128xi32, #tpu.memory_space<vmem>> -> memref<1x128xi32, #tpu.memory_space<vmem>>
      %dma_wait3A_798 = tpu.memref_squeeze %dma_wait3A_797 : memref<1x128xi32, #tpu.memory_space<vmem>> -> memref<128xi32, #tpu.memory_space<vmem>>
      %dma_wait3A_799 = arith.constant 0 : i32
      %dma_wait3A_800 = arith.constant 0 : i32
      %dma_wait3A_801 = tpu.memref_slice %arg11[%dma_wait3A_799, %dma_wait3A_800] : memref<10240x16xf32, #tpu.memory_space<vmem_shared>> -> memref<10240x16xf32, #tpu.memory_space<vmem_shared>>
      tpu.wait_indirect_dma semaphore(%arg13 : memref<!tpu.dma_semaphore, #tpu.memory_space<semaphore_mem>>) src(%dma_wait3A_795 : memref<128x16xf32, #tpu.memory_space<vmem>>) dst(%dma_wait3A_801 : memref<10240x16xf32, #tpu.memory_space<vmem_shared>>)
      %dma_wait3A_802 = arith.constant 0 : i32
      %dma_wait3A_803 = arith.constant 0 : i32
      %dma_wait3A_804 = arith.constant 0 : i32
      %dma_wait3A_805 = arith.constant 0 : i32
      %dma_wait3A_806 = tpu.memref_slice %arg8[%dma_wait3A_802, %dma_wait3A_804, %dma_wait3A_805] : memref<16x128x16xf32, #tpu.memory_space<vmem>> -> memref<1x128x16xf32, #tpu.memory_space<vmem>>
      %dma_wait3A_807 = tpu.memref_squeeze %dma_wait3A_806 : memref<1x128x16xf32, #tpu.memory_space<vmem>> -> memref<128x16xf32, #tpu.memory_space<vmem>>
      %dma_wait3A_808 = arith.constant 0 : i32
      %dma_wait3A_809 = tpu.memref_slice %arg7[%dma_wait3A_803, %dma_wait3A_808] : memref<80x128xi32, #tpu.memory_space<vmem>> -> memref<1x128xi32, #tpu.memory_space<vmem>>
      %dma_wait3A_810 = tpu.memref_squeeze %dma_wait3A_809 : memref<1x128xi32, #tpu.memory_space<vmem>> -> memref<128xi32, #tpu.memory_space<vmem>>
      %dma_wait3A_811 = arith.constant 0 : i32
      %dma_wait3A_812 = arith.constant 0 : i32
      %dma_wait3A_813 = tpu.memref_slice %arg11[%dma_wait3A_811, %dma_wait3A_812] : memref<10240x16xf32, #tpu.memory_space<vmem_shared>> -> memref<10240x16xf32, #tpu.memory_space<vmem_shared>>
      tpu.wait_indirect_dma semaphore(%arg13 : memref<!tpu.dma_semaphore, #tpu.memory_space<semaphore_mem>>) src(%dma_wait3A_807 : memref<128x16xf32, #tpu.memory_space<vmem>>) dst(%dma_wait3A_813 : memref<10240x16xf32, #tpu.memory_space<vmem_shared>>)
      %dma_wait3A_814 = arith.constant 0 : i32
      %dma_wait3A_815 = arith.constant 0 : i32
      %dma_wait3A_816 = arith.constant 0 : i32
      %dma_wait3A_817 = arith.constant 0 : i32
      %dma_wait3A_818 = tpu.memref_slice %arg8[%dma_wait3A_814, %dma_wait3A_816, %dma_wait3A_817] : memref<16x128x16xf32, #tpu.memory_space<vmem>> -> memref<1x128x16xf32, #tpu.memory_space<vmem>>
      %dma_wait3A_819 = tpu.memref_squeeze %dma_wait3A_818 : memref<1x128x16xf32, #tpu.memory_space<vmem>> -> memref<128x16xf32, #tpu.memory_space<vmem>>
      %dma_wait3A_820 = arith.constant 0 : i32
      %dma_wait3A_821 = tpu.memref_slice %arg7[%dma_wait3A_815, %dma_wait3A_820] : memref<80x128xi32, #tpu.memory_space<vmem>> -> memref<1x128xi32, #tpu.memory_space<vmem>>
      %dma_wait3A_822 = tpu.memref_squeeze %dma_wait3A_821 : memref<1x128xi32, #tpu.memory_space<vmem>> -> memref<128xi32, #tpu.memory_space<vmem>>
      %dma_wait3A_823 = arith.constant 0 : i32
      %dma_wait3A_824 = arith.constant 0 : i32
      %dma_wait3A_825 = tpu.memref_slice %arg11[%dma_wait3A_823, %dma_wait3A_824] : memref<10240x16xf32, #tpu.memory_space<vmem_shared>> -> memref<10240x16xf32, #tpu.memory_space<vmem_shared>>
      tpu.wait_indirect_dma semaphore(%arg13 : memref<!tpu.dma_semaphore, #tpu.memory_space<semaphore_mem>>) src(%dma_wait3A_819 : memref<128x16xf32, #tpu.memory_space<vmem>>) dst(%dma_wait3A_825 : memref<10240x16xf32, #tpu.memory_space<vmem_shared>>)
      %dma_wait3A_826 = arith.constant 0 : i32
      %dma_wait3A_827 = arith.constant 0 : i32
      %dma_wait3A_828 = arith.constant 0 : i32
      %dma_wait3A_829 = arith.constant 0 : i32
      %dma_wait3A_830 = tpu.memref_slice %arg8[%dma_wait3A_826, %dma_wait3A_828, %dma_wait3A_829] : memref<16x128x16xf32, #tpu.memory_space<vmem>> -> memref<1x128x16xf32, #tpu.memory_space<vmem>>
      %dma_wait3A_831 = tpu.memref_squeeze %dma_wait3A_830 : memref<1x128x16xf32, #tpu.memory_space<vmem>> -> memref<128x16xf32, #tpu.memory_space<vmem>>
      %dma_wait3A_832 = arith.constant 0 : i32
      %dma_wait3A_833 = tpu.memref_slice %arg7[%dma_wait3A_827, %dma_wait3A_832] : memref<80x128xi32, #tpu.memory_space<vmem>> -> memref<1x128xi32, #tpu.memory_space<vmem>>
      %dma_wait3A_834 = tpu.memref_squeeze %dma_wait3A_833 : memref<1x128xi32, #tpu.memory_space<vmem>> -> memref<128xi32, #tpu.memory_space<vmem>>
      %dma_wait3A_835 = arith.constant 0 : i32
      %dma_wait3A_836 = arith.constant 0 : i32
      %dma_wait3A_837 = tpu.memref_slice %arg11[%dma_wait3A_835, %dma_wait3A_836] : memref<10240x16xf32, #tpu.memory_space<vmem_shared>> -> memref<10240x16xf32, #tpu.memory_space<vmem_shared>>
      tpu.wait_indirect_dma semaphore(%arg13 : memref<!tpu.dma_semaphore, #tpu.memory_space<semaphore_mem>>) src(%dma_wait3A_831 : memref<128x16xf32, #tpu.memory_space<vmem>>) dst(%dma_wait3A_837 : memref<10240x16xf32, #tpu.memory_space<vmem_shared>>)
      %dma_wait3A_838 = arith.constant 0 : i32
      %dma_wait3A_839 = arith.constant 0 : i32
      %dma_wait3A_840 = arith.constant 0 : i32
      %dma_wait3A_841 = arith.constant 0 : i32
      %dma_wait3A_842 = tpu.memref_slice %arg8[%dma_wait3A_838, %dma_wait3A_840, %dma_wait3A_841] : memref<16x128x16xf32, #tpu.memory_space<vmem>> -> memref<1x128x16xf32, #tpu.memory_space<vmem>>
      %dma_wait3A_843 = tpu.memref_squeeze %dma_wait3A_842 : memref<1x128x16xf32, #tpu.memory_space<vmem>> -> memref<128x16xf32, #tpu.memory_space<vmem>>
      %dma_wait3A_844 = arith.constant 0 : i32
      %dma_wait3A_845 = tpu.memref_slice %arg7[%dma_wait3A_839, %dma_wait3A_844] : memref<80x128xi32, #tpu.memory_space<vmem>> -> memref<1x128xi32, #tpu.memory_space<vmem>>
      %dma_wait3A_846 = tpu.memref_squeeze %dma_wait3A_845 : memref<1x128xi32, #tpu.memory_space<vmem>> -> memref<128xi32, #tpu.memory_space<vmem>>
      %dma_wait3A_847 = arith.constant 0 : i32
      %dma_wait3A_848 = arith.constant 0 : i32
      %dma_wait3A_849 = tpu.memref_slice %arg11[%dma_wait3A_847, %dma_wait3A_848] : memref<10240x16xf32, #tpu.memory_space<vmem_shared>> -> memref<10240x16xf32, #tpu.memory_space<vmem_shared>>
      tpu.wait_indirect_dma semaphore(%arg13 : memref<!tpu.dma_semaphore, #tpu.memory_space<semaphore_mem>>) src(%dma_wait3A_843 : memref<128x16xf32, #tpu.memory_space<vmem>>) dst(%dma_wait3A_849 : memref<10240x16xf32, #tpu.memory_space<vmem_shared>>)
      %add3A_850 = arith.constant 0 : i32
      %add3A_851 = arith.addi %mul3A_615, %add3A_850 : i32
      %add3A_852 = arith.constant 0 : i32
      %add3A_853 = arith.addi %mul3A_637, %add3A_852 : i32
      %dma_start3A_854 = arith.constant 0 : i32
      %dma_start3A_855 = arith.constant 0 : i32
      %dma_start3A_856 = tpu.memref_slice %arg8[%add3A_851, %dma_start3A_854, %dma_start3A_855] : memref<16x128x16xf32, #tpu.memory_space<vmem>> -> memref<1x128x16xf32, #tpu.memory_space<vmem>>
      %dma_start3A_857 = tpu.memref_squeeze %dma_start3A_856 : memref<1x128x16xf32, #tpu.memory_space<vmem>> -> memref<128x16xf32, #tpu.memory_space<vmem>>
      %dma_start3A_858 = arith.constant 0 : i32
      %dma_start3A_859 = tpu.memref_slice %arg7[%add3A_853, %dma_start3A_858] : memref<80x128xi32, #tpu.memory_space<vmem>> -> memref<1x128xi32, #tpu.memory_space<vmem>>
      %dma_start3A_860 = tpu.memref_squeeze %dma_start3A_859 : memref<1x128xi32, #tpu.memory_space<vmem>> -> memref<128xi32, #tpu.memory_space<vmem>>
      %dma_start3A_861 = arith.constant 0 : i32
      %dma_start3A_862 = arith.constant 0 : i32
      %dma_start3A_863 = tpu.memref_slice %arg11[%dma_start3A_861, %dma_start3A_862] : memref<10240x16xf32, #tpu.memory_space<vmem_shared>> -> memref<10240x16xf32, #tpu.memory_space<vmem_shared>>
      tpu.enqueue_indirect_dma source(%dma_start3A_857 : memref<128x16xf32, #tpu.memory_space<vmem>>) target(%dma_start3A_863 : memref<10240x16xf32, #tpu.memory_space<vmem_shared>>) offsets(%dma_start3A_860 : memref<128xi32, #tpu.memory_space<vmem>>) semaphore(%arg13 : memref<!tpu.dma_semaphore, #tpu.memory_space<semaphore_mem>>) {add = true}
      %add3A_864 = arith.constant 1 : i32
      %add3A_865 = arith.addi %mul3A_615, %add3A_864 : i32
      %add3A_866 = arith.constant 1 : i32
      %add3A_867 = arith.addi %mul3A_637, %add3A_866 : i32
      %dma_start3A_868 = arith.constant 0 : i32
      %dma_start3A_869 = arith.constant 0 : i32
      %dma_start3A_870 = tpu.memref_slice %arg8[%add3A_865, %dma_start3A_868, %dma_start3A_869] : memref<16x128x16xf32, #tpu.memory_space<vmem>> -> memref<1x128x16xf32, #tpu.memory_space<vmem>>
      %dma_start3A_871 = tpu.memref_squeeze %dma_start3A_870 : memref<1x128x16xf32, #tpu.memory_space<vmem>> -> memref<128x16xf32, #tpu.memory_space<vmem>>
      %dma_start3A_872 = arith.constant 0 : i32
      %dma_start3A_873 = tpu.memref_slice %arg7[%add3A_867, %dma_start3A_872] : memref<80x128xi32, #tpu.memory_space<vmem>> -> memref<1x128xi32, #tpu.memory_space<vmem>>
      %dma_start3A_874 = tpu.memref_squeeze %dma_start3A_873 : memref<1x128xi32, #tpu.memory_space<vmem>> -> memref<128xi32, #tpu.memory_space<vmem>>
      %dma_start3A_875 = arith.constant 0 : i32
      %dma_start3A_876 = arith.constant 0 : i32
      %dma_start3A_877 = tpu.memref_slice %arg11[%dma_start3A_875, %dma_start3A_876] : memref<10240x16xf32, #tpu.memory_space<vmem_shared>> -> memref<10240x16xf32, #tpu.memory_space<vmem_shared>>
      tpu.enqueue_indirect_dma source(%dma_start3A_871 : memref<128x16xf32, #tpu.memory_space<vmem>>) target(%dma_start3A_877 : memref<10240x16xf32, #tpu.memory_space<vmem_shared>>) offsets(%dma_start3A_874 : memref<128xi32, #tpu.memory_space<vmem>>) semaphore(%arg13 : memref<!tpu.dma_semaphore, #tpu.memory_space<semaphore_mem>>) {add = true}
      %add3A_878 = arith.constant 2 : i32
      %add3A_879 = arith.addi %mul3A_615, %add3A_878 : i32
      %add3A_880 = arith.constant 2 : i32
      %add3A_881 = arith.addi %mul3A_637, %add3A_880 : i32
      %dma_start3A_882 = arith.constant 0 : i32
      %dma_start3A_883 = arith.constant 0 : i32
      %dma_start3A_884 = tpu.memref_slice %arg8[%add3A_879, %dma_start3A_882, %dma_start3A_883] : memref<16x128x16xf32, #tpu.memory_space<vmem>> -> memref<1x128x16xf32, #tpu.memory_space<vmem>>
      %dma_start3A_885 = tpu.memref_squeeze %dma_start3A_884 : memref<1x128x16xf32, #tpu.memory_space<vmem>> -> memref<128x16xf32, #tpu.memory_space<vmem>>
      %dma_start3A_886 = arith.constant 0 : i32
      %dma_start3A_887 = tpu.memref_slice %arg7[%add3A_881, %dma_start3A_886] : memref<80x128xi32, #tpu.memory_space<vmem>> -> memref<1x128xi32, #tpu.memory_space<vmem>>
      %dma_start3A_888 = tpu.memref_squeeze %dma_start3A_887 : memref<1x128xi32, #tpu.memory_space<vmem>> -> memref<128xi32, #tpu.memory_space<vmem>>
      %dma_start3A_889 = arith.constant 0 : i32
      %dma_start3A_890 = arith.constant 0 : i32
      %dma_start3A_891 = tpu.memref_slice %arg11[%dma_start3A_889, %dma_start3A_890] : memref<10240x16xf32, #tpu.memory_space<vmem_shared>> -> memref<10240x16xf32, #tpu.memory_space<vmem_shared>>
      tpu.enqueue_indirect_dma source(%dma_start3A_885 : memref<128x16xf32, #tpu.memory_space<vmem>>) target(%dma_start3A_891 : memref<10240x16xf32, #tpu.memory_space<vmem_shared>>) offsets(%dma_start3A_888 : memref<128xi32, #tpu.memory_space<vmem>>) semaphore(%arg13 : memref<!tpu.dma_semaphore, #tpu.memory_space<semaphore_mem>>) {add = true}
      %add3A_892 = arith.constant 3 : i32
      %add3A_893 = arith.addi %mul3A_615, %add3A_892 : i32
      %add3A_894 = arith.constant 3 : i32
      %add3A_895 = arith.addi %mul3A_637, %add3A_894 : i32
      %dma_start3A_896 = arith.constant 0 : i32
      %dma_start3A_897 = arith.constant 0 : i32
      %dma_start3A_898 = tpu.memref_slice %arg8[%add3A_893, %dma_start3A_896, %dma_start3A_897] : memref<16x128x16xf32, #tpu.memory_space<vmem>> -> memref<1x128x16xf32, #tpu.memory_space<vmem>>
      %dma_start3A_899 = tpu.memref_squeeze %dma_start3A_898 : memref<1x128x16xf32, #tpu.memory_space<vmem>> -> memref<128x16xf32, #tpu.memory_space<vmem>>
      %dma_start3A_900 = arith.constant 0 : i32
      %dma_start3A_901 = tpu.memref_slice %arg7[%add3A_895, %dma_start3A_900] : memref<80x128xi32, #tpu.memory_space<vmem>> -> memref<1x128xi32, #tpu.memory_space<vmem>>
      %dma_start3A_902 = tpu.memref_squeeze %dma_start3A_901 : memref<1x128xi32, #tpu.memory_space<vmem>> -> memref<128xi32, #tpu.memory_space<vmem>>
      %dma_start3A_903 = arith.constant 0 : i32
      %dma_start3A_904 = arith.constant 0 : i32
      %dma_start3A_905 = tpu.memref_slice %arg11[%dma_start3A_903, %dma_start3A_904] : memref<10240x16xf32, #tpu.memory_space<vmem_shared>> -> memref<10240x16xf32, #tpu.memory_space<vmem_shared>>
      tpu.enqueue_indirect_dma source(%dma_start3A_899 : memref<128x16xf32, #tpu.memory_space<vmem>>) target(%dma_start3A_905 : memref<10240x16xf32, #tpu.memory_space<vmem_shared>>) offsets(%dma_start3A_902 : memref<128xi32, #tpu.memory_space<vmem>>) semaphore(%arg13 : memref<!tpu.dma_semaphore, #tpu.memory_space<semaphore_mem>>) {add = true}
      %add3A_906 = arith.constant 4 : i32
      %add3A_907 = arith.addi %mul3A_615, %add3A_906 : i32
      %add3A_908 = arith.constant 4 : i32
      %add3A_909 = arith.addi %mul3A_637, %add3A_908 : i32
      %dma_start3A_910 = arith.constant 0 : i32
      %dma_start3A_911 = arith.constant 0 : i32
      %dma_start3A_912 = tpu.memref_slice %arg8[%add3A_907, %dma_start3A_910, %dma_start3A_911] : memref<16x128x16xf32, #tpu.memory_space<vmem>> -> memref<1x128x16xf32, #tpu.memory_space<vmem>>
      %dma_start3A_913 = tpu.memref_squeeze %dma_start3A_912 : memref<1x128x16xf32, #tpu.memory_space<vmem>> -> memref<128x16xf32, #tpu.memory_space<vmem>>
      %dma_start3A_914 = arith.constant 0 : i32
      %dma_start3A_915 = tpu.memref_slice %arg7[%add3A_909, %dma_start3A_914] : memref<80x128xi32, #tpu.memory_space<vmem>> -> memref<1x128xi32, #tpu.memory_space<vmem>>
      %dma_start3A_916 = tpu.memref_squeeze %dma_start3A_915 : memref<1x128xi32, #tpu.memory_space<vmem>> -> memref<128xi32, #tpu.memory_space<vmem>>
      %dma_start3A_917 = arith.constant 0 : i32
      %dma_start3A_918 = arith.constant 0 : i32
      %dma_start3A_919 = tpu.memref_slice %arg11[%dma_start3A_917, %dma_start3A_918] : memref<10240x16xf32, #tpu.memory_space<vmem_shared>> -> memref<10240x16xf32, #tpu.memory_space<vmem_shared>>
      tpu.enqueue_indirect_dma source(%dma_start3A_913 : memref<128x16xf32, #tpu.memory_space<vmem>>) target(%dma_start3A_919 : memref<10240x16xf32, #tpu.memory_space<vmem_shared>>) offsets(%dma_start3A_916 : memref<128xi32, #tpu.memory_space<vmem>>) semaphore(%arg13 : memref<!tpu.dma_semaphore, #tpu.memory_space<semaphore_mem>>) {add = true}
      %add3A_920 = arith.constant 5 : i32
      %add3A_921 = arith.addi %mul3A_615, %add3A_920 : i32
      %add3A_922 = arith.constant 5 : i32
      %add3A_923 = arith.addi %mul3A_637, %add3A_922 : i32
      %dma_start3A_924 = arith.constant 0 : i32
      %dma_start3A_925 = arith.constant 0 : i32
      %dma_start3A_926 = tpu.memref_slice %arg8[%add3A_921, %dma_start3A_924, %dma_start3A_925] : memref<16x128x16xf32, #tpu.memory_space<vmem>> -> memref<1x128x16xf32, #tpu.memory_space<vmem>>
      %dma_start3A_927 = tpu.memref_squeeze %dma_start3A_926 : memref<1x128x16xf32, #tpu.memory_space<vmem>> -> memref<128x16xf32, #tpu.memory_space<vmem>>
      %dma_start3A_928 = arith.constant 0 : i32
      %dma_start3A_929 = tpu.memref_slice %arg7[%add3A_923, %dma_start3A_928] : memref<80x128xi32, #tpu.memory_space<vmem>> -> memref<1x128xi32, #tpu.memory_space<vmem>>
      %dma_start3A_930 = tpu.memref_squeeze %dma_start3A_929 : memref<1x128xi32, #tpu.memory_space<vmem>> -> memref<128xi32, #tpu.memory_space<vmem>>
      %dma_start3A_931 = arith.constant 0 : i32
      %dma_start3A_932 = arith.constant 0 : i32
      %dma_start3A_933 = tpu.memref_slice %arg11[%dma_start3A_931, %dma_start3A_932] : memref<10240x16xf32, #tpu.memory_space<vmem_shared>> -> memref<10240x16xf32, #tpu.memory_space<vmem_shared>>
      tpu.enqueue_indirect_dma source(%dma_start3A_927 : memref<128x16xf32, #tpu.memory_space<vmem>>) target(%dma_start3A_933 : memref<10240x16xf32, #tpu.memory_space<vmem_shared>>) offsets(%dma_start3A_930 : memref<128xi32, #tpu.memory_space<vmem>>) semaphore(%arg13 : memref<!tpu.dma_semaphore, #tpu.memory_space<semaphore_mem>>) {add = true}
      %add3A_934 = arith.constant 6 : i32
      %add3A_935 = arith.addi %mul3A_615, %add3A_934 : i32
      %add3A_936 = arith.constant 6 : i32
      %add3A_937 = arith.addi %mul3A_637, %add3A_936 : i32
      %dma_start3A_938 = arith.constant 0 : i32
      %dma_start3A_939 = arith.constant 0 : i32
      %dma_start3A_940 = tpu.memref_slice %arg8[%add3A_935, %dma_start3A_938, %dma_start3A_939] : memref<16x128x16xf32, #tpu.memory_space<vmem>> -> memref<1x128x16xf32, #tpu.memory_space<vmem>>
      %dma_start3A_941 = tpu.memref_squeeze %dma_start3A_940 : memref<1x128x16xf32, #tpu.memory_space<vmem>> -> memref<128x16xf32, #tpu.memory_space<vmem>>
      %dma_start3A_942 = arith.constant 0 : i32
      %dma_start3A_943 = tpu.memref_slice %arg7[%add3A_937, %dma_start3A_942] : memref<80x128xi32, #tpu.memory_space<vmem>> -> memref<1x128xi32, #tpu.memory_space<vmem>>
      %dma_start3A_944 = tpu.memref_squeeze %dma_start3A_943 : memref<1x128xi32, #tpu.memory_space<vmem>> -> memref<128xi32, #tpu.memory_space<vmem>>
      %dma_start3A_945 = arith.constant 0 : i32
      %dma_start3A_946 = arith.constant 0 : i32
      %dma_start3A_947 = tpu.memref_slice %arg11[%dma_start3A_945, %dma_start3A_946] : memref<10240x16xf32, #tpu.memory_space<vmem_shared>> -> memref<10240x16xf32, #tpu.memory_space<vmem_shared>>
      tpu.enqueue_indirect_dma source(%dma_start3A_941 : memref<128x16xf32, #tpu.memory_space<vmem>>) target(%dma_start3A_947 : memref<10240x16xf32, #tpu.memory_space<vmem_shared>>) offsets(%dma_start3A_944 : memref<128xi32, #tpu.memory_space<vmem>>) semaphore(%arg13 : memref<!tpu.dma_semaphore, #tpu.memory_space<semaphore_mem>>) {add = true}
      %add3A_948 = arith.constant 7 : i32
      %add3A_949 = arith.addi %mul3A_615, %add3A_948 : i32
      %add3A_950 = arith.constant 7 : i32
      %add3A_951 = arith.addi %mul3A_637, %add3A_950 : i32
      %dma_start3A_952 = arith.constant 0 : i32
      %dma_start3A_953 = arith.constant 0 : i32
      %dma_start3A_954 = tpu.memref_slice %arg8[%add3A_949, %dma_start3A_952, %dma_start3A_953] : memref<16x128x16xf32, #tpu.memory_space<vmem>> -> memref<1x128x16xf32, #tpu.memory_space<vmem>>
      %dma_start3A_955 = tpu.memref_squeeze %dma_start3A_954 : memref<1x128x16xf32, #tpu.memory_space<vmem>> -> memref<128x16xf32, #tpu.memory_space<vmem>>
      %dma_start3A_956 = arith.constant 0 : i32
      %dma_start3A_957 = tpu.memref_slice %arg7[%add3A_951, %dma_start3A_956] : memref<80x128xi32, #tpu.memory_space<vmem>> -> memref<1x128xi32, #tpu.memory_space<vmem>>
      %dma_start3A_958 = tpu.memref_squeeze %dma_start3A_957 : memref<1x128xi32, #tpu.memory_space<vmem>> -> memref<128xi32, #tpu.memory_space<vmem>>
      %dma_start3A_959 = arith.constant 0 : i32
      %dma_start3A_960 = arith.constant 0 : i32
      %dma_start3A_961 = tpu.memref_slice %arg11[%dma_start3A_959, %dma_start3A_960] : memref<10240x16xf32, #tpu.memory_space<vmem_shared>> -> memref<10240x16xf32, #tpu.memory_space<vmem_shared>>
      tpu.enqueue_indirect_dma source(%dma_start3A_955 : memref<128x16xf32, #tpu.memory_space<vmem>>) target(%dma_start3A_961 : memref<10240x16xf32, #tpu.memory_space<vmem_shared>>) offsets(%dma_start3A_958 : memref<128xi32, #tpu.memory_space<vmem>>) semaphore(%arg13 : memref<!tpu.dma_semaphore, #tpu.memory_space<semaphore_mem>>) {add = true}
      %add3A_962 = arith.constant 0 : i32
      %add3A_963 = arith.addi %mul3A_657, %add3A_962 : i32
      %add3A_964 = arith.constant 0 : i32
      %add3A_965 = arith.addi %mul3A_635, %add3A_964 : i32
      %dma_start3A_966 = arith.constant 0 : i32
      %dma_start3A_967 = arith.constant 0 : i32
      %dma_start3A_968 = tpu.memref_slice %arg8[%add3A_965, %dma_start3A_966, %dma_start3A_967] : memref<16x128x16xf32, #tpu.memory_space<vmem>> -> memref<1x128x16xf32, #tpu.memory_space<vmem>>
      %dma_start3A_969 = tpu.memref_squeeze %dma_start3A_968 : memref<1x128x16xf32, #tpu.memory_space<vmem>> -> memref<128x16xf32, #tpu.memory_space<vmem>>
      %dma_start3A_970 = arith.constant 0 : i32
      %dma_start3A_971 = tpu.memref_slice %arg6[%add3A_963, %dma_start3A_970] : memref<80x128xi32, #tpu.memory_space<vmem>> -> memref<1x128xi32, #tpu.memory_space<vmem>>
      %dma_start3A_972 = tpu.memref_squeeze %dma_start3A_971 : memref<1x128xi32, #tpu.memory_space<vmem>> -> memref<128xi32, #tpu.memory_space<vmem>>
      %dma_start3A_973 = arith.constant 0 : i32
      %dma_start3A_974 = arith.constant 0 : i32
      %dma_start3A_975 = tpu.memref_slice %arg10[%dma_start3A_973, %dma_start3A_974] : memref<10240x16xf32, #tpu.memory_space<vmem_shared>> -> memref<10240x16xf32, #tpu.memory_space<vmem_shared>>
      tpu.enqueue_indirect_dma source(%dma_start3A_975 : memref<10240x16xf32, #tpu.memory_space<vmem_shared>>) target(%dma_start3A_969 : memref<128x16xf32, #tpu.memory_space<vmem>>) offsets(%dma_start3A_972 : memref<128xi32, #tpu.memory_space<vmem>>) semaphore(%arg12 : memref<!tpu.dma_semaphore, #tpu.memory_space<semaphore_mem>>)
      %add3A_976 = arith.constant 1 : i32
      %add3A_977 = arith.addi %mul3A_657, %add3A_976 : i32
      %add3A_978 = arith.constant 1 : i32
      %add3A_979 = arith.addi %mul3A_635, %add3A_978 : i32
      %dma_start3A_980 = arith.constant 0 : i32
      %dma_start3A_981 = arith.constant 0 : i32
      %dma_start3A_982 = tpu.memref_slice %arg8[%add3A_979, %dma_start3A_980, %dma_start3A_981] : memref<16x128x16xf32, #tpu.memory_space<vmem>> -> memref<1x128x16xf32, #tpu.memory_space<vmem>>
      %dma_start3A_983 = tpu.memref_squeeze %dma_start3A_982 : memref<1x128x16xf32, #tpu.memory_space<vmem>> -> memref<128x16xf32, #tpu.memory_space<vmem>>
      %dma_start3A_984 = arith.constant 0 : i32
      %dma_start3A_985 = tpu.memref_slice %arg6[%add3A_977, %dma_start3A_984] : memref<80x128xi32, #tpu.memory_space<vmem>> -> memref<1x128xi32, #tpu.memory_space<vmem>>
      %dma_start3A_986 = tpu.memref_squeeze %dma_start3A_985 : memref<1x128xi32, #tpu.memory_space<vmem>> -> memref<128xi32, #tpu.memory_space<vmem>>
      %dma_start3A_987 = arith.constant 0 : i32
      %dma_start3A_988 = arith.constant 0 : i32
      %dma_start3A_989 = tpu.memref_slice %arg10[%dma_start3A_987, %dma_start3A_988] : memref<10240x16xf32, #tpu.memory_space<vmem_shared>> -> memref<10240x16xf32, #tpu.memory_space<vmem_shared>>
      tpu.enqueue_indirect_dma source(%dma_start3A_989 : memref<10240x16xf32, #tpu.memory_space<vmem_shared>>) target(%dma_start3A_983 : memref<128x16xf32, #tpu.memory_space<vmem>>) offsets(%dma_start3A_986 : memref<128xi32, #tpu.memory_space<vmem>>) semaphore(%arg12 : memref<!tpu.dma_semaphore, #tpu.memory_space<semaphore_mem>>)
      %add3A_990 = arith.constant 2 : i32
      %add3A_991 = arith.addi %mul3A_657, %add3A_990 : i32
      %add3A_992 = arith.constant 2 : i32
      %add3A_993 = arith.addi %mul3A_635, %add3A_992 : i32
      %dma_start3A_994 = arith.constant 0 : i32
      %dma_start3A_995 = arith.constant 0 : i32
      %dma_start3A_996 = tpu.memref_slice %arg8[%add3A_993, %dma_start3A_994, %dma_start3A_995] : memref<16x128x16xf32, #tpu.memory_space<vmem>> -> memref<1x128x16xf32, #tpu.memory_space<vmem>>
      %dma_start3A_997 = tpu.memref_squeeze %dma_start3A_996 : memref<1x128x16xf32, #tpu.memory_space<vmem>> -> memref<128x16xf32, #tpu.memory_space<vmem>>
      %dma_start3A_998 = arith.constant 0 : i32
      %dma_start3A_999 = tpu.memref_slice %arg6[%add3A_991, %dma_start3A_998] : memref<80x128xi32, #tpu.memory_space<vmem>> -> memref<1x128xi32, #tpu.memory_space<vmem>>
      %dma_start3A_1000 = tpu.memref_squeeze %dma_start3A_999 : memref<1x128xi32, #tpu.memory_space<vmem>> -> memref<128xi32, #tpu.memory_space<vmem>>
      %dma_start3A_1001 = arith.constant 0 : i32
      %dma_start3A_1002 = arith.constant 0 : i32
      %dma_start3A_1003 = tpu.memref_slice %arg10[%dma_start3A_1001, %dma_start3A_1002] : memref<10240x16xf32, #tpu.memory_space<vmem_shared>> -> memref<10240x16xf32, #tpu.memory_space<vmem_shared>>
      tpu.enqueue_indirect_dma source(%dma_start3A_1003 : memref<10240x16xf32, #tpu.memory_space<vmem_shared>>) target(%dma_start3A_997 : memref<128x16xf32, #tpu.memory_space<vmem>>) offsets(%dma_start3A_1000 : memref<128xi32, #tpu.memory_space<vmem>>) semaphore(%arg12 : memref<!tpu.dma_semaphore, #tpu.memory_space<semaphore_mem>>)
      %add3A_1004 = arith.constant 3 : i32
      %add3A_1005 = arith.addi %mul3A_657, %add3A_1004 : i32
      %add3A_1006 = arith.constant 3 : i32
      %add3A_1007 = arith.addi %mul3A_635, %add3A_1006 : i32
      %dma_start3A_1008 = arith.constant 0 : i32
      %dma_start3A_1009 = arith.constant 0 : i32
      %dma_start3A_1010 = tpu.memref_slice %arg8[%add3A_1007, %dma_start3A_1008, %dma_start3A_1009] : memref<16x128x16xf32, #tpu.memory_space<vmem>> -> memref<1x128x16xf32, #tpu.memory_space<vmem>>
      %dma_start3A_1011 = tpu.memref_squeeze %dma_start3A_1010 : memref<1x128x16xf32, #tpu.memory_space<vmem>> -> memref<128x16xf32, #tpu.memory_space<vmem>>
      %dma_start3A_1012 = arith.constant 0 : i32
      %dma_start3A_1013 = tpu.memref_slice %arg6[%add3A_1005, %dma_start3A_1012] : memref<80x128xi32, #tpu.memory_space<vmem>> -> memref<1x128xi32, #tpu.memory_space<vmem>>
      %dma_start3A_1014 = tpu.memref_squeeze %dma_start3A_1013 : memref<1x128xi32, #tpu.memory_space<vmem>> -> memref<128xi32, #tpu.memory_space<vmem>>
      %dma_start3A_1015 = arith.constant 0 : i32
      %dma_start3A_1016 = arith.constant 0 : i32
      %dma_start3A_1017 = tpu.memref_slice %arg10[%dma_start3A_1015, %dma_start3A_1016] : memref<10240x16xf32, #tpu.memory_space<vmem_shared>> -> memref<10240x16xf32, #tpu.memory_space<vmem_shared>>
      tpu.enqueue_indirect_dma source(%dma_start3A_1017 : memref<10240x16xf32, #tpu.memory_space<vmem_shared>>) target(%dma_start3A_1011 : memref<128x16xf32, #tpu.memory_space<vmem>>) offsets(%dma_start3A_1014 : memref<128xi32, #tpu.memory_space<vmem>>) semaphore(%arg12 : memref<!tpu.dma_semaphore, #tpu.memory_space<semaphore_mem>>)
      %add3A_1018 = arith.constant 4 : i32
      %add3A_1019 = arith.addi %mul3A_657, %add3A_1018 : i32
      %add3A_1020 = arith.constant 4 : i32
      %add3A_1021 = arith.addi %mul3A_635, %add3A_1020 : i32
      %dma_start3A_1022 = arith.constant 0 : i32
      %dma_start3A_1023 = arith.constant 0 : i32
      %dma_start3A_1024 = tpu.memref_slice %arg8[%add3A_1021, %dma_start3A_1022, %dma_start3A_1023] : memref<16x128x16xf32, #tpu.memory_space<vmem>> -> memref<1x128x16xf32, #tpu.memory_space<vmem>>
      %dma_start3A_1025 = tpu.memref_squeeze %dma_start3A_1024 : memref<1x128x16xf32, #tpu.memory_space<vmem>> -> memref<128x16xf32, #tpu.memory_space<vmem>>
      %dma_start3A_1026 = arith.constant 0 : i32
      %dma_start3A_1027 = tpu.memref_slice %arg6[%add3A_1019, %dma_start3A_1026] : memref<80x128xi32, #tpu.memory_space<vmem>> -> memref<1x128xi32, #tpu.memory_space<vmem>>
      %dma_start3A_1028 = tpu.memref_squeeze %dma_start3A_1027 : memref<1x128xi32, #tpu.memory_space<vmem>> -> memref<128xi32, #tpu.memory_space<vmem>>
      %dma_start3A_1029 = arith.constant 0 : i32
      %dma_start3A_1030 = arith.constant 0 : i32
      %dma_start3A_1031 = tpu.memref_slice %arg10[%dma_start3A_1029, %dma_start3A_1030] : memref<10240x16xf32, #tpu.memory_space<vmem_shared>> -> memref<10240x16xf32, #tpu.memory_space<vmem_shared>>
      tpu.enqueue_indirect_dma source(%dma_start3A_1031 : memref<10240x16xf32, #tpu.memory_space<vmem_shared>>) target(%dma_start3A_1025 : memref<128x16xf32, #tpu.memory_space<vmem>>) offsets(%dma_start3A_1028 : memref<128xi32, #tpu.memory_space<vmem>>) semaphore(%arg12 : memref<!tpu.dma_semaphore, #tpu.memory_space<semaphore_mem>>)
      %add3A_1032 = arith.constant 5 : i32
      %add3A_1033 = arith.addi %mul3A_657, %add3A_1032 : i32
      %add3A_1034 = arith.constant 5 : i32
      %add3A_1035 = arith.addi %mul3A_635, %add3A_1034 : i32
      %dma_start3A_1036 = arith.constant 0 : i32
      %dma_start3A_1037 = arith.constant 0 : i32
      %dma_start3A_1038 = tpu.memref_slice %arg8[%add3A_1035, %dma_start3A_1036, %dma_start3A_1037] : memref<16x128x16xf32, #tpu.memory_space<vmem>> -> memref<1x128x16xf32, #tpu.memory_space<vmem>>
      %dma_start3A_1039 = tpu.memref_squeeze %dma_start3A_1038 : memref<1x128x16xf32, #tpu.memory_space<vmem>> -> memref<128x16xf32, #tpu.memory_space<vmem>>
      %dma_start3A_1040 = arith.constant 0 : i32
      %dma_start3A_1041 = tpu.memref_slice %arg6[%add3A_1033, %dma_start3A_1040] : memref<80x128xi32, #tpu.memory_space<vmem>> -> memref<1x128xi32, #tpu.memory_space<vmem>>
      %dma_start3A_1042 = tpu.memref_squeeze %dma_start3A_1041 : memref<1x128xi32, #tpu.memory_space<vmem>> -> memref<128xi32, #tpu.memory_space<vmem>>
      %dma_start3A_1043 = arith.constant 0 : i32
      %dma_start3A_1044 = arith.constant 0 : i32
      %dma_start3A_1045 = tpu.memref_slice %arg10[%dma_start3A_1043, %dma_start3A_1044] : memref<10240x16xf32, #tpu.memory_space<vmem_shared>> -> memref<10240x16xf32, #tpu.memory_space<vmem_shared>>
      tpu.enqueue_indirect_dma source(%dma_start3A_1045 : memref<10240x16xf32, #tpu.memory_space<vmem_shared>>) target(%dma_start3A_1039 : memref<128x16xf32, #tpu.memory_space<vmem>>) offsets(%dma_start3A_1042 : memref<128xi32, #tpu.memory_space<vmem>>) semaphore(%arg12 : memref<!tpu.dma_semaphore, #tpu.memory_space<semaphore_mem>>)
      %add3A_1046 = arith.constant 6 : i32
      %add3A_1047 = arith.addi %mul3A_657, %add3A_1046 : i32
      %add3A_1048 = arith.constant 6 : i32
      %add3A_1049 = arith.addi %mul3A_635, %add3A_1048 : i32
      %dma_start3A_1050 = arith.constant 0 : i32
      %dma_start3A_1051 = arith.constant 0 : i32
      %dma_start3A_1052 = tpu.memref_slice %arg8[%add3A_1049, %dma_start3A_1050, %dma_start3A_1051] : memref<16x128x16xf32, #tpu.memory_space<vmem>> -> memref<1x128x16xf32, #tpu.memory_space<vmem>>
      %dma_start3A_1053 = tpu.memref_squeeze %dma_start3A_1052 : memref<1x128x16xf32, #tpu.memory_space<vmem>> -> memref<128x16xf32, #tpu.memory_space<vmem>>
      %dma_start3A_1054 = arith.constant 0 : i32
      %dma_start3A_1055 = tpu.memref_slice %arg6[%add3A_1047, %dma_start3A_1054] : memref<80x128xi32, #tpu.memory_space<vmem>> -> memref<1x128xi32, #tpu.memory_space<vmem>>
      %dma_start3A_1056 = tpu.memref_squeeze %dma_start3A_1055 : memref<1x128xi32, #tpu.memory_space<vmem>> -> memref<128xi32, #tpu.memory_space<vmem>>
      %dma_start3A_1057 = arith.constant 0 : i32
      %dma_start3A_1058 = arith.constant 0 : i32
      %dma_start3A_1059 = tpu.memref_slice %arg10[%dma_start3A_1057, %dma_start3A_1058] : memref<10240x16xf32, #tpu.memory_space<vmem_shared>> -> memref<10240x16xf32, #tpu.memory_space<vmem_shared>>
      tpu.enqueue_indirect_dma source(%dma_start3A_1059 : memref<10240x16xf32, #tpu.memory_space<vmem_shared>>) target(%dma_start3A_1053 : memref<128x16xf32, #tpu.memory_space<vmem>>) offsets(%dma_start3A_1056 : memref<128xi32, #tpu.memory_space<vmem>>) semaphore(%arg12 : memref<!tpu.dma_semaphore, #tpu.memory_space<semaphore_mem>>)
      %add3A_1060 = arith.constant 7 : i32
      %add3A_1061 = arith.addi %mul3A_657, %add3A_1060 : i32
      %add3A_1062 = arith.constant 7 : i32
      %add3A_1063 = arith.addi %mul3A_635, %add3A_1062 : i32
      %dma_start3A_1064 = arith.constant 0 : i32
      %dma_start3A_1065 = arith.constant 0 : i32
      %dma_start3A_1066 = tpu.memref_slice %arg8[%add3A_1063, %dma_start3A_1064, %dma_start3A_1065] : memref<16x128x16xf32, #tpu.memory_space<vmem>> -> memref<1x128x16xf32, #tpu.memory_space<vmem>>
      %dma_start3A_1067 = tpu.memref_squeeze %dma_start3A_1066 : memref<1x128x16xf32, #tpu.memory_space<vmem>> -> memref<128x16xf32, #tpu.memory_space<vmem>>
      %dma_start3A_1068 = arith.constant 0 : i32
      %dma_start3A_1069 = tpu.memref_slice %arg6[%add3A_1061, %dma_start3A_1068] : memref<80x128xi32, #tpu.memory_space<vmem>> -> memref<1x128xi32, #tpu.memory_space<vmem>>
      %dma_start3A_1070 = tpu.memref_squeeze %dma_start3A_1069 : memref<1x128xi32, #tpu.memory_space<vmem>> -> memref<128xi32, #tpu.memory_space<vmem>>
      %dma_start3A_1071 = arith.constant 0 : i32
      %dma_start3A_1072 = arith.constant 0 : i32
      %dma_start3A_1073 = tpu.memref_slice %arg10[%dma_start3A_1071, %dma_start3A_1072] : memref<10240x16xf32, #tpu.memory_space<vmem_shared>> -> memref<10240x16xf32, #tpu.memory_space<vmem_shared>>
      tpu.enqueue_indirect_dma source(%dma_start3A_1073 : memref<10240x16xf32, #tpu.memory_space<vmem_shared>>) target(%dma_start3A_1067 : memref<128x16xf32, #tpu.memory_space<vmem>>) offsets(%dma_start3A_1070 : memref<128xi32, #tpu.memory_space<vmem>>) semaphore(%arg12 : memref<!tpu.dma_semaphore, #tpu.memory_space<semaphore_mem>>)
    }
    %scan3A_399 = arith.constant 9 : i32
    %dma_wait3A_400 = arith.constant 0 : i32
    %dma_wait3A_401 = arith.constant 0 : i32
    %dma_wait3A_402 = arith.constant 0 : i32
    %dma_wait3A_403 = arith.constant 0 : i32
    %dma_wait3A_404 = tpu.memref_slice %arg8[%dma_wait3A_401, %dma_wait3A_402, %dma_wait3A_403] : memref<16x128x16xf32, #tpu.memory_space<vmem>> -> memref<1x128x16xf32, #tpu.memory_space<vmem>>
    %dma_wait3A_405 = tpu.memref_squeeze %dma_wait3A_404 : memref<1x128x16xf32, #tpu.memory_space<vmem>> -> memref<128x16xf32, #tpu.memory_space<vmem>>
    %dma_wait3A_406 = arith.constant 0 : i32
    %dma_wait3A_407 = tpu.memref_slice %arg6[%dma_wait3A_400, %dma_wait3A_406] : memref<80x128xi32, #tpu.memory_space<vmem>> -> memref<1x128xi32, #tpu.memory_space<vmem>>
    %dma_wait3A_408 = tpu.memref_squeeze %dma_wait3A_407 : memref<1x128xi32, #tpu.memory_space<vmem>> -> memref<128xi32, #tpu.memory_space<vmem>>
    %dma_wait3A_409 = arith.constant 0 : i32
    %dma_wait3A_410 = arith.constant 0 : i32
    %dma_wait3A_411 = tpu.memref_slice %arg10[%dma_wait3A_409, %dma_wait3A_410] : memref<10240x16xf32, #tpu.memory_space<vmem_shared>> -> memref<10240x16xf32, #tpu.memory_space<vmem_shared>>
    tpu.wait_indirect_dma semaphore(%arg12 : memref<!tpu.dma_semaphore, #tpu.memory_space<semaphore_mem>>) src(%dma_wait3A_411 : memref<10240x16xf32, #tpu.memory_space<vmem_shared>>) dst(%dma_wait3A_405 : memref<128x16xf32, #tpu.memory_space<vmem>>)
    %dma_wait3A_412 = arith.constant 0 : i32
    %dma_wait3A_413 = arith.constant 0 : i32
    %dma_wait3A_414 = arith.constant 0 : i32
    %dma_wait3A_415 = arith.constant 0 : i32
    %dma_wait3A_416 = tpu.memref_slice %arg8[%dma_wait3A_413, %dma_wait3A_414, %dma_wait3A_415] : memref<16x128x16xf32, #tpu.memory_space<vmem>> -> memref<1x128x16xf32, #tpu.memory_space<vmem>>
    %dma_wait3A_417 = tpu.memref_squeeze %dma_wait3A_416 : memref<1x128x16xf32, #tpu.memory_space<vmem>> -> memref<128x16xf32, #tpu.memory_space<vmem>>
    %dma_wait3A_418 = arith.constant 0 : i32
    %dma_wait3A_419 = tpu.memref_slice %arg6[%dma_wait3A_412, %dma_wait3A_418] : memref<80x128xi32, #tpu.memory_space<vmem>> -> memref<1x128xi32, #tpu.memory_space<vmem>>
    %dma_wait3A_420 = tpu.memref_squeeze %dma_wait3A_419 : memref<1x128xi32, #tpu.memory_space<vmem>> -> memref<128xi32, #tpu.memory_space<vmem>>
    %dma_wait3A_421 = arith.constant 0 : i32
    %dma_wait3A_422 = arith.constant 0 : i32
    %dma_wait3A_423 = tpu.memref_slice %arg10[%dma_wait3A_421, %dma_wait3A_422] : memref<10240x16xf32, #tpu.memory_space<vmem_shared>> -> memref<10240x16xf32, #tpu.memory_space<vmem_shared>>
    tpu.wait_indirect_dma semaphore(%arg12 : memref<!tpu.dma_semaphore, #tpu.memory_space<semaphore_mem>>) src(%dma_wait3A_423 : memref<10240x16xf32, #tpu.memory_space<vmem_shared>>) dst(%dma_wait3A_417 : memref<128x16xf32, #tpu.memory_space<vmem>>)
    %dma_wait3A_424 = arith.constant 0 : i32
    %dma_wait3A_425 = arith.constant 0 : i32
    %dma_wait3A_426 = arith.constant 0 : i32
    %dma_wait3A_427 = arith.constant 0 : i32
    %dma_wait3A_428 = tpu.memref_slice %arg8[%dma_wait3A_425, %dma_wait3A_426, %dma_wait3A_427] : memref<16x128x16xf32, #tpu.memory_space<vmem>> -> memref<1x128x16xf32, #tpu.memory_space<vmem>>
    %dma_wait3A_429 = tpu.memref_squeeze %dma_wait3A_428 : memref<1x128x16xf32, #tpu.memory_space<vmem>> -> memref<128x16xf32, #tpu.memory_space<vmem>>
    %dma_wait3A_430 = arith.constant 0 : i32
    %dma_wait3A_431 = tpu.memref_slice %arg6[%dma_wait3A_424, %dma_wait3A_430] : memref<80x128xi32, #tpu.memory_space<vmem>> -> memref<1x128xi32, #tpu.memory_space<vmem>>
    %dma_wait3A_432 = tpu.memref_squeeze %dma_wait3A_431 : memref<1x128xi32, #tpu.memory_space<vmem>> -> memref<128xi32, #tpu.memory_space<vmem>>
    %dma_wait3A_433 = arith.constant 0 : i32
    %dma_wait3A_434 = arith.constant 0 : i32
    %dma_wait3A_435 = tpu.memref_slice %arg10[%dma_wait3A_433, %dma_wait3A_434] : memref<10240x16xf32, #tpu.memory_space<vmem_shared>> -> memref<10240x16xf32, #tpu.memory_space<vmem_shared>>
    tpu.wait_indirect_dma semaphore(%arg12 : memref<!tpu.dma_semaphore, #tpu.memory_space<semaphore_mem>>) src(%dma_wait3A_435 : memref<10240x16xf32, #tpu.memory_space<vmem_shared>>) dst(%dma_wait3A_429 : memref<128x16xf32, #tpu.memory_space<vmem>>)
    %dma_wait3A_436 = arith.constant 0 : i32
    %dma_wait3A_437 = arith.constant 0 : i32
    %dma_wait3A_438 = arith.constant 0 : i32
    %dma_wait3A_439 = arith.constant 0 : i32
    %dma_wait3A_440 = tpu.memref_slice %arg8[%dma_wait3A_437, %dma_wait3A_438, %dma_wait3A_439] : memref<16x128x16xf32, #tpu.memory_space<vmem>> -> memref<1x128x16xf32, #tpu.memory_space<vmem>>
    %dma_wait3A_441 = tpu.memref_squeeze %dma_wait3A_440 : memref<1x128x16xf32, #tpu.memory_space<vmem>> -> memref<128x16xf32, #tpu.memory_space<vmem>>
    %dma_wait3A_442 = arith.constant 0 : i32
    %dma_wait3A_443 = tpu.memref_slice %arg6[%dma_wait3A_436, %dma_wait3A_442] : memref<80x128xi32, #tpu.memory_space<vmem>> -> memref<1x128xi32, #tpu.memory_space<vmem>>
    %dma_wait3A_444 = tpu.memref_squeeze %dma_wait3A_443 : memref<1x128xi32, #tpu.memory_space<vmem>> -> memref<128xi32, #tpu.memory_space<vmem>>
    %dma_wait3A_445 = arith.constant 0 : i32
    %dma_wait3A_446 = arith.constant 0 : i32
    %dma_wait3A_447 = tpu.memref_slice %arg10[%dma_wait3A_445, %dma_wait3A_446] : memref<10240x16xf32, #tpu.memory_space<vmem_shared>> -> memref<10240x16xf32, #tpu.memory_space<vmem_shared>>
    tpu.wait_indirect_dma semaphore(%arg12 : memref<!tpu.dma_semaphore, #tpu.memory_space<semaphore_mem>>) src(%dma_wait3A_447 : memref<10240x16xf32, #tpu.memory_space<vmem_shared>>) dst(%dma_wait3A_441 : memref<128x16xf32, #tpu.memory_space<vmem>>)
    %dma_wait3A_448 = arith.constant 0 : i32
    %dma_wait3A_449 = arith.constant 0 : i32
    %dma_wait3A_450 = arith.constant 0 : i32
    %dma_wait3A_451 = arith.constant 0 : i32
    %dma_wait3A_452 = tpu.memref_slice %arg8[%dma_wait3A_449, %dma_wait3A_450, %dma_wait3A_451] : memref<16x128x16xf32, #tpu.memory_space<vmem>> -> memref<1x128x16xf32, #tpu.memory_space<vmem>>
    %dma_wait3A_453 = tpu.memref_squeeze %dma_wait3A_452 : memref<1x128x16xf32, #tpu.memory_space<vmem>> -> memref<128x16xf32, #tpu.memory_space<vmem>>
    %dma_wait3A_454 = arith.constant 0 : i32
    %dma_wait3A_455 = tpu.memref_slice %arg6[%dma_wait3A_448, %dma_wait3A_454] : memref<80x128xi32, #tpu.memory_space<vmem>> -> memref<1x128xi32, #tpu.memory_space<vmem>>
    %dma_wait3A_456 = tpu.memref_squeeze %dma_wait3A_455 : memref<1x128xi32, #tpu.memory_space<vmem>> -> memref<128xi32, #tpu.memory_space<vmem>>
    %dma_wait3A_457 = arith.constant 0 : i32
    %dma_wait3A_458 = arith.constant 0 : i32
    %dma_wait3A_459 = tpu.memref_slice %arg10[%dma_wait3A_457, %dma_wait3A_458] : memref<10240x16xf32, #tpu.memory_space<vmem_shared>> -> memref<10240x16xf32, #tpu.memory_space<vmem_shared>>
    tpu.wait_indirect_dma semaphore(%arg12 : memref<!tpu.dma_semaphore, #tpu.memory_space<semaphore_mem>>) src(%dma_wait3A_459 : memref<10240x16xf32, #tpu.memory_space<vmem_shared>>) dst(%dma_wait3A_453 : memref<128x16xf32, #tpu.memory_space<vmem>>)
    %dma_wait3A_460 = arith.constant 0 : i32
    %dma_wait3A_461 = arith.constant 0 : i32
    %dma_wait3A_462 = arith.constant 0 : i32
    %dma_wait3A_463 = arith.constant 0 : i32
    %dma_wait3A_464 = tpu.memref_slice %arg8[%dma_wait3A_461, %dma_wait3A_462, %dma_wait3A_463] : memref<16x128x16xf32, #tpu.memory_space<vmem>> -> memref<1x128x16xf32, #tpu.memory_space<vmem>>
    %dma_wait3A_465 = tpu.memref_squeeze %dma_wait3A_464 : memref<1x128x16xf32, #tpu.memory_space<vmem>> -> memref<128x16xf32, #tpu.memory_space<vmem>>
    %dma_wait3A_466 = arith.constant 0 : i32
    %dma_wait3A_467 = tpu.memref_slice %arg6[%dma_wait3A_460, %dma_wait3A_466] : memref<80x128xi32, #tpu.memory_space<vmem>> -> memref<1x128xi32, #tpu.memory_space<vmem>>
    %dma_wait3A_468 = tpu.memref_squeeze %dma_wait3A_467 : memref<1x128xi32, #tpu.memory_space<vmem>> -> memref<128xi32, #tpu.memory_space<vmem>>
    %dma_wait3A_469 = arith.constant 0 : i32
    %dma_wait3A_470 = arith.constant 0 : i32
    %dma_wait3A_471 = tpu.memref_slice %arg10[%dma_wait3A_469, %dma_wait3A_470] : memref<10240x16xf32, #tpu.memory_space<vmem_shared>> -> memref<10240x16xf32, #tpu.memory_space<vmem_shared>>
    tpu.wait_indirect_dma semaphore(%arg12 : memref<!tpu.dma_semaphore, #tpu.memory_space<semaphore_mem>>) src(%dma_wait3A_471 : memref<10240x16xf32, #tpu.memory_space<vmem_shared>>) dst(%dma_wait3A_465 : memref<128x16xf32, #tpu.memory_space<vmem>>)
    %dma_wait3A_472 = arith.constant 0 : i32
    %dma_wait3A_473 = arith.constant 0 : i32
    %dma_wait3A_474 = arith.constant 0 : i32
    %dma_wait3A_475 = arith.constant 0 : i32
    %dma_wait3A_476 = tpu.memref_slice %arg8[%dma_wait3A_473, %dma_wait3A_474, %dma_wait3A_475] : memref<16x128x16xf32, #tpu.memory_space<vmem>> -> memref<1x128x16xf32, #tpu.memory_space<vmem>>
    %dma_wait3A_477 = tpu.memref_squeeze %dma_wait3A_476 : memref<1x128x16xf32, #tpu.memory_space<vmem>> -> memref<128x16xf32, #tpu.memory_space<vmem>>
    %dma_wait3A_478 = arith.constant 0 : i32
    %dma_wait3A_479 = tpu.memref_slice %arg6[%dma_wait3A_472, %dma_wait3A_478] : memref<80x128xi32, #tpu.memory_space<vmem>> -> memref<1x128xi32, #tpu.memory_space<vmem>>
    %dma_wait3A_480 = tpu.memref_squeeze %dma_wait3A_479 : memref<1x128xi32, #tpu.memory_space<vmem>> -> memref<128xi32, #tpu.memory_space<vmem>>
    %dma_wait3A_481 = arith.constant 0 : i32
    %dma_wait3A_482 = arith.constant 0 : i32
    %dma_wait3A_483 = tpu.memref_slice %arg10[%dma_wait3A_481, %dma_wait3A_482] : memref<10240x16xf32, #tpu.memory_space<vmem_shared>> -> memref<10240x16xf32, #tpu.memory_space<vmem_shared>>
    tpu.wait_indirect_dma semaphore(%arg12 : memref<!tpu.dma_semaphore, #tpu.memory_space<semaphore_mem>>) src(%dma_wait3A_483 : memref<10240x16xf32, #tpu.memory_space<vmem_shared>>) dst(%dma_wait3A_477 : memref<128x16xf32, #tpu.memory_space<vmem>>)
    %dma_wait3A_484 = arith.constant 0 : i32
    %dma_wait3A_485 = arith.constant 0 : i32
    %dma_wait3A_486 = arith.constant 0 : i32
    %dma_wait3A_487 = arith.constant 0 : i32
    %dma_wait3A_488 = tpu.memref_slice %arg8[%dma_wait3A_485, %dma_wait3A_486, %dma_wait3A_487] : memref<16x128x16xf32, #tpu.memory_space<vmem>> -> memref<1x128x16xf32, #tpu.memory_space<vmem>>
    %dma_wait3A_489 = tpu.memref_squeeze %dma_wait3A_488 : memref<1x128x16xf32, #tpu.memory_space<vmem>> -> memref<128x16xf32, #tpu.memory_space<vmem>>
    %dma_wait3A_490 = arith.constant 0 : i32
    %dma_wait3A_491 = tpu.memref_slice %arg6[%dma_wait3A_484, %dma_wait3A_490] : memref<80x128xi32, #tpu.memory_space<vmem>> -> memref<1x128xi32, #tpu.memory_space<vmem>>
    %dma_wait3A_492 = tpu.memref_squeeze %dma_wait3A_491 : memref<1x128xi32, #tpu.memory_space<vmem>> -> memref<128xi32, #tpu.memory_space<vmem>>
    %dma_wait3A_493 = arith.constant 0 : i32
    %dma_wait3A_494 = arith.constant 0 : i32
    %dma_wait3A_495 = tpu.memref_slice %arg10[%dma_wait3A_493, %dma_wait3A_494] : memref<10240x16xf32, #tpu.memory_space<vmem_shared>> -> memref<10240x16xf32, #tpu.memory_space<vmem_shared>>
    tpu.wait_indirect_dma semaphore(%arg12 : memref<!tpu.dma_semaphore, #tpu.memory_space<semaphore_mem>>) src(%dma_wait3A_495 : memref<10240x16xf32, #tpu.memory_space<vmem_shared>>) dst(%dma_wait3A_489 : memref<128x16xf32, #tpu.memory_space<vmem>>)
    %dma_wait3A_496 = arith.constant 0 : i32
    %dma_wait3A_497 = arith.constant 0 : i32
    %dma_wait3A_498 = arith.constant 0 : i32
    %dma_wait3A_499 = arith.constant 0 : i32
    %dma_wait3A_500 = tpu.memref_slice %arg8[%dma_wait3A_496, %dma_wait3A_498, %dma_wait3A_499] : memref<16x128x16xf32, #tpu.memory_space<vmem>> -> memref<1x128x16xf32, #tpu.memory_space<vmem>>
    %dma_wait3A_501 = tpu.memref_squeeze %dma_wait3A_500 : memref<1x128x16xf32, #tpu.memory_space<vmem>> -> memref<128x16xf32, #tpu.memory_space<vmem>>
    %dma_wait3A_502 = arith.constant 0 : i32
    %dma_wait3A_503 = tpu.memref_slice %arg7[%dma_wait3A_497, %dma_wait3A_502] : memref<80x128xi32, #tpu.memory_space<vmem>> -> memref<1x128xi32, #tpu.memory_space<vmem>>
    %dma_wait3A_504 = tpu.memref_squeeze %dma_wait3A_503 : memref<1x128xi32, #tpu.memory_space<vmem>> -> memref<128xi32, #tpu.memory_space<vmem>>
    %dma_wait3A_505 = arith.constant 0 : i32
    %dma_wait3A_506 = arith.constant 0 : i32
    %dma_wait3A_507 = tpu.memref_slice %arg11[%dma_wait3A_505, %dma_wait3A_506] : memref<10240x16xf32, #tpu.memory_space<vmem_shared>> -> memref<10240x16xf32, #tpu.memory_space<vmem_shared>>
    tpu.wait_indirect_dma semaphore(%arg13 : memref<!tpu.dma_semaphore, #tpu.memory_space<semaphore_mem>>) src(%dma_wait3A_501 : memref<128x16xf32, #tpu.memory_space<vmem>>) dst(%dma_wait3A_507 : memref<10240x16xf32, #tpu.memory_space<vmem_shared>>)
    %dma_wait3A_508 = arith.constant 0 : i32
    %dma_wait3A_509 = arith.constant 0 : i32
    %dma_wait3A_510 = arith.constant 0 : i32
    %dma_wait3A_511 = arith.constant 0 : i32
    %dma_wait3A_512 = tpu.memref_slice %arg8[%dma_wait3A_508, %dma_wait3A_510, %dma_wait3A_511] : memref<16x128x16xf32, #tpu.memory_space<vmem>> -> memref<1x128x16xf32, #tpu.memory_space<vmem>>
    %dma_wait3A_513 = tpu.memref_squeeze %dma_wait3A_512 : memref<1x128x16xf32, #tpu.memory_space<vmem>> -> memref<128x16xf32, #tpu.memory_space<vmem>>
    %dma_wait3A_514 = arith.constant 0 : i32
    %dma_wait3A_515 = tpu.memref_slice %arg7[%dma_wait3A_509, %dma_wait3A_514] : memref<80x128xi32, #tpu.memory_space<vmem>> -> memref<1x128xi32, #tpu.memory_space<vmem>>
    %dma_wait3A_516 = tpu.memref_squeeze %dma_wait3A_515 : memref<1x128xi32, #tpu.memory_space<vmem>> -> memref<128xi32, #tpu.memory_space<vmem>>
    %dma_wait3A_517 = arith.constant 0 : i32
    %dma_wait3A_518 = arith.constant 0 : i32
    %dma_wait3A_519 = tpu.memref_slice %arg11[%dma_wait3A_517, %dma_wait3A_518] : memref<10240x16xf32, #tpu.memory_space<vmem_shared>> -> memref<10240x16xf32, #tpu.memory_space<vmem_shared>>
    tpu.wait_indirect_dma semaphore(%arg13 : memref<!tpu.dma_semaphore, #tpu.memory_space<semaphore_mem>>) src(%dma_wait3A_513 : memref<128x16xf32, #tpu.memory_space<vmem>>) dst(%dma_wait3A_519 : memref<10240x16xf32, #tpu.memory_space<vmem_shared>>)
    %dma_wait3A_520 = arith.constant 0 : i32
    %dma_wait3A_521 = arith.constant 0 : i32
    %dma_wait3A_522 = arith.constant 0 : i32
    %dma_wait3A_523 = arith.constant 0 : i32
    %dma_wait3A_524 = tpu.memref_slice %arg8[%dma_wait3A_520, %dma_wait3A_522, %dma_wait3A_523] : memref<16x128x16xf32, #tpu.memory_space<vmem>> -> memref<1x128x16xf32, #tpu.memory_space<vmem>>
    %dma_wait3A_525 = tpu.memref_squeeze %dma_wait3A_524 : memref<1x128x16xf32, #tpu.memory_space<vmem>> -> memref<128x16xf32, #tpu.memory_space<vmem>>
    %dma_wait3A_526 = arith.constant 0 : i32
    %dma_wait3A_527 = tpu.memref_slice %arg7[%dma_wait3A_521, %dma_wait3A_526] : memref<80x128xi32, #tpu.memory_space<vmem>> -> memref<1x128xi32, #tpu.memory_space<vmem>>
    %dma_wait3A_528 = tpu.memref_squeeze %dma_wait3A_527 : memref<1x128xi32, #tpu.memory_space<vmem>> -> memref<128xi32, #tpu.memory_space<vmem>>
    %dma_wait3A_529 = arith.constant 0 : i32
    %dma_wait3A_530 = arith.constant 0 : i32
    %dma_wait3A_531 = tpu.memref_slice %arg11[%dma_wait3A_529, %dma_wait3A_530] : memref<10240x16xf32, #tpu.memory_space<vmem_shared>> -> memref<10240x16xf32, #tpu.memory_space<vmem_shared>>
    tpu.wait_indirect_dma semaphore(%arg13 : memref<!tpu.dma_semaphore, #tpu.memory_space<semaphore_mem>>) src(%dma_wait3A_525 : memref<128x16xf32, #tpu.memory_space<vmem>>) dst(%dma_wait3A_531 : memref<10240x16xf32, #tpu.memory_space<vmem_shared>>)
    %dma_wait3A_532 = arith.constant 0 : i32
    %dma_wait3A_533 = arith.constant 0 : i32
    %dma_wait3A_534 = arith.constant 0 : i32
    %dma_wait3A_535 = arith.constant 0 : i32
    %dma_wait3A_536 = tpu.memref_slice %arg8[%dma_wait3A_532, %dma_wait3A_534, %dma_wait3A_535] : memref<16x128x16xf32, #tpu.memory_space<vmem>> -> memref<1x128x16xf32, #tpu.memory_space<vmem>>
    %dma_wait3A_537 = tpu.memref_squeeze %dma_wait3A_536 : memref<1x128x16xf32, #tpu.memory_space<vmem>> -> memref<128x16xf32, #tpu.memory_space<vmem>>
    %dma_wait3A_538 = arith.constant 0 : i32
    %dma_wait3A_539 = tpu.memref_slice %arg7[%dma_wait3A_533, %dma_wait3A_538] : memref<80x128xi32, #tpu.memory_space<vmem>> -> memref<1x128xi32, #tpu.memory_space<vmem>>
    %dma_wait3A_540 = tpu.memref_squeeze %dma_wait3A_539 : memref<1x128xi32, #tpu.memory_space<vmem>> -> memref<128xi32, #tpu.memory_space<vmem>>
    %dma_wait3A_541 = arith.constant 0 : i32
    %dma_wait3A_542 = arith.constant 0 : i32
    %dma_wait3A_543 = tpu.memref_slice %arg11[%dma_wait3A_541, %dma_wait3A_542] : memref<10240x16xf32, #tpu.memory_space<vmem_shared>> -> memref<10240x16xf32, #tpu.memory_space<vmem_shared>>
    tpu.wait_indirect_dma semaphore(%arg13 : memref<!tpu.dma_semaphore, #tpu.memory_space<semaphore_mem>>) src(%dma_wait3A_537 : memref<128x16xf32, #tpu.memory_space<vmem>>) dst(%dma_wait3A_543 : memref<10240x16xf32, #tpu.memory_space<vmem_shared>>)
    %dma_wait3A_544 = arith.constant 0 : i32
    %dma_wait3A_545 = arith.constant 0 : i32
    %dma_wait3A_546 = arith.constant 0 : i32
    %dma_wait3A_547 = arith.constant 0 : i32
    %dma_wait3A_548 = tpu.memref_slice %arg8[%dma_wait3A_544, %dma_wait3A_546, %dma_wait3A_547] : memref<16x128x16xf32, #tpu.memory_space<vmem>> -> memref<1x128x16xf32, #tpu.memory_space<vmem>>
    %dma_wait3A_549 = tpu.memref_squeeze %dma_wait3A_548 : memref<1x128x16xf32, #tpu.memory_space<vmem>> -> memref<128x16xf32, #tpu.memory_space<vmem>>
    %dma_wait3A_550 = arith.constant 0 : i32
    %dma_wait3A_551 = tpu.memref_slice %arg7[%dma_wait3A_545, %dma_wait3A_550] : memref<80x128xi32, #tpu.memory_space<vmem>> -> memref<1x128xi32, #tpu.memory_space<vmem>>
    %dma_wait3A_552 = tpu.memref_squeeze %dma_wait3A_551 : memref<1x128xi32, #tpu.memory_space<vmem>> -> memref<128xi32, #tpu.memory_space<vmem>>
    %dma_wait3A_553 = arith.constant 0 : i32
    %dma_wait3A_554 = arith.constant 0 : i32
    %dma_wait3A_555 = tpu.memref_slice %arg11[%dma_wait3A_553, %dma_wait3A_554] : memref<10240x16xf32, #tpu.memory_space<vmem_shared>> -> memref<10240x16xf32, #tpu.memory_space<vmem_shared>>
    tpu.wait_indirect_dma semaphore(%arg13 : memref<!tpu.dma_semaphore, #tpu.memory_space<semaphore_mem>>) src(%dma_wait3A_549 : memref<128x16xf32, #tpu.memory_space<vmem>>) dst(%dma_wait3A_555 : memref<10240x16xf32, #tpu.memory_space<vmem_shared>>)
    %dma_wait3A_556 = arith.constant 0 : i32
    %dma_wait3A_557 = arith.constant 0 : i32
    %dma_wait3A_558 = arith.constant 0 : i32
    %dma_wait3A_559 = arith.constant 0 : i32
    %dma_wait3A_560 = tpu.memref_slice %arg8[%dma_wait3A_556, %dma_wait3A_558, %dma_wait3A_559] : memref<16x128x16xf32, #tpu.memory_space<vmem>> -> memref<1x128x16xf32, #tpu.memory_space<vmem>>
    %dma_wait3A_561 = tpu.memref_squeeze %dma_wait3A_560 : memref<1x128x16xf32, #tpu.memory_space<vmem>> -> memref<128x16xf32, #tpu.memory_space<vmem>>
    %dma_wait3A_562 = arith.constant 0 : i32
    %dma_wait3A_563 = tpu.memref_slice %arg7[%dma_wait3A_557, %dma_wait3A_562] : memref<80x128xi32, #tpu.memory_space<vmem>> -> memref<1x128xi32, #tpu.memory_space<vmem>>
    %dma_wait3A_564 = tpu.memref_squeeze %dma_wait3A_563 : memref<1x128xi32, #tpu.memory_space<vmem>> -> memref<128xi32, #tpu.memory_space<vmem>>
    %dma_wait3A_565 = arith.constant 0 : i32
    %dma_wait3A_566 = arith.constant 0 : i32
    %dma_wait3A_567 = tpu.memref_slice %arg11[%dma_wait3A_565, %dma_wait3A_566] : memref<10240x16xf32, #tpu.memory_space<vmem_shared>> -> memref<10240x16xf32, #tpu.memory_space<vmem_shared>>
    tpu.wait_indirect_dma semaphore(%arg13 : memref<!tpu.dma_semaphore, #tpu.memory_space<semaphore_mem>>) src(%dma_wait3A_561 : memref<128x16xf32, #tpu.memory_space<vmem>>) dst(%dma_wait3A_567 : memref<10240x16xf32, #tpu.memory_space<vmem_shared>>)
    %dma_wait3A_568 = arith.constant 0 : i32
    %dma_wait3A_569 = arith.constant 0 : i32
    %dma_wait3A_570 = arith.constant 0 : i32
    %dma_wait3A_571 = arith.constant 0 : i32
    %dma_wait3A_572 = tpu.memref_slice %arg8[%dma_wait3A_568, %dma_wait3A_570, %dma_wait3A_571] : memref<16x128x16xf32, #tpu.memory_space<vmem>> -> memref<1x128x16xf32, #tpu.memory_space<vmem>>
    %dma_wait3A_573 = tpu.memref_squeeze %dma_wait3A_572 : memref<1x128x16xf32, #tpu.memory_space<vmem>> -> memref<128x16xf32, #tpu.memory_space<vmem>>
    %dma_wait3A_574 = arith.constant 0 : i32
    %dma_wait3A_575 = tpu.memref_slice %arg7[%dma_wait3A_569, %dma_wait3A_574] : memref<80x128xi32, #tpu.memory_space<vmem>> -> memref<1x128xi32, #tpu.memory_space<vmem>>
    %dma_wait3A_576 = tpu.memref_squeeze %dma_wait3A_575 : memref<1x128xi32, #tpu.memory_space<vmem>> -> memref<128xi32, #tpu.memory_space<vmem>>
    %dma_wait3A_577 = arith.constant 0 : i32
    %dma_wait3A_578 = arith.constant 0 : i32
    %dma_wait3A_579 = tpu.memref_slice %arg11[%dma_wait3A_577, %dma_wait3A_578] : memref<10240x16xf32, #tpu.memory_space<vmem_shared>> -> memref<10240x16xf32, #tpu.memory_space<vmem_shared>>
    tpu.wait_indirect_dma semaphore(%arg13 : memref<!tpu.dma_semaphore, #tpu.memory_space<semaphore_mem>>) src(%dma_wait3A_573 : memref<128x16xf32, #tpu.memory_space<vmem>>) dst(%dma_wait3A_579 : memref<10240x16xf32, #tpu.memory_space<vmem_shared>>)
    %dma_wait3A_580 = arith.constant 0 : i32
    %dma_wait3A_581 = arith.constant 0 : i32
    %dma_wait3A_582 = arith.constant 0 : i32
    %dma_wait3A_583 = arith.constant 0 : i32
    %dma_wait3A_584 = tpu.memref_slice %arg8[%dma_wait3A_580, %dma_wait3A_582, %dma_wait3A_583] : memref<16x128x16xf32, #tpu.memory_space<vmem>> -> memref<1x128x16xf32, #tpu.memory_space<vmem>>
    %dma_wait3A_585 = tpu.memref_squeeze %dma_wait3A_584 : memref<1x128x16xf32, #tpu.memory_space<vmem>> -> memref<128x16xf32, #tpu.memory_space<vmem>>
    %dma_wait3A_586 = arith.constant 0 : i32
    %dma_wait3A_587 = tpu.memref_slice %arg7[%dma_wait3A_581, %dma_wait3A_586] : memref<80x128xi32, #tpu.memory_space<vmem>> -> memref<1x128xi32, #tpu.memory_space<vmem>>
    %dma_wait3A_588 = tpu.memref_squeeze %dma_wait3A_587 : memref<1x128xi32, #tpu.memory_space<vmem>> -> memref<128xi32, #tpu.memory_space<vmem>>
    %dma_wait3A_589 = arith.constant 0 : i32
    %dma_wait3A_590 = arith.constant 0 : i32
    %dma_wait3A_591 = tpu.memref_slice %arg11[%dma_wait3A_589, %dma_wait3A_590] : memref<10240x16xf32, #tpu.memory_space<vmem_shared>> -> memref<10240x16xf32, #tpu.memory_space<vmem_shared>>
    tpu.wait_indirect_dma semaphore(%arg13 : memref<!tpu.dma_semaphore, #tpu.memory_space<semaphore_mem>>) src(%dma_wait3A_585 : memref<128x16xf32, #tpu.memory_space<vmem>>) dst(%dma_wait3A_591 : memref<10240x16xf32, #tpu.memory_space<vmem_shared>>)
    %barrier3A_592 = arith.constant 0 : index
    tpu.barrier barrier_id(%barrier3A_592)
    %mul3A_593 = arith.constant 640 : i32
    %mul3A_594 = arith.muli %arg1, %mul3A_593 : i32
    %mul3A_595 = arith.constant 10240 : i32
    %mul3A_596 = arith.muli %arg0, %mul3A_595 : i32
    %mul3A_597 = arith.constant 640 : i32
    %mul3A_598 = arith.muli %arg1, %mul3A_597 : i32
    %add3A_599 = arith.addi %mul3A_596, %mul3A_598 : i32
    "tpu.region"() ({
      %run_scoped3A = tpu.sem_alloc : memref<!tpu.dma_semaphore, #tpu.memory_space<semaphore_mem>>
      %dma_start3A_600 = arith.constant 0 : i32
      %dma_start3A_601 = tpu.memref_slice %arg5[%add3A_599, %dma_start3A_600] : memref<20480x16xf32, #tpu.memory_space<hbm>> -> memref<640x16xf32, #tpu.memory_space<hbm>>
      %dma_start3A_602 = arith.constant 0 : i32
      %dma_start3A_603 = tpu.memref_slice %arg11[%mul3A_594, %dma_start3A_602] : memref<10240x16xf32, #tpu.memory_space<vmem_shared>> -> memref<640x16xf32, #tpu.memory_space<vmem_shared>>
      tpu.enqueue_dma source(%dma_start3A_603 : memref<640x16xf32, #tpu.memory_space<vmem_shared>>) target(%dma_start3A_601 : memref<640x16xf32, #tpu.memory_space<hbm>>) target_semaphore(%run_scoped3A : memref<!tpu.dma_semaphore, #tpu.memory_space<semaphore_mem>>)
      %dma_wait3A_604 = arith.constant 0 : i32
      %dma_wait3A_605 = tpu.memref_slice %arg5[%add3A_599, %dma_wait3A_604] : memref<20480x16xf32, #tpu.memory_space<hbm>> -> memref<640x16xf32, #tpu.memory_space<hbm>>
      %dma_wait3A_606 = arith.constant 0 : i32
      %dma_wait3A_607 = tpu.memref_slice %arg11[%mul3A_594, %dma_wait3A_606] : memref<10240x16xf32, #tpu.memory_space<vmem_shared>> -> memref<640x16xf32, #tpu.memory_space<vmem_shared>>
      tpu.wait_dma2 semaphore(%run_scoped3A : memref<!tpu.dma_semaphore, #tpu.memory_space<semaphore_mem>>) src(%dma_wait3A_607 : memref<640x16xf32, #tpu.memory_space<vmem_shared>>) dst(%dma_wait3A_605 : memref<640x16xf32, #tpu.memory_space<hbm>>)
      tpu.yield
    }) : () -> ()
    return
  }
}

#map = affine_map<(d0, d1) -> (0, 0)>
module attributes {stable_mosaic.version = 14 : i64} {
  func.func @_agg_pass(%arg0: i32, %arg1: i32, %arg2: memref<10240x16xf32, #tpu.memory_space<hbm>>, %arg3: memref<2560x128xi32, #tpu.memory_space<hbm>>, %arg4: memref<2560x128xi32, #tpu.memory_space<hbm>>, %arg5: memref<20480x16xf32, #tpu.memory_space<hbm>>, %arg6: memref<80x128xi32, #tpu.memory_space<vmem>>, %arg7: memref<80x128xi32, #tpu.memory_space<vmem>>, %arg8: memref<16x128x16xf32, #tpu.memory_space<vmem>>, %arg9: memref<640x16xf32, #tpu.memory_space<vmem>>, %arg10: memref<10240x16xf32, #tpu.memory_space<vmem_shared>>, %arg11: memref<10240x16xf32, #tpu.memory_space<vmem_shared>>, %arg12: memref<!tpu.dma_semaphore, #tpu.memory_space<semaphore_mem>>, %arg13: memref<!tpu.dma_semaphore, #tpu.memory_space<semaphore_mem>>) attributes {dimension_semantics = [#tpu.dimension_semantics<core_parallel>, #tpu.dimension_semantics<subcore_parallel>], iteration_bounds = array<i64: 2, 16>, scalar_prefetch = 0 : i64, scratch_operands = 8 : i64, tpu.core_type = #tpu.core_type<sc_vector_subcore>, window_params = [{transform_indices = #map}, {transform_indices = #map}, {transform_indices = #map}, {transform_indices = #map}]} {
    %scan3A = arith.constant 0 : i32
    %scan3A_0 = arith.constant 640 : i32
    %scan3A_1 = arith.addi %scan3A, %scan3A_0 : i32
    %scan3A_2 = arith.constant 1 : i32
    scf.for %scan3A_600 = %scan3A to %scan3A_1 step %scan3A_2  : i32 {
      %mul3A_601 = arith.constant 1 : i32
      %mul3A_602 = arith.muli %scan3A_600, %mul3A_601 : i32
      %add3A_603 = arith.constant 0 : i32
      %add3A_604 = arith.addi %add3A_603, %mul3A_602 : i32
      %broadcast_in_dim3A = arith.constant 0.000000e+00 : f32
      %broadcast_in_dim3A_605 = vector.broadcast %broadcast_in_dim3A : f32 to vector<16xf32>
      %swap3A = arith.index_cast %add3A_604 : i32 to index
      %swap3A_606 = arith.constant 0 : index
      %swap3A_607 = tpu.vector_load %arg9[%swap3A, %swap3A_606] {strides = array<i32>} : memref<640x16xf32, #tpu.memory_space<vmem>>, vector<1x16xf32>,
      %swap3A_608 = vector.shape_cast %swap3A_607 : vector<1x16xf32> to vector<16xf32>
      %swap3A_609 = vector.shape_cast %broadcast_in_dim3A_605 : vector<16xf32> to vector<1x16xf32>
      tpu.vector_store %arg9[%swap3A, %swap3A_606], %swap3A_609 {strides = array<i32>} : memref<640x16xf32, #tpu.memory_space<vmem>>, vector<1x16xf32>,
    }
    %scan3A_3 = arith.constant 640 : i32
    %mul3A = arith.constant 640 : i32
    %mul3A_4 = arith.muli %arg1, %mul3A : i32
    "tpu.region"() ({
      %run_scoped3A = tpu.sem_alloc : memref<!tpu.dma_semaphore, #tpu.memory_space<semaphore_mem>>
      %dma_start3A_600 = arith.constant 0 : i32
      %dma_start3A_601 = tpu.memref_slice %arg11[%mul3A_4, %dma_start3A_600] : memref<10240x16xf32, #tpu.memory_space<vmem_shared>> -> memref<640x16xf32, #tpu.memory_space<vmem_shared>>
      %dma_start3A_602 = arith.constant 0 : i32
      %dma_start3A_603 = tpu.memref_slice %arg11[%mul3A_4, %dma_start3A_602] : memref<10240x16xf32, #tpu.memory_space<vmem_shared>> -> memref<640x16xf32, #tpu.memory_space<vmem_shared>>
      tpu.enqueue_dma source(%arg9 : memref<640x16xf32, #tpu.memory_space<vmem>>) target(%dma_start3A_603 : memref<640x16xf32, #tpu.memory_space<vmem_shared>>) target_semaphore(%run_scoped3A : memref<!tpu.dma_semaphore, #tpu.memory_space<semaphore_mem>>)
      %dma_wait3A_604 = arith.constant 0 : i32
      %dma_wait3A_605 = tpu.memref_slice %arg11[%mul3A_4, %dma_wait3A_604] : memref<10240x16xf32, #tpu.memory_space<vmem_shared>> -> memref<640x16xf32, #tpu.memory_space<vmem_shared>>
      %dma_wait3A_606 = arith.constant 0 : i32
      %dma_wait3A_607 = tpu.memref_slice %arg11[%mul3A_4, %dma_wait3A_606] : memref<10240x16xf32, #tpu.memory_space<vmem_shared>> -> memref<640x16xf32, #tpu.memory_space<vmem_shared>>
      tpu.wait_dma2 semaphore(%run_scoped3A : memref<!tpu.dma_semaphore, #tpu.memory_space<semaphore_mem>>) src(%arg9 : memref<640x16xf32, #tpu.memory_space<vmem>>) dst(%dma_wait3A_607 : memref<640x16xf32, #tpu.memory_space<vmem_shared>>)
      tpu.yield
    }) : () -> ()
    %mul3A_5 = arith.constant 640 : i32
    %mul3A_6 = arith.muli %arg1, %mul3A_5 : i32
    %mul3A_7 = arith.constant 640 : i32
    %mul3A_8 = arith.muli %arg1, %mul3A_7 : i32
    "tpu.region"() ({
      %run_scoped3A = tpu.sem_alloc : memref<!tpu.dma_semaphore, #tpu.memory_space<semaphore_mem>>
      %dma_start3A_600 = arith.constant 0 : i32
      %dma_start3A_601 = tpu.memref_slice %arg10[%mul3A_8, %dma_start3A_600] : memref<10240x16xf32, #tpu.memory_space<vmem_shared>> -> memref<640x16xf32, #tpu.memory_space<vmem_shared>>
      %dma_start3A_602 = arith.constant 0 : i32
      %dma_start3A_603 = tpu.memref_slice %arg2[%mul3A_6, %dma_start3A_602] : memref<10240x16xf32, #tpu.memory_space<hbm>> -> memref<640x16xf32, #tpu.memory_space<hbm>>
      tpu.enqueue_dma source(%dma_start3A_603 : memref<640x16xf32, #tpu.memory_space<hbm>>) target(%dma_start3A_601 : memref<640x16xf32, #tpu.memory_space<vmem_shared>>) target_semaphore(%run_scoped3A : memref<!tpu.dma_semaphore, #tpu.memory_space<semaphore_mem>>)
      %dma_wait3A_604 = arith.constant 0 : i32
      %dma_wait3A_605 = tpu.memref_slice %arg10[%mul3A_8, %dma_wait3A_604] : memref<10240x16xf32, #tpu.memory_space<vmem_shared>> -> memref<640x16xf32, #tpu.memory_space<vmem_shared>>
      %dma_wait3A_606 = arith.constant 0 : i32
      %dma_wait3A_607 = tpu.memref_slice %arg2[%mul3A_6, %dma_wait3A_606] : memref<10240x16xf32, #tpu.memory_space<hbm>> -> memref<640x16xf32, #tpu.memory_space<hbm>>
      tpu.wait_dma2 semaphore(%run_scoped3A : memref<!tpu.dma_semaphore, #tpu.memory_space<semaphore_mem>>) src(%dma_wait3A_607 : memref<640x16xf32, #tpu.memory_space<hbm>>) dst(%dma_wait3A_605 : memref<640x16xf32, #tpu.memory_space<vmem_shared>>)
      tpu.yield
    }) : () -> ()
    %mul3A_9 = arith.constant 16 : i32
    %mul3A_10 = arith.muli %arg0, %mul3A_9 : i32
    %add3A = arith.addi %mul3A_10, %arg1 : i32
    %mul3A_11 = arith.constant 80 : i32
    %mul3A_12 = arith.muli %add3A, %mul3A_11 : i32
    "tpu.region"() ({
      %run_scoped3A = tpu.sem_alloc : memref<!tpu.dma_semaphore, #tpu.memory_space<semaphore_mem>>
      %dma_start3A_600 = arith.constant 0 : i32
      %dma_start3A_601 = tpu.memref_slice %arg3[%mul3A_12, %dma_start3A_600] : memref<2560x128xi32, #tpu.memory_space<hbm>> -> memref<80x128xi32, #tpu.memory_space<hbm>>
      %dma_start3A_602 = arith.constant 0 : i32
      %dma_start3A_603 = tpu.memref_slice %arg3[%mul3A_12, %dma_start3A_602] : memref<2560x128xi32, #tpu.memory_space<hbm>> -> memref<80x128xi32, #tpu.memory_space<hbm>>
      tpu.enqueue_dma source(%dma_start3A_603 : memref<80x128xi32, #tpu.memory_space<hbm>>) target(%arg6 : memref<80x128xi32, #tpu.memory_space<vmem>>) target_semaphore(%run_scoped3A : memref<!tpu.dma_semaphore, #tpu.memory_space<semaphore_mem>>)
      %dma_wait3A_604 = arith.constant 0 : i32
      %dma_wait3A_605 = tpu.memref_slice %arg3[%mul3A_12, %dma_wait3A_604] : memref<2560x128xi32, #tpu.memory_space<hbm>> -> memref<80x128xi32, #tpu.memory_space<hbm>>
      %dma_wait3A_606 = arith.constant 0 : i32
      %dma_wait3A_607 = tpu.memref_slice %arg3[%mul3A_12, %dma_wait3A_606] : memref<2560x128xi32, #tpu.memory_space<hbm>> -> memref<80x128xi32, #tpu.memory_space<hbm>>
      tpu.wait_dma2 semaphore(%run_scoped3A : memref<!tpu.dma_semaphore, #tpu.memory_space<semaphore_mem>>) src(%dma_wait3A_607 : memref<80x128xi32, #tpu.memory_space<hbm>>) dst(%arg6 : memref<80x128xi32, #tpu.memory_space<vmem>>)
      tpu.yield
    }) : () -> ()
    "tpu.region"() ({
      %run_scoped3A = tpu.sem_alloc : memref<!tpu.dma_semaphore, #tpu.memory_space<semaphore_mem>>
      %dma_start3A_600 = arith.constant 0 : i32
      %dma_start3A_601 = tpu.memref_slice %arg4[%mul3A_12, %dma_start3A_600] : memref<2560x128xi32, #tpu.memory_space<hbm>> -> memref<80x128xi32, #tpu.memory_space<hbm>>
      %dma_start3A_602 = arith.constant 0 : i32
      %dma_start3A_603 = tpu.memref_slice %arg4[%mul3A_12, %dma_start3A_602] : memref<2560x128xi32, #tpu.memory_space<hbm>> -> memref<80x128xi32, #tpu.memory_space<hbm>>
      tpu.enqueue_dma source(%dma_start3A_603 : memref<80x128xi32, #tpu.memory_space<hbm>>) target(%arg7 : memref<80x128xi32, #tpu.memory_space<vmem>>) target_semaphore(%run_scoped3A : memref<!tpu.dma_semaphore, #tpu.memory_space<semaphore_mem>>)
      %dma_wait3A_604 = arith.constant 0 : i32
      %dma_wait3A_605 = tpu.memref_slice %arg4[%mul3A_12, %dma_wait3A_604] : memref<2560x128xi32, #tpu.memory_space<hbm>> -> memref<80x128xi32, #tpu.memory_space<hbm>>
      %dma_wait3A_606 = arith.constant 0 : i32
      %dma_wait3A_607 = tpu.memref_slice %arg4[%mul3A_12, %dma_wait3A_606] : memref<2560x128xi32, #tpu.memory_space<hbm>> -> memref<80x128xi32, #tpu.memory_space<hbm>>
      tpu.wait_dma2 semaphore(%run_scoped3A : memref<!tpu.dma_semaphore, #tpu.memory_space<semaphore_mem>>) src(%dma_wait3A_607 : memref<80x128xi32, #tpu.memory_space<hbm>>) dst(%arg7 : memref<80x128xi32, #tpu.memory_space<vmem>>)
      tpu.yield
    }) : () -> ()
    %barrier3A = arith.constant 0 : index
    tpu.barrier barrier_id(%barrier3A)
    %dma_start3A = arith.constant 0 : i32
    %dma_start3A_13 = arith.constant 0 : i32
    %dma_start3A_14 = arith.constant 0 : i32
    %dma_start3A_15 = arith.constant 0 : i32
    %dma_start3A_16 = tpu.memref_slice %arg8[%dma_start3A_13, %dma_start3A_14, %dma_start3A_15] : memref<16x128x16xf32, #tpu.memory_space<vmem>> -> memref<1x128x16xf32, #tpu.memory_space<vmem>>
    %dma_start3A_17 = tpu.memref_squeeze %dma_start3A_16 : memref<1x128x16xf32, #tpu.memory_space<vmem>> -> memref<128x16xf32, #tpu.memory_space<vmem>>
    %dma_start3A_18 = arith.constant 0 : i32
    %dma_start3A_19 = tpu.memref_slice %arg6[%dma_start3A, %dma_start3A_18] : memref<80x128xi32, #tpu.memory_space<vmem>> -> memref<1x128xi32, #tpu.memory_space<vmem>>
    %dma_start3A_20 = tpu.memref_squeeze %dma_start3A_19 : memref<1x128xi32, #tpu.memory_space<vmem>> -> memref<128xi32, #tpu.memory_space<vmem>>
    %dma_start3A_21 = arith.constant 0 : i32
    %dma_start3A_22 = arith.constant 0 : i32
    %dma_start3A_23 = tpu.memref_slice %arg10[%dma_start3A_21, %dma_start3A_22] : memref<10240x16xf32, #tpu.memory_space<vmem_shared>> -> memref<10240x16xf32, #tpu.memory_space<vmem_shared>>
    tpu.enqueue_indirect_dma source(%dma_start3A_23 : memref<10240x16xf32, #tpu.memory_space<vmem_shared>>) target(%dma_start3A_17 : memref<128x16xf32, #tpu.memory_space<vmem>>) offsets(%dma_start3A_20 : memref<128xi32, #tpu.memory_space<vmem>>) semaphore(%arg12 : memref<!tpu.dma_semaphore, #tpu.memory_space<semaphore_mem>>)
    %dma_start3A_24 = arith.constant 1 : i32
    %dma_start3A_25 = arith.constant 1 : i32
    %dma_start3A_26 = arith.constant 0 : i32
    %dma_start3A_27 = arith.constant 0 : i32
    %dma_start3A_28 = tpu.memref_slice %arg8[%dma_start3A_25, %dma_start3A_26, %dma_start3A_27] : memref<16x128x16xf32, #tpu.memory_space<vmem>> -> memref<1x128x16xf32, #tpu.memory_space<vmem>>
    %dma_start3A_29 = tpu.memref_squeeze %dma_start3A_28 : memref<1x128x16xf32, #tpu.memory_space<vmem>> -> memref<128x16xf32, #tpu.memory_space<vmem>>
    %dma_start3A_30 = arith.constant 0 : i32
    %dma_start3A_31 = tpu.memref_slice %arg6[%dma_start3A_24, %dma_start3A_30] : memref<80x128xi32, #tpu.memory_space<vmem>> -> memref<1x128xi32, #tpu.memory_space<vmem>>
    %dma_start3A_32 = tpu.memref_squeeze %dma_start3A_31 : memref<1x128xi32, #tpu.memory_space<vmem>> -> memref<128xi32, #tpu.memory_space<vmem>>
    %dma_start3A_33 = arith.constant 0 : i32
    %dma_start3A_34 = arith.constant 0 : i32
    %dma_start3A_35 = tpu.memref_slice %arg10[%dma_start3A_33, %dma_start3A_34] : memref<10240x16xf32, #tpu.memory_space<vmem_shared>> -> memref<10240x16xf32, #tpu.memory_space<vmem_shared>>
    tpu.enqueue_indirect_dma source(%dma_start3A_35 : memref<10240x16xf32, #tpu.memory_space<vmem_shared>>) target(%dma_start3A_29 : memref<128x16xf32, #tpu.memory_space<vmem>>) offsets(%dma_start3A_32 : memref<128xi32, #tpu.memory_space<vmem>>) semaphore(%arg12 : memref<!tpu.dma_semaphore, #tpu.memory_space<semaphore_mem>>)
    %dma_start3A_36 = arith.constant 2 : i32
    %dma_start3A_37 = arith.constant 2 : i32
    %dma_start3A_38 = arith.constant 0 : i32
    %dma_start3A_39 = arith.constant 0 : i32
    %dma_start3A_40 = tpu.memref_slice %arg8[%dma_start3A_37, %dma_start3A_38, %dma_start3A_39] : memref<16x128x16xf32, #tpu.memory_space<vmem>> -> memref<1x128x16xf32, #tpu.memory_space<vmem>>
    %dma_start3A_41 = tpu.memref_squeeze %dma_start3A_40 : memref<1x128x16xf32, #tpu.memory_space<vmem>> -> memref<128x16xf32, #tpu.memory_space<vmem>>
    %dma_start3A_42 = arith.constant 0 : i32
    %dma_start3A_43 = tpu.memref_slice %arg6[%dma_start3A_36, %dma_start3A_42] : memref<80x128xi32, #tpu.memory_space<vmem>> -> memref<1x128xi32, #tpu.memory_space<vmem>>
    %dma_start3A_44 = tpu.memref_squeeze %dma_start3A_43 : memref<1x128xi32, #tpu.memory_space<vmem>> -> memref<128xi32, #tpu.memory_space<vmem>>
    %dma_start3A_45 = arith.constant 0 : i32
    %dma_start3A_46 = arith.constant 0 : i32
    %dma_start3A_47 = tpu.memref_slice %arg10[%dma_start3A_45, %dma_start3A_46] : memref<10240x16xf32, #tpu.memory_space<vmem_shared>> -> memref<10240x16xf32, #tpu.memory_space<vmem_shared>>
    tpu.enqueue_indirect_dma source(%dma_start3A_47 : memref<10240x16xf32, #tpu.memory_space<vmem_shared>>) target(%dma_start3A_41 : memref<128x16xf32, #tpu.memory_space<vmem>>) offsets(%dma_start3A_44 : memref<128xi32, #tpu.memory_space<vmem>>) semaphore(%arg12 : memref<!tpu.dma_semaphore, #tpu.memory_space<semaphore_mem>>)
    %dma_start3A_48 = arith.constant 3 : i32
    %dma_start3A_49 = arith.constant 3 : i32
    %dma_start3A_50 = arith.constant 0 : i32
    %dma_start3A_51 = arith.constant 0 : i32
    %dma_start3A_52 = tpu.memref_slice %arg8[%dma_start3A_49, %dma_start3A_50, %dma_start3A_51] : memref<16x128x16xf32, #tpu.memory_space<vmem>> -> memref<1x128x16xf32, #tpu.memory_space<vmem>>
    %dma_start3A_53 = tpu.memref_squeeze %dma_start3A_52 : memref<1x128x16xf32, #tpu.memory_space<vmem>> -> memref<128x16xf32, #tpu.memory_space<vmem>>
    %dma_start3A_54 = arith.constant 0 : i32
    %dma_start3A_55 = tpu.memref_slice %arg6[%dma_start3A_48, %dma_start3A_54] : memref<80x128xi32, #tpu.memory_space<vmem>> -> memref<1x128xi32, #tpu.memory_space<vmem>>
    %dma_start3A_56 = tpu.memref_squeeze %dma_start3A_55 : memref<1x128xi32, #tpu.memory_space<vmem>> -> memref<128xi32, #tpu.memory_space<vmem>>
    %dma_start3A_57 = arith.constant 0 : i32
    %dma_start3A_58 = arith.constant 0 : i32
    %dma_start3A_59 = tpu.memref_slice %arg10[%dma_start3A_57, %dma_start3A_58] : memref<10240x16xf32, #tpu.memory_space<vmem_shared>> -> memref<10240x16xf32, #tpu.memory_space<vmem_shared>>
    tpu.enqueue_indirect_dma source(%dma_start3A_59 : memref<10240x16xf32, #tpu.memory_space<vmem_shared>>) target(%dma_start3A_53 : memref<128x16xf32, #tpu.memory_space<vmem>>) offsets(%dma_start3A_56 : memref<128xi32, #tpu.memory_space<vmem>>) semaphore(%arg12 : memref<!tpu.dma_semaphore, #tpu.memory_space<semaphore_mem>>)
    %dma_start3A_60 = arith.constant 4 : i32
    %dma_start3A_61 = arith.constant 4 : i32
    %dma_start3A_62 = arith.constant 0 : i32
    %dma_start3A_63 = arith.constant 0 : i32
    %dma_start3A_64 = tpu.memref_slice %arg8[%dma_start3A_61, %dma_start3A_62, %dma_start3A_63] : memref<16x128x16xf32, #tpu.memory_space<vmem>> -> memref<1x128x16xf32, #tpu.memory_space<vmem>>
    %dma_start3A_65 = tpu.memref_squeeze %dma_start3A_64 : memref<1x128x16xf32, #tpu.memory_space<vmem>> -> memref<128x16xf32, #tpu.memory_space<vmem>>
    %dma_start3A_66 = arith.constant 0 : i32
    %dma_start3A_67 = tpu.memref_slice %arg6[%dma_start3A_60, %dma_start3A_66] : memref<80x128xi32, #tpu.memory_space<vmem>> -> memref<1x128xi32, #tpu.memory_space<vmem>>
    %dma_start3A_68 = tpu.memref_squeeze %dma_start3A_67 : memref<1x128xi32, #tpu.memory_space<vmem>> -> memref<128xi32, #tpu.memory_space<vmem>>
    %dma_start3A_69 = arith.constant 0 : i32
    %dma_start3A_70 = arith.constant 0 : i32
    %dma_start3A_71 = tpu.memref_slice %arg10[%dma_start3A_69, %dma_start3A_70] : memref<10240x16xf32, #tpu.memory_space<vmem_shared>> -> memref<10240x16xf32, #tpu.memory_space<vmem_shared>>
    tpu.enqueue_indirect_dma source(%dma_start3A_71 : memref<10240x16xf32, #tpu.memory_space<vmem_shared>>) target(%dma_start3A_65 : memref<128x16xf32, #tpu.memory_space<vmem>>) offsets(%dma_start3A_68 : memref<128xi32, #tpu.memory_space<vmem>>) semaphore(%arg12 : memref<!tpu.dma_semaphore, #tpu.memory_space<semaphore_mem>>)
    %dma_start3A_72 = arith.constant 5 : i32
    %dma_start3A_73 = arith.constant 5 : i32
    %dma_start3A_74 = arith.constant 0 : i32
    %dma_start3A_75 = arith.constant 0 : i32
    %dma_start3A_76 = tpu.memref_slice %arg8[%dma_start3A_73, %dma_start3A_74, %dma_start3A_75] : memref<16x128x16xf32, #tpu.memory_space<vmem>> -> memref<1x128x16xf32, #tpu.memory_space<vmem>>
    %dma_start3A_77 = tpu.memref_squeeze %dma_start3A_76 : memref<1x128x16xf32, #tpu.memory_space<vmem>> -> memref<128x16xf32, #tpu.memory_space<vmem>>
    %dma_start3A_78 = arith.constant 0 : i32
    %dma_start3A_79 = tpu.memref_slice %arg6[%dma_start3A_72, %dma_start3A_78] : memref<80x128xi32, #tpu.memory_space<vmem>> -> memref<1x128xi32, #tpu.memory_space<vmem>>
    %dma_start3A_80 = tpu.memref_squeeze %dma_start3A_79 : memref<1x128xi32, #tpu.memory_space<vmem>> -> memref<128xi32, #tpu.memory_space<vmem>>
    %dma_start3A_81 = arith.constant 0 : i32
    %dma_start3A_82 = arith.constant 0 : i32
    %dma_start3A_83 = tpu.memref_slice %arg10[%dma_start3A_81, %dma_start3A_82] : memref<10240x16xf32, #tpu.memory_space<vmem_shared>> -> memref<10240x16xf32, #tpu.memory_space<vmem_shared>>
    tpu.enqueue_indirect_dma source(%dma_start3A_83 : memref<10240x16xf32, #tpu.memory_space<vmem_shared>>) target(%dma_start3A_77 : memref<128x16xf32, #tpu.memory_space<vmem>>) offsets(%dma_start3A_80 : memref<128xi32, #tpu.memory_space<vmem>>) semaphore(%arg12 : memref<!tpu.dma_semaphore, #tpu.memory_space<semaphore_mem>>)
    %dma_start3A_84 = arith.constant 6 : i32
    %dma_start3A_85 = arith.constant 6 : i32
    %dma_start3A_86 = arith.constant 0 : i32
    %dma_start3A_87 = arith.constant 0 : i32
    %dma_start3A_88 = tpu.memref_slice %arg8[%dma_start3A_85, %dma_start3A_86, %dma_start3A_87] : memref<16x128x16xf32, #tpu.memory_space<vmem>> -> memref<1x128x16xf32, #tpu.memory_space<vmem>>
    %dma_start3A_89 = tpu.memref_squeeze %dma_start3A_88 : memref<1x128x16xf32, #tpu.memory_space<vmem>> -> memref<128x16xf32, #tpu.memory_space<vmem>>
    %dma_start3A_90 = arith.constant 0 : i32
    %dma_start3A_91 = tpu.memref_slice %arg6[%dma_start3A_84, %dma_start3A_90] : memref<80x128xi32, #tpu.memory_space<vmem>> -> memref<1x128xi32, #tpu.memory_space<vmem>>
    %dma_start3A_92 = tpu.memref_squeeze %dma_start3A_91 : memref<1x128xi32, #tpu.memory_space<vmem>> -> memref<128xi32, #tpu.memory_space<vmem>>
    %dma_start3A_93 = arith.constant 0 : i32
    %dma_start3A_94 = arith.constant 0 : i32
    %dma_start3A_95 = tpu.memref_slice %arg10[%dma_start3A_93, %dma_start3A_94] : memref<10240x16xf32, #tpu.memory_space<vmem_shared>> -> memref<10240x16xf32, #tpu.memory_space<vmem_shared>>
    tpu.enqueue_indirect_dma source(%dma_start3A_95 : memref<10240x16xf32, #tpu.memory_space<vmem_shared>>) target(%dma_start3A_89 : memref<128x16xf32, #tpu.memory_space<vmem>>) offsets(%dma_start3A_92 : memref<128xi32, #tpu.memory_space<vmem>>) semaphore(%arg12 : memref<!tpu.dma_semaphore, #tpu.memory_space<semaphore_mem>>)
    %dma_start3A_96 = arith.constant 7 : i32
    %dma_start3A_97 = arith.constant 7 : i32
    %dma_start3A_98 = arith.constant 0 : i32
    %dma_start3A_99 = arith.constant 0 : i32
    %dma_start3A_100 = tpu.memref_slice %arg8[%dma_start3A_97, %dma_start3A_98, %dma_start3A_99] : memref<16x128x16xf32, #tpu.memory_space<vmem>> -> memref<1x128x16xf32, #tpu.memory_space<vmem>>
    %dma_start3A_101 = tpu.memref_squeeze %dma_start3A_100 : memref<1x128x16xf32, #tpu.memory_space<vmem>> -> memref<128x16xf32, #tpu.memory_space<vmem>>
    %dma_start3A_102 = arith.constant 0 : i32
    %dma_start3A_103 = tpu.memref_slice %arg6[%dma_start3A_96, %dma_start3A_102] : memref<80x128xi32, #tpu.memory_space<vmem>> -> memref<1x128xi32, #tpu.memory_space<vmem>>
    %dma_start3A_104 = tpu.memref_squeeze %dma_start3A_103 : memref<1x128xi32, #tpu.memory_space<vmem>> -> memref<128xi32, #tpu.memory_space<vmem>>
    %dma_start3A_105 = arith.constant 0 : i32
    %dma_start3A_106 = arith.constant 0 : i32
    %dma_start3A_107 = tpu.memref_slice %arg10[%dma_start3A_105, %dma_start3A_106] : memref<10240x16xf32, #tpu.memory_space<vmem_shared>> -> memref<10240x16xf32, #tpu.memory_space<vmem_shared>>
    tpu.enqueue_indirect_dma source(%dma_start3A_107 : memref<10240x16xf32, #tpu.memory_space<vmem_shared>>) target(%dma_start3A_101 : memref<128x16xf32, #tpu.memory_space<vmem>>) offsets(%dma_start3A_104 : memref<128xi32, #tpu.memory_space<vmem>>) semaphore(%arg12 : memref<!tpu.dma_semaphore, #tpu.memory_space<semaphore_mem>>)
    %dma_wait3A = arith.constant 0 : i32
    %dma_wait3A_108 = arith.constant 0 : i32
    %dma_wait3A_109 = arith.constant 0 : i32
    %dma_wait3A_110 = arith.constant 0 : i32
    %dma_wait3A_111 = tpu.memref_slice %arg8[%dma_wait3A_108, %dma_wait3A_109, %dma_wait3A_110] : memref<16x128x16xf32, #tpu.memory_space<vmem>> -> memref<1x128x16xf32, #tpu.memory_space<vmem>>
    %dma_wait3A_112 = tpu.memref_squeeze %dma_wait3A_111 : memref<1x128x16xf32, #tpu.memory_space<vmem>> -> memref<128x16xf32, #tpu.memory_space<vmem>>
    %dma_wait3A_113 = arith.constant 0 : i32
    %dma_wait3A_114 = tpu.memref_slice %arg6[%dma_wait3A, %dma_wait3A_113] : memref<80x128xi32, #tpu.memory_space<vmem>> -> memref<1x128xi32, #tpu.memory_space<vmem>>
    %dma_wait3A_115 = tpu.memref_squeeze %dma_wait3A_114 : memref<1x128xi32, #tpu.memory_space<vmem>> -> memref<128xi32, #tpu.memory_space<vmem>>
    %dma_wait3A_116 = arith.constant 0 : i32
    %dma_wait3A_117 = arith.constant 0 : i32
    %dma_wait3A_118 = tpu.memref_slice %arg10[%dma_wait3A_116, %dma_wait3A_117] : memref<10240x16xf32, #tpu.memory_space<vmem_shared>> -> memref<10240x16xf32, #tpu.memory_space<vmem_shared>>
    tpu.wait_indirect_dma semaphore(%arg12 : memref<!tpu.dma_semaphore, #tpu.memory_space<semaphore_mem>>) src(%dma_wait3A_118 : memref<10240x16xf32, #tpu.memory_space<vmem_shared>>) dst(%dma_wait3A_112 : memref<128x16xf32, #tpu.memory_space<vmem>>)
    %dma_wait3A_119 = arith.constant 0 : i32
    %dma_wait3A_120 = arith.constant 0 : i32
    %dma_wait3A_121 = arith.constant 0 : i32
    %dma_wait3A_122 = arith.constant 0 : i32
    %dma_wait3A_123 = tpu.memref_slice %arg8[%dma_wait3A_120, %dma_wait3A_121, %dma_wait3A_122] : memref<16x128x16xf32, #tpu.memory_space<vmem>> -> memref<1x128x16xf32, #tpu.memory_space<vmem>>
    %dma_wait3A_124 = tpu.memref_squeeze %dma_wait3A_123 : memref<1x128x16xf32, #tpu.memory_space<vmem>> -> memref<128x16xf32, #tpu.memory_space<vmem>>
    %dma_wait3A_125 = arith.constant 0 : i32
    %dma_wait3A_126 = tpu.memref_slice %arg6[%dma_wait3A_119, %dma_wait3A_125] : memref<80x128xi32, #tpu.memory_space<vmem>> -> memref<1x128xi32, #tpu.memory_space<vmem>>
    %dma_wait3A_127 = tpu.memref_squeeze %dma_wait3A_126 : memref<1x128xi32, #tpu.memory_space<vmem>> -> memref<128xi32, #tpu.memory_space<vmem>>
    %dma_wait3A_128 = arith.constant 0 : i32
    %dma_wait3A_129 = arith.constant 0 : i32
    %dma_wait3A_130 = tpu.memref_slice %arg10[%dma_wait3A_128, %dma_wait3A_129] : memref<10240x16xf32, #tpu.memory_space<vmem_shared>> -> memref<10240x16xf32, #tpu.memory_space<vmem_shared>>
    tpu.wait_indirect_dma semaphore(%arg12 : memref<!tpu.dma_semaphore, #tpu.memory_space<semaphore_mem>>) src(%dma_wait3A_130 : memref<10240x16xf32, #tpu.memory_space<vmem_shared>>) dst(%dma_wait3A_124 : memref<128x16xf32, #tpu.memory_space<vmem>>)
    %dma_wait3A_131 = arith.constant 0 : i32
    %dma_wait3A_132 = arith.constant 0 : i32
    %dma_wait3A_133 = arith.constant 0 : i32
    %dma_wait3A_134 = arith.constant 0 : i32
    %dma_wait3A_135 = tpu.memref_slice %arg8[%dma_wait3A_132, %dma_wait3A_133, %dma_wait3A_134] : memref<16x128x16xf32, #tpu.memory_space<vmem>> -> memref<1x128x16xf32, #tpu.memory_space<vmem>>
    %dma_wait3A_136 = tpu.memref_squeeze %dma_wait3A_135 : memref<1x128x16xf32, #tpu.memory_space<vmem>> -> memref<128x16xf32, #tpu.memory_space<vmem>>
    %dma_wait3A_137 = arith.constant 0 : i32
    %dma_wait3A_138 = tpu.memref_slice %arg6[%dma_wait3A_131, %dma_wait3A_137] : memref<80x128xi32, #tpu.memory_space<vmem>> -> memref<1x128xi32, #tpu.memory_space<vmem>>
    %dma_wait3A_139 = tpu.memref_squeeze %dma_wait3A_138 : memref<1x128xi32, #tpu.memory_space<vmem>> -> memref<128xi32, #tpu.memory_space<vmem>>
    %dma_wait3A_140 = arith.constant 0 : i32
    %dma_wait3A_141 = arith.constant 0 : i32
    %dma_wait3A_142 = tpu.memref_slice %arg10[%dma_wait3A_140, %dma_wait3A_141] : memref<10240x16xf32, #tpu.memory_space<vmem_shared>> -> memref<10240x16xf32, #tpu.memory_space<vmem_shared>>
    tpu.wait_indirect_dma semaphore(%arg12 : memref<!tpu.dma_semaphore, #tpu.memory_space<semaphore_mem>>) src(%dma_wait3A_142 : memref<10240x16xf32, #tpu.memory_space<vmem_shared>>) dst(%dma_wait3A_136 : memref<128x16xf32, #tpu.memory_space<vmem>>)
    %dma_wait3A_143 = arith.constant 0 : i32
    %dma_wait3A_144 = arith.constant 0 : i32
    %dma_wait3A_145 = arith.constant 0 : i32
    %dma_wait3A_146 = arith.constant 0 : i32
    %dma_wait3A_147 = tpu.memref_slice %arg8[%dma_wait3A_144, %dma_wait3A_145, %dma_wait3A_146] : memref<16x128x16xf32, #tpu.memory_space<vmem>> -> memref<1x128x16xf32, #tpu.memory_space<vmem>>
    %dma_wait3A_148 = tpu.memref_squeeze %dma_wait3A_147 : memref<1x128x16xf32, #tpu.memory_space<vmem>> -> memref<128x16xf32, #tpu.memory_space<vmem>>
    %dma_wait3A_149 = arith.constant 0 : i32
    %dma_wait3A_150 = tpu.memref_slice %arg6[%dma_wait3A_143, %dma_wait3A_149] : memref<80x128xi32, #tpu.memory_space<vmem>> -> memref<1x128xi32, #tpu.memory_space<vmem>>
    %dma_wait3A_151 = tpu.memref_squeeze %dma_wait3A_150 : memref<1x128xi32, #tpu.memory_space<vmem>> -> memref<128xi32, #tpu.memory_space<vmem>>
    %dma_wait3A_152 = arith.constant 0 : i32
    %dma_wait3A_153 = arith.constant 0 : i32
    %dma_wait3A_154 = tpu.memref_slice %arg10[%dma_wait3A_152, %dma_wait3A_153] : memref<10240x16xf32, #tpu.memory_space<vmem_shared>> -> memref<10240x16xf32, #tpu.memory_space<vmem_shared>>
    tpu.wait_indirect_dma semaphore(%arg12 : memref<!tpu.dma_semaphore, #tpu.memory_space<semaphore_mem>>) src(%dma_wait3A_154 : memref<10240x16xf32, #tpu.memory_space<vmem_shared>>) dst(%dma_wait3A_148 : memref<128x16xf32, #tpu.memory_space<vmem>>)
    %dma_wait3A_155 = arith.constant 0 : i32
    %dma_wait3A_156 = arith.constant 0 : i32
    %dma_wait3A_157 = arith.constant 0 : i32
    %dma_wait3A_158 = arith.constant 0 : i32
    %dma_wait3A_159 = tpu.memref_slice %arg8[%dma_wait3A_156, %dma_wait3A_157, %dma_wait3A_158] : memref<16x128x16xf32, #tpu.memory_space<vmem>> -> memref<1x128x16xf32, #tpu.memory_space<vmem>>
    %dma_wait3A_160 = tpu.memref_squeeze %dma_wait3A_159 : memref<1x128x16xf32, #tpu.memory_space<vmem>> -> memref<128x16xf32, #tpu.memory_space<vmem>>
    %dma_wait3A_161 = arith.constant 0 : i32
    %dma_wait3A_162 = tpu.memref_slice %arg6[%dma_wait3A_155, %dma_wait3A_161] : memref<80x128xi32, #tpu.memory_space<vmem>> -> memref<1x128xi32, #tpu.memory_space<vmem>>
    %dma_wait3A_163 = tpu.memref_squeeze %dma_wait3A_162 : memref<1x128xi32, #tpu.memory_space<vmem>> -> memref<128xi32, #tpu.memory_space<vmem>>
    %dma_wait3A_164 = arith.constant 0 : i32
    %dma_wait3A_165 = arith.constant 0 : i32
    %dma_wait3A_166 = tpu.memref_slice %arg10[%dma_wait3A_164, %dma_wait3A_165] : memref<10240x16xf32, #tpu.memory_space<vmem_shared>> -> memref<10240x16xf32, #tpu.memory_space<vmem_shared>>
    tpu.wait_indirect_dma semaphore(%arg12 : memref<!tpu.dma_semaphore, #tpu.memory_space<semaphore_mem>>) src(%dma_wait3A_166 : memref<10240x16xf32, #tpu.memory_space<vmem_shared>>) dst(%dma_wait3A_160 : memref<128x16xf32, #tpu.memory_space<vmem>>)
    %dma_wait3A_167 = arith.constant 0 : i32
    %dma_wait3A_168 = arith.constant 0 : i32
    %dma_wait3A_169 = arith.constant 0 : i32
    %dma_wait3A_170 = arith.constant 0 : i32
    %dma_wait3A_171 = tpu.memref_slice %arg8[%dma_wait3A_168, %dma_wait3A_169, %dma_wait3A_170] : memref<16x128x16xf32, #tpu.memory_space<vmem>> -> memref<1x128x16xf32, #tpu.memory_space<vmem>>
    %dma_wait3A_172 = tpu.memref_squeeze %dma_wait3A_171 : memref<1x128x16xf32, #tpu.memory_space<vmem>> -> memref<128x16xf32, #tpu.memory_space<vmem>>
    %dma_wait3A_173 = arith.constant 0 : i32
    %dma_wait3A_174 = tpu.memref_slice %arg6[%dma_wait3A_167, %dma_wait3A_173] : memref<80x128xi32, #tpu.memory_space<vmem>> -> memref<1x128xi32, #tpu.memory_space<vmem>>
    %dma_wait3A_175 = tpu.memref_squeeze %dma_wait3A_174 : memref<1x128xi32, #tpu.memory_space<vmem>> -> memref<128xi32, #tpu.memory_space<vmem>>
    %dma_wait3A_176 = arith.constant 0 : i32
    %dma_wait3A_177 = arith.constant 0 : i32
    %dma_wait3A_178 = tpu.memref_slice %arg10[%dma_wait3A_176, %dma_wait3A_177] : memref<10240x16xf32, #tpu.memory_space<vmem_shared>> -> memref<10240x16xf32, #tpu.memory_space<vmem_shared>>
    tpu.wait_indirect_dma semaphore(%arg12 : memref<!tpu.dma_semaphore, #tpu.memory_space<semaphore_mem>>) src(%dma_wait3A_178 : memref<10240x16xf32, #tpu.memory_space<vmem_shared>>) dst(%dma_wait3A_172 : memref<128x16xf32, #tpu.memory_space<vmem>>)
    %dma_wait3A_179 = arith.constant 0 : i32
    %dma_wait3A_180 = arith.constant 0 : i32
    %dma_wait3A_181 = arith.constant 0 : i32
    %dma_wait3A_182 = arith.constant 0 : i32
    %dma_wait3A_183 = tpu.memref_slice %arg8[%dma_wait3A_180, %dma_wait3A_181, %dma_wait3A_182] : memref<16x128x16xf32, #tpu.memory_space<vmem>> -> memref<1x128x16xf32, #tpu.memory_space<vmem>>
    %dma_wait3A_184 = tpu.memref_squeeze %dma_wait3A_183 : memref<1x128x16xf32, #tpu.memory_space<vmem>> -> memref<128x16xf32, #tpu.memory_space<vmem>>
    %dma_wait3A_185 = arith.constant 0 : i32
    %dma_wait3A_186 = tpu.memref_slice %arg6[%dma_wait3A_179, %dma_wait3A_185] : memref<80x128xi32, #tpu.memory_space<vmem>> -> memref<1x128xi32, #tpu.memory_space<vmem>>
    %dma_wait3A_187 = tpu.memref_squeeze %dma_wait3A_186 : memref<1x128xi32, #tpu.memory_space<vmem>> -> memref<128xi32, #tpu.memory_space<vmem>>
    %dma_wait3A_188 = arith.constant 0 : i32
    %dma_wait3A_189 = arith.constant 0 : i32
    %dma_wait3A_190 = tpu.memref_slice %arg10[%dma_wait3A_188, %dma_wait3A_189] : memref<10240x16xf32, #tpu.memory_space<vmem_shared>> -> memref<10240x16xf32, #tpu.memory_space<vmem_shared>>
    tpu.wait_indirect_dma semaphore(%arg12 : memref<!tpu.dma_semaphore, #tpu.memory_space<semaphore_mem>>) src(%dma_wait3A_190 : memref<10240x16xf32, #tpu.memory_space<vmem_shared>>) dst(%dma_wait3A_184 : memref<128x16xf32, #tpu.memory_space<vmem>>)
    %dma_wait3A_191 = arith.constant 0 : i32
    %dma_wait3A_192 = arith.constant 0 : i32
    %dma_wait3A_193 = arith.constant 0 : i32
    %dma_wait3A_194 = arith.constant 0 : i32
    %dma_wait3A_195 = tpu.memref_slice %arg8[%dma_wait3A_192, %dma_wait3A_193, %dma_wait3A_194] : memref<16x128x16xf32, #tpu.memory_space<vmem>> -> memref<1x128x16xf32, #tpu.memory_space<vmem>>
    %dma_wait3A_196 = tpu.memref_squeeze %dma_wait3A_195 : memref<1x128x16xf32, #tpu.memory_space<vmem>> -> memref<128x16xf32, #tpu.memory_space<vmem>>
    %dma_wait3A_197 = arith.constant 0 : i32
    %dma_wait3A_198 = tpu.memref_slice %arg6[%dma_wait3A_191, %dma_wait3A_197] : memref<80x128xi32, #tpu.memory_space<vmem>> -> memref<1x128xi32, #tpu.memory_space<vmem>>
    %dma_wait3A_199 = tpu.memref_squeeze %dma_wait3A_198 : memref<1x128xi32, #tpu.memory_space<vmem>> -> memref<128xi32, #tpu.memory_space<vmem>>
    %dma_wait3A_200 = arith.constant 0 : i32
    %dma_wait3A_201 = arith.constant 0 : i32
    %dma_wait3A_202 = tpu.memref_slice %arg10[%dma_wait3A_200, %dma_wait3A_201] : memref<10240x16xf32, #tpu.memory_space<vmem_shared>> -> memref<10240x16xf32, #tpu.memory_space<vmem_shared>>
    tpu.wait_indirect_dma semaphore(%arg12 : memref<!tpu.dma_semaphore, #tpu.memory_space<semaphore_mem>>) src(%dma_wait3A_202 : memref<10240x16xf32, #tpu.memory_space<vmem_shared>>) dst(%dma_wait3A_196 : memref<128x16xf32, #tpu.memory_space<vmem>>)
    %dma_start3A_203 = arith.constant 0 : i32
    %dma_start3A_204 = arith.constant 0 : i32
    %dma_start3A_205 = arith.constant 0 : i32
    %dma_start3A_206 = arith.constant 0 : i32
    %dma_start3A_207 = tpu.memref_slice %arg8[%dma_start3A_203, %dma_start3A_205, %dma_start3A_206] : memref<16x128x16xf32, #tpu.memory_space<vmem>> -> memref<1x128x16xf32, #tpu.memory_space<vmem>>
    %dma_start3A_208 = tpu.memref_squeeze %dma_start3A_207 : memref<1x128x16xf32, #tpu.memory_space<vmem>> -> memref<128x16xf32, #tpu.memory_space<vmem>>
    %dma_start3A_209 = arith.constant 0 : i32
    %dma_start3A_210 = tpu.memref_slice %arg7[%dma_start3A_204, %dma_start3A_209] : memref<80x128xi32, #tpu.memory_space<vmem>> -> memref<1x128xi32, #tpu.memory_space<vmem>>
    %dma_start3A_211 = tpu.memref_squeeze %dma_start3A_210 : memref<1x128xi32, #tpu.memory_space<vmem>> -> memref<128xi32, #tpu.memory_space<vmem>>
    %dma_start3A_212 = arith.constant 0 : i32
    %dma_start3A_213 = arith.constant 0 : i32
    %dma_start3A_214 = tpu.memref_slice %arg11[%dma_start3A_212, %dma_start3A_213] : memref<10240x16xf32, #tpu.memory_space<vmem_shared>> -> memref<10240x16xf32, #tpu.memory_space<vmem_shared>>
    tpu.enqueue_indirect_dma source(%dma_start3A_208 : memref<128x16xf32, #tpu.memory_space<vmem>>) target(%dma_start3A_214 : memref<10240x16xf32, #tpu.memory_space<vmem_shared>>) offsets(%dma_start3A_211 : memref<128xi32, #tpu.memory_space<vmem>>) semaphore(%arg13 : memref<!tpu.dma_semaphore, #tpu.memory_space<semaphore_mem>>) {add = true}
    %dma_start3A_215 = arith.constant 1 : i32
    %dma_start3A_216 = arith.constant 1 : i32
    %dma_start3A_217 = arith.constant 0 : i32
    %dma_start3A_218 = arith.constant 0 : i32
    %dma_start3A_219 = tpu.memref_slice %arg8[%dma_start3A_215, %dma_start3A_217, %dma_start3A_218] : memref<16x128x16xf32, #tpu.memory_space<vmem>> -> memref<1x128x16xf32, #tpu.memory_space<vmem>>
    %dma_start3A_220 = tpu.memref_squeeze %dma_start3A_219 : memref<1x128x16xf32, #tpu.memory_space<vmem>> -> memref<128x16xf32, #tpu.memory_space<vmem>>
    %dma_start3A_221 = arith.constant 0 : i32
    %dma_start3A_222 = tpu.memref_slice %arg7[%dma_start3A_216, %dma_start3A_221] : memref<80x128xi32, #tpu.memory_space<vmem>> -> memref<1x128xi32, #tpu.memory_space<vmem>>
    %dma_start3A_223 = tpu.memref_squeeze %dma_start3A_222 : memref<1x128xi32, #tpu.memory_space<vmem>> -> memref<128xi32, #tpu.memory_space<vmem>>
    %dma_start3A_224 = arith.constant 0 : i32
    %dma_start3A_225 = arith.constant 0 : i32
    %dma_start3A_226 = tpu.memref_slice %arg11[%dma_start3A_224, %dma_start3A_225] : memref<10240x16xf32, #tpu.memory_space<vmem_shared>> -> memref<10240x16xf32, #tpu.memory_space<vmem_shared>>
    tpu.enqueue_indirect_dma source(%dma_start3A_220 : memref<128x16xf32, #tpu.memory_space<vmem>>) target(%dma_start3A_226 : memref<10240x16xf32, #tpu.memory_space<vmem_shared>>) offsets(%dma_start3A_223 : memref<128xi32, #tpu.memory_space<vmem>>) semaphore(%arg13 : memref<!tpu.dma_semaphore, #tpu.memory_space<semaphore_mem>>) {add = true}
    %dma_start3A_227 = arith.constant 2 : i32
    %dma_start3A_228 = arith.constant 2 : i32
    %dma_start3A_229 = arith.constant 0 : i32
    %dma_start3A_230 = arith.constant 0 : i32
    %dma_start3A_231 = tpu.memref_slice %arg8[%dma_start3A_227, %dma_start3A_229, %dma_start3A_230] : memref<16x128x16xf32, #tpu.memory_space<vmem>> -> memref<1x128x16xf32, #tpu.memory_space<vmem>>
    %dma_start3A_232 = tpu.memref_squeeze %dma_start3A_231 : memref<1x128x16xf32, #tpu.memory_space<vmem>> -> memref<128x16xf32, #tpu.memory_space<vmem>>
    %dma_start3A_233 = arith.constant 0 : i32
    %dma_start3A_234 = tpu.memref_slice %arg7[%dma_start3A_228, %dma_start3A_233] : memref<80x128xi32, #tpu.memory_space<vmem>> -> memref<1x128xi32, #tpu.memory_space<vmem>>
    %dma_start3A_235 = tpu.memref_squeeze %dma_start3A_234 : memref<1x128xi32, #tpu.memory_space<vmem>> -> memref<128xi32, #tpu.memory_space<vmem>>
    %dma_start3A_236 = arith.constant 0 : i32
    %dma_start3A_237 = arith.constant 0 : i32
    %dma_start3A_238 = tpu.memref_slice %arg11[%dma_start3A_236, %dma_start3A_237] : memref<10240x16xf32, #tpu.memory_space<vmem_shared>> -> memref<10240x16xf32, #tpu.memory_space<vmem_shared>>
    tpu.enqueue_indirect_dma source(%dma_start3A_232 : memref<128x16xf32, #tpu.memory_space<vmem>>) target(%dma_start3A_238 : memref<10240x16xf32, #tpu.memory_space<vmem_shared>>) offsets(%dma_start3A_235 : memref<128xi32, #tpu.memory_space<vmem>>) semaphore(%arg13 : memref<!tpu.dma_semaphore, #tpu.memory_space<semaphore_mem>>) {add = true}
    %dma_start3A_239 = arith.constant 3 : i32
    %dma_start3A_240 = arith.constant 3 : i32
    %dma_start3A_241 = arith.constant 0 : i32
    %dma_start3A_242 = arith.constant 0 : i32
    %dma_start3A_243 = tpu.memref_slice %arg8[%dma_start3A_239, %dma_start3A_241, %dma_start3A_242] : memref<16x128x16xf32, #tpu.memory_space<vmem>> -> memref<1x128x16xf32, #tpu.memory_space<vmem>>
    %dma_start3A_244 = tpu.memref_squeeze %dma_start3A_243 : memref<1x128x16xf32, #tpu.memory_space<vmem>> -> memref<128x16xf32, #tpu.memory_space<vmem>>
    %dma_start3A_245 = arith.constant 0 : i32
    %dma_start3A_246 = tpu.memref_slice %arg7[%dma_start3A_240, %dma_start3A_245] : memref<80x128xi32, #tpu.memory_space<vmem>> -> memref<1x128xi32, #tpu.memory_space<vmem>>
    %dma_start3A_247 = tpu.memref_squeeze %dma_start3A_246 : memref<1x128xi32, #tpu.memory_space<vmem>> -> memref<128xi32, #tpu.memory_space<vmem>>
    %dma_start3A_248 = arith.constant 0 : i32
    %dma_start3A_249 = arith.constant 0 : i32
    %dma_start3A_250 = tpu.memref_slice %arg11[%dma_start3A_248, %dma_start3A_249] : memref<10240x16xf32, #tpu.memory_space<vmem_shared>> -> memref<10240x16xf32, #tpu.memory_space<vmem_shared>>
    tpu.enqueue_indirect_dma source(%dma_start3A_244 : memref<128x16xf32, #tpu.memory_space<vmem>>) target(%dma_start3A_250 : memref<10240x16xf32, #tpu.memory_space<vmem_shared>>) offsets(%dma_start3A_247 : memref<128xi32, #tpu.memory_space<vmem>>) semaphore(%arg13 : memref<!tpu.dma_semaphore, #tpu.memory_space<semaphore_mem>>) {add = true}
    %dma_start3A_251 = arith.constant 4 : i32
    %dma_start3A_252 = arith.constant 4 : i32
    %dma_start3A_253 = arith.constant 0 : i32
    %dma_start3A_254 = arith.constant 0 : i32
    %dma_start3A_255 = tpu.memref_slice %arg8[%dma_start3A_251, %dma_start3A_253, %dma_start3A_254] : memref<16x128x16xf32, #tpu.memory_space<vmem>> -> memref<1x128x16xf32, #tpu.memory_space<vmem>>
    %dma_start3A_256 = tpu.memref_squeeze %dma_start3A_255 : memref<1x128x16xf32, #tpu.memory_space<vmem>> -> memref<128x16xf32, #tpu.memory_space<vmem>>
    %dma_start3A_257 = arith.constant 0 : i32
    %dma_start3A_258 = tpu.memref_slice %arg7[%dma_start3A_252, %dma_start3A_257] : memref<80x128xi32, #tpu.memory_space<vmem>> -> memref<1x128xi32, #tpu.memory_space<vmem>>
    %dma_start3A_259 = tpu.memref_squeeze %dma_start3A_258 : memref<1x128xi32, #tpu.memory_space<vmem>> -> memref<128xi32, #tpu.memory_space<vmem>>
    %dma_start3A_260 = arith.constant 0 : i32
    %dma_start3A_261 = arith.constant 0 : i32
    %dma_start3A_262 = tpu.memref_slice %arg11[%dma_start3A_260, %dma_start3A_261] : memref<10240x16xf32, #tpu.memory_space<vmem_shared>> -> memref<10240x16xf32, #tpu.memory_space<vmem_shared>>
    tpu.enqueue_indirect_dma source(%dma_start3A_256 : memref<128x16xf32, #tpu.memory_space<vmem>>) target(%dma_start3A_262 : memref<10240x16xf32, #tpu.memory_space<vmem_shared>>) offsets(%dma_start3A_259 : memref<128xi32, #tpu.memory_space<vmem>>) semaphore(%arg13 : memref<!tpu.dma_semaphore, #tpu.memory_space<semaphore_mem>>) {add = true}
    %dma_start3A_263 = arith.constant 5 : i32
    %dma_start3A_264 = arith.constant 5 : i32
    %dma_start3A_265 = arith.constant 0 : i32
    %dma_start3A_266 = arith.constant 0 : i32
    %dma_start3A_267 = tpu.memref_slice %arg8[%dma_start3A_263, %dma_start3A_265, %dma_start3A_266] : memref<16x128x16xf32, #tpu.memory_space<vmem>> -> memref<1x128x16xf32, #tpu.memory_space<vmem>>
    %dma_start3A_268 = tpu.memref_squeeze %dma_start3A_267 : memref<1x128x16xf32, #tpu.memory_space<vmem>> -> memref<128x16xf32, #tpu.memory_space<vmem>>
    %dma_start3A_269 = arith.constant 0 : i32
    %dma_start3A_270 = tpu.memref_slice %arg7[%dma_start3A_264, %dma_start3A_269] : memref<80x128xi32, #tpu.memory_space<vmem>> -> memref<1x128xi32, #tpu.memory_space<vmem>>
    %dma_start3A_271 = tpu.memref_squeeze %dma_start3A_270 : memref<1x128xi32, #tpu.memory_space<vmem>> -> memref<128xi32, #tpu.memory_space<vmem>>
    %dma_start3A_272 = arith.constant 0 : i32
    %dma_start3A_273 = arith.constant 0 : i32
    %dma_start3A_274 = tpu.memref_slice %arg11[%dma_start3A_272, %dma_start3A_273] : memref<10240x16xf32, #tpu.memory_space<vmem_shared>> -> memref<10240x16xf32, #tpu.memory_space<vmem_shared>>
    tpu.enqueue_indirect_dma source(%dma_start3A_268 : memref<128x16xf32, #tpu.memory_space<vmem>>) target(%dma_start3A_274 : memref<10240x16xf32, #tpu.memory_space<vmem_shared>>) offsets(%dma_start3A_271 : memref<128xi32, #tpu.memory_space<vmem>>) semaphore(%arg13 : memref<!tpu.dma_semaphore, #tpu.memory_space<semaphore_mem>>) {add = true}
    %dma_start3A_275 = arith.constant 6 : i32
    %dma_start3A_276 = arith.constant 6 : i32
    %dma_start3A_277 = arith.constant 0 : i32
    %dma_start3A_278 = arith.constant 0 : i32
    %dma_start3A_279 = tpu.memref_slice %arg8[%dma_start3A_275, %dma_start3A_277, %dma_start3A_278] : memref<16x128x16xf32, #tpu.memory_space<vmem>> -> memref<1x128x16xf32, #tpu.memory_space<vmem>>
    %dma_start3A_280 = tpu.memref_squeeze %dma_start3A_279 : memref<1x128x16xf32, #tpu.memory_space<vmem>> -> memref<128x16xf32, #tpu.memory_space<vmem>>
    %dma_start3A_281 = arith.constant 0 : i32
    %dma_start3A_282 = tpu.memref_slice %arg7[%dma_start3A_276, %dma_start3A_281] : memref<80x128xi32, #tpu.memory_space<vmem>> -> memref<1x128xi32, #tpu.memory_space<vmem>>
    %dma_start3A_283 = tpu.memref_squeeze %dma_start3A_282 : memref<1x128xi32, #tpu.memory_space<vmem>> -> memref<128xi32, #tpu.memory_space<vmem>>
    %dma_start3A_284 = arith.constant 0 : i32
    %dma_start3A_285 = arith.constant 0 : i32
    %dma_start3A_286 = tpu.memref_slice %arg11[%dma_start3A_284, %dma_start3A_285] : memref<10240x16xf32, #tpu.memory_space<vmem_shared>> -> memref<10240x16xf32, #tpu.memory_space<vmem_shared>>
    tpu.enqueue_indirect_dma source(%dma_start3A_280 : memref<128x16xf32, #tpu.memory_space<vmem>>) target(%dma_start3A_286 : memref<10240x16xf32, #tpu.memory_space<vmem_shared>>) offsets(%dma_start3A_283 : memref<128xi32, #tpu.memory_space<vmem>>) semaphore(%arg13 : memref<!tpu.dma_semaphore, #tpu.memory_space<semaphore_mem>>) {add = true}
    %dma_start3A_287 = arith.constant 7 : i32
    %dma_start3A_288 = arith.constant 7 : i32
    %dma_start3A_289 = arith.constant 0 : i32
    %dma_start3A_290 = arith.constant 0 : i32
    %dma_start3A_291 = tpu.memref_slice %arg8[%dma_start3A_287, %dma_start3A_289, %dma_start3A_290] : memref<16x128x16xf32, #tpu.memory_space<vmem>> -> memref<1x128x16xf32, #tpu.memory_space<vmem>>
    %dma_start3A_292 = tpu.memref_squeeze %dma_start3A_291 : memref<1x128x16xf32, #tpu.memory_space<vmem>> -> memref<128x16xf32, #tpu.memory_space<vmem>>
    %dma_start3A_293 = arith.constant 0 : i32
    %dma_start3A_294 = tpu.memref_slice %arg7[%dma_start3A_288, %dma_start3A_293] : memref<80x128xi32, #tpu.memory_space<vmem>> -> memref<1x128xi32, #tpu.memory_space<vmem>>
    %dma_start3A_295 = tpu.memref_squeeze %dma_start3A_294 : memref<1x128xi32, #tpu.memory_space<vmem>> -> memref<128xi32, #tpu.memory_space<vmem>>
    %dma_start3A_296 = arith.constant 0 : i32
    %dma_start3A_297 = arith.constant 0 : i32
    %dma_start3A_298 = tpu.memref_slice %arg11[%dma_start3A_296, %dma_start3A_297] : memref<10240x16xf32, #tpu.memory_space<vmem_shared>> -> memref<10240x16xf32, #tpu.memory_space<vmem_shared>>
    tpu.enqueue_indirect_dma source(%dma_start3A_292 : memref<128x16xf32, #tpu.memory_space<vmem>>) target(%dma_start3A_298 : memref<10240x16xf32, #tpu.memory_space<vmem_shared>>) offsets(%dma_start3A_295 : memref<128xi32, #tpu.memory_space<vmem>>) semaphore(%arg13 : memref<!tpu.dma_semaphore, #tpu.memory_space<semaphore_mem>>) {add = true}
    %dma_start3A_299 = arith.constant 8 : i32
    %dma_start3A_300 = arith.constant 8 : i32
    %dma_start3A_301 = arith.constant 0 : i32
    %dma_start3A_302 = arith.constant 0 : i32
    %dma_start3A_303 = tpu.memref_slice %arg8[%dma_start3A_300, %dma_start3A_301, %dma_start3A_302] : memref<16x128x16xf32, #tpu.memory_space<vmem>> -> memref<1x128x16xf32, #tpu.memory_space<vmem>>
    %dma_start3A_304 = tpu.memref_squeeze %dma_start3A_303 : memref<1x128x16xf32, #tpu.memory_space<vmem>> -> memref<128x16xf32, #tpu.memory_space<vmem>>
    %dma_start3A_305 = arith.constant 0 : i32
    %dma_start3A_306 = tpu.memref_slice %arg6[%dma_start3A_299, %dma_start3A_305] : memref<80x128xi32, #tpu.memory_space<vmem>> -> memref<1x128xi32, #tpu.memory_space<vmem>>
    %dma_start3A_307 = tpu.memref_squeeze %dma_start3A_306 : memref<1x128xi32, #tpu.memory_space<vmem>> -> memref<128xi32, #tpu.memory_space<vmem>>
    %dma_start3A_308 = arith.constant 0 : i32
    %dma_start3A_309 = arith.constant 0 : i32
    %dma_start3A_310 = tpu.memref_slice %arg10[%dma_start3A_308, %dma_start3A_309] : memref<10240x16xf32, #tpu.memory_space<vmem_shared>> -> memref<10240x16xf32, #tpu.memory_space<vmem_shared>>
    tpu.enqueue_indirect_dma source(%dma_start3A_310 : memref<10240x16xf32, #tpu.memory_space<vmem_shared>>) target(%dma_start3A_304 : memref<128x16xf32, #tpu.memory_space<vmem>>) offsets(%dma_start3A_307 : memref<128xi32, #tpu.memory_space<vmem>>) semaphore(%arg12 : memref<!tpu.dma_semaphore, #tpu.memory_space<semaphore_mem>>)
    %dma_start3A_311 = arith.constant 9 : i32
    %dma_start3A_312 = arith.constant 9 : i32
    %dma_start3A_313 = arith.constant 0 : i32
    %dma_start3A_314 = arith.constant 0 : i32
    %dma_start3A_315 = tpu.memref_slice %arg8[%dma_start3A_312, %dma_start3A_313, %dma_start3A_314] : memref<16x128x16xf32, #tpu.memory_space<vmem>> -> memref<1x128x16xf32, #tpu.memory_space<vmem>>
    %dma_start3A_316 = tpu.memref_squeeze %dma_start3A_315 : memref<1x128x16xf32, #tpu.memory_space<vmem>> -> memref<128x16xf32, #tpu.memory_space<vmem>>
    %dma_start3A_317 = arith.constant 0 : i32
    %dma_start3A_318 = tpu.memref_slice %arg6[%dma_start3A_311, %dma_start3A_317] : memref<80x128xi32, #tpu.memory_space<vmem>> -> memref<1x128xi32, #tpu.memory_space<vmem>>
    %dma_start3A_319 = tpu.memref_squeeze %dma_start3A_318 : memref<1x128xi32, #tpu.memory_space<vmem>> -> memref<128xi32, #tpu.memory_space<vmem>>
    %dma_start3A_320 = arith.constant 0 : i32
    %dma_start3A_321 = arith.constant 0 : i32
    %dma_start3A_322 = tpu.memref_slice %arg10[%dma_start3A_320, %dma_start3A_321] : memref<10240x16xf32, #tpu.memory_space<vmem_shared>> -> memref<10240x16xf32, #tpu.memory_space<vmem_shared>>
    tpu.enqueue_indirect_dma source(%dma_start3A_322 : memref<10240x16xf32, #tpu.memory_space<vmem_shared>>) target(%dma_start3A_316 : memref<128x16xf32, #tpu.memory_space<vmem>>) offsets(%dma_start3A_319 : memref<128xi32, #tpu.memory_space<vmem>>) semaphore(%arg12 : memref<!tpu.dma_semaphore, #tpu.memory_space<semaphore_mem>>)
    %dma_start3A_323 = arith.constant 10 : i32
    %dma_start3A_324 = arith.constant 10 : i32
    %dma_start3A_325 = arith.constant 0 : i32
    %dma_start3A_326 = arith.constant 0 : i32
    %dma_start3A_327 = tpu.memref_slice %arg8[%dma_start3A_324, %dma_start3A_325, %dma_start3A_326] : memref<16x128x16xf32, #tpu.memory_space<vmem>> -> memref<1x128x16xf32, #tpu.memory_space<vmem>>
    %dma_start3A_328 = tpu.memref_squeeze %dma_start3A_327 : memref<1x128x16xf32, #tpu.memory_space<vmem>> -> memref<128x16xf32, #tpu.memory_space<vmem>>
    %dma_start3A_329 = arith.constant 0 : i32
    %dma_start3A_330 = tpu.memref_slice %arg6[%dma_start3A_323, %dma_start3A_329] : memref<80x128xi32, #tpu.memory_space<vmem>> -> memref<1x128xi32, #tpu.memory_space<vmem>>
    %dma_start3A_331 = tpu.memref_squeeze %dma_start3A_330 : memref<1x128xi32, #tpu.memory_space<vmem>> -> memref<128xi32, #tpu.memory_space<vmem>>
    %dma_start3A_332 = arith.constant 0 : i32
    %dma_start3A_333 = arith.constant 0 : i32
    %dma_start3A_334 = tpu.memref_slice %arg10[%dma_start3A_332, %dma_start3A_333] : memref<10240x16xf32, #tpu.memory_space<vmem_shared>> -> memref<10240x16xf32, #tpu.memory_space<vmem_shared>>
    tpu.enqueue_indirect_dma source(%dma_start3A_334 : memref<10240x16xf32, #tpu.memory_space<vmem_shared>>) target(%dma_start3A_328 : memref<128x16xf32, #tpu.memory_space<vmem>>) offsets(%dma_start3A_331 : memref<128xi32, #tpu.memory_space<vmem>>) semaphore(%arg12 : memref<!tpu.dma_semaphore, #tpu.memory_space<semaphore_mem>>)
    %dma_start3A_335 = arith.constant 11 : i32
    %dma_start3A_336 = arith.constant 11 : i32
    %dma_start3A_337 = arith.constant 0 : i32
    %dma_start3A_338 = arith.constant 0 : i32
    %dma_start3A_339 = tpu.memref_slice %arg8[%dma_start3A_336, %dma_start3A_337, %dma_start3A_338] : memref<16x128x16xf32, #tpu.memory_space<vmem>> -> memref<1x128x16xf32, #tpu.memory_space<vmem>>
    %dma_start3A_340 = tpu.memref_squeeze %dma_start3A_339 : memref<1x128x16xf32, #tpu.memory_space<vmem>> -> memref<128x16xf32, #tpu.memory_space<vmem>>
    %dma_start3A_341 = arith.constant 0 : i32
    %dma_start3A_342 = tpu.memref_slice %arg6[%dma_start3A_335, %dma_start3A_341] : memref<80x128xi32, #tpu.memory_space<vmem>> -> memref<1x128xi32, #tpu.memory_space<vmem>>
    %dma_start3A_343 = tpu.memref_squeeze %dma_start3A_342 : memref<1x128xi32, #tpu.memory_space<vmem>> -> memref<128xi32, #tpu.memory_space<vmem>>
    %dma_start3A_344 = arith.constant 0 : i32
    %dma_start3A_345 = arith.constant 0 : i32
    %dma_start3A_346 = tpu.memref_slice %arg10[%dma_start3A_344, %dma_start3A_345] : memref<10240x16xf32, #tpu.memory_space<vmem_shared>> -> memref<10240x16xf32, #tpu.memory_space<vmem_shared>>
    tpu.enqueue_indirect_dma source(%dma_start3A_346 : memref<10240x16xf32, #tpu.memory_space<vmem_shared>>) target(%dma_start3A_340 : memref<128x16xf32, #tpu.memory_space<vmem>>) offsets(%dma_start3A_343 : memref<128xi32, #tpu.memory_space<vmem>>) semaphore(%arg12 : memref<!tpu.dma_semaphore, #tpu.memory_space<semaphore_mem>>)
    %dma_start3A_347 = arith.constant 12 : i32
    %dma_start3A_348 = arith.constant 12 : i32
    %dma_start3A_349 = arith.constant 0 : i32
    %dma_start3A_350 = arith.constant 0 : i32
    %dma_start3A_351 = tpu.memref_slice %arg8[%dma_start3A_348, %dma_start3A_349, %dma_start3A_350] : memref<16x128x16xf32, #tpu.memory_space<vmem>> -> memref<1x128x16xf32, #tpu.memory_space<vmem>>
    %dma_start3A_352 = tpu.memref_squeeze %dma_start3A_351 : memref<1x128x16xf32, #tpu.memory_space<vmem>> -> memref<128x16xf32, #tpu.memory_space<vmem>>
    %dma_start3A_353 = arith.constant 0 : i32
    %dma_start3A_354 = tpu.memref_slice %arg6[%dma_start3A_347, %dma_start3A_353] : memref<80x128xi32, #tpu.memory_space<vmem>> -> memref<1x128xi32, #tpu.memory_space<vmem>>
    %dma_start3A_355 = tpu.memref_squeeze %dma_start3A_354 : memref<1x128xi32, #tpu.memory_space<vmem>> -> memref<128xi32, #tpu.memory_space<vmem>>
    %dma_start3A_356 = arith.constant 0 : i32
    %dma_start3A_357 = arith.constant 0 : i32
    %dma_start3A_358 = tpu.memref_slice %arg10[%dma_start3A_356, %dma_start3A_357] : memref<10240x16xf32, #tpu.memory_space<vmem_shared>> -> memref<10240x16xf32, #tpu.memory_space<vmem_shared>>
    tpu.enqueue_indirect_dma source(%dma_start3A_358 : memref<10240x16xf32, #tpu.memory_space<vmem_shared>>) target(%dma_start3A_352 : memref<128x16xf32, #tpu.memory_space<vmem>>) offsets(%dma_start3A_355 : memref<128xi32, #tpu.memory_space<vmem>>) semaphore(%arg12 : memref<!tpu.dma_semaphore, #tpu.memory_space<semaphore_mem>>)
    %dma_start3A_359 = arith.constant 13 : i32
    %dma_start3A_360 = arith.constant 13 : i32
    %dma_start3A_361 = arith.constant 0 : i32
    %dma_start3A_362 = arith.constant 0 : i32
    %dma_start3A_363 = tpu.memref_slice %arg8[%dma_start3A_360, %dma_start3A_361, %dma_start3A_362] : memref<16x128x16xf32, #tpu.memory_space<vmem>> -> memref<1x128x16xf32, #tpu.memory_space<vmem>>
    %dma_start3A_364 = tpu.memref_squeeze %dma_start3A_363 : memref<1x128x16xf32, #tpu.memory_space<vmem>> -> memref<128x16xf32, #tpu.memory_space<vmem>>
    %dma_start3A_365 = arith.constant 0 : i32
    %dma_start3A_366 = tpu.memref_slice %arg6[%dma_start3A_359, %dma_start3A_365] : memref<80x128xi32, #tpu.memory_space<vmem>> -> memref<1x128xi32, #tpu.memory_space<vmem>>
    %dma_start3A_367 = tpu.memref_squeeze %dma_start3A_366 : memref<1x128xi32, #tpu.memory_space<vmem>> -> memref<128xi32, #tpu.memory_space<vmem>>
    %dma_start3A_368 = arith.constant 0 : i32
    %dma_start3A_369 = arith.constant 0 : i32
    %dma_start3A_370 = tpu.memref_slice %arg10[%dma_start3A_368, %dma_start3A_369] : memref<10240x16xf32, #tpu.memory_space<vmem_shared>> -> memref<10240x16xf32, #tpu.memory_space<vmem_shared>>
    tpu.enqueue_indirect_dma source(%dma_start3A_370 : memref<10240x16xf32, #tpu.memory_space<vmem_shared>>) target(%dma_start3A_364 : memref<128x16xf32, #tpu.memory_space<vmem>>) offsets(%dma_start3A_367 : memref<128xi32, #tpu.memory_space<vmem>>) semaphore(%arg12 : memref<!tpu.dma_semaphore, #tpu.memory_space<semaphore_mem>>)
    %dma_start3A_371 = arith.constant 14 : i32
    %dma_start3A_372 = arith.constant 14 : i32
    %dma_start3A_373 = arith.constant 0 : i32
    %dma_start3A_374 = arith.constant 0 : i32
    %dma_start3A_375 = tpu.memref_slice %arg8[%dma_start3A_372, %dma_start3A_373, %dma_start3A_374] : memref<16x128x16xf32, #tpu.memory_space<vmem>> -> memref<1x128x16xf32, #tpu.memory_space<vmem>>
    %dma_start3A_376 = tpu.memref_squeeze %dma_start3A_375 : memref<1x128x16xf32, #tpu.memory_space<vmem>> -> memref<128x16xf32, #tpu.memory_space<vmem>>
    %dma_start3A_377 = arith.constant 0 : i32
    %dma_start3A_378 = tpu.memref_slice %arg6[%dma_start3A_371, %dma_start3A_377] : memref<80x128xi32, #tpu.memory_space<vmem>> -> memref<1x128xi32, #tpu.memory_space<vmem>>
    %dma_start3A_379 = tpu.memref_squeeze %dma_start3A_378 : memref<1x128xi32, #tpu.memory_space<vmem>> -> memref<128xi32, #tpu.memory_space<vmem>>
    %dma_start3A_380 = arith.constant 0 : i32
    %dma_start3A_381 = arith.constant 0 : i32
    %dma_start3A_382 = tpu.memref_slice %arg10[%dma_start3A_380, %dma_start3A_381] : memref<10240x16xf32, #tpu.memory_space<vmem_shared>> -> memref<10240x16xf32, #tpu.memory_space<vmem_shared>>
    tpu.enqueue_indirect_dma source(%dma_start3A_382 : memref<10240x16xf32, #tpu.memory_space<vmem_shared>>) target(%dma_start3A_376 : memref<128x16xf32, #tpu.memory_space<vmem>>) offsets(%dma_start3A_379 : memref<128xi32, #tpu.memory_space<vmem>>) semaphore(%arg12 : memref<!tpu.dma_semaphore, #tpu.memory_space<semaphore_mem>>)
    %dma_start3A_383 = arith.constant 15 : i32
    %dma_start3A_384 = arith.constant 15 : i32
    %dma_start3A_385 = arith.constant 0 : i32
    %dma_start3A_386 = arith.constant 0 : i32
    %dma_start3A_387 = tpu.memref_slice %arg8[%dma_start3A_384, %dma_start3A_385, %dma_start3A_386] : memref<16x128x16xf32, #tpu.memory_space<vmem>> -> memref<1x128x16xf32, #tpu.memory_space<vmem>>
    %dma_start3A_388 = tpu.memref_squeeze %dma_start3A_387 : memref<1x128x16xf32, #tpu.memory_space<vmem>> -> memref<128x16xf32, #tpu.memory_space<vmem>>
    %dma_start3A_389 = arith.constant 0 : i32
    %dma_start3A_390 = tpu.memref_slice %arg6[%dma_start3A_383, %dma_start3A_389] : memref<80x128xi32, #tpu.memory_space<vmem>> -> memref<1x128xi32, #tpu.memory_space<vmem>>
    %dma_start3A_391 = tpu.memref_squeeze %dma_start3A_390 : memref<1x128xi32, #tpu.memory_space<vmem>> -> memref<128xi32, #tpu.memory_space<vmem>>
    %dma_start3A_392 = arith.constant 0 : i32
    %dma_start3A_393 = arith.constant 0 : i32
    %dma_start3A_394 = tpu.memref_slice %arg10[%dma_start3A_392, %dma_start3A_393] : memref<10240x16xf32, #tpu.memory_space<vmem_shared>> -> memref<10240x16xf32, #tpu.memory_space<vmem_shared>>
    tpu.enqueue_indirect_dma source(%dma_start3A_394 : memref<10240x16xf32, #tpu.memory_space<vmem_shared>>) target(%dma_start3A_388 : memref<128x16xf32, #tpu.memory_space<vmem>>) offsets(%dma_start3A_391 : memref<128xi32, #tpu.memory_space<vmem>>) semaphore(%arg12 : memref<!tpu.dma_semaphore, #tpu.memory_space<semaphore_mem>>)
    %scan3A_395 = arith.constant 0 : i32
    %scan3A_396 = arith.constant 9 : i32
    %scan3A_397 = arith.addi %scan3A_395, %scan3A_396 : i32
    %scan3A_398 = arith.constant 1 : i32
    scf.for %scan3A_600 = %scan3A_395 to %scan3A_397 step %scan3A_398  : i32 {
      %mul3A_601 = arith.constant 1 : i32
      %mul3A_602 = arith.muli %scan3A_600, %mul3A_601 : i32
      %add3A_603 = arith.constant 1 : i32
      %add3A_604 = arith.addi %add3A_603, %mul3A_602 : i32
      %jit3A = arith.constant 2 : i32
      %eq3A = arith.constant 0 : i32
      %eq3A_605 = arith.cmpi eq, %jit3A, %eq3A : i32
      %jit3A_606 = arith.constant 1 : i32
      %select_n3A = arith.select %eq3A_605, %jit3A_606, %jit3A : i32
      %rem3A = arith.remsi %add3A_604, %select_n3A : i32
      %ne3A = arith.constant 0 : i32
      %ne3A_607 = arith.cmpi ne, %rem3A, %ne3A : i32
      %lt3A = arith.constant 0 : i32
      %lt3A_608 = arith.cmpi slt, %rem3A, %lt3A : i32
      %lt3A_609 = arith.constant 0 : i32
      %lt3A_610 = arith.cmpi slt, %select_n3A, %lt3A_609 : i32
      %ne3A_611 = arith.xori %lt3A_608, %lt3A_610 : i1
      %and3A = arith.andi %ne3A_611, %ne3A_607 : i1
      %add3A_612 = arith.addi %rem3A, %select_n3A : i32
      %select_n3A_613 = arith.select %and3A, %add3A_612, %rem3A : i32
      %mul3A_614 = arith.constant 8 : i32
      %mul3A_615 = arith.muli %select_n3A_613, %mul3A_614 : i32
      %add3A_616 = arith.constant 1 : i32
      %add3A_617 = arith.addi %add3A_604, %add3A_616 : i32
      %jit3A_618 = arith.constant 2 : i32
      %eq3A_619 = arith.constant 0 : i32
      %eq3A_620 = arith.cmpi eq, %jit3A_618, %eq3A_619 : i32
      %jit3A_621 = arith.constant 1 : i32
      %select_n3A_622 = arith.select %eq3A_620, %jit3A_621, %jit3A_618 : i32
      %rem3A_623 = arith.remsi %add3A_617, %select_n3A_622 : i32
      %ne3A_624 = arith.constant 0 : i32
      %ne3A_625 = arith.cmpi ne, %rem3A_623, %ne3A_624 : i32
      %lt3A_626 = arith.constant 0 : i32
      %lt3A_627 = arith.cmpi slt, %rem3A_623, %lt3A_626 : i32
      %lt3A_628 = arith.constant 0 : i32
      %lt3A_629 = arith.cmpi slt, %select_n3A_622, %lt3A_628 : i32
      %ne3A_630 = arith.xori %lt3A_627, %lt3A_629 : i1
      %and3A_631 = arith.andi %ne3A_630, %ne3A_625 : i1
      %add3A_632 = arith.addi %rem3A_623, %select_n3A_622 : i32
      %select_n3A_633 = arith.select %and3A_631, %add3A_632, %rem3A_623 : i32
      %mul3A_634 = arith.constant 8 : i32
      %mul3A_635 = arith.muli %select_n3A_633, %mul3A_634 : i32
      %mul3A_636 = arith.constant 8 : i32
      %mul3A_637 = arith.muli %add3A_604, %mul3A_636 : i32
      %add3A_638 = arith.constant 1 : i32
      %add3A_639 = arith.addi %add3A_604, %add3A_638 : i32
      %jit3A_640 = arith.constant 10 : i32
      %eq3A_641 = arith.constant 0 : i32
      %eq3A_642 = arith.cmpi eq, %jit3A_640, %eq3A_641 : i32
      %jit3A_643 = arith.constant 1 : i32
      %select_n3A_644 = arith.select %eq3A_642, %jit3A_643, %jit3A_640 : i32
      %rem3A_645 = arith.remsi %add3A_639, %select_n3A_644 : i32
      %ne3A_646 = arith.constant 0 : i32
      %ne3A_647 = arith.cmpi ne, %rem3A_645, %ne3A_646 : i32
      %lt3A_648 = arith.constant 0 : i32
      %lt3A_649 = arith.cmpi slt, %rem3A_645, %lt3A_648 : i32
      %lt3A_650 = arith.constant 0 : i32
      %lt3A_651 = arith.cmpi slt, %select_n3A_644, %lt3A_650 : i32
      %ne3A_652 = arith.xori %lt3A_649, %lt3A_651 : i1
      %and3A_653 = arith.andi %ne3A_652, %ne3A_647 : i1
      %add3A_654 = arith.addi %rem3A_645, %select_n3A_644 : i32
      %select_n3A_655 = arith.select %and3A_653, %add3A_654, %rem3A_645 : i32
      %mul3A_656 = arith.constant 8 : i32
      %mul3A_657 = arith.muli %select_n3A_655, %mul3A_656 : i32
      %dma_wait3A_658 = arith.constant 0 : i32
      %dma_wait3A_659 = arith.constant 0 : i32
      %dma_wait3A_660 = arith.constant 0 : i32
      %dma_wait3A_661 = arith.constant 0 : i32
      %dma_wait3A_662 = tpu.memref_slice %arg8[%dma_wait3A_659, %dma_wait3A_660, %dma_wait3A_661] : memref<16x128x16xf32, #tpu.memory_space<vmem>> -> memref<1x128x16xf32, #tpu.memory_space<vmem>>
      %dma_wait3A_663 = tpu.memref_squeeze %dma_wait3A_662 : memref<1x128x16xf32, #tpu.memory_space<vmem>> -> memref<128x16xf32, #tpu.memory_space<vmem>>
      %dma_wait3A_664 = arith.constant 0 : i32
      %dma_wait3A_665 = tpu.memref_slice %arg6[%dma_wait3A_658, %dma_wait3A_664] : memref<80x128xi32, #tpu.memory_space<vmem>> -> memref<1x128xi32, #tpu.memory_space<vmem>>
      %dma_wait3A_666 = tpu.memref_squeeze %dma_wait3A_665 : memref<1x128xi32, #tpu.memory_space<vmem>> -> memref<128xi32, #tpu.memory_space<vmem>>
      %dma_wait3A_667 = arith.constant 0 : i32
      %dma_wait3A_668 = arith.constant 0 : i32
      %dma_wait3A_669 = tpu.memref_slice %arg10[%dma_wait3A_667, %dma_wait3A_668] : memref<10240x16xf32, #tpu.memory_space<vmem_shared>> -> memref<10240x16xf32, #tpu.memory_space<vmem_shared>>
      tpu.wait_indirect_dma semaphore(%arg12 : memref<!tpu.dma_semaphore, #tpu.memory_space<semaphore_mem>>) src(%dma_wait3A_669 : memref<10240x16xf32, #tpu.memory_space<vmem_shared>>) dst(%dma_wait3A_663 : memref<128x16xf32, #tpu.memory_space<vmem>>)
      %dma_wait3A_670 = arith.constant 0 : i32
      %dma_wait3A_671 = arith.constant 0 : i32
      %dma_wait3A_672 = arith.constant 0 : i32
      %dma_wait3A_673 = arith.constant 0 : i32
      %dma_wait3A_674 = tpu.memref_slice %arg8[%dma_wait3A_671, %dma_wait3A_672, %dma_wait3A_673] : memref<16x128x16xf32, #tpu.memory_space<vmem>> -> memref<1x128x16xf32, #tpu.memory_space<vmem>>
      %dma_wait3A_675 = tpu.memref_squeeze %dma_wait3A_674 : memref<1x128x16xf32, #tpu.memory_space<vmem>> -> memref<128x16xf32, #tpu.memory_space<vmem>>
      %dma_wait3A_676 = arith.constant 0 : i32
      %dma_wait3A_677 = tpu.memref_slice %arg6[%dma_wait3A_670, %dma_wait3A_676] : memref<80x128xi32, #tpu.memory_space<vmem>> -> memref<1x128xi32, #tpu.memory_space<vmem>>
      %dma_wait3A_678 = tpu.memref_squeeze %dma_wait3A_677 : memref<1x128xi32, #tpu.memory_space<vmem>> -> memref<128xi32, #tpu.memory_space<vmem>>
      %dma_wait3A_679 = arith.constant 0 : i32
      %dma_wait3A_680 = arith.constant 0 : i32
      %dma_wait3A_681 = tpu.memref_slice %arg10[%dma_wait3A_679, %dma_wait3A_680] : memref<10240x16xf32, #tpu.memory_space<vmem_shared>> -> memref<10240x16xf32, #tpu.memory_space<vmem_shared>>
      tpu.wait_indirect_dma semaphore(%arg12 : memref<!tpu.dma_semaphore, #tpu.memory_space<semaphore_mem>>) src(%dma_wait3A_681 : memref<10240x16xf32, #tpu.memory_space<vmem_shared>>) dst(%dma_wait3A_675 : memref<128x16xf32, #tpu.memory_space<vmem>>)
      %dma_wait3A_682 = arith.constant 0 : i32
      %dma_wait3A_683 = arith.constant 0 : i32
      %dma_wait3A_684 = arith.constant 0 : i32
      %dma_wait3A_685 = arith.constant 0 : i32
      %dma_wait3A_686 = tpu.memref_slice %arg8[%dma_wait3A_683, %dma_wait3A_684, %dma_wait3A_685] : memref<16x128x16xf32, #tpu.memory_space<vmem>> -> memref<1x128x16xf32, #tpu.memory_space<vmem>>
      %dma_wait3A_687 = tpu.memref_squeeze %dma_wait3A_686 : memref<1x128x16xf32, #tpu.memory_space<vmem>> -> memref<128x16xf32, #tpu.memory_space<vmem>>
      %dma_wait3A_688 = arith.constant 0 : i32
      %dma_wait3A_689 = tpu.memref_slice %arg6[%dma_wait3A_682, %dma_wait3A_688] : memref<80x128xi32, #tpu.memory_space<vmem>> -> memref<1x128xi32, #tpu.memory_space<vmem>>
      %dma_wait3A_690 = tpu.memref_squeeze %dma_wait3A_689 : memref<1x128xi32, #tpu.memory_space<vmem>> -> memref<128xi32, #tpu.memory_space<vmem>>
      %dma_wait3A_691 = arith.constant 0 : i32
      %dma_wait3A_692 = arith.constant 0 : i32
      %dma_wait3A_693 = tpu.memref_slice %arg10[%dma_wait3A_691, %dma_wait3A_692] : memref<10240x16xf32, #tpu.memory_space<vmem_shared>> -> memref<10240x16xf32, #tpu.memory_space<vmem_shared>>
      tpu.wait_indirect_dma semaphore(%arg12 : memref<!tpu.dma_semaphore, #tpu.memory_space<semaphore_mem>>) src(%dma_wait3A_693 : memref<10240x16xf32, #tpu.memory_space<vmem_shared>>) dst(%dma_wait3A_687 : memref<128x16xf32, #tpu.memory_space<vmem>>)
      %dma_wait3A_694 = arith.constant 0 : i32
      %dma_wait3A_695 = arith.constant 0 : i32
      %dma_wait3A_696 = arith.constant 0 : i32
      %dma_wait3A_697 = arith.constant 0 : i32
      %dma_wait3A_698 = tpu.memref_slice %arg8[%dma_wait3A_695, %dma_wait3A_696, %dma_wait3A_697] : memref<16x128x16xf32, #tpu.memory_space<vmem>> -> memref<1x128x16xf32, #tpu.memory_space<vmem>>
      %dma_wait3A_699 = tpu.memref_squeeze %dma_wait3A_698 : memref<1x128x16xf32, #tpu.memory_space<vmem>> -> memref<128x16xf32, #tpu.memory_space<vmem>>
      %dma_wait3A_700 = arith.constant 0 : i32
      %dma_wait3A_701 = tpu.memref_slice %arg6[%dma_wait3A_694, %dma_wait3A_700] : memref<80x128xi32, #tpu.memory_space<vmem>> -> memref<1x128xi32, #tpu.memory_space<vmem>>
      %dma_wait3A_702 = tpu.memref_squeeze %dma_wait3A_701 : memref<1x128xi32, #tpu.memory_space<vmem>> -> memref<128xi32, #tpu.memory_space<vmem>>
      %dma_wait3A_703 = arith.constant 0 : i32
      %dma_wait3A_704 = arith.constant 0 : i32
      %dma_wait3A_705 = tpu.memref_slice %arg10[%dma_wait3A_703, %dma_wait3A_704] : memref<10240x16xf32, #tpu.memory_space<vmem_shared>> -> memref<10240x16xf32, #tpu.memory_space<vmem_shared>>
      tpu.wait_indirect_dma semaphore(%arg12 : memref<!tpu.dma_semaphore, #tpu.memory_space<semaphore_mem>>) src(%dma_wait3A_705 : memref<10240x16xf32, #tpu.memory_space<vmem_shared>>) dst(%dma_wait3A_699 : memref<128x16xf32, #tpu.memory_space<vmem>>)
      %dma_wait3A_706 = arith.constant 0 : i32
      %dma_wait3A_707 = arith.constant 0 : i32
      %dma_wait3A_708 = arith.constant 0 : i32
      %dma_wait3A_709 = arith.constant 0 : i32
      %dma_wait3A_710 = tpu.memref_slice %arg8[%dma_wait3A_707, %dma_wait3A_708, %dma_wait3A_709] : memref<16x128x16xf32, #tpu.memory_space<vmem>> -> memref<1x128x16xf32, #tpu.memory_space<vmem>>
      %dma_wait3A_711 = tpu.memref_squeeze %dma_wait3A_710 : memref<1x128x16xf32, #tpu.memory_space<vmem>> -> memref<128x16xf32, #tpu.memory_space<vmem>>
      %dma_wait3A_712 = arith.constant 0 : i32
      %dma_wait3A_713 = tpu.memref_slice %arg6[%dma_wait3A_706, %dma_wait3A_712] : memref<80x128xi32, #tpu.memory_space<vmem>> -> memref<1x128xi32, #tpu.memory_space<vmem>>
      %dma_wait3A_714 = tpu.memref_squeeze %dma_wait3A_713 : memref<1x128xi32, #tpu.memory_space<vmem>> -> memref<128xi32, #tpu.memory_space<vmem>>
      %dma_wait3A_715 = arith.constant 0 : i32
      %dma_wait3A_716 = arith.constant 0 : i32
      %dma_wait3A_717 = tpu.memref_slice %arg10[%dma_wait3A_715, %dma_wait3A_716] : memref<10240x16xf32, #tpu.memory_space<vmem_shared>> -> memref<10240x16xf32, #tpu.memory_space<vmem_shared>>
      tpu.wait_indirect_dma semaphore(%arg12 : memref<!tpu.dma_semaphore, #tpu.memory_space<semaphore_mem>>) src(%dma_wait3A_717 : memref<10240x16xf32, #tpu.memory_space<vmem_shared>>) dst(%dma_wait3A_711 : memref<128x16xf32, #tpu.memory_space<vmem>>)
      %dma_wait3A_718 = arith.constant 0 : i32
      %dma_wait3A_719 = arith.constant 0 : i32
      %dma_wait3A_720 = arith.constant 0 : i32
      %dma_wait3A_721 = arith.constant 0 : i32
      %dma_wait3A_722 = tpu.memref_slice %arg8[%dma_wait3A_719, %dma_wait3A_720, %dma_wait3A_721] : memref<16x128x16xf32, #tpu.memory_space<vmem>> -> memref<1x128x16xf32, #tpu.memory_space<vmem>>
      %dma_wait3A_723 = tpu.memref_squeeze %dma_wait3A_722 : memref<1x128x16xf32, #tpu.memory_space<vmem>> -> memref<128x16xf32, #tpu.memory_space<vmem>>
      %dma_wait3A_724 = arith.constant 0 : i32
      %dma_wait3A_725 = tpu.memref_slice %arg6[%dma_wait3A_718, %dma_wait3A_724] : memref<80x128xi32, #tpu.memory_space<vmem>> -> memref<1x128xi32, #tpu.memory_space<vmem>>
      %dma_wait3A_726 = tpu.memref_squeeze %dma_wait3A_725 : memref<1x128xi32, #tpu.memory_space<vmem>> -> memref<128xi32, #tpu.memory_space<vmem>>
      %dma_wait3A_727 = arith.constant 0 : i32
      %dma_wait3A_728 = arith.constant 0 : i32
      %dma_wait3A_729 = tpu.memref_slice %arg10[%dma_wait3A_727, %dma_wait3A_728] : memref<10240x16xf32, #tpu.memory_space<vmem_shared>> -> memref<10240x16xf32, #tpu.memory_space<vmem_shared>>
      tpu.wait_indirect_dma semaphore(%arg12 : memref<!tpu.dma_semaphore, #tpu.memory_space<semaphore_mem>>) src(%dma_wait3A_729 : memref<10240x16xf32, #tpu.memory_space<vmem_shared>>) dst(%dma_wait3A_723 : memref<128x16xf32, #tpu.memory_space<vmem>>)
      %dma_wait3A_730 = arith.constant 0 : i32
      %dma_wait3A_731 = arith.constant 0 : i32
      %dma_wait3A_732 = arith.constant 0 : i32
      %dma_wait3A_733 = arith.constant 0 : i32
      %dma_wait3A_734 = tpu.memref_slice %arg8[%dma_wait3A_731, %dma_wait3A_732, %dma_wait3A_733] : memref<16x128x16xf32, #tpu.memory_space<vmem>> -> memref<1x128x16xf32, #tpu.memory_space<vmem>>
      %dma_wait3A_735 = tpu.memref_squeeze %dma_wait3A_734 : memref<1x128x16xf32, #tpu.memory_space<vmem>> -> memref<128x16xf32, #tpu.memory_space<vmem>>
      %dma_wait3A_736 = arith.constant 0 : i32
      %dma_wait3A_737 = tpu.memref_slice %arg6[%dma_wait3A_730, %dma_wait3A_736] : memref<80x128xi32, #tpu.memory_space<vmem>> -> memref<1x128xi32, #tpu.memory_space<vmem>>
      %dma_wait3A_738 = tpu.memref_squeeze %dma_wait3A_737 : memref<1x128xi32, #tpu.memory_space<vmem>> -> memref<128xi32, #tpu.memory_space<vmem>>
      %dma_wait3A_739 = arith.constant 0 : i32
      %dma_wait3A_740 = arith.constant 0 : i32
      %dma_wait3A_741 = tpu.memref_slice %arg10[%dma_wait3A_739, %dma_wait3A_740] : memref<10240x16xf32, #tpu.memory_space<vmem_shared>> -> memref<10240x16xf32, #tpu.memory_space<vmem_shared>>
      tpu.wait_indirect_dma semaphore(%arg12 : memref<!tpu.dma_semaphore, #tpu.memory_space<semaphore_mem>>) src(%dma_wait3A_741 : memref<10240x16xf32, #tpu.memory_space<vmem_shared>>) dst(%dma_wait3A_735 : memref<128x16xf32, #tpu.memory_space<vmem>>)
      %dma_wait3A_742 = arith.constant 0 : i32
      %dma_wait3A_743 = arith.constant 0 : i32
      %dma_wait3A_744 = arith.constant 0 : i32
      %dma_wait3A_745 = arith.constant 0 : i32
      %dma_wait3A_746 = tpu.memref_slice %arg8[%dma_wait3A_743, %dma_wait3A_744, %dma_wait3A_745] : memref<16x128x16xf32, #tpu.memory_space<vmem>> -> memref<1x128x16xf32, #tpu.memory_space<vmem>>
      %dma_wait3A_747 = tpu.memref_squeeze %dma_wait3A_746 : memref<1x128x16xf32, #tpu.memory_space<vmem>> -> memref<128x16xf32, #tpu.memory_space<vmem>>
      %dma_wait3A_748 = arith.constant 0 : i32
      %dma_wait3A_749 = tpu.memref_slice %arg6[%dma_wait3A_742, %dma_wait3A_748] : memref<80x128xi32, #tpu.memory_space<vmem>> -> memref<1x128xi32, #tpu.memory_space<vmem>>
      %dma_wait3A_750 = tpu.memref_squeeze %dma_wait3A_749 : memref<1x128xi32, #tpu.memory_space<vmem>> -> memref<128xi32, #tpu.memory_space<vmem>>
      %dma_wait3A_751 = arith.constant 0 : i32
      %dma_wait3A_752 = arith.constant 0 : i32
      %dma_wait3A_753 = tpu.memref_slice %arg10[%dma_wait3A_751, %dma_wait3A_752] : memref<10240x16xf32, #tpu.memory_space<vmem_shared>> -> memref<10240x16xf32, #tpu.memory_space<vmem_shared>>
      tpu.wait_indirect_dma semaphore(%arg12 : memref<!tpu.dma_semaphore, #tpu.memory_space<semaphore_mem>>) src(%dma_wait3A_753 : memref<10240x16xf32, #tpu.memory_space<vmem_shared>>) dst(%dma_wait3A_747 : memref<128x16xf32, #tpu.memory_space<vmem>>)
      %dma_wait3A_754 = arith.constant 0 : i32
      %dma_wait3A_755 = arith.constant 0 : i32
      %dma_wait3A_756 = arith.constant 0 : i32
      %dma_wait3A_757 = arith.constant 0 : i32
      %dma_wait3A_758 = tpu.memref_slice %arg8[%dma_wait3A_754, %dma_wait3A_756, %dma_wait3A_757] : memref<16x128x16xf32, #tpu.memory_space<vmem>> -> memref<1x128x16xf32, #tpu.memory_space<vmem>>
      %dma_wait3A_759 = tpu.memref_squeeze %dma_wait3A_758 : memref<1x128x16xf32, #tpu.memory_space<vmem>> -> memref<128x16xf32, #tpu.memory_space<vmem>>
      %dma_wait3A_760 = arith.constant 0 : i32
      %dma_wait3A_761 = tpu.memref_slice %arg7[%dma_wait3A_755, %dma_wait3A_760] : memref<80x128xi32, #tpu.memory_space<vmem>> -> memref<1x128xi32, #tpu.memory_space<vmem>>
      %dma_wait3A_762 = tpu.memref_squeeze %dma_wait3A_761 : memref<1x128xi32, #tpu.memory_space<vmem>> -> memref<128xi32, #tpu.memory_space<vmem>>
      %dma_wait3A_763 = arith.constant 0 : i32
      %dma_wait3A_764 = arith.constant 0 : i32
      %dma_wait3A_765 = tpu.memref_slice %arg11[%dma_wait3A_763, %dma_wait3A_764] : memref<10240x16xf32, #tpu.memory_space<vmem_shared>> -> memref<10240x16xf32, #tpu.memory_space<vmem_shared>>
      tpu.wait_indirect_dma semaphore(%arg13 : memref<!tpu.dma_semaphore, #tpu.memory_space<semaphore_mem>>) src(%dma_wait3A_759 : memref<128x16xf32, #tpu.memory_space<vmem>>) dst(%dma_wait3A_765 : memref<10240x16xf32, #tpu.memory_space<vmem_shared>>)
      %dma_wait3A_766 = arith.constant 0 : i32
      %dma_wait3A_767 = arith.constant 0 : i32
      %dma_wait3A_768 = arith.constant 0 : i32
      %dma_wait3A_769 = arith.constant 0 : i32
      %dma_wait3A_770 = tpu.memref_slice %arg8[%dma_wait3A_766, %dma_wait3A_768, %dma_wait3A_769] : memref<16x128x16xf32, #tpu.memory_space<vmem>> -> memref<1x128x16xf32, #tpu.memory_space<vmem>>
      %dma_wait3A_771 = tpu.memref_squeeze %dma_wait3A_770 : memref<1x128x16xf32, #tpu.memory_space<vmem>> -> memref<128x16xf32, #tpu.memory_space<vmem>>
      %dma_wait3A_772 = arith.constant 0 : i32
      %dma_wait3A_773 = tpu.memref_slice %arg7[%dma_wait3A_767, %dma_wait3A_772] : memref<80x128xi32, #tpu.memory_space<vmem>> -> memref<1x128xi32, #tpu.memory_space<vmem>>
      %dma_wait3A_774 = tpu.memref_squeeze %dma_wait3A_773 : memref<1x128xi32, #tpu.memory_space<vmem>> -> memref<128xi32, #tpu.memory_space<vmem>>
      %dma_wait3A_775 = arith.constant 0 : i32
      %dma_wait3A_776 = arith.constant 0 : i32
      %dma_wait3A_777 = tpu.memref_slice %arg11[%dma_wait3A_775, %dma_wait3A_776] : memref<10240x16xf32, #tpu.memory_space<vmem_shared>> -> memref<10240x16xf32, #tpu.memory_space<vmem_shared>>
      tpu.wait_indirect_dma semaphore(%arg13 : memref<!tpu.dma_semaphore, #tpu.memory_space<semaphore_mem>>) src(%dma_wait3A_771 : memref<128x16xf32, #tpu.memory_space<vmem>>) dst(%dma_wait3A_777 : memref<10240x16xf32, #tpu.memory_space<vmem_shared>>)
      %dma_wait3A_778 = arith.constant 0 : i32
      %dma_wait3A_779 = arith.constant 0 : i32
      %dma_wait3A_780 = arith.constant 0 : i32
      %dma_wait3A_781 = arith.constant 0 : i32
      %dma_wait3A_782 = tpu.memref_slice %arg8[%dma_wait3A_778, %dma_wait3A_780, %dma_wait3A_781] : memref<16x128x16xf32, #tpu.memory_space<vmem>> -> memref<1x128x16xf32, #tpu.memory_space<vmem>>
      %dma_wait3A_783 = tpu.memref_squeeze %dma_wait3A_782 : memref<1x128x16xf32, #tpu.memory_space<vmem>> -> memref<128x16xf32, #tpu.memory_space<vmem>>
      %dma_wait3A_784 = arith.constant 0 : i32
      %dma_wait3A_785 = tpu.memref_slice %arg7[%dma_wait3A_779, %dma_wait3A_784] : memref<80x128xi32, #tpu.memory_space<vmem>> -> memref<1x128xi32, #tpu.memory_space<vmem>>
      %dma_wait3A_786 = tpu.memref_squeeze %dma_wait3A_785 : memref<1x128xi32, #tpu.memory_space<vmem>> -> memref<128xi32, #tpu.memory_space<vmem>>
      %dma_wait3A_787 = arith.constant 0 : i32
      %dma_wait3A_788 = arith.constant 0 : i32
      %dma_wait3A_789 = tpu.memref_slice %arg11[%dma_wait3A_787, %dma_wait3A_788] : memref<10240x16xf32, #tpu.memory_space<vmem_shared>> -> memref<10240x16xf32, #tpu.memory_space<vmem_shared>>
      tpu.wait_indirect_dma semaphore(%arg13 : memref<!tpu.dma_semaphore, #tpu.memory_space<semaphore_mem>>) src(%dma_wait3A_783 : memref<128x16xf32, #tpu.memory_space<vmem>>) dst(%dma_wait3A_789 : memref<10240x16xf32, #tpu.memory_space<vmem_shared>>)
      %dma_wait3A_790 = arith.constant 0 : i32
      %dma_wait3A_791 = arith.constant 0 : i32
      %dma_wait3A_792 = arith.constant 0 : i32
      %dma_wait3A_793 = arith.constant 0 : i32
      %dma_wait3A_794 = tpu.memref_slice %arg8[%dma_wait3A_790, %dma_wait3A_792, %dma_wait3A_793] : memref<16x128x16xf32, #tpu.memory_space<vmem>> -> memref<1x128x16xf32, #tpu.memory_space<vmem>>
      %dma_wait3A_795 = tpu.memref_squeeze %dma_wait3A_794 : memref<1x128x16xf32, #tpu.memory_space<vmem>> -> memref<128x16xf32, #tpu.memory_space<vmem>>
      %dma_wait3A_796 = arith.constant 0 : i32
      %dma_wait3A_797 = tpu.memref_slice %arg7[%dma_wait3A_791, %dma_wait3A_796] : memref<80x128xi32, #tpu.memory_space<vmem>> -> memref<1x128xi32, #tpu.memory_space<vmem>>
      %dma_wait3A_798 = tpu.memref_squeeze %dma_wait3A_797 : memref<1x128xi32, #tpu.memory_space<vmem>> -> memref<128xi32, #tpu.memory_space<vmem>>
      %dma_wait3A_799 = arith.constant 0 : i32
      %dma_wait3A_800 = arith.constant 0 : i32
      %dma_wait3A_801 = tpu.memref_slice %arg11[%dma_wait3A_799, %dma_wait3A_800] : memref<10240x16xf32, #tpu.memory_space<vmem_shared>> -> memref<10240x16xf32, #tpu.memory_space<vmem_shared>>
      tpu.wait_indirect_dma semaphore(%arg13 : memref<!tpu.dma_semaphore, #tpu.memory_space<semaphore_mem>>) src(%dma_wait3A_795 : memref<128x16xf32, #tpu.memory_space<vmem>>) dst(%dma_wait3A_801 : memref<10240x16xf32, #tpu.memory_space<vmem_shared>>)
      %dma_wait3A_802 = arith.constant 0 : i32
      %dma_wait3A_803 = arith.constant 0 : i32
      %dma_wait3A_804 = arith.constant 0 : i32
      %dma_wait3A_805 = arith.constant 0 : i32
      %dma_wait3A_806 = tpu.memref_slice %arg8[%dma_wait3A_802, %dma_wait3A_804, %dma_wait3A_805] : memref<16x128x16xf32, #tpu.memory_space<vmem>> -> memref<1x128x16xf32, #tpu.memory_space<vmem>>
      %dma_wait3A_807 = tpu.memref_squeeze %dma_wait3A_806 : memref<1x128x16xf32, #tpu.memory_space<vmem>> -> memref<128x16xf32, #tpu.memory_space<vmem>>
      %dma_wait3A_808 = arith.constant 0 : i32
      %dma_wait3A_809 = tpu.memref_slice %arg7[%dma_wait3A_803, %dma_wait3A_808] : memref<80x128xi32, #tpu.memory_space<vmem>> -> memref<1x128xi32, #tpu.memory_space<vmem>>
      %dma_wait3A_810 = tpu.memref_squeeze %dma_wait3A_809 : memref<1x128xi32, #tpu.memory_space<vmem>> -> memref<128xi32, #tpu.memory_space<vmem>>
      %dma_wait3A_811 = arith.constant 0 : i32
      %dma_wait3A_812 = arith.constant 0 : i32
      %dma_wait3A_813 = tpu.memref_slice %arg11[%dma_wait3A_811, %dma_wait3A_812] : memref<10240x16xf32, #tpu.memory_space<vmem_shared>> -> memref<10240x16xf32, #tpu.memory_space<vmem_shared>>
      tpu.wait_indirect_dma semaphore(%arg13 : memref<!tpu.dma_semaphore, #tpu.memory_space<semaphore_mem>>) src(%dma_wait3A_807 : memref<128x16xf32, #tpu.memory_space<vmem>>) dst(%dma_wait3A_813 : memref<10240x16xf32, #tpu.memory_space<vmem_shared>>)
      %dma_wait3A_814 = arith.constant 0 : i32
      %dma_wait3A_815 = arith.constant 0 : i32
      %dma_wait3A_816 = arith.constant 0 : i32
      %dma_wait3A_817 = arith.constant 0 : i32
      %dma_wait3A_818 = tpu.memref_slice %arg8[%dma_wait3A_814, %dma_wait3A_816, %dma_wait3A_817] : memref<16x128x16xf32, #tpu.memory_space<vmem>> -> memref<1x128x16xf32, #tpu.memory_space<vmem>>
      %dma_wait3A_819 = tpu.memref_squeeze %dma_wait3A_818 : memref<1x128x16xf32, #tpu.memory_space<vmem>> -> memref<128x16xf32, #tpu.memory_space<vmem>>
      %dma_wait3A_820 = arith.constant 0 : i32
      %dma_wait3A_821 = tpu.memref_slice %arg7[%dma_wait3A_815, %dma_wait3A_820] : memref<80x128xi32, #tpu.memory_space<vmem>> -> memref<1x128xi32, #tpu.memory_space<vmem>>
      %dma_wait3A_822 = tpu.memref_squeeze %dma_wait3A_821 : memref<1x128xi32, #tpu.memory_space<vmem>> -> memref<128xi32, #tpu.memory_space<vmem>>
      %dma_wait3A_823 = arith.constant 0 : i32
      %dma_wait3A_824 = arith.constant 0 : i32
      %dma_wait3A_825 = tpu.memref_slice %arg11[%dma_wait3A_823, %dma_wait3A_824] : memref<10240x16xf32, #tpu.memory_space<vmem_shared>> -> memref<10240x16xf32, #tpu.memory_space<vmem_shared>>
      tpu.wait_indirect_dma semaphore(%arg13 : memref<!tpu.dma_semaphore, #tpu.memory_space<semaphore_mem>>) src(%dma_wait3A_819 : memref<128x16xf32, #tpu.memory_space<vmem>>) dst(%dma_wait3A_825 : memref<10240x16xf32, #tpu.memory_space<vmem_shared>>)
      %dma_wait3A_826 = arith.constant 0 : i32
      %dma_wait3A_827 = arith.constant 0 : i32
      %dma_wait3A_828 = arith.constant 0 : i32
      %dma_wait3A_829 = arith.constant 0 : i32
      %dma_wait3A_830 = tpu.memref_slice %arg8[%dma_wait3A_826, %dma_wait3A_828, %dma_wait3A_829] : memref<16x128x16xf32, #tpu.memory_space<vmem>> -> memref<1x128x16xf32, #tpu.memory_space<vmem>>
      %dma_wait3A_831 = tpu.memref_squeeze %dma_wait3A_830 : memref<1x128x16xf32, #tpu.memory_space<vmem>> -> memref<128x16xf32, #tpu.memory_space<vmem>>
      %dma_wait3A_832 = arith.constant 0 : i32
      %dma_wait3A_833 = tpu.memref_slice %arg7[%dma_wait3A_827, %dma_wait3A_832] : memref<80x128xi32, #tpu.memory_space<vmem>> -> memref<1x128xi32, #tpu.memory_space<vmem>>
      %dma_wait3A_834 = tpu.memref_squeeze %dma_wait3A_833 : memref<1x128xi32, #tpu.memory_space<vmem>> -> memref<128xi32, #tpu.memory_space<vmem>>
      %dma_wait3A_835 = arith.constant 0 : i32
      %dma_wait3A_836 = arith.constant 0 : i32
      %dma_wait3A_837 = tpu.memref_slice %arg11[%dma_wait3A_835, %dma_wait3A_836] : memref<10240x16xf32, #tpu.memory_space<vmem_shared>> -> memref<10240x16xf32, #tpu.memory_space<vmem_shared>>
      tpu.wait_indirect_dma semaphore(%arg13 : memref<!tpu.dma_semaphore, #tpu.memory_space<semaphore_mem>>) src(%dma_wait3A_831 : memref<128x16xf32, #tpu.memory_space<vmem>>) dst(%dma_wait3A_837 : memref<10240x16xf32, #tpu.memory_space<vmem_shared>>)
      %dma_wait3A_838 = arith.constant 0 : i32
      %dma_wait3A_839 = arith.constant 0 : i32
      %dma_wait3A_840 = arith.constant 0 : i32
      %dma_wait3A_841 = arith.constant 0 : i32
      %dma_wait3A_842 = tpu.memref_slice %arg8[%dma_wait3A_838, %dma_wait3A_840, %dma_wait3A_841] : memref<16x128x16xf32, #tpu.memory_space<vmem>> -> memref<1x128x16xf32, #tpu.memory_space<vmem>>
      %dma_wait3A_843 = tpu.memref_squeeze %dma_wait3A_842 : memref<1x128x16xf32, #tpu.memory_space<vmem>> -> memref<128x16xf32, #tpu.memory_space<vmem>>
      %dma_wait3A_844 = arith.constant 0 : i32
      %dma_wait3A_845 = tpu.memref_slice %arg7[%dma_wait3A_839, %dma_wait3A_844] : memref<80x128xi32, #tpu.memory_space<vmem>> -> memref<1x128xi32, #tpu.memory_space<vmem>>
      %dma_wait3A_846 = tpu.memref_squeeze %dma_wait3A_845 : memref<1x128xi32, #tpu.memory_space<vmem>> -> memref<128xi32, #tpu.memory_space<vmem>>
      %dma_wait3A_847 = arith.constant 0 : i32
      %dma_wait3A_848 = arith.constant 0 : i32
      %dma_wait3A_849 = tpu.memref_slice %arg11[%dma_wait3A_847, %dma_wait3A_848] : memref<10240x16xf32, #tpu.memory_space<vmem_shared>> -> memref<10240x16xf32, #tpu.memory_space<vmem_shared>>
      tpu.wait_indirect_dma semaphore(%arg13 : memref<!tpu.dma_semaphore, #tpu.memory_space<semaphore_mem>>) src(%dma_wait3A_843 : memref<128x16xf32, #tpu.memory_space<vmem>>) dst(%dma_wait3A_849 : memref<10240x16xf32, #tpu.memory_space<vmem_shared>>)
      %add3A_850 = arith.constant 0 : i32
      %add3A_851 = arith.addi %mul3A_615, %add3A_850 : i32
      %add3A_852 = arith.constant 0 : i32
      %add3A_853 = arith.addi %mul3A_637, %add3A_852 : i32
      %dma_start3A_854 = arith.constant 0 : i32
      %dma_start3A_855 = arith.constant 0 : i32
      %dma_start3A_856 = tpu.memref_slice %arg8[%add3A_851, %dma_start3A_854, %dma_start3A_855] : memref<16x128x16xf32, #tpu.memory_space<vmem>> -> memref<1x128x16xf32, #tpu.memory_space<vmem>>
      %dma_start3A_857 = tpu.memref_squeeze %dma_start3A_856 : memref<1x128x16xf32, #tpu.memory_space<vmem>> -> memref<128x16xf32, #tpu.memory_space<vmem>>
      %dma_start3A_858 = arith.constant 0 : i32
      %dma_start3A_859 = tpu.memref_slice %arg7[%add3A_853, %dma_start3A_858] : memref<80x128xi32, #tpu.memory_space<vmem>> -> memref<1x128xi32, #tpu.memory_space<vmem>>
      %dma_start3A_860 = tpu.memref_squeeze %dma_start3A_859 : memref<1x128xi32, #tpu.memory_space<vmem>> -> memref<128xi32, #tpu.memory_space<vmem>>
      %dma_start3A_861 = arith.constant 0 : i32
      %dma_start3A_862 = arith.constant 0 : i32
      %dma_start3A_863 = tpu.memref_slice %arg11[%dma_start3A_861, %dma_start3A_862] : memref<10240x16xf32, #tpu.memory_space<vmem_shared>> -> memref<10240x16xf32, #tpu.memory_space<vmem_shared>>
      tpu.enqueue_indirect_dma source(%dma_start3A_857 : memref<128x16xf32, #tpu.memory_space<vmem>>) target(%dma_start3A_863 : memref<10240x16xf32, #tpu.memory_space<vmem_shared>>) offsets(%dma_start3A_860 : memref<128xi32, #tpu.memory_space<vmem>>) semaphore(%arg13 : memref<!tpu.dma_semaphore, #tpu.memory_space<semaphore_mem>>) {add = true}
      %add3A_864 = arith.constant 1 : i32
      %add3A_865 = arith.addi %mul3A_615, %add3A_864 : i32
      %add3A_866 = arith.constant 1 : i32
      %add3A_867 = arith.addi %mul3A_637, %add3A_866 : i32
      %dma_start3A_868 = arith.constant 0 : i32
      %dma_start3A_869 = arith.constant 0 : i32
      %dma_start3A_870 = tpu.memref_slice %arg8[%add3A_865, %dma_start3A_868, %dma_start3A_869] : memref<16x128x16xf32, #tpu.memory_space<vmem>> -> memref<1x128x16xf32, #tpu.memory_space<vmem>>
      %dma_start3A_871 = tpu.memref_squeeze %dma_start3A_870 : memref<1x128x16xf32, #tpu.memory_space<vmem>> -> memref<128x16xf32, #tpu.memory_space<vmem>>
      %dma_start3A_872 = arith.constant 0 : i32
      %dma_start3A_873 = tpu.memref_slice %arg7[%add3A_867, %dma_start3A_872] : memref<80x128xi32, #tpu.memory_space<vmem>> -> memref<1x128xi32, #tpu.memory_space<vmem>>
      %dma_start3A_874 = tpu.memref_squeeze %dma_start3A_873 : memref<1x128xi32, #tpu.memory_space<vmem>> -> memref<128xi32, #tpu.memory_space<vmem>>
      %dma_start3A_875 = arith.constant 0 : i32
      %dma_start3A_876 = arith.constant 0 : i32
      %dma_start3A_877 = tpu.memref_slice %arg11[%dma_start3A_875, %dma_start3A_876] : memref<10240x16xf32, #tpu.memory_space<vmem_shared>> -> memref<10240x16xf32, #tpu.memory_space<vmem_shared>>
      tpu.enqueue_indirect_dma source(%dma_start3A_871 : memref<128x16xf32, #tpu.memory_space<vmem>>) target(%dma_start3A_877 : memref<10240x16xf32, #tpu.memory_space<vmem_shared>>) offsets(%dma_start3A_874 : memref<128xi32, #tpu.memory_space<vmem>>) semaphore(%arg13 : memref<!tpu.dma_semaphore, #tpu.memory_space<semaphore_mem>>) {add = true}
      %add3A_878 = arith.constant 2 : i32
      %add3A_879 = arith.addi %mul3A_615, %add3A_878 : i32
      %add3A_880 = arith.constant 2 : i32
      %add3A_881 = arith.addi %mul3A_637, %add3A_880 : i32
      %dma_start3A_882 = arith.constant 0 : i32
      %dma_start3A_883 = arith.constant 0 : i32
      %dma_start3A_884 = tpu.memref_slice %arg8[%add3A_879, %dma_start3A_882, %dma_start3A_883] : memref<16x128x16xf32, #tpu.memory_space<vmem>> -> memref<1x128x16xf32, #tpu.memory_space<vmem>>
      %dma_start3A_885 = tpu.memref_squeeze %dma_start3A_884 : memref<1x128x16xf32, #tpu.memory_space<vmem>> -> memref<128x16xf32, #tpu.memory_space<vmem>>
      %dma_start3A_886 = arith.constant 0 : i32
      %dma_start3A_887 = tpu.memref_slice %arg7[%add3A_881, %dma_start3A_886] : memref<80x128xi32, #tpu.memory_space<vmem>> -> memref<1x128xi32, #tpu.memory_space<vmem>>
      %dma_start3A_888 = tpu.memref_squeeze %dma_start3A_887 : memref<1x128xi32, #tpu.memory_space<vmem>> -> memref<128xi32, #tpu.memory_space<vmem>>
      %dma_start3A_889 = arith.constant 0 : i32
      %dma_start3A_890 = arith.constant 0 : i32
      %dma_start3A_891 = tpu.memref_slice %arg11[%dma_start3A_889, %dma_start3A_890] : memref<10240x16xf32, #tpu.memory_space<vmem_shared>> -> memref<10240x16xf32, #tpu.memory_space<vmem_shared>>
      tpu.enqueue_indirect_dma source(%dma_start3A_885 : memref<128x16xf32, #tpu.memory_space<vmem>>) target(%dma_start3A_891 : memref<10240x16xf32, #tpu.memory_space<vmem_shared>>) offsets(%dma_start3A_888 : memref<128xi32, #tpu.memory_space<vmem>>) semaphore(%arg13 : memref<!tpu.dma_semaphore, #tpu.memory_space<semaphore_mem>>) {add = true}
      %add3A_892 = arith.constant 3 : i32
      %add3A_893 = arith.addi %mul3A_615, %add3A_892 : i32
      %add3A_894 = arith.constant 3 : i32
      %add3A_895 = arith.addi %mul3A_637, %add3A_894 : i32
      %dma_start3A_896 = arith.constant 0 : i32
      %dma_start3A_897 = arith.constant 0 : i32
      %dma_start3A_898 = tpu.memref_slice %arg8[%add3A_893, %dma_start3A_896, %dma_start3A_897] : memref<16x128x16xf32, #tpu.memory_space<vmem>> -> memref<1x128x16xf32, #tpu.memory_space<vmem>>
      %dma_start3A_899 = tpu.memref_squeeze %dma_start3A_898 : memref<1x128x16xf32, #tpu.memory_space<vmem>> -> memref<128x16xf32, #tpu.memory_space<vmem>>
      %dma_start3A_900 = arith.constant 0 : i32
      %dma_start3A_901 = tpu.memref_slice %arg7[%add3A_895, %dma_start3A_900] : memref<80x128xi32, #tpu.memory_space<vmem>> -> memref<1x128xi32, #tpu.memory_space<vmem>>
      %dma_start3A_902 = tpu.memref_squeeze %dma_start3A_901 : memref<1x128xi32, #tpu.memory_space<vmem>> -> memref<128xi32, #tpu.memory_space<vmem>>
      %dma_start3A_903 = arith.constant 0 : i32
      %dma_start3A_904 = arith.constant 0 : i32
      %dma_start3A_905 = tpu.memref_slice %arg11[%dma_start3A_903, %dma_start3A_904] : memref<10240x16xf32, #tpu.memory_space<vmem_shared>> -> memref<10240x16xf32, #tpu.memory_space<vmem_shared>>
      tpu.enqueue_indirect_dma source(%dma_start3A_899 : memref<128x16xf32, #tpu.memory_space<vmem>>) target(%dma_start3A_905 : memref<10240x16xf32, #tpu.memory_space<vmem_shared>>) offsets(%dma_start3A_902 : memref<128xi32, #tpu.memory_space<vmem>>) semaphore(%arg13 : memref<!tpu.dma_semaphore, #tpu.memory_space<semaphore_mem>>) {add = true}
      %add3A_906 = arith.constant 4 : i32
      %add3A_907 = arith.addi %mul3A_615, %add3A_906 : i32
      %add3A_908 = arith.constant 4 : i32
      %add3A_909 = arith.addi %mul3A_637, %add3A_908 : i32
      %dma_start3A_910 = arith.constant 0 : i32
      %dma_start3A_911 = arith.constant 0 : i32
      %dma_start3A_912 = tpu.memref_slice %arg8[%add3A_907, %dma_start3A_910, %dma_start3A_911] : memref<16x128x16xf32, #tpu.memory_space<vmem>> -> memref<1x128x16xf32, #tpu.memory_space<vmem>>
      %dma_start3A_913 = tpu.memref_squeeze %dma_start3A_912 : memref<1x128x16xf32, #tpu.memory_space<vmem>> -> memref<128x16xf32, #tpu.memory_space<vmem>>
      %dma_start3A_914 = arith.constant 0 : i32
      %dma_start3A_915 = tpu.memref_slice %arg7[%add3A_909, %dma_start3A_914] : memref<80x128xi32, #tpu.memory_space<vmem>> -> memref<1x128xi32, #tpu.memory_space<vmem>>
      %dma_start3A_916 = tpu.memref_squeeze %dma_start3A_915 : memref<1x128xi32, #tpu.memory_space<vmem>> -> memref<128xi32, #tpu.memory_space<vmem>>
      %dma_start3A_917 = arith.constant 0 : i32
      %dma_start3A_918 = arith.constant 0 : i32
      %dma_start3A_919 = tpu.memref_slice %arg11[%dma_start3A_917, %dma_start3A_918] : memref<10240x16xf32, #tpu.memory_space<vmem_shared>> -> memref<10240x16xf32, #tpu.memory_space<vmem_shared>>
      tpu.enqueue_indirect_dma source(%dma_start3A_913 : memref<128x16xf32, #tpu.memory_space<vmem>>) target(%dma_start3A_919 : memref<10240x16xf32, #tpu.memory_space<vmem_shared>>) offsets(%dma_start3A_916 : memref<128xi32, #tpu.memory_space<vmem>>) semaphore(%arg13 : memref<!tpu.dma_semaphore, #tpu.memory_space<semaphore_mem>>) {add = true}
      %add3A_920 = arith.constant 5 : i32
      %add3A_921 = arith.addi %mul3A_615, %add3A_920 : i32
      %add3A_922 = arith.constant 5 : i32
      %add3A_923 = arith.addi %mul3A_637, %add3A_922 : i32
      %dma_start3A_924 = arith.constant 0 : i32
      %dma_start3A_925 = arith.constant 0 : i32
      %dma_start3A_926 = tpu.memref_slice %arg8[%add3A_921, %dma_start3A_924, %dma_start3A_925] : memref<16x128x16xf32, #tpu.memory_space<vmem>> -> memref<1x128x16xf32, #tpu.memory_space<vmem>>
      %dma_start3A_927 = tpu.memref_squeeze %dma_start3A_926 : memref<1x128x16xf32, #tpu.memory_space<vmem>> -> memref<128x16xf32, #tpu.memory_space<vmem>>
      %dma_start3A_928 = arith.constant 0 : i32
      %dma_start3A_929 = tpu.memref_slice %arg7[%add3A_923, %dma_start3A_928] : memref<80x128xi32, #tpu.memory_space<vmem>> -> memref<1x128xi32, #tpu.memory_space<vmem>>
      %dma_start3A_930 = tpu.memref_squeeze %dma_start3A_929 : memref<1x128xi32, #tpu.memory_space<vmem>> -> memref<128xi32, #tpu.memory_space<vmem>>
      %dma_start3A_931 = arith.constant 0 : i32
      %dma_start3A_932 = arith.constant 0 : i32
      %dma_start3A_933 = tpu.memref_slice %arg11[%dma_start3A_931, %dma_start3A_932] : memref<10240x16xf32, #tpu.memory_space<vmem_shared>> -> memref<10240x16xf32, #tpu.memory_space<vmem_shared>>
      tpu.enqueue_indirect_dma source(%dma_start3A_927 : memref<128x16xf32, #tpu.memory_space<vmem>>) target(%dma_start3A_933 : memref<10240x16xf32, #tpu.memory_space<vmem_shared>>) offsets(%dma_start3A_930 : memref<128xi32, #tpu.memory_space<vmem>>) semaphore(%arg13 : memref<!tpu.dma_semaphore, #tpu.memory_space<semaphore_mem>>) {add = true}
      %add3A_934 = arith.constant 6 : i32
      %add3A_935 = arith.addi %mul3A_615, %add3A_934 : i32
      %add3A_936 = arith.constant 6 : i32
      %add3A_937 = arith.addi %mul3A_637, %add3A_936 : i32
      %dma_start3A_938 = arith.constant 0 : i32
      %dma_start3A_939 = arith.constant 0 : i32
      %dma_start3A_940 = tpu.memref_slice %arg8[%add3A_935, %dma_start3A_938, %dma_start3A_939] : memref<16x128x16xf32, #tpu.memory_space<vmem>> -> memref<1x128x16xf32, #tpu.memory_space<vmem>>
      %dma_start3A_941 = tpu.memref_squeeze %dma_start3A_940 : memref<1x128x16xf32, #tpu.memory_space<vmem>> -> memref<128x16xf32, #tpu.memory_space<vmem>>
      %dma_start3A_942 = arith.constant 0 : i32
      %dma_start3A_943 = tpu.memref_slice %arg7[%add3A_937, %dma_start3A_942] : memref<80x128xi32, #tpu.memory_space<vmem>> -> memref<1x128xi32, #tpu.memory_space<vmem>>
      %dma_start3A_944 = tpu.memref_squeeze %dma_start3A_943 : memref<1x128xi32, #tpu.memory_space<vmem>> -> memref<128xi32, #tpu.memory_space<vmem>>
      %dma_start3A_945 = arith.constant 0 : i32
      %dma_start3A_946 = arith.constant 0 : i32
      %dma_start3A_947 = tpu.memref_slice %arg11[%dma_start3A_945, %dma_start3A_946] : memref<10240x16xf32, #tpu.memory_space<vmem_shared>> -> memref<10240x16xf32, #tpu.memory_space<vmem_shared>>
      tpu.enqueue_indirect_dma source(%dma_start3A_941 : memref<128x16xf32, #tpu.memory_space<vmem>>) target(%dma_start3A_947 : memref<10240x16xf32, #tpu.memory_space<vmem_shared>>) offsets(%dma_start3A_944 : memref<128xi32, #tpu.memory_space<vmem>>) semaphore(%arg13 : memref<!tpu.dma_semaphore, #tpu.memory_space<semaphore_mem>>) {add = true}
      %add3A_948 = arith.constant 7 : i32
      %add3A_949 = arith.addi %mul3A_615, %add3A_948 : i32
      %add3A_950 = arith.constant 7 : i32
      %add3A_951 = arith.addi %mul3A_637, %add3A_950 : i32
      %dma_start3A_952 = arith.constant 0 : i32
      %dma_start3A_953 = arith.constant 0 : i32
      %dma_start3A_954 = tpu.memref_slice %arg8[%add3A_949, %dma_start3A_952, %dma_start3A_953] : memref<16x128x16xf32, #tpu.memory_space<vmem>> -> memref<1x128x16xf32, #tpu.memory_space<vmem>>
      %dma_start3A_955 = tpu.memref_squeeze %dma_start3A_954 : memref<1x128x16xf32, #tpu.memory_space<vmem>> -> memref<128x16xf32, #tpu.memory_space<vmem>>
      %dma_start3A_956 = arith.constant 0 : i32
      %dma_start3A_957 = tpu.memref_slice %arg7[%add3A_951, %dma_start3A_956] : memref<80x128xi32, #tpu.memory_space<vmem>> -> memref<1x128xi32, #tpu.memory_space<vmem>>
      %dma_start3A_958 = tpu.memref_squeeze %dma_start3A_957 : memref<1x128xi32, #tpu.memory_space<vmem>> -> memref<128xi32, #tpu.memory_space<vmem>>
      %dma_start3A_959 = arith.constant 0 : i32
      %dma_start3A_960 = arith.constant 0 : i32
      %dma_start3A_961 = tpu.memref_slice %arg11[%dma_start3A_959, %dma_start3A_960] : memref<10240x16xf32, #tpu.memory_space<vmem_shared>> -> memref<10240x16xf32, #tpu.memory_space<vmem_shared>>
      tpu.enqueue_indirect_dma source(%dma_start3A_955 : memref<128x16xf32, #tpu.memory_space<vmem>>) target(%dma_start3A_961 : memref<10240x16xf32, #tpu.memory_space<vmem_shared>>) offsets(%dma_start3A_958 : memref<128xi32, #tpu.memory_space<vmem>>) semaphore(%arg13 : memref<!tpu.dma_semaphore, #tpu.memory_space<semaphore_mem>>) {add = true}
      %add3A_962 = arith.constant 0 : i32
      %add3A_963 = arith.addi %mul3A_657, %add3A_962 : i32
      %add3A_964 = arith.constant 0 : i32
      %add3A_965 = arith.addi %mul3A_635, %add3A_964 : i32
      %dma_start3A_966 = arith.constant 0 : i32
      %dma_start3A_967 = arith.constant 0 : i32
      %dma_start3A_968 = tpu.memref_slice %arg8[%add3A_965, %dma_start3A_966, %dma_start3A_967] : memref<16x128x16xf32, #tpu.memory_space<vmem>> -> memref<1x128x16xf32, #tpu.memory_space<vmem>>
      %dma_start3A_969 = tpu.memref_squeeze %dma_start3A_968 : memref<1x128x16xf32, #tpu.memory_space<vmem>> -> memref<128x16xf32, #tpu.memory_space<vmem>>
      %dma_start3A_970 = arith.constant 0 : i32
      %dma_start3A_971 = tpu.memref_slice %arg6[%add3A_963, %dma_start3A_970] : memref<80x128xi32, #tpu.memory_space<vmem>> -> memref<1x128xi32, #tpu.memory_space<vmem>>
      %dma_start3A_972 = tpu.memref_squeeze %dma_start3A_971 : memref<1x128xi32, #tpu.memory_space<vmem>> -> memref<128xi32, #tpu.memory_space<vmem>>
      %dma_start3A_973 = arith.constant 0 : i32
      %dma_start3A_974 = arith.constant 0 : i32
      %dma_start3A_975 = tpu.memref_slice %arg10[%dma_start3A_973, %dma_start3A_974] : memref<10240x16xf32, #tpu.memory_space<vmem_shared>> -> memref<10240x16xf32, #tpu.memory_space<vmem_shared>>
      tpu.enqueue_indirect_dma source(%dma_start3A_975 : memref<10240x16xf32, #tpu.memory_space<vmem_shared>>) target(%dma_start3A_969 : memref<128x16xf32, #tpu.memory_space<vmem>>) offsets(%dma_start3A_972 : memref<128xi32, #tpu.memory_space<vmem>>) semaphore(%arg12 : memref<!tpu.dma_semaphore, #tpu.memory_space<semaphore_mem>>)
      %add3A_976 = arith.constant 1 : i32
      %add3A_977 = arith.addi %mul3A_657, %add3A_976 : i32
      %add3A_978 = arith.constant 1 : i32
      %add3A_979 = arith.addi %mul3A_635, %add3A_978 : i32
      %dma_start3A_980 = arith.constant 0 : i32
      %dma_start3A_981 = arith.constant 0 : i32
      %dma_start3A_982 = tpu.memref_slice %arg8[%add3A_979, %dma_start3A_980, %dma_start3A_981] : memref<16x128x16xf32, #tpu.memory_space<vmem>> -> memref<1x128x16xf32, #tpu.memory_space<vmem>>
      %dma_start3A_983 = tpu.memref_squeeze %dma_start3A_982 : memref<1x128x16xf32, #tpu.memory_space<vmem>> -> memref<128x16xf32, #tpu.memory_space<vmem>>
      %dma_start3A_984 = arith.constant 0 : i32
      %dma_start3A_985 = tpu.memref_slice %arg6[%add3A_977, %dma_start3A_984] : memref<80x128xi32, #tpu.memory_space<vmem>> -> memref<1x128xi32, #tpu.memory_space<vmem>>
      %dma_start3A_986 = tpu.memref_squeeze %dma_start3A_985 : memref<1x128xi32, #tpu.memory_space<vmem>> -> memref<128xi32, #tpu.memory_space<vmem>>
      %dma_start3A_987 = arith.constant 0 : i32
      %dma_start3A_988 = arith.constant 0 : i32
      %dma_start3A_989 = tpu.memref_slice %arg10[%dma_start3A_987, %dma_start3A_988] : memref<10240x16xf32, #tpu.memory_space<vmem_shared>> -> memref<10240x16xf32, #tpu.memory_space<vmem_shared>>
      tpu.enqueue_indirect_dma source(%dma_start3A_989 : memref<10240x16xf32, #tpu.memory_space<vmem_shared>>) target(%dma_start3A_983 : memref<128x16xf32, #tpu.memory_space<vmem>>) offsets(%dma_start3A_986 : memref<128xi32, #tpu.memory_space<vmem>>) semaphore(%arg12 : memref<!tpu.dma_semaphore, #tpu.memory_space<semaphore_mem>>)
      %add3A_990 = arith.constant 2 : i32
      %add3A_991 = arith.addi %mul3A_657, %add3A_990 : i32
      %add3A_992 = arith.constant 2 : i32
      %add3A_993 = arith.addi %mul3A_635, %add3A_992 : i32
      %dma_start3A_994 = arith.constant 0 : i32
      %dma_start3A_995 = arith.constant 0 : i32
      %dma_start3A_996 = tpu.memref_slice %arg8[%add3A_993, %dma_start3A_994, %dma_start3A_995] : memref<16x128x16xf32, #tpu.memory_space<vmem>> -> memref<1x128x16xf32, #tpu.memory_space<vmem>>
      %dma_start3A_997 = tpu.memref_squeeze %dma_start3A_996 : memref<1x128x16xf32, #tpu.memory_space<vmem>> -> memref<128x16xf32, #tpu.memory_space<vmem>>
      %dma_start3A_998 = arith.constant 0 : i32
      %dma_start3A_999 = tpu.memref_slice %arg6[%add3A_991, %dma_start3A_998] : memref<80x128xi32, #tpu.memory_space<vmem>> -> memref<1x128xi32, #tpu.memory_space<vmem>>
      %dma_start3A_1000 = tpu.memref_squeeze %dma_start3A_999 : memref<1x128xi32, #tpu.memory_space<vmem>> -> memref<128xi32, #tpu.memory_space<vmem>>
      %dma_start3A_1001 = arith.constant 0 : i32
      %dma_start3A_1002 = arith.constant 0 : i32
      %dma_start3A_1003 = tpu.memref_slice %arg10[%dma_start3A_1001, %dma_start3A_1002] : memref<10240x16xf32, #tpu.memory_space<vmem_shared>> -> memref<10240x16xf32, #tpu.memory_space<vmem_shared>>
      tpu.enqueue_indirect_dma source(%dma_start3A_1003 : memref<10240x16xf32, #tpu.memory_space<vmem_shared>>) target(%dma_start3A_997 : memref<128x16xf32, #tpu.memory_space<vmem>>) offsets(%dma_start3A_1000 : memref<128xi32, #tpu.memory_space<vmem>>) semaphore(%arg12 : memref<!tpu.dma_semaphore, #tpu.memory_space<semaphore_mem>>)
      %add3A_1004 = arith.constant 3 : i32
      %add3A_1005 = arith.addi %mul3A_657, %add3A_1004 : i32
      %add3A_1006 = arith.constant 3 : i32
      %add3A_1007 = arith.addi %mul3A_635, %add3A_1006 : i32
      %dma_start3A_1008 = arith.constant 0 : i32
      %dma_start3A_1009 = arith.constant 0 : i32
      %dma_start3A_1010 = tpu.memref_slice %arg8[%add3A_1007, %dma_start3A_1008, %dma_start3A_1009] : memref<16x128x16xf32, #tpu.memory_space<vmem>> -> memref<1x128x16xf32, #tpu.memory_space<vmem>>
      %dma_start3A_1011 = tpu.memref_squeeze %dma_start3A_1010 : memref<1x128x16xf32, #tpu.memory_space<vmem>> -> memref<128x16xf32, #tpu.memory_space<vmem>>
      %dma_start3A_1012 = arith.constant 0 : i32
      %dma_start3A_1013 = tpu.memref_slice %arg6[%add3A_1005, %dma_start3A_1012] : memref<80x128xi32, #tpu.memory_space<vmem>> -> memref<1x128xi32, #tpu.memory_space<vmem>>
      %dma_start3A_1014 = tpu.memref_squeeze %dma_start3A_1013 : memref<1x128xi32, #tpu.memory_space<vmem>> -> memref<128xi32, #tpu.memory_space<vmem>>
      %dma_start3A_1015 = arith.constant 0 : i32
      %dma_start3A_1016 = arith.constant 0 : i32
      %dma_start3A_1017 = tpu.memref_slice %arg10[%dma_start3A_1015, %dma_start3A_1016] : memref<10240x16xf32, #tpu.memory_space<vmem_shared>> -> memref<10240x16xf32, #tpu.memory_space<vmem_shared>>
      tpu.enqueue_indirect_dma source(%dma_start3A_1017 : memref<10240x16xf32, #tpu.memory_space<vmem_shared>>) target(%dma_start3A_1011 : memref<128x16xf32, #tpu.memory_space<vmem>>) offsets(%dma_start3A_1014 : memref<128xi32, #tpu.memory_space<vmem>>) semaphore(%arg12 : memref<!tpu.dma_semaphore, #tpu.memory_space<semaphore_mem>>)
      %add3A_1018 = arith.constant 4 : i32
      %add3A_1019 = arith.addi %mul3A_657, %add3A_1018 : i32
      %add3A_1020 = arith.constant 4 : i32
      %add3A_1021 = arith.addi %mul3A_635, %add3A_1020 : i32
      %dma_start3A_1022 = arith.constant 0 : i32
      %dma_start3A_1023 = arith.constant 0 : i32
      %dma_start3A_1024 = tpu.memref_slice %arg8[%add3A_1021, %dma_start3A_1022, %dma_start3A_1023] : memref<16x128x16xf32, #tpu.memory_space<vmem>> -> memref<1x128x16xf32, #tpu.memory_space<vmem>>
      %dma_start3A_1025 = tpu.memref_squeeze %dma_start3A_1024 : memref<1x128x16xf32, #tpu.memory_space<vmem>> -> memref<128x16xf32, #tpu.memory_space<vmem>>
      %dma_start3A_1026 = arith.constant 0 : i32
      %dma_start3A_1027 = tpu.memref_slice %arg6[%add3A_1019, %dma_start3A_1026] : memref<80x128xi32, #tpu.memory_space<vmem>> -> memref<1x128xi32, #tpu.memory_space<vmem>>
      %dma_start3A_1028 = tpu.memref_squeeze %dma_start3A_1027 : memref<1x128xi32, #tpu.memory_space<vmem>> -> memref<128xi32, #tpu.memory_space<vmem>>
      %dma_start3A_1029 = arith.constant 0 : i32
      %dma_start3A_1030 = arith.constant 0 : i32
      %dma_start3A_1031 = tpu.memref_slice %arg10[%dma_start3A_1029, %dma_start3A_1030] : memref<10240x16xf32, #tpu.memory_space<vmem_shared>> -> memref<10240x16xf32, #tpu.memory_space<vmem_shared>>
      tpu.enqueue_indirect_dma source(%dma_start3A_1031 : memref<10240x16xf32, #tpu.memory_space<vmem_shared>>) target(%dma_start3A_1025 : memref<128x16xf32, #tpu.memory_space<vmem>>) offsets(%dma_start3A_1028 : memref<128xi32, #tpu.memory_space<vmem>>) semaphore(%arg12 : memref<!tpu.dma_semaphore, #tpu.memory_space<semaphore_mem>>)
      %add3A_1032 = arith.constant 5 : i32
      %add3A_1033 = arith.addi %mul3A_657, %add3A_1032 : i32
      %add3A_1034 = arith.constant 5 : i32
      %add3A_1035 = arith.addi %mul3A_635, %add3A_1034 : i32
      %dma_start3A_1036 = arith.constant 0 : i32
      %dma_start3A_1037 = arith.constant 0 : i32
      %dma_start3A_1038 = tpu.memref_slice %arg8[%add3A_1035, %dma_start3A_1036, %dma_start3A_1037] : memref<16x128x16xf32, #tpu.memory_space<vmem>> -> memref<1x128x16xf32, #tpu.memory_space<vmem>>
      %dma_start3A_1039 = tpu.memref_squeeze %dma_start3A_1038 : memref<1x128x16xf32, #tpu.memory_space<vmem>> -> memref<128x16xf32, #tpu.memory_space<vmem>>
      %dma_start3A_1040 = arith.constant 0 : i32
      %dma_start3A_1041 = tpu.memref_slice %arg6[%add3A_1033, %dma_start3A_1040] : memref<80x128xi32, #tpu.memory_space<vmem>> -> memref<1x128xi32, #tpu.memory_space<vmem>>
      %dma_start3A_1042 = tpu.memref_squeeze %dma_start3A_1041 : memref<1x128xi32, #tpu.memory_space<vmem>> -> memref<128xi32, #tpu.memory_space<vmem>>
      %dma_start3A_1043 = arith.constant 0 : i32
      %dma_start3A_1044 = arith.constant 0 : i32
      %dma_start3A_1045 = tpu.memref_slice %arg10[%dma_start3A_1043, %dma_start3A_1044] : memref<10240x16xf32, #tpu.memory_space<vmem_shared>> -> memref<10240x16xf32, #tpu.memory_space<vmem_shared>>
      tpu.enqueue_indirect_dma source(%dma_start3A_1045 : memref<10240x16xf32, #tpu.memory_space<vmem_shared>>) target(%dma_start3A_1039 : memref<128x16xf32, #tpu.memory_space<vmem>>) offsets(%dma_start3A_1042 : memref<128xi32, #tpu.memory_space<vmem>>) semaphore(%arg12 : memref<!tpu.dma_semaphore, #tpu.memory_space<semaphore_mem>>)
      %add3A_1046 = arith.constant 6 : i32
      %add3A_1047 = arith.addi %mul3A_657, %add3A_1046 : i32
      %add3A_1048 = arith.constant 6 : i32
      %add3A_1049 = arith.addi %mul3A_635, %add3A_1048 : i32
      %dma_start3A_1050 = arith.constant 0 : i32
      %dma_start3A_1051 = arith.constant 0 : i32
      %dma_start3A_1052 = tpu.memref_slice %arg8[%add3A_1049, %dma_start3A_1050, %dma_start3A_1051] : memref<16x128x16xf32, #tpu.memory_space<vmem>> -> memref<1x128x16xf32, #tpu.memory_space<vmem>>
      %dma_start3A_1053 = tpu.memref_squeeze %dma_start3A_1052 : memref<1x128x16xf32, #tpu.memory_space<vmem>> -> memref<128x16xf32, #tpu.memory_space<vmem>>
      %dma_start3A_1054 = arith.constant 0 : i32
      %dma_start3A_1055 = tpu.memref_slice %arg6[%add3A_1047, %dma_start3A_1054] : memref<80x128xi32, #tpu.memory_space<vmem>> -> memref<1x128xi32, #tpu.memory_space<vmem>>
      %dma_start3A_1056 = tpu.memref_squeeze %dma_start3A_1055 : memref<1x128xi32, #tpu.memory_space<vmem>> -> memref<128xi32, #tpu.memory_space<vmem>>
      %dma_start3A_1057 = arith.constant 0 : i32
      %dma_start3A_1058 = arith.constant 0 : i32
      %dma_start3A_1059 = tpu.memref_slice %arg10[%dma_start3A_1057, %dma_start3A_1058] : memref<10240x16xf32, #tpu.memory_space<vmem_shared>> -> memref<10240x16xf32, #tpu.memory_space<vmem_shared>>
      tpu.enqueue_indirect_dma source(%dma_start3A_1059 : memref<10240x16xf32, #tpu.memory_space<vmem_shared>>) target(%dma_start3A_1053 : memref<128x16xf32, #tpu.memory_space<vmem>>) offsets(%dma_start3A_1056 : memref<128xi32, #tpu.memory_space<vmem>>) semaphore(%arg12 : memref<!tpu.dma_semaphore, #tpu.memory_space<semaphore_mem>>)
      %add3A_1060 = arith.constant 7 : i32
      %add3A_1061 = arith.addi %mul3A_657, %add3A_1060 : i32
      %add3A_1062 = arith.constant 7 : i32
      %add3A_1063 = arith.addi %mul3A_635, %add3A_1062 : i32
      %dma_start3A_1064 = arith.constant 0 : i32
      %dma_start3A_1065 = arith.constant 0 : i32
      %dma_start3A_1066 = tpu.memref_slice %arg8[%add3A_1063, %dma_start3A_1064, %dma_start3A_1065] : memref<16x128x16xf32, #tpu.memory_space<vmem>> -> memref<1x128x16xf32, #tpu.memory_space<vmem>>
      %dma_start3A_1067 = tpu.memref_squeeze %dma_start3A_1066 : memref<1x128x16xf32, #tpu.memory_space<vmem>> -> memref<128x16xf32, #tpu.memory_space<vmem>>
      %dma_start3A_1068 = arith.constant 0 : i32
      %dma_start3A_1069 = tpu.memref_slice %arg6[%add3A_1061, %dma_start3A_1068] : memref<80x128xi32, #tpu.memory_space<vmem>> -> memref<1x128xi32, #tpu.memory_space<vmem>>
      %dma_start3A_1070 = tpu.memref_squeeze %dma_start3A_1069 : memref<1x128xi32, #tpu.memory_space<vmem>> -> memref<128xi32, #tpu.memory_space<vmem>>
      %dma_start3A_1071 = arith.constant 0 : i32
      %dma_start3A_1072 = arith.constant 0 : i32
      %dma_start3A_1073 = tpu.memref_slice %arg10[%dma_start3A_1071, %dma_start3A_1072] : memref<10240x16xf32, #tpu.memory_space<vmem_shared>> -> memref<10240x16xf32, #tpu.memory_space<vmem_shared>>
      tpu.enqueue_indirect_dma source(%dma_start3A_1073 : memref<10240x16xf32, #tpu.memory_space<vmem_shared>>) target(%dma_start3A_1067 : memref<128x16xf32, #tpu.memory_space<vmem>>) offsets(%dma_start3A_1070 : memref<128xi32, #tpu.memory_space<vmem>>) semaphore(%arg12 : memref<!tpu.dma_semaphore, #tpu.memory_space<semaphore_mem>>)
    }
    %scan3A_399 = arith.constant 9 : i32
    %dma_wait3A_400 = arith.constant 0 : i32
    %dma_wait3A_401 = arith.constant 0 : i32
    %dma_wait3A_402 = arith.constant 0 : i32
    %dma_wait3A_403 = arith.constant 0 : i32
    %dma_wait3A_404 = tpu.memref_slice %arg8[%dma_wait3A_401, %dma_wait3A_402, %dma_wait3A_403] : memref<16x128x16xf32, #tpu.memory_space<vmem>> -> memref<1x128x16xf32, #tpu.memory_space<vmem>>
    %dma_wait3A_405 = tpu.memref_squeeze %dma_wait3A_404 : memref<1x128x16xf32, #tpu.memory_space<vmem>> -> memref<128x16xf32, #tpu.memory_space<vmem>>
    %dma_wait3A_406 = arith.constant 0 : i32
    %dma_wait3A_407 = tpu.memref_slice %arg6[%dma_wait3A_400, %dma_wait3A_406] : memref<80x128xi32, #tpu.memory_space<vmem>> -> memref<1x128xi32, #tpu.memory_space<vmem>>
    %dma_wait3A_408 = tpu.memref_squeeze %dma_wait3A_407 : memref<1x128xi32, #tpu.memory_space<vmem>> -> memref<128xi32, #tpu.memory_space<vmem>>
    %dma_wait3A_409 = arith.constant 0 : i32
    %dma_wait3A_410 = arith.constant 0 : i32
    %dma_wait3A_411 = tpu.memref_slice %arg10[%dma_wait3A_409, %dma_wait3A_410] : memref<10240x16xf32, #tpu.memory_space<vmem_shared>> -> memref<10240x16xf32, #tpu.memory_space<vmem_shared>>
    tpu.wait_indirect_dma semaphore(%arg12 : memref<!tpu.dma_semaphore, #tpu.memory_space<semaphore_mem>>) src(%dma_wait3A_411 : memref<10240x16xf32, #tpu.memory_space<vmem_shared>>) dst(%dma_wait3A_405 : memref<128x16xf32, #tpu.memory_space<vmem>>)
    %dma_wait3A_412 = arith.constant 0 : i32
    %dma_wait3A_413 = arith.constant 0 : i32
    %dma_wait3A_414 = arith.constant 0 : i32
    %dma_wait3A_415 = arith.constant 0 : i32
    %dma_wait3A_416 = tpu.memref_slice %arg8[%dma_wait3A_413, %dma_wait3A_414, %dma_wait3A_415] : memref<16x128x16xf32, #tpu.memory_space<vmem>> -> memref<1x128x16xf32, #tpu.memory_space<vmem>>
    %dma_wait3A_417 = tpu.memref_squeeze %dma_wait3A_416 : memref<1x128x16xf32, #tpu.memory_space<vmem>> -> memref<128x16xf32, #tpu.memory_space<vmem>>
    %dma_wait3A_418 = arith.constant 0 : i32
    %dma_wait3A_419 = tpu.memref_slice %arg6[%dma_wait3A_412, %dma_wait3A_418] : memref<80x128xi32, #tpu.memory_space<vmem>> -> memref<1x128xi32, #tpu.memory_space<vmem>>
    %dma_wait3A_420 = tpu.memref_squeeze %dma_wait3A_419 : memref<1x128xi32, #tpu.memory_space<vmem>> -> memref<128xi32, #tpu.memory_space<vmem>>
    %dma_wait3A_421 = arith.constant 0 : i32
    %dma_wait3A_422 = arith.constant 0 : i32
    %dma_wait3A_423 = tpu.memref_slice %arg10[%dma_wait3A_421, %dma_wait3A_422] : memref<10240x16xf32, #tpu.memory_space<vmem_shared>> -> memref<10240x16xf32, #tpu.memory_space<vmem_shared>>
    tpu.wait_indirect_dma semaphore(%arg12 : memref<!tpu.dma_semaphore, #tpu.memory_space<semaphore_mem>>) src(%dma_wait3A_423 : memref<10240x16xf32, #tpu.memory_space<vmem_shared>>) dst(%dma_wait3A_417 : memref<128x16xf32, #tpu.memory_space<vmem>>)
    %dma_wait3A_424 = arith.constant 0 : i32
    %dma_wait3A_425 = arith.constant 0 : i32
    %dma_wait3A_426 = arith.constant 0 : i32
    %dma_wait3A_427 = arith.constant 0 : i32
    %dma_wait3A_428 = tpu.memref_slice %arg8[%dma_wait3A_425, %dma_wait3A_426, %dma_wait3A_427] : memref<16x128x16xf32, #tpu.memory_space<vmem>> -> memref<1x128x16xf32, #tpu.memory_space<vmem>>
    %dma_wait3A_429 = tpu.memref_squeeze %dma_wait3A_428 : memref<1x128x16xf32, #tpu.memory_space<vmem>> -> memref<128x16xf32, #tpu.memory_space<vmem>>
    %dma_wait3A_430 = arith.constant 0 : i32
    %dma_wait3A_431 = tpu.memref_slice %arg6[%dma_wait3A_424, %dma_wait3A_430] : memref<80x128xi32, #tpu.memory_space<vmem>> -> memref<1x128xi32, #tpu.memory_space<vmem>>
    %dma_wait3A_432 = tpu.memref_squeeze %dma_wait3A_431 : memref<1x128xi32, #tpu.memory_space<vmem>> -> memref<128xi32, #tpu.memory_space<vmem>>
    %dma_wait3A_433 = arith.constant 0 : i32
    %dma_wait3A_434 = arith.constant 0 : i32
    %dma_wait3A_435 = tpu.memref_slice %arg10[%dma_wait3A_433, %dma_wait3A_434] : memref<10240x16xf32, #tpu.memory_space<vmem_shared>> -> memref<10240x16xf32, #tpu.memory_space<vmem_shared>>
    tpu.wait_indirect_dma semaphore(%arg12 : memref<!tpu.dma_semaphore, #tpu.memory_space<semaphore_mem>>) src(%dma_wait3A_435 : memref<10240x16xf32, #tpu.memory_space<vmem_shared>>) dst(%dma_wait3A_429 : memref<128x16xf32, #tpu.memory_space<vmem>>)
    %dma_wait3A_436 = arith.constant 0 : i32
    %dma_wait3A_437 = arith.constant 0 : i32
    %dma_wait3A_438 = arith.constant 0 : i32
    %dma_wait3A_439 = arith.constant 0 : i32
    %dma_wait3A_440 = tpu.memref_slice %arg8[%dma_wait3A_437, %dma_wait3A_438, %dma_wait3A_439] : memref<16x128x16xf32, #tpu.memory_space<vmem>> -> memref<1x128x16xf32, #tpu.memory_space<vmem>>
    %dma_wait3A_441 = tpu.memref_squeeze %dma_wait3A_440 : memref<1x128x16xf32, #tpu.memory_space<vmem>> -> memref<128x16xf32, #tpu.memory_space<vmem>>
    %dma_wait3A_442 = arith.constant 0 : i32
    %dma_wait3A_443 = tpu.memref_slice %arg6[%dma_wait3A_436, %dma_wait3A_442] : memref<80x128xi32, #tpu.memory_space<vmem>> -> memref<1x128xi32, #tpu.memory_space<vmem>>
    %dma_wait3A_444 = tpu.memref_squeeze %dma_wait3A_443 : memref<1x128xi32, #tpu.memory_space<vmem>> -> memref<128xi32, #tpu.memory_space<vmem>>
    %dma_wait3A_445 = arith.constant 0 : i32
    %dma_wait3A_446 = arith.constant 0 : i32
    %dma_wait3A_447 = tpu.memref_slice %arg10[%dma_wait3A_445, %dma_wait3A_446] : memref<10240x16xf32, #tpu.memory_space<vmem_shared>> -> memref<10240x16xf32, #tpu.memory_space<vmem_shared>>
    tpu.wait_indirect_dma semaphore(%arg12 : memref<!tpu.dma_semaphore, #tpu.memory_space<semaphore_mem>>) src(%dma_wait3A_447 : memref<10240x16xf32, #tpu.memory_space<vmem_shared>>) dst(%dma_wait3A_441 : memref<128x16xf32, #tpu.memory_space<vmem>>)
    %dma_wait3A_448 = arith.constant 0 : i32
    %dma_wait3A_449 = arith.constant 0 : i32
    %dma_wait3A_450 = arith.constant 0 : i32
    %dma_wait3A_451 = arith.constant 0 : i32
    %dma_wait3A_452 = tpu.memref_slice %arg8[%dma_wait3A_449, %dma_wait3A_450, %dma_wait3A_451] : memref<16x128x16xf32, #tpu.memory_space<vmem>> -> memref<1x128x16xf32, #tpu.memory_space<vmem>>
    %dma_wait3A_453 = tpu.memref_squeeze %dma_wait3A_452 : memref<1x128x16xf32, #tpu.memory_space<vmem>> -> memref<128x16xf32, #tpu.memory_space<vmem>>
    %dma_wait3A_454 = arith.constant 0 : i32
    %dma_wait3A_455 = tpu.memref_slice %arg6[%dma_wait3A_448, %dma_wait3A_454] : memref<80x128xi32, #tpu.memory_space<vmem>> -> memref<1x128xi32, #tpu.memory_space<vmem>>
    %dma_wait3A_456 = tpu.memref_squeeze %dma_wait3A_455 : memref<1x128xi32, #tpu.memory_space<vmem>> -> memref<128xi32, #tpu.memory_space<vmem>>
    %dma_wait3A_457 = arith.constant 0 : i32
    %dma_wait3A_458 = arith.constant 0 : i32
    %dma_wait3A_459 = tpu.memref_slice %arg10[%dma_wait3A_457, %dma_wait3A_458] : memref<10240x16xf32, #tpu.memory_space<vmem_shared>> -> memref<10240x16xf32, #tpu.memory_space<vmem_shared>>
    tpu.wait_indirect_dma semaphore(%arg12 : memref<!tpu.dma_semaphore, #tpu.memory_space<semaphore_mem>>) src(%dma_wait3A_459 : memref<10240x16xf32, #tpu.memory_space<vmem_shared>>) dst(%dma_wait3A_453 : memref<128x16xf32, #tpu.memory_space<vmem>>)
    %dma_wait3A_460 = arith.constant 0 : i32
    %dma_wait3A_461 = arith.constant 0 : i32
    %dma_wait3A_462 = arith.constant 0 : i32
    %dma_wait3A_463 = arith.constant 0 : i32
    %dma_wait3A_464 = tpu.memref_slice %arg8[%dma_wait3A_461, %dma_wait3A_462, %dma_wait3A_463] : memref<16x128x16xf32, #tpu.memory_space<vmem>> -> memref<1x128x16xf32, #tpu.memory_space<vmem>>
    %dma_wait3A_465 = tpu.memref_squeeze %dma_wait3A_464 : memref<1x128x16xf32, #tpu.memory_space<vmem>> -> memref<128x16xf32, #tpu.memory_space<vmem>>
    %dma_wait3A_466 = arith.constant 0 : i32
    %dma_wait3A_467 = tpu.memref_slice %arg6[%dma_wait3A_460, %dma_wait3A_466] : memref<80x128xi32, #tpu.memory_space<vmem>> -> memref<1x128xi32, #tpu.memory_space<vmem>>
    %dma_wait3A_468 = tpu.memref_squeeze %dma_wait3A_467 : memref<1x128xi32, #tpu.memory_space<vmem>> -> memref<128xi32, #tpu.memory_space<vmem>>
    %dma_wait3A_469 = arith.constant 0 : i32
    %dma_wait3A_470 = arith.constant 0 : i32
    %dma_wait3A_471 = tpu.memref_slice %arg10[%dma_wait3A_469, %dma_wait3A_470] : memref<10240x16xf32, #tpu.memory_space<vmem_shared>> -> memref<10240x16xf32, #tpu.memory_space<vmem_shared>>
    tpu.wait_indirect_dma semaphore(%arg12 : memref<!tpu.dma_semaphore, #tpu.memory_space<semaphore_mem>>) src(%dma_wait3A_471 : memref<10240x16xf32, #tpu.memory_space<vmem_shared>>) dst(%dma_wait3A_465 : memref<128x16xf32, #tpu.memory_space<vmem>>)
    %dma_wait3A_472 = arith.constant 0 : i32
    %dma_wait3A_473 = arith.constant 0 : i32
    %dma_wait3A_474 = arith.constant 0 : i32
    %dma_wait3A_475 = arith.constant 0 : i32
    %dma_wait3A_476 = tpu.memref_slice %arg8[%dma_wait3A_473, %dma_wait3A_474, %dma_wait3A_475] : memref<16x128x16xf32, #tpu.memory_space<vmem>> -> memref<1x128x16xf32, #tpu.memory_space<vmem>>
    %dma_wait3A_477 = tpu.memref_squeeze %dma_wait3A_476 : memref<1x128x16xf32, #tpu.memory_space<vmem>> -> memref<128x16xf32, #tpu.memory_space<vmem>>
    %dma_wait3A_478 = arith.constant 0 : i32
    %dma_wait3A_479 = tpu.memref_slice %arg6[%dma_wait3A_472, %dma_wait3A_478] : memref<80x128xi32, #tpu.memory_space<vmem>> -> memref<1x128xi32, #tpu.memory_space<vmem>>
    %dma_wait3A_480 = tpu.memref_squeeze %dma_wait3A_479 : memref<1x128xi32, #tpu.memory_space<vmem>> -> memref<128xi32, #tpu.memory_space<vmem>>
    %dma_wait3A_481 = arith.constant 0 : i32
    %dma_wait3A_482 = arith.constant 0 : i32
    %dma_wait3A_483 = tpu.memref_slice %arg10[%dma_wait3A_481, %dma_wait3A_482] : memref<10240x16xf32, #tpu.memory_space<vmem_shared>> -> memref<10240x16xf32, #tpu.memory_space<vmem_shared>>
    tpu.wait_indirect_dma semaphore(%arg12 : memref<!tpu.dma_semaphore, #tpu.memory_space<semaphore_mem>>) src(%dma_wait3A_483 : memref<10240x16xf32, #tpu.memory_space<vmem_shared>>) dst(%dma_wait3A_477 : memref<128x16xf32, #tpu.memory_space<vmem>>)
    %dma_wait3A_484 = arith.constant 0 : i32
    %dma_wait3A_485 = arith.constant 0 : i32
    %dma_wait3A_486 = arith.constant 0 : i32
    %dma_wait3A_487 = arith.constant 0 : i32
    %dma_wait3A_488 = tpu.memref_slice %arg8[%dma_wait3A_485, %dma_wait3A_486, %dma_wait3A_487] : memref<16x128x16xf32, #tpu.memory_space<vmem>> -> memref<1x128x16xf32, #tpu.memory_space<vmem>>
    %dma_wait3A_489 = tpu.memref_squeeze %dma_wait3A_488 : memref<1x128x16xf32, #tpu.memory_space<vmem>> -> memref<128x16xf32, #tpu.memory_space<vmem>>
    %dma_wait3A_490 = arith.constant 0 : i32
    %dma_wait3A_491 = tpu.memref_slice %arg6[%dma_wait3A_484, %dma_wait3A_490] : memref<80x128xi32, #tpu.memory_space<vmem>> -> memref<1x128xi32, #tpu.memory_space<vmem>>
    %dma_wait3A_492 = tpu.memref_squeeze %dma_wait3A_491 : memref<1x128xi32, #tpu.memory_space<vmem>> -> memref<128xi32, #tpu.memory_space<vmem>>
    %dma_wait3A_493 = arith.constant 0 : i32
    %dma_wait3A_494 = arith.constant 0 : i32
    %dma_wait3A_495 = tpu.memref_slice %arg10[%dma_wait3A_493, %dma_wait3A_494] : memref<10240x16xf32, #tpu.memory_space<vmem_shared>> -> memref<10240x16xf32, #tpu.memory_space<vmem_shared>>
    tpu.wait_indirect_dma semaphore(%arg12 : memref<!tpu.dma_semaphore, #tpu.memory_space<semaphore_mem>>) src(%dma_wait3A_495 : memref<10240x16xf32, #tpu.memory_space<vmem_shared>>) dst(%dma_wait3A_489 : memref<128x16xf32, #tpu.memory_space<vmem>>)
    %dma_wait3A_496 = arith.constant 0 : i32
    %dma_wait3A_497 = arith.constant 0 : i32
    %dma_wait3A_498 = arith.constant 0 : i32
    %dma_wait3A_499 = arith.constant 0 : i32
    %dma_wait3A_500 = tpu.memref_slice %arg8[%dma_wait3A_496, %dma_wait3A_498, %dma_wait3A_499] : memref<16x128x16xf32, #tpu.memory_space<vmem>> -> memref<1x128x16xf32, #tpu.memory_space<vmem>>
    %dma_wait3A_501 = tpu.memref_squeeze %dma_wait3A_500 : memref<1x128x16xf32, #tpu.memory_space<vmem>> -> memref<128x16xf32, #tpu.memory_space<vmem>>
    %dma_wait3A_502 = arith.constant 0 : i32
    %dma_wait3A_503 = tpu.memref_slice %arg7[%dma_wait3A_497, %dma_wait3A_502] : memref<80x128xi32, #tpu.memory_space<vmem>> -> memref<1x128xi32, #tpu.memory_space<vmem>>
    %dma_wait3A_504 = tpu.memref_squeeze %dma_wait3A_503 : memref<1x128xi32, #tpu.memory_space<vmem>> -> memref<128xi32, #tpu.memory_space<vmem>>
    %dma_wait3A_505 = arith.constant 0 : i32
    %dma_wait3A_506 = arith.constant 0 : i32
    %dma_wait3A_507 = tpu.memref_slice %arg11[%dma_wait3A_505, %dma_wait3A_506] : memref<10240x16xf32, #tpu.memory_space<vmem_shared>> -> memref<10240x16xf32, #tpu.memory_space<vmem_shared>>
    tpu.wait_indirect_dma semaphore(%arg13 : memref<!tpu.dma_semaphore, #tpu.memory_space<semaphore_mem>>) src(%dma_wait3A_501 : memref<128x16xf32, #tpu.memory_space<vmem>>) dst(%dma_wait3A_507 : memref<10240x16xf32, #tpu.memory_space<vmem_shared>>)
    %dma_wait3A_508 = arith.constant 0 : i32
    %dma_wait3A_509 = arith.constant 0 : i32
    %dma_wait3A_510 = arith.constant 0 : i32
    %dma_wait3A_511 = arith.constant 0 : i32
    %dma_wait3A_512 = tpu.memref_slice %arg8[%dma_wait3A_508, %dma_wait3A_510, %dma_wait3A_511] : memref<16x128x16xf32, #tpu.memory_space<vmem>> -> memref<1x128x16xf32, #tpu.memory_space<vmem>>
    %dma_wait3A_513 = tpu.memref_squeeze %dma_wait3A_512 : memref<1x128x16xf32, #tpu.memory_space<vmem>> -> memref<128x16xf32, #tpu.memory_space<vmem>>
    %dma_wait3A_514 = arith.constant 0 : i32
    %dma_wait3A_515 = tpu.memref_slice %arg7[%dma_wait3A_509, %dma_wait3A_514] : memref<80x128xi32, #tpu.memory_space<vmem>> -> memref<1x128xi32, #tpu.memory_space<vmem>>
    %dma_wait3A_516 = tpu.memref_squeeze %dma_wait3A_515 : memref<1x128xi32, #tpu.memory_space<vmem>> -> memref<128xi32, #tpu.memory_space<vmem>>
    %dma_wait3A_517 = arith.constant 0 : i32
    %dma_wait3A_518 = arith.constant 0 : i32
    %dma_wait3A_519 = tpu.memref_slice %arg11[%dma_wait3A_517, %dma_wait3A_518] : memref<10240x16xf32, #tpu.memory_space<vmem_shared>> -> memref<10240x16xf32, #tpu.memory_space<vmem_shared>>
    tpu.wait_indirect_dma semaphore(%arg13 : memref<!tpu.dma_semaphore, #tpu.memory_space<semaphore_mem>>) src(%dma_wait3A_513 : memref<128x16xf32, #tpu.memory_space<vmem>>) dst(%dma_wait3A_519 : memref<10240x16xf32, #tpu.memory_space<vmem_shared>>)
    %dma_wait3A_520 = arith.constant 0 : i32
    %dma_wait3A_521 = arith.constant 0 : i32
    %dma_wait3A_522 = arith.constant 0 : i32
    %dma_wait3A_523 = arith.constant 0 : i32
    %dma_wait3A_524 = tpu.memref_slice %arg8[%dma_wait3A_520, %dma_wait3A_522, %dma_wait3A_523] : memref<16x128x16xf32, #tpu.memory_space<vmem>> -> memref<1x128x16xf32, #tpu.memory_space<vmem>>
    %dma_wait3A_525 = tpu.memref_squeeze %dma_wait3A_524 : memref<1x128x16xf32, #tpu.memory_space<vmem>> -> memref<128x16xf32, #tpu.memory_space<vmem>>
    %dma_wait3A_526 = arith.constant 0 : i32
    %dma_wait3A_527 = tpu.memref_slice %arg7[%dma_wait3A_521, %dma_wait3A_526] : memref<80x128xi32, #tpu.memory_space<vmem>> -> memref<1x128xi32, #tpu.memory_space<vmem>>
    %dma_wait3A_528 = tpu.memref_squeeze %dma_wait3A_527 : memref<1x128xi32, #tpu.memory_space<vmem>> -> memref<128xi32, #tpu.memory_space<vmem>>
    %dma_wait3A_529 = arith.constant 0 : i32
    %dma_wait3A_530 = arith.constant 0 : i32
    %dma_wait3A_531 = tpu.memref_slice %arg11[%dma_wait3A_529, %dma_wait3A_530] : memref<10240x16xf32, #tpu.memory_space<vmem_shared>> -> memref<10240x16xf32, #tpu.memory_space<vmem_shared>>
    tpu.wait_indirect_dma semaphore(%arg13 : memref<!tpu.dma_semaphore, #tpu.memory_space<semaphore_mem>>) src(%dma_wait3A_525 : memref<128x16xf32, #tpu.memory_space<vmem>>) dst(%dma_wait3A_531 : memref<10240x16xf32, #tpu.memory_space<vmem_shared>>)
    %dma_wait3A_532 = arith.constant 0 : i32
    %dma_wait3A_533 = arith.constant 0 : i32
    %dma_wait3A_534 = arith.constant 0 : i32
    %dma_wait3A_535 = arith.constant 0 : i32
    %dma_wait3A_536 = tpu.memref_slice %arg8[%dma_wait3A_532, %dma_wait3A_534, %dma_wait3A_535] : memref<16x128x16xf32, #tpu.memory_space<vmem>> -> memref<1x128x16xf32, #tpu.memory_space<vmem>>
    %dma_wait3A_537 = tpu.memref_squeeze %dma_wait3A_536 : memref<1x128x16xf32, #tpu.memory_space<vmem>> -> memref<128x16xf32, #tpu.memory_space<vmem>>
    %dma_wait3A_538 = arith.constant 0 : i32
    %dma_wait3A_539 = tpu.memref_slice %arg7[%dma_wait3A_533, %dma_wait3A_538] : memref<80x128xi32, #tpu.memory_space<vmem>> -> memref<1x128xi32, #tpu.memory_space<vmem>>
    %dma_wait3A_540 = tpu.memref_squeeze %dma_wait3A_539 : memref<1x128xi32, #tpu.memory_space<vmem>> -> memref<128xi32, #tpu.memory_space<vmem>>
    %dma_wait3A_541 = arith.constant 0 : i32
    %dma_wait3A_542 = arith.constant 0 : i32
    %dma_wait3A_543 = tpu.memref_slice %arg11[%dma_wait3A_541, %dma_wait3A_542] : memref<10240x16xf32, #tpu.memory_space<vmem_shared>> -> memref<10240x16xf32, #tpu.memory_space<vmem_shared>>
    tpu.wait_indirect_dma semaphore(%arg13 : memref<!tpu.dma_semaphore, #tpu.memory_space<semaphore_mem>>) src(%dma_wait3A_537 : memref<128x16xf32, #tpu.memory_space<vmem>>) dst(%dma_wait3A_543 : memref<10240x16xf32, #tpu.memory_space<vmem_shared>>)
    %dma_wait3A_544 = arith.constant 0 : i32
    %dma_wait3A_545 = arith.constant 0 : i32
    %dma_wait3A_546 = arith.constant 0 : i32
    %dma_wait3A_547 = arith.constant 0 : i32
    %dma_wait3A_548 = tpu.memref_slice %arg8[%dma_wait3A_544, %dma_wait3A_546, %dma_wait3A_547] : memref<16x128x16xf32, #tpu.memory_space<vmem>> -> memref<1x128x16xf32, #tpu.memory_space<vmem>>
    %dma_wait3A_549 = tpu.memref_squeeze %dma_wait3A_548 : memref<1x128x16xf32, #tpu.memory_space<vmem>> -> memref<128x16xf32, #tpu.memory_space<vmem>>
    %dma_wait3A_550 = arith.constant 0 : i32
    %dma_wait3A_551 = tpu.memref_slice %arg7[%dma_wait3A_545, %dma_wait3A_550] : memref<80x128xi32, #tpu.memory_space<vmem>> -> memref<1x128xi32, #tpu.memory_space<vmem>>
    %dma_wait3A_552 = tpu.memref_squeeze %dma_wait3A_551 : memref<1x128xi32, #tpu.memory_space<vmem>> -> memref<128xi32, #tpu.memory_space<vmem>>
    %dma_wait3A_553 = arith.constant 0 : i32
    %dma_wait3A_554 = arith.constant 0 : i32
    %dma_wait3A_555 = tpu.memref_slice %arg11[%dma_wait3A_553, %dma_wait3A_554] : memref<10240x16xf32, #tpu.memory_space<vmem_shared>> -> memref<10240x16xf32, #tpu.memory_space<vmem_shared>>
    tpu.wait_indirect_dma semaphore(%arg13 : memref<!tpu.dma_semaphore, #tpu.memory_space<semaphore_mem>>) src(%dma_wait3A_549 : memref<128x16xf32, #tpu.memory_space<vmem>>) dst(%dma_wait3A_555 : memref<10240x16xf32, #tpu.memory_space<vmem_shared>>)
    %dma_wait3A_556 = arith.constant 0 : i32
    %dma_wait3A_557 = arith.constant 0 : i32
    %dma_wait3A_558 = arith.constant 0 : i32
    %dma_wait3A_559 = arith.constant 0 : i32
    %dma_wait3A_560 = tpu.memref_slice %arg8[%dma_wait3A_556, %dma_wait3A_558, %dma_wait3A_559] : memref<16x128x16xf32, #tpu.memory_space<vmem>> -> memref<1x128x16xf32, #tpu.memory_space<vmem>>
    %dma_wait3A_561 = tpu.memref_squeeze %dma_wait3A_560 : memref<1x128x16xf32, #tpu.memory_space<vmem>> -> memref<128x16xf32, #tpu.memory_space<vmem>>
    %dma_wait3A_562 = arith.constant 0 : i32
    %dma_wait3A_563 = tpu.memref_slice %arg7[%dma_wait3A_557, %dma_wait3A_562] : memref<80x128xi32, #tpu.memory_space<vmem>> -> memref<1x128xi32, #tpu.memory_space<vmem>>
    %dma_wait3A_564 = tpu.memref_squeeze %dma_wait3A_563 : memref<1x128xi32, #tpu.memory_space<vmem>> -> memref<128xi32, #tpu.memory_space<vmem>>
    %dma_wait3A_565 = arith.constant 0 : i32
    %dma_wait3A_566 = arith.constant 0 : i32
    %dma_wait3A_567 = tpu.memref_slice %arg11[%dma_wait3A_565, %dma_wait3A_566] : memref<10240x16xf32, #tpu.memory_space<vmem_shared>> -> memref<10240x16xf32, #tpu.memory_space<vmem_shared>>
    tpu.wait_indirect_dma semaphore(%arg13 : memref<!tpu.dma_semaphore, #tpu.memory_space<semaphore_mem>>) src(%dma_wait3A_561 : memref<128x16xf32, #tpu.memory_space<vmem>>) dst(%dma_wait3A_567 : memref<10240x16xf32, #tpu.memory_space<vmem_shared>>)
    %dma_wait3A_568 = arith.constant 0 : i32
    %dma_wait3A_569 = arith.constant 0 : i32
    %dma_wait3A_570 = arith.constant 0 : i32
    %dma_wait3A_571 = arith.constant 0 : i32
    %dma_wait3A_572 = tpu.memref_slice %arg8[%dma_wait3A_568, %dma_wait3A_570, %dma_wait3A_571] : memref<16x128x16xf32, #tpu.memory_space<vmem>> -> memref<1x128x16xf32, #tpu.memory_space<vmem>>
    %dma_wait3A_573 = tpu.memref_squeeze %dma_wait3A_572 : memref<1x128x16xf32, #tpu.memory_space<vmem>> -> memref<128x16xf32, #tpu.memory_space<vmem>>
    %dma_wait3A_574 = arith.constant 0 : i32
    %dma_wait3A_575 = tpu.memref_slice %arg7[%dma_wait3A_569, %dma_wait3A_574] : memref<80x128xi32, #tpu.memory_space<vmem>> -> memref<1x128xi32, #tpu.memory_space<vmem>>
    %dma_wait3A_576 = tpu.memref_squeeze %dma_wait3A_575 : memref<1x128xi32, #tpu.memory_space<vmem>> -> memref<128xi32, #tpu.memory_space<vmem>>
    %dma_wait3A_577 = arith.constant 0 : i32
    %dma_wait3A_578 = arith.constant 0 : i32
    %dma_wait3A_579 = tpu.memref_slice %arg11[%dma_wait3A_577, %dma_wait3A_578] : memref<10240x16xf32, #tpu.memory_space<vmem_shared>> -> memref<10240x16xf32, #tpu.memory_space<vmem_shared>>
    tpu.wait_indirect_dma semaphore(%arg13 : memref<!tpu.dma_semaphore, #tpu.memory_space<semaphore_mem>>) src(%dma_wait3A_573 : memref<128x16xf32, #tpu.memory_space<vmem>>) dst(%dma_wait3A_579 : memref<10240x16xf32, #tpu.memory_space<vmem_shared>>)
    %dma_wait3A_580 = arith.constant 0 : i32
    %dma_wait3A_581 = arith.constant 0 : i32
    %dma_wait3A_582 = arith.constant 0 : i32
    %dma_wait3A_583 = arith.constant 0 : i32
    %dma_wait3A_584 = tpu.memref_slice %arg8[%dma_wait3A_580, %dma_wait3A_582, %dma_wait3A_583] : memref<16x128x16xf32, #tpu.memory_space<vmem>> -> memref<1x128x16xf32, #tpu.memory_space<vmem>>
    %dma_wait3A_585 = tpu.memref_squeeze %dma_wait3A_584 : memref<1x128x16xf32, #tpu.memory_space<vmem>> -> memref<128x16xf32, #tpu.memory_space<vmem>>
    %dma_wait3A_586 = arith.constant 0 : i32
    %dma_wait3A_587 = tpu.memref_slice %arg7[%dma_wait3A_581, %dma_wait3A_586] : memref<80x128xi32, #tpu.memory_space<vmem>> -> memref<1x128xi32, #tpu.memory_space<vmem>>
    %dma_wait3A_588 = tpu.memref_squeeze %dma_wait3A_587 : memref<1x128xi32, #tpu.memory_space<vmem>> -> memref<128xi32, #tpu.memory_space<vmem>>
    %dma_wait3A_589 = arith.constant 0 : i32
    %dma_wait3A_590 = arith.constant 0 : i32
    %dma_wait3A_591 = tpu.memref_slice %arg11[%dma_wait3A_589, %dma_wait3A_590] : memref<10240x16xf32, #tpu.memory_space<vmem_shared>> -> memref<10240x16xf32, #tpu.memory_space<vmem_shared>>
    tpu.wait_indirect_dma semaphore(%arg13 : memref<!tpu.dma_semaphore, #tpu.memory_space<semaphore_mem>>) src(%dma_wait3A_585 : memref<128x16xf32, #tpu.memory_space<vmem>>) dst(%dma_wait3A_591 : memref<10240x16xf32, #tpu.memory_space<vmem_shared>>)
    %barrier3A_592 = arith.constant 0 : index
    tpu.barrier barrier_id(%barrier3A_592)
    %mul3A_593 = arith.constant 640 : i32
    %mul3A_594 = arith.muli %arg1, %mul3A_593 : i32
    %mul3A_595 = arith.constant 10240 : i32
    %mul3A_596 = arith.muli %arg0, %mul3A_595 : i32
    %mul3A_597 = arith.constant 640 : i32
    %mul3A_598 = arith.muli %arg1, %mul3A_597 : i32
    %add3A_599 = arith.addi %mul3A_596, %mul3A_598 : i32
    "tpu.region"() ({
      %run_scoped3A = tpu.sem_alloc : memref<!tpu.dma_semaphore, #tpu.memory_space<semaphore_mem>>
      %dma_start3A_600 = arith.constant 0 : i32
      %dma_start3A_601 = tpu.memref_slice %arg5[%add3A_599, %dma_start3A_600] : memref<20480x16xf32, #tpu.memory_space<hbm>> -> memref<640x16xf32, #tpu.memory_space<hbm>>
      %dma_start3A_602 = arith.constant 0 : i32
      %dma_start3A_603 = tpu.memref_slice %arg11[%mul3A_594, %dma_start3A_602] : memref<10240x16xf32, #tpu.memory_space<vmem_shared>> -> memref<640x16xf32, #tpu.memory_space<vmem_shared>>
      tpu.enqueue_dma source(%dma_start3A_603 : memref<640x16xf32, #tpu.memory_space<vmem_shared>>) target(%dma_start3A_601 : memref<640x16xf32, #tpu.memory_space<hbm>>) target_semaphore(%run_scoped3A : memref<!tpu.dma_semaphore, #tpu.memory_space<semaphore_mem>>)
      %dma_wait3A_604 = arith.constant 0 : i32
      %dma_wait3A_605 = tpu.memref_slice %arg5[%add3A_599, %dma_wait3A_604] : memref<20480x16xf32, #tpu.memory_space<hbm>> -> memref<640x16xf32, #tpu.memory_space<hbm>>
      %dma_wait3A_606 = arith.constant 0 : i32
      %dma_wait3A_607 = tpu.memref_slice %arg11[%mul3A_594, %dma_wait3A_606] : memref<10240x16xf32, #tpu.memory_space<vmem_shared>> -> memref<640x16xf32, #tpu.memory_space<vmem_shared>>
      tpu.wait_dma2 semaphore(%run_scoped3A : memref<!tpu.dma_semaphore, #tpu.memory_space<semaphore_mem>>) src(%dma_wait3A_607 : memref<640x16xf32, #tpu.memory_space<vmem_shared>>) dst(%dma_wait3A_605 : memref<640x16xf32, #tpu.memory_space<hbm>>)
      tpu.yield
    }) : () -> ()
    return
  }
}

module attributes {stable_mosaic.version = 14 : i64} {
  func.func @_tc_scale1(%arg0: memref<2x10240x16xf32, #tpu.memory_space<vmem>>, %arg1: memref<10000x16xf32, #tpu.memory_space<vmem>>, %arg2: memref<10240x16xf32, #tpu.memory_space<vmem>>, %arg3: memref<10000x16xf32, #tpu.memory_space<vmem>>) attributes {dimension_semantics = [], scalar_prefetch = 0 : i64, scratch_operands = 0 : i64, tpu.core_type = #tpu.core_type<tc>} {
    %get3A = arith.constant 0 : index
    %get3A_0 = arith.constant 0 : index
    %get3A_1 = arith.constant 0 : index
    %get3A_2 = vector.load %arg0[%get3A, %get3A_0, %get3A_1] : memref<2x10240x16xf32, #tpu.memory_space<vmem>>, vector<1x10000x16xf32>
    %get3A_3 = vector.shape_cast %get3A_2 : vector<1x10000x16xf32> to vector<10000x16xf32>
    %get3A_4 = arith.constant 1 : index
    %get3A_5 = arith.constant 0 : index
    %get3A_6 = arith.constant 0 : index
    %get3A_7 = vector.load %arg0[%get3A_4, %get3A_5, %get3A_6] : memref<2x10240x16xf32, #tpu.memory_space<vmem>>, vector<1x10000x16xf32>
    %get3A_8 = vector.shape_cast %get3A_7 : vector<1x10000x16xf32> to vector<10000x16xf32>
    %add3A = arith.addf %get3A_3, %get3A_8 : vector<10000x16xf32>
    %add3A_9 = arith.constant 1.000000e+00 : f32
    %add3A_10 = vector.broadcast %add3A_9 : f32 to vector<10000x16xf32>
    %add3A_11 = arith.addf %add3A, %add3A_10 : vector<10000x16xf32>
    %rsqrt3A = math.rsqrt %add3A_11 : vector<10000x16xf32>
    %get3A_12 = arith.constant 0 : index
    %get3A_13 = arith.constant 0 : index
    %get3A_14 = vector.load %arg1[%get3A_12, %get3A_13] : memref<10000x16xf32, #tpu.memory_space<vmem>>, vector<10000x16xf32>
    %mul3A = arith.mulf %rsqrt3A, %get3A_14 : vector<10000x16xf32>
    %swap3A = arith.constant 0 : index
    %swap3A_15 = arith.constant 0 : index
    %swap3A_16 = vector.load %arg2[%swap3A, %swap3A_15] : memref<10240x16xf32, #tpu.memory_space<vmem>>, vector<10000x16xf32>
    tpu.vector_store %arg2[%swap3A, %swap3A_15], %mul3A {strides = array<i32>} : memref<10240x16xf32, #tpu.memory_space<vmem>>, vector<10000x16xf32>,
    %broadcast_in_dim3A = arith.constant 0.000000e+00 : f32
    %broadcast_in_dim3A_17 = vector.broadcast %broadcast_in_dim3A : f32 to vector<240x16xf32>
    %swap3A_18 = arith.constant 10000 : index
    %swap3A_19 = arith.constant 0 : index
    %swap3A_20 = vector.load %arg2[%swap3A_18, %swap3A_19] : memref<10240x16xf32, #tpu.memory_space<vmem>>, vector<240x16xf32>
    tpu.vector_store %arg2[%swap3A_18, %swap3A_19], %broadcast_in_dim3A_17 {strides = array<i32>} : memref<10240x16xf32, #tpu.memory_space<vmem>>, vector<240x16xf32>,
    %swap3A_21 = arith.constant 0 : index
    %swap3A_22 = arith.constant 0 : index
    %swap3A_23 = vector.load %arg3[%swap3A_21, %swap3A_22] : memref<10000x16xf32, #tpu.memory_space<vmem>>, vector<10000x16xf32>
    tpu.vector_store %arg3[%swap3A_21, %swap3A_22], %rsqrt3A {strides = array<i32>} : memref<10000x16xf32, #tpu.memory_space<vmem>>, vector<10000x16xf32>,
    return
  }
}

module attributes {stable_mosaic.version = 14 : i64} {
  func.func @_tc_mm1(%arg0: memref<10000x128xf32, #tpu.memory_space<vmem>>, %arg1: memref<128x16xf32, #tpu.memory_space<vmem>>, %arg2: memref<1x16xf32, #tpu.memory_space<vmem>>, %arg3: memref<10000x16xf32, #tpu.memory_space<vmem>>) attributes {dimension_semantics = [], scalar_prefetch = 0 : i64, scratch_operands = 0 : i64, tpu.core_type = #tpu.core_type<tc>} {
    %get3A = arith.constant 0 : index
    %get3A_0 = arith.constant 0 : index
    %get3A_1 = vector.load %arg0[%get3A, %get3A_0] : memref<10000x128xf32, #tpu.memory_space<vmem>>, vector<10000x128xf32>
    %get3A_2 = arith.constant 0 : index
    %get3A_3 = arith.constant 0 : index
    %get3A_4 = vector.load %arg1[%get3A_2, %get3A_3] : memref<128x16xf32, #tpu.memory_space<vmem>>, vector<128x16xf32>
    %dot_general3A = arith.constant dense<0.000000e+00> : vector<10000x16xf32>
    %dot_general3A_5 = tpu.matmul %get3A_1, %get3A_4, %dot_general3A {dimension_numbers = #tpu.dot_dimension_numbers<[1], [0], [0], [1], [0, 0, 1, 1], [], []>, transpose_lhs_hint = false} : vector<10000x128xf32>, vector<128x16xf32>, vector<10000x16xf32> -> vector<10000x16xf32>
    %get3A_6 = arith.constant 0 : index
    %get3A_7 = arith.constant 0 : index
    %get3A_8 = vector.load %arg2[%get3A_6, %get3A_7] : memref<1x16xf32, #tpu.memory_space<vmem>>, vector<1x16xf32>
    %add3A = vector.broadcast %get3A_8 : vector<1x16xf32> to vector<10000x16xf32>
    %add3A_9 = arith.addf %dot_general3A_5, %add3A : vector<10000x16xf32>
    %swap3A = arith.constant 0 : index
    %swap3A_10 = arith.constant 0 : index
    %swap3A_11 = vector.load %arg3[%swap3A, %swap3A_10] : memref<10000x16xf32, #tpu.memory_space<vmem>>, vector<10000x16xf32>
    tpu.vector_store %arg3[%swap3A, %swap3A_10], %add3A_9 {strides = array<i32>} : memref<10000x16xf32, #tpu.memory_space<vmem>>, vector<10000x16xf32>,
    return
  }
}

module attributes {stable_mosaic.version = 14 : i64} {
  func.func @_tc_mid(%arg0: memref<2x10240x16xf32, #tpu.memory_space<vmem>>, %arg1: memref<10240x16xf32, #tpu.memory_space<vmem>>, %arg2: memref<10000x16xf32, #tpu.memory_space<vmem>>, %arg3: memref<16x16xf32, #tpu.memory_space<vmem>>, %arg4: memref<1x16xf32, #tpu.memory_space<vmem>>, %arg5: memref<10240x16xf32, #tpu.memory_space<vmem>>) attributes {dimension_semantics = [], scalar_prefetch = 0 : i64, scratch_operands = 0 : i64, tpu.core_type = #tpu.core_type<tc>} {
    %get3A = arith.constant 0 : index
    %get3A_0 = arith.constant 0 : index
    %get3A_1 = vector.load %arg2[%get3A, %get3A_0] : memref<10000x16xf32, #tpu.memory_space<vmem>>, vector<10000x16xf32>
    %get3A_2 = arith.constant 0 : index
    %get3A_3 = arith.constant 0 : index
    %get3A_4 = arith.constant 0 : index
    %get3A_5 = vector.load %arg0[%get3A_2, %get3A_3, %get3A_4] : memref<2x10240x16xf32, #tpu.memory_space<vmem>>, vector<1x10000x16xf32>
    %get3A_6 = vector.shape_cast %get3A_5 : vector<1x10000x16xf32> to vector<10000x16xf32>
    %get3A_7 = arith.constant 1 : index
    %get3A_8 = arith.constant 0 : index
    %get3A_9 = arith.constant 0 : index
    %get3A_10 = vector.load %arg0[%get3A_7, %get3A_8, %get3A_9] : memref<2x10240x16xf32, #tpu.memory_space<vmem>>, vector<1x10000x16xf32>
    %get3A_11 = vector.shape_cast %get3A_10 : vector<1x10000x16xf32> to vector<10000x16xf32>
    %add3A = arith.addf %get3A_6, %get3A_11 : vector<10000x16xf32>
    %get3A_12 = arith.constant 0 : index
    %get3A_13 = arith.constant 0 : index
    %get3A_14 = vector.load %arg1[%get3A_12, %get3A_13] : memref<10240x16xf32, #tpu.memory_space<vmem>>, vector<10000x16xf32>
    %add3A_15 = arith.addf %add3A, %get3A_14 : vector<10000x16xf32>
    %mul3A = arith.mulf %get3A_1, %add3A_15 : vector<10000x16xf32>
    %max3A = arith.constant 0.000000e+00 : f32
    %max3A_16 = vector.broadcast %max3A : f32 to vector<10000x16xf32>
    %max3A_17 = arith.maximumf %mul3A, %max3A_16 : vector<10000x16xf32>
    %get3A_18 = arith.constant 0 : index
    %get3A_19 = arith.constant 0 : index
    %get3A_20 = vector.load %arg3[%get3A_18, %get3A_19] : memref<16x16xf32, #tpu.memory_space<vmem>>, vector<16x16xf32>
    %dot_general3A = arith.constant dense<0.000000e+00> : vector<10000x16xf32>
    %dot_general3A_21 = tpu.matmul %max3A_17, %get3A_20, %dot_general3A {dimension_numbers = #tpu.dot_dimension_numbers<[1], [0], [0], [1], [0, 0, 1, 1], [], []>, transpose_lhs_hint = false} : vector<10000x16xf32>, vector<16x16xf32>, vector<10000x16xf32> -> vector<10000x16xf32>
    %get3A_22 = arith.constant 0 : index
    %get3A_23 = arith.constant 0 : index
    %get3A_24 = vector.load %arg4[%get3A_22, %get3A_23] : memref<1x16xf32, #tpu.memory_space<vmem>>, vector<1x16xf32>
    %add3A_25 = vector.broadcast %get3A_24 : vector<1x16xf32> to vector<10000x16xf32>
    %add3A_26 = arith.addf %dot_general3A_21, %add3A_25 : vector<10000x16xf32>
    %mul3A_27 = arith.mulf %get3A_1, %add3A_26 : vector<10000x16xf32>
    %swap3A = arith.constant 0 : index
    %swap3A_28 = arith.constant 0 : index
    %swap3A_29 = vector.load %arg5[%swap3A, %swap3A_28] : memref<10240x16xf32, #tpu.memory_space<vmem>>, vector<10000x16xf32>
    tpu.vector_store %arg5[%swap3A, %swap3A_28], %mul3A_27 {strides = array<i32>} : memref<10240x16xf32, #tpu.memory_space<vmem>>, vector<10000x16xf32>,
    %broadcast_in_dim3A = arith.constant 0.000000e+00 : f32
    %broadcast_in_dim3A_30 = vector.broadcast %broadcast_in_dim3A : f32 to vector<240x16xf32>
    %swap3A_31 = arith.constant 10000 : index
    %swap3A_32 = arith.constant 0 : index
    %swap3A_33 = vector.load %arg5[%swap3A_31, %swap3A_32] : memref<10240x16xf32, #tpu.memory_space<vmem>>, vector<240x16xf32>
    tpu.vector_store %arg5[%swap3A_31, %swap3A_32], %broadcast_in_dim3A_30 {strides = array<i32>} : memref<10240x16xf32, #tpu.memory_space<vmem>>, vector<240x16xf32>,
    return
  }
}

module attributes {stable_mosaic.version = 14 : i64} {
  func.func @_tc_post(%arg0: memref<2x10240x16xf32, #tpu.memory_space<vmem>>, %arg1: memref<10240x16xf32, #tpu.memory_space<vmem>>, %arg2: memref<10000x16xf32, #tpu.memory_space<vmem>>, %arg3: memref<10000x16xf32, #tpu.memory_space<vmem>>) attributes {dimension_semantics = [], scalar_prefetch = 0 : i64, scratch_operands = 0 : i64, tpu.core_type = #tpu.core_type<tc>} {
    %get3A = arith.constant 0 : index
    %get3A_0 = arith.constant 0 : index
    %get3A_1 = vector.load %arg2[%get3A, %get3A_0] : memref<10000x16xf32, #tpu.memory_space<vmem>>, vector<10000x16xf32>
    %get3A_2 = arith.constant 0 : index
    %get3A_3 = arith.constant 0 : index
    %get3A_4 = arith.constant 0 : index
    %get3A_5 = vector.load %arg0[%get3A_2, %get3A_3, %get3A_4] : memref<2x10240x16xf32, #tpu.memory_space<vmem>>, vector<1x10000x16xf32>
    %get3A_6 = vector.shape_cast %get3A_5 : vector<1x10000x16xf32> to vector<10000x16xf32>
    %get3A_7 = arith.constant 1 : index
    %get3A_8 = arith.constant 0 : index
    %get3A_9 = arith.constant 0 : index
    %get3A_10 = vector.load %arg0[%get3A_7, %get3A_8, %get3A_9] : memref<2x10240x16xf32, #tpu.memory_space<vmem>>, vector<1x10000x16xf32>
    %get3A_11 = vector.shape_cast %get3A_10 : vector<1x10000x16xf32> to vector<10000x16xf32>
    %add3A = arith.addf %get3A_6, %get3A_11 : vector<10000x16xf32>
    %get3A_12 = arith.constant 0 : index
    %get3A_13 = arith.constant 0 : index
    %get3A_14 = vector.load %arg1[%get3A_12, %get3A_13] : memref<10240x16xf32, #tpu.memory_space<vmem>>, vector<10000x16xf32>
    %add3A_15 = arith.addf %add3A, %get3A_14 : vector<10000x16xf32>
    %mul3A = arith.mulf %get3A_1, %add3A_15 : vector<10000x16xf32>
    %reduce_max3A = arith.constant dense<0xFF800000> : vector<10000xf32>
    %reduce_max3A_16 = vector.multi_reduction <maximumf>, %mul3A, %reduce_max3A [1] : vector<10000x16xf32> to vector<10000xf32>
    %broadcast_in_dim3A = vector.shape_cast %reduce_max3A_16 : vector<10000xf32> to vector<10000x1xf32>
    %sub3A = vector.broadcast %broadcast_in_dim3A : vector<10000x1xf32> to vector<10000x16xf32>
    %sub3A_17 = arith.subf %mul3A, %sub3A : vector<10000x16xf32>
    %exp3A = math.exp %sub3A_17 : vector<10000x16xf32>
    %reduce_sum3A = arith.constant dense<0.000000e+00> : vector<10000xf32>
    %reduce_sum3A_18 = vector.multi_reduction <add>, %exp3A, %reduce_sum3A [1] : vector<10000x16xf32> to vector<10000xf32>
    %broadcast_in_dim3A_19 = vector.shape_cast %reduce_sum3A_18 : vector<10000xf32> to vector<10000x1xf32>
    %log3A = math.log %broadcast_in_dim3A_19 : vector<10000x1xf32>
    %add3A_20 = arith.addf %log3A, %broadcast_in_dim3A : vector<10000x1xf32>
    %sub3A_21 = vector.broadcast %add3A_20 : vector<10000x1xf32> to vector<10000x16xf32>
    %sub3A_22 = arith.subf %mul3A, %sub3A_21 : vector<10000x16xf32>
    %swap3A = arith.constant 0 : index
    %swap3A_23 = arith.constant 0 : index
    %swap3A_24 = vector.load %arg3[%swap3A, %swap3A_23] : memref<10000x16xf32, #tpu.memory_space<vmem>>, vector<10000x16xf32>
    tpu.vector_store %arg3[%swap3A, %swap3A_23], %sub3A_22 {strides = array<i32>} : memref<10000x16xf32, #tpu.memory_space<vmem>>, vector<10000x16xf32>,
    return
  }
}

</mosaic_0001>

<sc_bundles>
// kernel: kernel.12.cloned.1.call-start
scs
__scs_entry_jumppad:
0x0: {  	(pc) =	sbr.rel $0x88, $3  }
0x1: {  	(tag) =	ssettag $0x0;
	lr =	simm.s32 $0x1  }
0x2: {  	[smem:$0x3F9B] =	sst lr;
	_ =	strace $0xD0000000  }
0x3: {  	_ = 	snop  }
0x4: {  	_ = 	snop  }
0x5: {  	_ = 	snop  }
0x6: {  	_ = 	snop  }
0x7: {  	_ = 	snop  }
__scs_overlays_trampoline_lowered:
0x8: {  	[smem:$0x3FAA] =	sst s0  }
0x9: {  	[smem:$0x3FAB] =	sst s1  }
0xa: {  	[smem:$0x3FAC] =	sst s2  }
0xb: {  	[smem:$0x3FAD] =	sst s3  }
0xc: {  	[smem:$0x3FAE] =	sst s4  }
0xd: {  	[smem:$0x3FAF] =	sst s5  }
0xe: {  	[smem:$0x3FB0] =	sst s6  }
0xf: {  	[smem:$0x3FB1] =	sst s7  }
0x10: {  	[smem:$0x3FB2] =	sst s8  }
0x11: {  	[smem:$0x3FB3] =	sst s9;
	s0 =	simm.s32 @!p0 $0x0  }
0x12: {  	s1 =	sld [smem:$0x3F99];
	s0 =	simm.s32 @p0 $0x1  }
0x13: {  	[smem:$0x3FB4] =	sst s0;
	s0 =	simm.s32 @!p1 $0x0  }
0x14: {  	s2 =	sld [smem:$0x3F98];
	s0 =	simm.s32 @p1 $0x1  }
0x15: {  	[smem:$0x3FB5] =	sst s0;
	s0 =	simm.s32 @!p2 $0x0  }
0x16: {  	s3 =	sld [smem:$0x3FDB];
	s0 =	simm.s32 @p2 $0x1  }
0x17: {  	s4 =	simm.s32 $0x1BF5;
	[smem:$0x3FB7] =	sst s0  }
0x18: {  	s0 =	sld [smem:$0x3F9A];
	_ =	swait.ge [sflag:s4], $0x0  }
0x19: {  	s7 =	sld [smem:$0x3F9B]  }
0x1a: {  	s8 =	sadd.s32 $0xFFFFE003, lr  }
0x1b: {  	s9 =	sadd.s32 $0xFFFFFEF7, lr;
	s5 =	simm.s32 $0xFFFFFFFF;
	p2 =	slt.u32 s8, $0xFFFFF086  }
0x1c: {  	p1 =	slt.u32 s9, $0xF7A;
	s5 =	simm.s32 @!p2 $0x0  }
0x1d: {  	s5 =	simm.s32 @p1 $0x1;
	p0 =	seq.s32 s7, s2  }
0x1e: {  	s7 =	smul.u32 @!p0 $0xF7A, s2;
	p2 =	seq.s32 @!p0 s5, $0x0  }
0x1f: {  	s9 =	smul.u32 $0xF7A, s1;
	s8 =	simm.s32 @!p0 $0x1BF5;
	p2 =	por !p2, p0  }
0x20: {  	[sflag:s8] =	ssyncset.s32 @!p0 $0xFFFFF086;
	s6 =	sadd.s32 @!p0 s3, s7;
	s7 =	simm.s32 @!p0 $0x108  }
0x21: {  	s3 =	sadd.s32 s3, s9;
	s6 =	sadd.s32 @!p0 $0x88, s6;
	s7 =	simm.s32 @p2 $0x1082  }
0x22: {  	[simem:s7], [sflag:s8] =	dma.local @!p0 [hbm:s6], $0xF7A  }
0x23: {  	s9 =	sor.u32 $0xD0000000, s2;
	s6 =	simm.s32 $0x108;
	_ =	swait.ge @!p0 [sflag:s8], $0x0  }
0x24: {  	s3 =	sadd.s32 $0x88, s3;
	s6 =	simm.s32 @!p1 $0x1082;
	[sflag:s4] =	ssyncset.s32 $0xFFFFF086  }
0x25: {  	[simem:s6], [sflag:s4] =	dma.local [hbm:s3], $0xF7A  }
0x26: {  	[smem:$0x3F9B] =	sst s1;
	(tag) =	ssettag s2;
	_ =	strace s9  }
0x27: {  	s1 =	sld [smem:$0x3FAB]  }
0x28: {  	s2 =	sld [smem:$0x3FAC]  }
0x29: {  	s4 =	sld [smem:$0x3FAE]  }
0x2a: {  	p0 =	seq.s32 s5, $0x0;
	s5 =	sld [smem:$0x3FAF]  }
0x2b: {  	s6 =	sld [smem:$0x3FB0]  }
0x2c: {  	s7 =	sld [smem:$0x3FB1]  }
0x2d: {  	s3 =	simm.s32 $0x108;
	s8 =	sld [smem:$0x3FB2]  }
0x2e: {  	s3 =	simm.s32 @!p0 $0x1082;
	s9 =	sld [smem:$0x3FB3]  }
0x2f: {  	lr =	sadd.s32 s0, s3;
	s0 =	sld [smem:$0x3FAA]  }
0x30: {  	s3 =	sld [smem:$0x3FAD]  }
0x31: {  	[smem:$0x3FB6] =	sst s10  }
0x32: {  	s10 =	sld [smem:$0x3FB4];
	_ =	sdelay $0x3  }
0x33: {  	p0 =	seq.s32 s10, $0x1;
	s10 =	sld [smem:$0x3FB6];
	_ =	sdelay $0x3  }
0x34: {  	[smem:$0x3FB6] =	sst s10  }
0x35: {  	s10 =	sld [smem:$0x3FB5];
	_ =	sdelay $0x3  }
0x36: {  	p1 =	seq.s32 s10, $0x1;
	s10 =	sld [smem:$0x3FB6];
	_ =	sdelay $0x3  }
0x37: {  	[smem:$0x3FB6] =	sst s10  }
0x38: {  	s10 =	sld [smem:$0x3FB7]  }
0x39: {  	_ = 	snop;
	(pc) =	sbr.ind lr, $3  }
0x3a: {  	_ = 	snop  }
0x3b: {  	_ = 	snop  }
0x3c: {  	p2 =	seq.s32 s10, $0x1;
	s10 =	sld [smem:$0x3FB6]  }
0x3d: {  	_ =	shalt  }
0x3e: {  	_ =	shalt  }
0x3f: {  	_ =	shalt  }
0x40: {  	_ =	shalt  }
0x41: {  	_ =	shalt  }
0x42: {  	_ =	shalt  }
0x43: {  	_ =	shalt  }
0x44: {  	_ =	shalt  }
0x45: {  	_ =	shalt  }
0x46: {  	_ =	shalt  }
0x47: {  	_ =	shalt  }
0x48: {  	_ =	shalt  }
0x49: {  	_ =	shalt  }
0x4a: {  	_ =	shalt  }
0x4b: {  	_ =	shalt  }
0x4c: {  	_ =	shalt  }
0x4d: {  	_ =	shalt  }
0x4e: {  	_ =	shalt  }
0x4f: {  	_ =	shalt  }
0x50: {  	_ =	shalt  }
0x51: {  	_ =	shalt  }
0x52: {  	_ =	shalt  }
0x53: {  	_ =	shalt  }
0x54: {  	_ =	shalt  }
0x55: {  	_ =	shalt  }
0x56: {  	_ =	shalt  }
0x57: {  	_ =	shalt  }
0x58: {  	_ =	shalt  }
0x59: {  	_ =	shalt  }
0x5a: {  	_ =	shalt  }
0x5b: {  	_ =	shalt  }
0x5c: {  	_ =	shalt  }
0x5d: {  	_ =	shalt  }
0x5e: {  	_ =	shalt  }
0x5f: {  	_ =	shalt  }
0x60: {  	_ =	shalt  }
0x61: {  	_ =	shalt  }
0x62: {  	_ =	shalt  }
0x63: {  	_ =	shalt  }
0x64: {  	_ =	shalt  }
0x65: {  	_ =	shalt  }
0x66: {  	_ =	shalt  }
0x67: {  	_ =	shalt  }
0x68: {  	_ =	shalt  }
0x69: {  	_ =	shalt  }
0x6a: {  	_ =	shalt  }
0x6b: {  	_ =	shalt  }
0x6c: {  	_ =	shalt  }
0x6d: {  	_ =	shalt  }
0x6e: {  	_ =	shalt  }
0x6f: {  	_ =	shalt  }
0x70: {  	_ =	shalt  }
0x71: {  	_ =	shalt  }
0x72: {  	_ =	shalt  }
0x73: {  	_ =	shalt  }
0x74: {  	_ =	shalt  }
0x75: {  	_ =	shalt  }
0x76: {  	_ =	shalt  }
0x77: {  	_ =	shalt  }
0x78: {  	_ =	shalt  }
0x79: {  	_ =	shalt  }
0x7a: {  	_ =	shalt  }
0x7b: {  	_ =	shalt  }
0x7c: {  	_ =	shalt  }
0x7d: {  	_ =	shalt  }
0x7e: {  	_ =	shalt  }
0x7f: {  	_ =	shalt  }
0x80: {  	_ =	shalt  }
0x81: {  	_ =	shalt  }
0x82: {  	_ =	shalt  }
0x83: {  	_ =	shalt  }
0x84: {  	_ =	shalt  }
0x85: {  	_ =	shalt  }
0x86: {  	_ =	shalt  }
0x87: {  	_ =	shalt  }
.Lfunc_end0:
.L_simem_size_0:
called_computation.1_lowered:
.L_overlay_start_0:
0x88: {  	s2 =	sld [smem:$0x3FD9]  }
0x89: {  	s3 =	sld [smem:$0x3FFE];
	_ =	sdelay $0x1  }
0x8a: {  	s1 =	srdreg.scid  }
0x8b: {  	s0 =	sand.u32 $0x1, s1  }
0x8c: {  	s16 =	sshll.u32 s0, $0xA;
	s2 =	sadd.s32 s3, s2  }
0x8d: {  	s2 =	sadd.s32 s2, s16  }
0x8e: {  	[smem:$0x3FC2] =	sst s2  }
0x8f: {  	_ = 	snop  }
0x90: {  	(tm) =	ssettm $0x1  }
0x91: {  	s17 =	sld [smem:$0x3FFB];
	_ =	sdelay $0x3  }
0x92: {  	_ =	strace s17  }
0x93: {  	s2 =	sld [smem:$0x3FFC];
	_ =	sdelay $0x3  }
0x94: {  	_ =	strace s2  }
0x95: {  	s2 =	sld [smem:$0x3FFD];
	_ =	sdelay $0x3  }
0x96: {  	_ =	strace s2  }
0x97: {  	_ =	strace $0x8FFFFFFF  }
0x98: {  	s18 =	sld [smem:$0x3FDB];
	_ =	sdelay $0x1  }
0x99: {  	s19 =	simm.s32 $_scs_section_size  }
0x9a: {  	s4 =	simm.s32 $_size__tile_overlayer_lowered;
	s5 =	simm.s32 $_tile_overlayer_lowered  }
0x9b: {  	s22 =	simm.s32 $0x1BFF;
	s21 =	sshll.u32 s5, $0x1;
	s2 =	sadd.s32 s19, s18  }
0x9c: {  	s6 =	simm.s32 $0x0;
	s20 =	sshll.u32 s4, $0x1;
	s4 =	sadd.s32 s21, s2  }
0x9d: {  	[timem:s6], [sflag:s22] =	dma.local [hbm:s4], s20  }
0x9e: {  	_ =	swait.ge [sflag:s22], s20  }
0x9f: {  	s3 =	ssub.s32 $0x0, s20;
	[sflag:s22] =	ssyncset.done $0x0  }
0xa0: {  	[sflag:s22] =	ssyncadd.s32 s3;
	_ =	sdelay $0x1  }
0xa1: {  	s23 =	simm.s32 $0x1B8B  }
0xa2: {  	_ =	swait.ge [sflag:s23], $0x1  }
0xa3: {  	[sflag:s23] =	ssyncset.done $0x0  }
0xa4: {  	s25 =	simm.s32 $0x1B8E;
	s24 =	sld [smem:$0x3FFE];
	[sflag:s23] =	ssyncadd.s32 $0xFFFFFFFF  }
0xa5: {  	s26 =	simm.s32 $execute0_lowered;
	[smem:$0x3FD2] =	sst s25  }
0xa6: {  	s4 =	sshll.u32 s26, $0x1;
	_ =	strace $0x80000049;
	[dreg:$0x1] =	wrdreg $0xFFFFFFFF  }
0xa7: {  	s28 =	simm.s32 $_size_execute0_lowered;
	s2 =	sadd.s32 s2, s4;
	[dreg:$0x0] =	wrdreg $0x0  }
0xa8: {  	s4 =	sshll.u32 s28, $0x1;
	[dreg:$0x2] =	wrdreg s2  }
0xa9: {  	[dreg:$0x3] =	wrdreg s4  }
0xaa: {  	[dreg:$0x4] =	wrdreg $0xC0  }
0xab: {  	_ =	task [dreg:s6], $0x5FFFF  }
0xac: {  	[dreg:$0x1] =	wrdreg $0xFFFFFFFF  }
0xad: {  	[dreg:$0x0] =	wrdreg $0x60  }
0xae: {  	[dreg:$0x2] =	wrdreg s24  }
0xaf: {  	[dreg:$0x3] =	wrdreg $0x120000  }
0xb0: {  	[dreg:$0x4] =	wrdreg $0xF8000  }
0xb1: {  	[dreg:$0x5] =	wrdreg $0x9  }
0xb2: {  	_ =	task.clear_ibuf [dreg:s6], $0x6FFFF;
	_ =	strace $0x90000049  }
0xb3: {  	s29 =	simm.s32 $0x9;
	_ =	strace $0x8000004B  }
0xb4: {  	_ =	swait.ge [sflag:s29], $0x1  }
0xb5: {  	[sflag:s29] =	ssyncadd.s32 $0xFFFFFFFF  }
0xb6: {  	_ =	strace $0x9000004B  }
0xb7: {  	_ =	sfence  }
0xb8: {  	s30 =	sld [smem:$0x0];
	_ =	sdelay $0x2  }
0xb9: {  	s31 =	sshll.u32 s1, $0xD;
	s1 =	sshrl.u32 s1, $0x2  }
0xba: {  	s3 =	sand.u32 $0x4000, s31;
	s1 =	sadd.s32 s1, s30  }
0xbb: {  	s0 =	sor.u32 s3, s0;
	s1 =	sshll.u32 s1, $0x11  }
0xbc: {  	s0 =	sor.u32 s1, s0  }
0xbd: {  	s0 =	sadd.s32 $0x8F2B, s0  }
0xbe: {  	[sflag:s0] =	ssyncadd.remote.s32 $0x1  }
0xbf: {  	_ =	sfence.sel $0xFFFF  }
0xc0: {  	[dreg:$0x0] =	wrdreg $0xFFFFFFFF;
	(pc) =	sbr.abs _section_cstart, $3  }
0xc1: {  	[dreg:$0x1] =	wrdreg $0xFFFFFFFF  }
0xc2: {  	_ =	task.clear_ibuf [dreg:s6], $0x2FFFF;
	_ =	strace $0x9FFFFFFF  }
0xc3: {  	(tm) =	ssettm $0x7FFFFFFF  }
tec
execute0_lowered:
.L_overlay_start_1:
0x0: {  	(tag) =	ssettag $0x1  }
0x1: {  	s0 =	rddreg [dreg:$0x0]  }
0x2: {  	s2 =	rddreg [dreg:$0x1]  }
0x3: {  	s3 =	rddreg [dreg:$0x2]  }
0x4: {  	s12 =	stileid.u32;
	s1 =	srdreg.scid  }
0x5: {  	s4 =	simm.s32 $0x0;
	s15 =	simm.s32 $0x2800;
	s16 =	simm.s32 $0x80  }
0x6: {  	s17 =	simm.s32 $0x5000;
	s18 =	simm.s32 $0x5800;
	s20 =	simm.s32 $0x6000  }
0x7: {  	s22 =	simm.s32 $0x6800;
	s29 =	simm.s32 $0x8000;
	s31 =	simm.s32 $0x8800  }
0x8: {  	s30 =	simm.s32 $0x2;
	s6 =	smul.u32 $0x2800, s12;
	s1 =	sand.u32 $0x1, s1  }
0x9: {  	s7 =	smul.u32 $0x500, s12;
	[smem:$0x7FF] =	sst s4;
	s28 =	sshll.u32 s12, $0x6  }
0xa: {  	s5 =	sshll.u32 s1, $0x4;
	s8 =	smul.u32 $0x5000, s1;
	_ =	strace $0x8000004A  }
0xb: {  	s1 =	ssub.s32 $0x2, s1;
	s13 =	sor.u32 $0x1C03, s28;
	s5 =	sor.u32 s12, s5  }
0xc: {  	s9 =	sshrl.u32 s6, $0x3;
	s25 =	sshrl.u32 s1, $0x1;
	s11 =	sadd.s32 s6, s3  }
0xd: {  	s12 =	simm.s32 $0x3;
	s5 =	smul.u32 $0x500, s5;
	s9 =	sadd.s32 s9, s0  }
0xe: {  	s7 =	sadd.s32 s7, s8;
	s1 =	ssub.s32 s1, s25;
	s14 =	sshrl.u32 s11, $0x3  }
0xf: {  	s26 =	sadd.s32 $0x16000, s9;
	s10 =	smax.u32 s1, $0x1;
	s24 =	sadd.s32 s5, s0  }
0x10: {  	s0 =	sadd.s32 s7, s0;
	s5 =	sadd.s32 s6, s2;
	[dreg:$0x4] =	wrdreg s26  }
0x11: {  	s26 =	simm.s32 $0x7800;
	s7 =	sadd.s32 $0xC000, s24;
	s8 =	sadd.s32 $0x2000, s24  }
0x12: {  	v0 =	vimm.f32 $0.0e+00;
	s9 =	sadd.s32 $0x1B000, s0;
	s24 =	simm.s32 $0x7000;
	s0 =	simm.s32 $0x1  }
.LBB2_1:
0x13: {  	s1 =	simm.s32 $0x40;
	s11 =	simm.s32 $0x0  }
.LBB2_2:
0x14: {  	p0 =	sne.s32 s1, $0x9FC0;
	[tilespmem:s11+$0xD000] =	vst v0;
	s11 =	smov.u32 s1;
	s1 =	sadd.s32 $0x40, s1  }
.Ltmp0:
0x15: {  	(pc) =	sbr.rel @p0 .LBB2_2-.Ltmp0, $2  }
0x16: {  	_ =	sdelay $0x2  }
0x17: {  	s11 =	sshra.s32 s11, $0x2  }
0x18: {  	[tilespmem:s11+$0xD000] =	vst v0;
	s1 =	simm.s32 $0xD000  }
0x19: {  	[spmem:s5] =	stream.linear.scatter [tilespmem:s1], [sflag:$0x3], $0x2800, $0x38;
	[tilespmem:$0x14800] =	vst v63  }
0x1a: {  	_ =	swait.ge [sflag:s12], $0x2800  }
0x1b: {  	[sflag:s12] =	ssyncset.done $0x0  }
0x1c: {  	s25 =	rddreg [dreg:$0x4];
	[sflag:s12] =	ssyncadd.s32 $0xFFFFD800  }
0x1d: {  	[spmem:s14], [sflag:s13] =	dma.local [hbm:s25], $0x500  }
0x1e: {  	_ =	swait.ge [sflag:s12], $0x500  }
0x1f: {  	[sflag:s12] =	ssyncset.done $0x0  }
0x20: {  	s28 =	simm.s32 $0x0;
	[sflag:s12] =	ssyncadd.s32 $0xFFFFFB00  }
0x21: {  	[tilespmem:s28], [sflag:$0x3] =	stream.linear.gather [hbm4b:s7+s28], $0x2800, $0x38;
	[tilespmem:$0x14800] =	vst v63  }
0x22: {  	_ =	swait.ge [sflag:s12], $0x2800  }
0x23: {  	[sflag:s12] =	ssyncset.done $0x0  }
0x24: {  	[sflag:s12] =	ssyncadd.s32 $0xFFFFD800  }
0x25: {  	[tilespmem:s15], [sflag:$0x3] =	stream.linear.gather [hbm4b:s8+s28], $0x2800, $0x38;
	[tilespmem:$0x14800] =	vst v63  }
0x26: {  	_ =	swait.ge [sflag:s12], $0x2800  }
0x27: {  	[sflag:s12] =	ssyncset.done $0x0  }
0x28: {  	[sflag:s12] =	ssyncadd.s32 $0xFFFFD800  }
0x29: {  	[bflag:$0x0] =	sbarrier.arrive $0xFFFF  }
0x2a: {  	[tilespmem:s17], [sflag:$0x1] =	stream.indirect.gather [spmem:s3], $0x10, s28, s16, $0xb8;
	[tilespmem:$0x14800] =	vst v63  }
0x2b: {  	_ = 	snop  }
0x2c: {  	[tilespmem:s18], [sflag:$0x1] =	stream.indirect.gather [spmem:s3], $0x10, s16, s16, $0xb8;
	[tilespmem:$0x14800] =	vst v63  }
0x2d: {  	s6 =	simm.s32 $0x100  }
0x2e: {  	[tilespmem:s20], [sflag:$0x1] =	stream.indirect.gather [spmem:s3], $0x10, s6, s16, $0xb8;
	[tilespmem:$0x14800] =	vst v63  }
0x2f: {  	s11 =	simm.s32 $0x180  }
0x30: {  	[tilespmem:s22], [sflag:$0x1] =	stream.indirect.gather [spmem:s3], $0x10, s11, s16, $0xb8;
	[tilespmem:$0x14800] =	vst v63  }
0x31: {  	s19 =	simm.s32 $0x200  }
0x32: {  	[tilespmem:s24], [sflag:$0x1] =	stream.indirect.gather [spmem:s3], $0x10, s19, s16, $0xb8;
	[tilespmem:$0x14800] =	vst v63  }
0x33: {  	s21 =	simm.s32 $0x280  }
0x34: {  	[tilespmem:s26], [sflag:$0x1] =	stream.indirect.gather [spmem:s3], $0x10, s21, s16, $0xb8;
	[tilespmem:$0x14800] =	vst v63  }
0x35: {  	s23 =	simm.s32 $0x300  }
0x36: {  	[tilespmem:s29], [sflag:$0x1] =	stream.indirect.gather [spmem:s3], $0x10, s23, s16, $0xb8;
	[tilespmem:$0x14800] =	vst v63  }
0x37: {  	s25 =	simm.s32 $0x380  }
0x38: {  	[tilespmem:s31], [sflag:$0x1] =	stream.indirect.gather [spmem:s3], $0x10, s25, s16, $0xb8;
	[tilespmem:$0x14800] =	vst v63  }
0x39: {  	_ =	swait.ge [sflag:s0], $0x800  }
0x3a: {  	[sflag:s0] =	ssyncset.done $0x0  }
0x3b: {  	[sflag:s0] =	ssyncadd.s32 $0xFFFFF800  }
0x3c: {  	_ =	swait.ge [sflag:s0], $0x800  }
0x3d: {  	[sflag:s0] =	ssyncset.done $0x0  }
0x3e: {  	[sflag:s0] =	ssyncadd.s32 $0xFFFFF800  }
0x3f: {  	_ =	swait.ge [sflag:s0], $0x800  }
0x40: {  	[sflag:s0] =	ssyncset.done $0x0  }
0x41: {  	[sflag:s0] =	ssyncadd.s32 $0xFFFFF800  }
0x42: {  	_ =	swait.ge [sflag:s0], $0x800  }
0x43: {  	[sflag:s0] =	ssyncset.done $0x0  }
0x44: {  	[sflag:s0] =	ssyncadd.s32 $0xFFFFF800  }
0x45: {  	_ =	swait.ge [sflag:s0], $0x800  }
0x46: {  	[sflag:s0] =	ssyncset.done $0x0  }
0x47: {  	[sflag:s0] =	ssyncadd.s32 $0xFFFFF800  }
0x48: {  	_ =	swait.ge [sflag:s0], $0x800  }
0x49: {  	[sflag:s0] =	ssyncset.done $0x0  }
0x4a: {  	[sflag:s0] =	ssyncadd.s32 $0xFFFFF800  }
0x4b: {  	_ =	swait.ge [sflag:s0], $0x800  }
0x4c: {  	[sflag:s0] =	ssyncset.done $0x0  }
0x4d: {  	[sflag:s0] =	ssyncadd.s32 $0xFFFFF800  }
0x4e: {  	_ =	swait.ge [sflag:s0], $0x800  }
0x4f: {  	[sflag:s0] =	ssyncset.done $0x0  }
0x50: {  	[sflag:s0] =	ssyncadd.s32 $0xFFFFF800  }
0x51: {  	[spmem:s2] =	stream.indirect.scatter.add.f32 [tilespmem:s17], [sflag:$0x2], $0x10, s15, s16, $0xb8;
	[tilespmem:$0x14800] =	vst v63  }
0x52: {  	s28 =	simm.s32 $0x2880  }
0x53: {  	[spmem:s2] =	stream.indirect.scatter.add.f32 [tilespmem:s18], [sflag:$0x2], $0x10, s28, s16, $0xb8;
	[tilespmem:$0x14800] =	vst v63  }
0x54: {  	s6 =	simm.s32 $0x2900  }
0x55: {  	[spmem:s2] =	stream.indirect.scatter.add.f32 [tilespmem:s20], [sflag:$0x2], $0x10, s6, s16, $0xb8;
	[tilespmem:$0x14800] =	vst v63  }
0x56: {  	s11 =	simm.s32 $0x2980  }
0x57: {  	[spmem:s2] =	stream.indirect.scatter.add.f32 [tilespmem:s22], [sflag:$0x2], $0x10, s11, s16, $0xb8;
	[tilespmem:$0x14800] =	vst v63  }
0x58: {  	s19 =	simm.s32 $0x2A00  }
0x59: {  	[spmem:s2] =	stream.indirect.scatter.add.f32 [tilespmem:s24], [sflag:$0x2], $0x10, s19, s16, $0xb8;
	[tilespmem:$0x14800] =	vst v63  }
0x5a: {  	s21 =	simm.s32 $0x2A80  }
0x5b: {  	[spmem:s2] =	stream.indirect.scatter.add.f32 [tilespmem:s26], [sflag:$0x2], $0x10, s21, s16, $0xb8;
	[tilespmem:$0x14800] =	vst v63  }
0x5c: {  	s23 =	simm.s32 $0x2B00  }
0x5d: {  	[spmem:s2] =	stream.indirect.scatter.add.f32 [tilespmem:s29], [sflag:$0x2], $0x10, s23, s16, $0xb8;
	[tilespmem:$0x14800] =	vst v63  }
0x5e: {  	s25 =	simm.s32 $0x2B80  }
0x5f: {  	[spmem:s2] =	stream.indirect.scatter.add.f32 [tilespmem:s31], [sflag:$0x2], $0x10, s25, s16, $0xb8;
	[tilespmem:$0x14800] =	vst v63  }
0x60: {  	s28 =	simm.s32 $0x400;
	s6 =	simm.s32 $0x9000  }
0x61: {  	[tilespmem:s6], [sflag:$0x1] =	stream.indirect.gather [spmem:s3], $0x10, s28, s16, $0xb8;
	[tilespmem:$0x14800] =	vst v63  }
0x62: {  	s11 =	simm.s32 $0x480;
	s19 =	simm.s32 $0x9800  }
0x63: {  	[tilespmem:s19], [sflag:$0x1] =	stream.indirect.gather [spmem:s3], $0x10, s11, s16, $0xb8;
	[tilespmem:$0x14800] =	vst v63  }
0x64: {  	s21 =	simm.s32 $0x500;
	s23 =	simm.s32 $0xA000  }
0x65: {  	[tilespmem:s23], [sflag:$0x1] =	stream.indirect.gather [spmem:s3], $0x10, s21, s16, $0xb8;
	[tilespmem:$0x14800] =	vst v63  }
0x66: {  	s25 =	simm.s32 $0x580;
	s28 =	simm.s32 $0xA800  }
0x67: {  	[tilespmem:s28], [sflag:$0x1] =	stream.indirect.gather [spmem:s3], $0x10, s25, s16, $0xb8;
	[tilespmem:$0x14800] =	vst v63  }
0x68: {  	s11 =	simm.s32 $0x600;
	s19 =	simm.s32 $0xB000  }
0x69: {  	[tilespmem:s19], [sflag:$0x1] =	stream.indirect.gather [spmem:s3], $0x10, s11, s16, $0xb8;
	[tilespmem:$0x14800] =	vst v63  }
0x6a: {  	s21 =	simm.s32 $0x680;
	s23 =	simm.s32 $0xB800  }
0x6b: {  	[tilespmem:s23], [sflag:$0x1] =	stream.indirect.gather [spmem:s3], $0x10, s21, s16, $0xb8;
	[tilespmem:$0x14800] =	vst v63  }
0x6c: {  	s25 =	simm.s32 $0x700;
	s28 =	simm.s32 $0xC000  }
0x6d: {  	[tilespmem:s28], [sflag:$0x1] =	stream.indirect.gather [spmem:s3], $0x10, s25, s16, $0xb8;
	[tilespmem:$0x14800] =	vst v63  }
0x6e: {  	s11 =	simm.s32 $0x780;
	s19 =	simm.s32 $0xC800  }
0x6f: {  	[tilespmem:s19], [sflag:$0x1] =	stream.indirect.gather [spmem:s3], $0x10, s11, s16, $0xb8;
	[tilespmem:$0x14800] =	vst v63  }
0x70: {  	_ =	swait.ge [sflag:s0], $0x800  }
0x71: {  	[sflag:s0] =	ssyncset.done $0x0  }
0x72: {  	[sflag:s0] =	ssyncadd.s32 $0xFFFFF800  }
0x73: {  	_ =	swait.ge [sflag:s0], $0x800  }
0x74: {  	[sflag:s0] =	ssyncset.done $0x0  }
0x75: {  	[sflag:s0] =	ssyncadd.s32 $0xFFFFF800  }
0x76: {  	_ =	swait.ge [sflag:s0], $0x800  }
0x77: {  	[sflag:s0] =	ssyncset.done $0x0  }
0x78: {  	[sflag:s0] =	ssyncadd.s32 $0xFFFFF800  }
0x79: {  	_ =	swait.ge [sflag:s0], $0x800  }
0x7a: {  	[sflag:s0] =	ssyncset.done $0x0  }
0x7b: {  	[sflag:s0] =	ssyncadd.s32 $0xFFFFF800  }
0x7c: {  	_ =	swait.ge [sflag:s0], $0x800  }
0x7d: {  	[sflag:s0] =	ssyncset.done $0x0  }
0x7e: {  	[sflag:s0] =	ssyncadd.s32 $0xFFFFF800  }
0x7f: {  	_ =	swait.ge [sflag:s0], $0x800  }
0x80: {  	[sflag:s0] =	ssyncset.done $0x0  }
0x81: {  	[sflag:s0] =	ssyncadd.s32 $0xFFFFF800  }
0x82: {  	_ =	swait.ge [sflag:s0], $0x800  }
0x83: {  	[sflag:s0] =	ssyncset.done $0x0  }
0x84: {  	[sflag:s0] =	ssyncadd.s32 $0xFFFFF800  }
0x85: {  	_ =	swait.ge [sflag:s0], $0x800  }
0x86: {  	[sflag:s0] =	ssyncset.done $0x0  }
0x87: {  	[sflag:s0] =	ssyncadd.s32 $0xFFFFF800  }
0x88: {  	_ =	swait.ge [sflag:s30], $0x800  }
0x89: {  	[sflag:s30] =	ssyncset.done $0x0  }
0x8a: {  	[sflag:s30] =	ssyncadd.s32 $0xFFFFF800  }
0x8b: {  	_ =	swait.ge [sflag:s30], $0x800  }
0x8c: {  	[sflag:s30] =	ssyncset.done $0x0  }
0x8d: {  	[sflag:s30] =	ssyncadd.s32 $0xFFFFF800  }
0x8e: {  	_ =	swait.ge [sflag:s30], $0x800  }
0x8f: {  	[sflag:s30] =	ssyncset.done $0x0  }
0x90: {  	[sflag:s30] =	ssyncadd.s32 $0xFFFFF800  }
0x91: {  	_ =	swait.ge [sflag:s30], $0x800  }
0x92: {  	[sflag:s30] =	ssyncset.done $0x0  }
0x93: {  	[sflag:s30] =	ssyncadd.s32 $0xFFFFF800  }
0x94: {  	_ =	swait.ge [sflag:s30], $0x800  }
0x95: {  	[sflag:s30] =	ssyncset.done $0x0  }
0x96: {  	[sflag:s30] =	ssyncadd.s32 $0xFFFFF800  }
0x97: {  	_ =	swait.ge [sflag:s30], $0x800  }
0x98: {  	[sflag:s30] =	ssyncset.done $0x0  }
0x99: {  	[sflag:s30] =	ssyncadd.s32 $0xFFFFF800  }
0x9a: {  	_ =	swait.ge [sflag:s30], $0x800  }
0x9b: {  	[sflag:s30] =	ssyncset.done $0x0  }
0x9c: {  	s1 =	simm.s32 $0x10000;
	[sflag:s30] =	ssyncadd.s32 $0xFFFFF800  }
0x9d: {  	s21 =	sand.u32 $0x10000, s1;
	_ =	swait.ge [sflag:s30], $0x800  }
0x9e: {  	s11 =	sshrl.u32 s21, $0x2;
	[sflag:s30] =	ssyncset.done $0x0  }
0x9f: {  	s21 =	simm.s32 $0x2C00;
	s19 =	sadd.s32 $0x5000, s11;
	[sflag:s30] =	ssyncadd.s32 $0xFFFFF800  }
0xa0: {  	[spmem:s2] =	stream.indirect.scatter.add.f32 [tilespmem:s19], [sflag:$0x2], $0x10, s21, s16, $0xb8;
	[tilespmem:$0x14800] =	vst v63  }
0xa1: {  	s25 =	simm.s32 $0x2C80;
	s23 =	sadd.s32 $0x5800, s11  }
0xa2: {  	[spmem:s2] =	stream.indirect.scatter.add.f32 [tilespmem:s23], [sflag:$0x2], $0x10, s25, s16, $0xb8;
	[tilespmem:$0x14800] =	vst v63  }
0xa3: {  	s6 =	simm.s32 $0x2D00;
	s28 =	sadd.s32 $0x6000, s11  }
0xa4: {  	[spmem:s2] =	stream.indirect.scatter.add.f32 [tilespmem:s28], [sflag:$0x2], $0x10, s6, s16, $0xb8;
	[tilespmem:$0x14800] =	vst v63  }
0xa5: {  	p0 =	por $0x0, $0x0;
	s23 =	sadd.s32 $0x6800, s11;
	s25 =	simm.s32 $0x2D80  }
0xa6: {  	[spmem:s2] =	stream.indirect.scatter.add.f32 [tilespmem:s23], [sflag:$0x2], $0x10, s25, s16, $0xb8;
	[tilespmem:$0x14800] =	vst v63  }
0xa7: {  	s19 =	simm.s32 $0x2000;
	s28 =	sadd.s32 $0x7000, s11;
	s6 =	simm.s32 $0x2E00  }
0xa8: {  	[spmem:s2] =	stream.indirect.scatter.add.f32 [tilespmem:s28], [sflag:$0x2], $0x10, s6, s16, $0xb8;
	[tilespmem:$0x14800] =	vst v63  }
0xa9: {  	s21 =	sadd.s32 $0x7800, s11;
	s19 =	simm.s32 @p0 $0x0;
	s23 =	simm.s32 $0x2E80  }
0xaa: {  	[spmem:s2] =	stream.indirect.scatter.add.f32 [tilespmem:s21], [sflag:$0x2], $0x10, s23, s16, $0xb8;
	[tilespmem:$0x14800] =	vst v63  }
0xab: {  	s25 =	sor.u32 $0x8000, s11;
	s28 =	simm.s32 $0x2F00;
	s6 =	simm.s32 $0x0  }
0xac: {  	[spmem:s2] =	stream.indirect.scatter.add.f32 [tilespmem:s25], [sflag:$0x2], $0x10, s28, s16, $0xb8;
	[tilespmem:$0x14800] =	vst v63  }
0xad: {  	s11 =	sor.u32 $0x8800, s11;
	s23 =	simm.s32 $0x2F80;
	s21 =	sand.u32 $0x4000, s6  }
0xae: {  	[spmem:s2] =	stream.indirect.scatter.add.f32 [tilespmem:s11], [sflag:$0x2], $0x10, s23, s16, $0xb8;
	[tilespmem:$0x14800] =	vst v63  }
0xaf: {  	s19 =	sshra.s32 s19, $0x2;
	s25 =	sadd.s32 $0x5000, s21  }
0xb0: {  	[tilespmem:s25], [sflag:$0x1] =	stream.indirect.gather [spmem:s3], $0x10, s19, s16, $0xb8;
	[tilespmem:$0x14800] =	vst v63  }
0xb1: {  	s6 =	sadd.s32 $0x80, s19;
	s28 =	sadd.s32 $0x5800, s21  }
0xb2: {  	[tilespmem:s28], [sflag:$0x1] =	stream.indirect.gather [spmem:s3], $0x10, s6, s16, $0xb8;
	[tilespmem:$0x14800] =	vst v63  }
0xb3: {  	s23 =	sadd.s32 $0x6000, s21;
	s25 =	sadd.s32 $0x100, s19  }
0xb4: {  	[tilespmem:s23], [sflag:$0x1] =	stream.indirect.gather [spmem:s3], $0x10, s25, s16, $0xb8;
	[tilespmem:$0x14800] =	vst v63  }
0xb5: {  	s28 =	sadd.s32 $0x6800, s21;
	s6 =	sadd.s32 $0x180, s19  }
0xb6: {  	[tilespmem:s28], [sflag:$0x1] =	stream.indirect.gather [spmem:s3], $0x10, s6, s16, $0xb8;
	[tilespmem:$0x14800] =	vst v63  }
0xb7: {  	s11 =	simm.s32 $0x3000;
	s23 =	sadd.s32 $0x7000, s21;
	s25 =	sadd.s32 $0x200, s19  }
0xb8: {  	[tilespmem:s23], [sflag:$0x1] =	stream.indirect.gather [spmem:s3], $0x10, s25, s16, $0xb8;
	[tilespmem:$0x14800] =	vst v63  }
0xb9: {  	s28 =	sadd.s32 $0x7800, s21;
	s6 =	sadd.s32 $0x280, s19;
	s25 =	sor.u32 $0x8000, s21  }
0xba: {  	[tilespmem:s28], [sflag:$0x1] =	stream.indirect.gather [spmem:s3], $0x10, s6, s16, $0xb8;
	[tilespmem:$0x14800] =	vst v63  }
0xbb: {  	s21 =	sor.u32 $0x8800, s21;
	s23 =	sadd.s32 $0x380, s19;
	s28 =	sadd.s32 $0x300, s19  }
0xbc: {  	[tilespmem:s25], [sflag:$0x1] =	stream.indirect.gather [spmem:s3], $0x10, s28, s16, $0xb8;
	[tilespmem:$0x14800] =	vst v63  }
.LBB2_4:
0xbd: {  	p0 =	sne.s32 s11, $0xA000;
	s19 =	smov.u32 s11;
	s11 =	sadd.s32 $0x1000, s11  }
0xbe: {  	[tilespmem:s21], [sflag:$0x1] =	stream.indirect.gather [spmem:s3], $0x10, s23, s16, $0xb8;
	[tilespmem:$0x14800] =	vst v63  }
0xbf: {  	s21 =	smov.u32 s1;
	_ =	swait.ge [sflag:s0], $0x800  }
0xc0: {  	[sflag:s0] =	ssyncset.done $0x0  }
0xc1: {  	[sflag:s0] =	ssyncadd.s32 $0xFFFFF800  }
0xc2: {  	_ =	swait.ge [sflag:s0], $0x800  }
0xc3: {  	[sflag:s0] =	ssyncset.done $0x0  }
0xc4: {  	[sflag:s0] =	ssyncadd.s32 $0xFFFFF800  }
0xc5: {  	_ =	swait.ge [sflag:s0], $0x800  }
0xc6: {  	[sflag:s0] =	ssyncset.done $0x0  }
0xc7: {  	[sflag:s0] =	ssyncadd.s32 $0xFFFFF800  }
0xc8: {  	_ =	swait.ge [sflag:s0], $0x800  }
0xc9: {  	[sflag:s0] =	ssyncset.done $0x0  }
0xca: {  	[sflag:s0] =	ssyncadd.s32 $0xFFFFF800  }
0xcb: {  	_ =	swait.ge [sflag:s0], $0x800  }
0xcc: {  	[sflag:s0] =	ssyncset.done $0x0  }
0xcd: {  	[sflag:s0] =	ssyncadd.s32 $0xFFFFF800  }
0xce: {  	_ =	swait.ge [sflag:s0], $0x800  }
0xcf: {  	[sflag:s0] =	ssyncset.done $0x0  }
0xd0: {  	[sflag:s0] =	ssyncadd.s32 $0xFFFFF800  }
0xd1: {  	_ =	swait.ge [sflag:s0], $0x800  }
0xd2: {  	[sflag:s0] =	ssyncset.done $0x0  }
0xd3: {  	[sflag:s0] =	ssyncadd.s32 $0xFFFFF800  }
0xd4: {  	_ =	swait.ge [sflag:s0], $0x800  }
0xd5: {  	[sflag:s0] =	ssyncset.done $0x0  }
0xd6: {  	[sflag:s0] =	ssyncadd.s32 $0xFFFFF800  }
0xd7: {  	_ =	swait.ge [sflag:s30], $0x800  }
0xd8: {  	[sflag:s30] =	ssyncset.done $0x0  }
0xd9: {  	[sflag:s30] =	ssyncadd.s32 $0xFFFFF800  }
0xda: {  	_ =	swait.ge [sflag:s30], $0x800  }
0xdb: {  	[sflag:s30] =	ssyncset.done $0x0  }
0xdc: {  	[sflag:s30] =	ssyncadd.s32 $0xFFFFF800  }
0xdd: {  	_ =	swait.ge [sflag:s30], $0x800  }
0xde: {  	[sflag:s30] =	ssyncset.done $0x0  }
0xdf: {  	[sflag:s30] =	ssyncadd.s32 $0xFFFFF800  }
0xe0: {  	_ =	swait.ge [sflag:s30], $0x800  }
0xe1: {  	[sflag:s30] =	ssyncset.done $0x0  }
0xe2: {  	[sflag:s30] =	ssyncadd.s32 $0xFFFFF800  }
0xe3: {  	_ =	swait.ge [sflag:s30], $0x800  }
0xe4: {  	[sflag:s30] =	ssyncset.done $0x0  }
0xe5: {  	[sflag:s30] =	ssyncadd.s32 $0xFFFFF800  }
0xe6: {  	_ =	swait.ge [sflag:s30], $0x800  }
0xe7: {  	[sflag:s30] =	ssyncset.done $0x0  }
0xe8: {  	[sflag:s30] =	ssyncadd.s32 $0xFFFFF800  }
0xe9: {  	_ =	swait.ge [sflag:s30], $0x800  }
0xea: {  	[sflag:s30] =	ssyncset.done $0x0  }
0xeb: {  	s1 =	sadd.s32 $0x10000, s1;
	[sflag:s30] =	ssyncadd.s32 $0xFFFFF800  }
0xec: {  	s23 =	sand.u32 $0x10000, s1;
	_ =	swait.ge [sflag:s30], $0x800  }
0xed: {  	s25 =	sshra.s32 s19, $0x2;
	s23 =	sshrl.u32 s23, $0x2;
	[sflag:s30] =	ssyncset.done $0x0  }
0xee: {  	s6 =	sadd.s32 $0x2400, s25;
	s28 =	sadd.s32 $0x5000, s23;
	[sflag:s30] =	ssyncadd.s32 $0xFFFFF800  }
0xef: {  	[spmem:s2] =	stream.indirect.scatter.add.f32 [tilespmem:s28], [sflag:$0x2], $0x10, s6, s16, $0xb8;
	[tilespmem:$0x14800] =	vst v63  }
0xf0: {  	s6 =	sadd.s32 $0x5800, s23;
	s28 =	sadd.s32 $0x2480, s25  }
0xf1: {  	[spmem:s2] =	stream.indirect.scatter.add.f32 [tilespmem:s6], [sflag:$0x2], $0x10, s28, s16, $0xb8;
	[tilespmem:$0x14800] =	vst v63  }
0xf2: {  	s6 =	sadd.s32 $0x6000, s23;
	s28 =	sadd.s32 $0x2500, s25  }
0xf3: {  	[spmem:s2] =	stream.indirect.scatter.add.f32 [tilespmem:s6], [sflag:$0x2], $0x10, s28, s16, $0xb8;
	[tilespmem:$0x14800] =	vst v63  }
0xf4: {  	s6 =	sadd.s32 $0x6800, s23;
	s28 =	sadd.s32 $0x2580, s25  }
0xf5: {  	[spmem:s2] =	stream.indirect.scatter.add.f32 [tilespmem:s6], [sflag:$0x2], $0x10, s28, s16, $0xb8;
	[tilespmem:$0x14800] =	vst v63  }
0xf6: {  	s6 =	sadd.s32 $0x7000, s23;
	s28 =	sadd.s32 $0x2600, s25  }
0xf7: {  	[spmem:s2] =	stream.indirect.scatter.add.f32 [tilespmem:s6], [sflag:$0x2], $0x10, s28, s16, $0xb8;
	[tilespmem:$0x14800] =	vst v63  }
0xf8: {  	s6 =	sadd.s32 $0x7800, s23;
	s28 =	sadd.s32 $0x2680, s25  }
0xf9: {  	[spmem:s2] =	stream.indirect.scatter.add.f32 [tilespmem:s6], [sflag:$0x2], $0x10, s28, s16, $0xb8;
	[tilespmem:$0x14800] =	vst v63  }
0xfa: {  	s21 =	sshrl.u32 s21, $0x2;
	s6 =	sor.u32 $0x8000, s23;
	s28 =	sadd.s32 $0x2700, s25  }
0xfb: {  	[spmem:s2] =	stream.indirect.scatter.add.f32 [tilespmem:s6], [sflag:$0x2], $0x10, s28, s16, $0xb8;
	[tilespmem:$0x14800] =	vst v63  }
0xfc: {  	p1 =	seq.s32 s19, $0xA000;
	s6 =	sor.u32 $0x8800, s23;
	s23 =	sadd.s32 $0x2780, s25  }
0xfd: {  	[spmem:s2] =	stream.indirect.scatter.add.f32 [tilespmem:s6], [sflag:$0x2], $0x10, s23, s16, $0xb8;
	[tilespmem:$0x14800] =	vst v63  }
0xfe: {  	s19 =	simm.s32 @p1 $0x0;
	s6 =	sand.u32 $0x4000, s21  }
0xff: {  	s19 =	sshra.s32 s19, $0x2;
	s21 =	sadd.s32 $0x5000, s6;
	s23 =	sadd.s32 $0x5800, s6  }
0x100: {  	[tilespmem:s21], [sflag:$0x1] =	stream.indirect.gather [spmem:s3], $0x10, s19, s16, $0xb8;
	[tilespmem:$0x14800] =	vst v63  }
0x101: {  	s28 =	sadd.s32 $0x100, s19;
	s25 =	sadd.s32 $0x6000, s6;
	s21 =	sadd.s32 $0x80, s19  }
0x102: {  	[tilespmem:s23], [sflag:$0x1] =	stream.indirect.gather [spmem:s3], $0x10, s21, s16, $0xb8;
	[tilespmem:$0x14800] =	vst v63  }
0x103: {  	s21 =	sadd.s32 $0x6800, s6;
	s23 =	sadd.s32 $0x180, s19  }
0x104: {  	[tilespmem:s25], [sflag:$0x1] =	stream.indirect.gather [spmem:s3], $0x10, s28, s16, $0xb8;
	[tilespmem:$0x14800] =	vst v63  }
0x105: {  	s25 =	sadd.s32 $0x7000, s6;
	s28 =	sadd.s32 $0x200, s19  }
0x106: {  	[tilespmem:s21], [sflag:$0x1] =	stream.indirect.gather [spmem:s3], $0x10, s23, s16, $0xb8;
	[tilespmem:$0x14800] =	vst v63  }
0x107: {  	s21 =	sadd.s32 $0x7800, s6;
	s23 =	sadd.s32 $0x280, s19  }
0x108: {  	[tilespmem:s25], [sflag:$0x1] =	stream.indirect.gather [spmem:s3], $0x10, s28, s16, $0xb8;
	[tilespmem:$0x14800] =	vst v63  }
.Ltmp1:
0x109: {  	_ = 	snop;
	(pc) =	sbr.rel @p0 .LBB2_4-.Ltmp1, $4  }
0x10a: {  	s25 =	sor.u32 $0x8000, s6;
	s28 =	sadd.s32 $0x300, s19  }
0x10b: {  	[tilespmem:s21], [sflag:$0x1] =	stream.indirect.gather [spmem:s3], $0x10, s23, s16, $0xb8;
	[tilespmem:$0x14800] =	vst v63  }
0x10c: {  	s21 =	sor.u32 $0x8800, s6;
	s23 =	sadd.s32 $0x380, s19  }
0x10d: {  	[tilespmem:s25], [sflag:$0x1] =	stream.indirect.gather [spmem:s3], $0x10, s28, s16, $0xb8;
	[tilespmem:$0x14800] =	vst v63  }
0x10e: {  	[tilespmem:s21], [sflag:$0x1] =	stream.indirect.gather [spmem:s3], $0x10, s23, s16, $0xb8;
	[tilespmem:$0x14800] =	vst v63  }
0x10f: {  	_ =	swait.ge [sflag:s0], $0x800  }
0x110: {  	[sflag:s0] =	ssyncset.done $0x0  }
0x111: {  	[sflag:s0] =	ssyncadd.s32 $0xFFFFF800  }
0x112: {  	_ =	swait.ge [sflag:s0], $0x800  }
0x113: {  	[sflag:s0] =	ssyncset.done $0x0  }
0x114: {  	[sflag:s0] =	ssyncadd.s32 $0xFFFFF800  }
0x115: {  	_ =	swait.ge [sflag:s0], $0x800  }
0x116: {  	[sflag:s0] =	ssyncset.done $0x0  }
0x117: {  	[sflag:s0] =	ssyncadd.s32 $0xFFFFF800  }
0x118: {  	_ =	swait.ge [sflag:s0], $0x800  }
0x119: {  	[sflag:s0] =	ssyncset.done $0x0  }
0x11a: {  	[sflag:s0] =	ssyncadd.s32 $0xFFFFF800  }
0x11b: {  	_ =	swait.ge [sflag:s0], $0x800  }
0x11c: {  	[sflag:s0] =	ssyncset.done $0x0  }
0x11d: {  	[sflag:s0] =	ssyncadd.s32 $0xFFFFF800  }
0x11e: {  	_ =	swait.ge [sflag:s0], $0x800  }
0x11f: {  	[sflag:s0] =	ssyncset.done $0x0  }
0x120: {  	[sflag:s0] =	ssyncadd.s32 $0xFFFFF800  }
0x121: {  	_ =	swait.ge [sflag:s0], $0x800  }
0x122: {  	[sflag:s0] =	ssyncset.done $0x0  }
0x123: {  	[sflag:s0] =	ssyncadd.s32 $0xFFFFF800  }
0x124: {  	_ =	swait.ge [sflag:s0], $0x800  }
0x125: {  	[sflag:s0] =	ssyncset.done $0x0  }
0x126: {  	[sflag:s0] =	ssyncadd.s32 $0xFFFFF800  }
0x127: {  	_ =	swait.ge [sflag:s30], $0x800  }
0x128: {  	[sflag:s30] =	ssyncset.done $0x0  }
0x129: {  	[sflag:s30] =	ssyncadd.s32 $0xFFFFF800  }
0x12a: {  	_ =	swait.ge [sflag:s30], $0x800  }
0x12b: {  	[sflag:s30] =	ssyncset.done $0x0  }
0x12c: {  	[sflag:s30] =	ssyncadd.s32 $0xFFFFF800  }
0x12d: {  	_ =	swait.ge [sflag:s30], $0x800  }
0x12e: {  	[sflag:s30] =	ssyncset.done $0x0  }
0x12f: {  	[sflag:s30] =	ssyncadd.s32 $0xFFFFF800  }
0x130: {  	_ =	swait.ge [sflag:s30], $0x800  }
0x131: {  	[sflag:s30] =	ssyncset.done $0x0  }
0x132: {  	[sflag:s30] =	ssyncadd.s32 $0xFFFFF800  }
0x133: {  	_ =	swait.ge [sflag:s30], $0x800  }
0x134: {  	[sflag:s30] =	ssyncset.done $0x0  }
0x135: {  	[sflag:s30] =	ssyncadd.s32 $0xFFFFF800  }
0x136: {  	_ =	swait.ge [sflag:s30], $0x800  }
0x137: {  	[sflag:s30] =	ssyncset.done $0x0  }
0x138: {  	[sflag:s30] =	ssyncadd.s32 $0xFFFFF800  }
0x139: {  	_ =	swait.ge [sflag:s30], $0x800  }
0x13a: {  	[sflag:s30] =	ssyncset.done $0x0  }
0x13b: {  	[sflag:s30] =	ssyncadd.s32 $0xFFFFF800  }
0x13c: {  	_ =	swait.ge [sflag:s30], $0x800  }
0x13d: {  	s4 =	sadd.s32 $0x1, s4;
	[sflag:s30] =	ssyncset.done $0x0  }
0x13e: {  	p0 =	sne.s32 s4, s10;
	[sflag:s30] =	ssyncadd.s32 $0xFFFFF800  }
.Ltmp2:
0x13f: {  	s1 =	sshrl.u32 s5, $0x3;
	[bflag:$0x0] =	sbarrier.arrive $0xFFFF;
	(pc) =	sbr.rel @p0 .LBB2_1-.Ltmp2, $4  }
0x140: {  	[hbm:s9], [sflag:s13] =	dma.local [spmem:s1], $0x500  }
0x141: {  	_ =	swait.ge [sflag:s12], $0x500  }
0x142: {  	[sflag:s12] =	ssyncset.done $0x0  }
0x143: {  	[sflag:s12] =	ssyncadd.s32 $0xFFFFFB00  }
0x144: {  	_ =	sfence.sel $0x180000  }
0x145: {  	[bflag:$0x0] =	sbarrier.arrive $0xFFFF  }
0x146: {  	_ =	strace $0x9000004A  }
0x147: {  	s0 =	stileid.u32;
	[bflag:$0x2] =	sbarrier.arrive $0xFFFF  }
0x148: {  	p0 =	sne.s32 s0, $0x0;
	s0 =	rddreg [dreg:$0x3]  }
0x149: {  	s0 =	sadd.s32 @!p0 $0x100000, s0  }
0x14a: {  	[sflag:s0] =	ssyncadd.tile.s32 @!p0 $0x1;
	_ =	shalt  }
.Lfunc_end2:
_tile_overlayer_lowered:
.L_overlay_start_2:
0x14b: {  	(tag) =	ssettag $0x2  }
0x14c: {  	s0 =	rddreg [dreg:$0x0];
	s2 =	stileid.u32  }
0x14d: {  	s1 =	rddreg [dreg:$0x1];
	p0 =	sne.s32 s2, $0x0  }
0x14e: {  	s3 =	rddreg [dreg:$0x2];
	[bflag:$0x3] =	sbarrier.arrive $0xFFFF;
	s2 =	simm.s32 @!p0 $0x1C03  }
0x14f: {  	[timem:s3], [sflag:s2] =	dma.local @!p0 [hbm:s0], s1  }
0x150: {  	s0 =	simm.s32 @!p0 $0x3  }
0x151: {  	_ =	swait.ge @!p0 [sflag:s0], s1  }
0x152: {  	s1 =	ssub.s32 @!p0 $0x0, s1;
	[sflag:s0] =	ssyncset.done @!p0 $0x0  }
0x153: {  	[sflag:s0] =	ssyncadd.s32 @!p0 s1  }
0x154: {  	[bflag:$0x3] =	sbarrier.arrive $0xFFFF  }
0x155: {  	_ =	shalt  }

// kernel: kernel.15.cloned.1.call-start
scs
__scs_entry_jumppad:
0x0: {  	(pc) =	sbr.rel $0x88, $3  }
0x1: {  	(tag) =	ssettag $0x0;
	lr =	simm.s32 $0x1  }
0x2: {  	[smem:$0x3F9B] =	sst lr;
	_ =	strace $0xD0000000  }
0x3: {  	_ = 	snop  }
0x4: {  	_ = 	snop  }
0x5: {  	_ = 	snop  }
0x6: {  	_ = 	snop  }
0x7: {  	_ = 	snop  }
__scs_overlays_trampoline_lowered:
0x8: {  	[smem:$0x3FAA] =	sst s0  }
0x9: {  	[smem:$0x3FAB] =	sst s1  }
0xa: {  	[smem:$0x3FAC] =	sst s2  }
0xb: {  	[smem:$0x3FAD] =	sst s3  }
0xc: {  	[smem:$0x3FAE] =	sst s4  }
0xd: {  	[smem:$0x3FAF] =	sst s5  }
0xe: {  	[smem:$0x3FB0] =	sst s6  }
0xf: {  	[smem:$0x3FB1] =	sst s7  }
0x10: {  	[smem:$0x3FB2] =	sst s8  }
0x11: {  	[smem:$0x3FB3] =	sst s9;
	s0 =	simm.s32 @!p0 $0x0  }
0x12: {  	s1 =	sld [smem:$0x3F99];
	s0 =	simm.s32 @p0 $0x1  }
0x13: {  	[smem:$0x3FB4] =	sst s0;
	s0 =	simm.s32 @!p1 $0x0  }
0x14: {  	s2 =	sld [smem:$0x3F98];
	s0 =	simm.s32 @p1 $0x1  }
0x15: {  	[smem:$0x3FB5] =	sst s0;
	s0 =	simm.s32 @!p2 $0x0  }
0x16: {  	s3 =	sld [smem:$0x3FDB];
	s0 =	simm.s32 @p2 $0x1  }
0x17: {  	s4 =	simm.s32 $0x1BF5;
	[smem:$0x3FB7] =	sst s0  }
0x18: {  	s0 =	sld [smem:$0x3F9A];
	_ =	swait.ge [sflag:s4], $0x0  }
0x19: {  	s7 =	sld [smem:$0x3F9B]  }
0x1a: {  	s8 =	sadd.s32 $0xFFFFE003, lr  }
0x1b: {  	s9 =	sadd.s32 $0xFFFFFEF7, lr;
	s5 =	simm.s32 $0xFFFFFFFF;
	p2 =	slt.u32 s8, $0xFFFFF086  }
0x1c: {  	p1 =	slt.u32 s9, $0xF7A;
	s5 =	simm.s32 @!p2 $0x0  }
0x1d: {  	s5 =	simm.s32 @p1 $0x1;
	p0 =	seq.s32 s7, s2  }
0x1e: {  	s7 =	smul.u32 @!p0 $0xF7A, s2;
	p2 =	seq.s32 @!p0 s5, $0x0  }
0x1f: {  	s9 =	smul.u32 $0xF7A, s1;
	s8 =	simm.s32 @!p0 $0x1BF5;
	p2 =	por !p2, p0  }
0x20: {  	[sflag:s8] =	ssyncset.s32 @!p0 $0xFFFFF086;
	s6 =	sadd.s32 @!p0 s3, s7;
	s7 =	simm.s32 @!p0 $0x108  }
0x21: {  	s3 =	sadd.s32 s3, s9;
	s6 =	sadd.s32 @!p0 $0x88, s6;
	s7 =	simm.s32 @p2 $0x1082  }
0x22: {  	[simem:s7], [sflag:s8] =	dma.local @!p0 [hbm:s6], $0xF7A  }
0x23: {  	s9 =	sor.u32 $0xD0000000, s2;
	s6 =	simm.s32 $0x108;
	_ =	swait.ge @!p0 [sflag:s8], $0x0  }
0x24: {  	s3 =	sadd.s32 $0x88, s3;
	s6 =	simm.s32 @!p1 $0x1082;
	[sflag:s4] =	ssyncset.s32 $0xFFFFF086  }
0x25: {  	[simem:s6], [sflag:s4] =	dma.local [hbm:s3], $0xF7A  }
0x26: {  	[smem:$0x3F9B] =	sst s1;
	(tag) =	ssettag s2;
	_ =	strace s9  }
0x27: {  	s1 =	sld [smem:$0x3FAB]  }
0x28: {  	s2 =	sld [smem:$0x3FAC]  }
0x29: {  	s4 =	sld [smem:$0x3FAE]  }
0x2a: {  	p0 =	seq.s32 s5, $0x0;
	s5 =	sld [smem:$0x3FAF]  }
0x2b: {  	s6 =	sld [smem:$0x3FB0]  }
0x2c: {  	s7 =	sld [smem:$0x3FB1]  }
0x2d: {  	s3 =	simm.s32 $0x108;
	s8 =	sld [smem:$0x3FB2]  }
0x2e: {  	s3 =	simm.s32 @!p0 $0x1082;
	s9 =	sld [smem:$0x3FB3]  }
0x2f: {  	lr =	sadd.s32 s0, s3;
	s0 =	sld [smem:$0x3FAA]  }
0x30: {  	s3 =	sld [smem:$0x3FAD]  }
0x31: {  	[smem:$0x3FB6] =	sst s10  }
0x32: {  	s10 =	sld [smem:$0x3FB4];
	_ =	sdelay $0x3  }
0x33: {  	p0 =	seq.s32 s10, $0x1;
	s10 =	sld [smem:$0x3FB6];
	_ =	sdelay $0x3  }
0x34: {  	[smem:$0x3FB6] =	sst s10  }
0x35: {  	s10 =	sld [smem:$0x3FB5];
	_ =	sdelay $0x3  }
0x36: {  	p1 =	seq.s32 s10, $0x1;
	s10 =	sld [smem:$0x3FB6];
	_ =	sdelay $0x3  }
0x37: {  	[smem:$0x3FB6] =	sst s10  }
0x38: {  	s10 =	sld [smem:$0x3FB7]  }
0x39: {  	_ = 	snop;
	(pc) =	sbr.ind lr, $3  }
0x3a: {  	_ = 	snop  }
0x3b: {  	_ = 	snop  }
0x3c: {  	p2 =	seq.s32 s10, $0x1;
	s10 =	sld [smem:$0x3FB6]  }
0x3d: {  	_ =	shalt  }
0x3e: {  	_ =	shalt  }
0x3f: {  	_ =	shalt  }
0x40: {  	_ =	shalt  }
0x41: {  	_ =	shalt  }
0x42: {  	_ =	shalt  }
0x43: {  	_ =	shalt  }
0x44: {  	_ =	shalt  }
0x45: {  	_ =	shalt  }
0x46: {  	_ =	shalt  }
0x47: {  	_ =	shalt  }
0x48: {  	_ =	shalt  }
0x49: {  	_ =	shalt  }
0x4a: {  	_ =	shalt  }
0x4b: {  	_ =	shalt  }
0x4c: {  	_ =	shalt  }
0x4d: {  	_ =	shalt  }
0x4e: {  	_ =	shalt  }
0x4f: {  	_ =	shalt  }
0x50: {  	_ =	shalt  }
0x51: {  	_ =	shalt  }
0x52: {  	_ =	shalt  }
0x53: {  	_ =	shalt  }
0x54: {  	_ =	shalt  }
0x55: {  	_ =	shalt  }
0x56: {  	_ =	shalt  }
0x57: {  	_ =	shalt  }
0x58: {  	_ =	shalt  }
0x59: {  	_ =	shalt  }
0x5a: {  	_ =	shalt  }
0x5b: {  	_ =	shalt  }
0x5c: {  	_ =	shalt  }
0x5d: {  	_ =	shalt  }
0x5e: {  	_ =	shalt  }
0x5f: {  	_ =	shalt  }
0x60: {  	_ =	shalt  }
0x61: {  	_ =	shalt  }
0x62: {  	_ =	shalt  }
0x63: {  	_ =	shalt  }
0x64: {  	_ =	shalt  }
0x65: {  	_ =	shalt  }
0x66: {  	_ =	shalt  }
0x67: {  	_ =	shalt  }
0x68: {  	_ =	shalt  }
0x69: {  	_ =	shalt  }
0x6a: {  	_ =	shalt  }
0x6b: {  	_ =	shalt  }
0x6c: {  	_ =	shalt  }
0x6d: {  	_ =	shalt  }
0x6e: {  	_ =	shalt  }
0x6f: {  	_ =	shalt  }
0x70: {  	_ =	shalt  }
0x71: {  	_ =	shalt  }
0x72: {  	_ =	shalt  }
0x73: {  	_ =	shalt  }
0x74: {  	_ =	shalt  }
0x75: {  	_ =	shalt  }
0x76: {  	_ =	shalt  }
0x77: {  	_ =	shalt  }
0x78: {  	_ =	shalt  }
0x79: {  	_ =	shalt  }
0x7a: {  	_ =	shalt  }
0x7b: {  	_ =	shalt  }
0x7c: {  	_ =	shalt  }
0x7d: {  	_ =	shalt  }
0x7e: {  	_ =	shalt  }
0x7f: {  	_ =	shalt  }
0x80: {  	_ =	shalt  }
0x81: {  	_ =	shalt  }
0x82: {  	_ =	shalt  }
0x83: {  	_ =	shalt  }
0x84: {  	_ =	shalt  }
0x85: {  	_ =	shalt  }
0x86: {  	_ =	shalt  }
0x87: {  	_ =	shalt  }
.Lfunc_end0:
.L_simem_size_0:
called_computation.2_lowered:
.L_overlay_start_0:
0x88: {  	s2 =	sld [smem:$0x3FD9]  }
0x89: {  	s3 =	sld [smem:$0x3FFE];
	_ =	sdelay $0x1  }
0x8a: {  	s1 =	srdreg.scid  }
0x8b: {  	s0 =	sand.u32 $0x1, s1  }
0x8c: {  	s16 =	sshll.u32 s0, $0xA;
	s2 =	sadd.s32 s3, s2  }
0x8d: {  	s2 =	sadd.s32 s2, s16  }
0x8e: {  	[smem:$0x3FC2] =	sst s2  }
0x8f: {  	_ = 	snop  }
0x90: {  	(tm) =	ssettm $0x1  }
0x91: {  	s17 =	sld [smem:$0x3FFB];
	_ =	sdelay $0x3  }
0x92: {  	_ =	strace s17  }
0x93: {  	s2 =	sld [smem:$0x3FFC];
	_ =	sdelay $0x3  }
0x94: {  	_ =	strace s2  }
0x95: {  	s2 =	sld [smem:$0x3FFD];
	_ =	sdelay $0x3  }
0x96: {  	_ =	strace s2  }
0x97: {  	_ =	strace $0x8FFFFFFF  }
0x98: {  	s18 =	sld [smem:$0x3FDB];
	_ =	sdelay $0x1  }
0x99: {  	s19 =	simm.s32 $_scs_section_size  }
0x9a: {  	s4 =	simm.s32 $_size__tile_overlayer_lowered;
	s5 =	simm.s32 $_tile_overlayer_lowered  }
0x9b: {  	s22 =	simm.s32 $0x1BFF;
	s21 =	sshll.u32 s5, $0x1;
	s2 =	sadd.s32 s19, s18  }
0x9c: {  	s6 =	simm.s32 $0x0;
	s20 =	sshll.u32 s4, $0x1;
	s4 =	sadd.s32 s21, s2  }
0x9d: {  	[timem:s6], [sflag:s22] =	dma.local [hbm:s4], s20  }
0x9e: {  	_ =	swait.ge [sflag:s22], s20  }
0x9f: {  	s3 =	ssub.s32 $0x0, s20;
	[sflag:s22] =	ssyncset.done $0x0  }
0xa0: {  	[sflag:s22] =	ssyncadd.s32 s3;
	_ =	sdelay $0x1  }
0xa1: {  	s23 =	simm.s32 $0x1B8B  }
0xa2: {  	_ =	swait.ge [sflag:s23], $0x1  }
0xa3: {  	[sflag:s23] =	ssyncset.done $0x0  }
0xa4: {  	s25 =	simm.s32 $0x1B8E;
	s24 =	sld [smem:$0x3FFE];
	[sflag:s23] =	ssyncadd.s32 $0xFFFFFFFF  }
0xa5: {  	s26 =	simm.s32 $execute0_lowered;
	[smem:$0x3FD2] =	sst s25  }
0xa6: {  	s4 =	sshll.u32 s26, $0x1;
	_ =	strace $0x8000004C;
	[dreg:$0x1] =	wrdreg $0xFFFFFFFF  }
0xa7: {  	s28 =	simm.s32 $_size_execute0_lowered;
	s2 =	sadd.s32 s2, s4;
	[dreg:$0x0] =	wrdreg $0x0  }
0xa8: {  	s4 =	sshll.u32 s28, $0x1;
	[dreg:$0x2] =	wrdreg s2  }
0xa9: {  	[dreg:$0x3] =	wrdreg s4  }
0xaa: {  	[dreg:$0x4] =	wrdreg $0xC0  }
0xab: {  	_ =	task [dreg:s6], $0x5FFFF  }
0xac: {  	[dreg:$0x1] =	wrdreg $0xFFFFFFFF  }
0xad: {  	[dreg:$0x0] =	wrdreg $0x60  }
0xae: {  	[dreg:$0x2] =	wrdreg s24  }
0xaf: {  	[dreg:$0x3] =	wrdreg $0x120000  }
0xb0: {  	[dreg:$0x4] =	wrdreg $0xF8000  }
0xb1: {  	[dreg:$0x5] =	wrdreg $0x9  }
0xb2: {  	_ =	task.clear_ibuf [dreg:s6], $0x6FFFF;
	_ =	strace $0x9000004C  }
0xb3: {  	s29 =	simm.s32 $0x9;
	_ =	strace $0x8000004E  }
0xb4: {  	_ =	swait.ge [sflag:s29], $0x1  }
0xb5: {  	[sflag:s29] =	ssyncadd.s32 $0xFFFFFFFF  }
0xb6: {  	_ =	strace $0x9000004E  }
0xb7: {  	_ =	sfence  }
0xb8: {  	s30 =	sld [smem:$0x0];
	_ =	sdelay $0x2  }
0xb9: {  	s31 =	sshll.u32 s1, $0xD;
	s1 =	sshrl.u32 s1, $0x2  }
0xba: {  	s3 =	sand.u32 $0x4000, s31;
	s1 =	sadd.s32 s1, s30  }
0xbb: {  	s0 =	sor.u32 s3, s0;
	s1 =	sshll.u32 s1, $0x11  }
0xbc: {  	s0 =	sor.u32 s1, s0  }
0xbd: {  	s0 =	sadd.s32 $0x8F2B, s0  }
0xbe: {  	[sflag:s0] =	ssyncadd.remote.s32 $0x1  }
0xbf: {  	_ =	sfence.sel $0xFFFF  }
0xc0: {  	[dreg:$0x0] =	wrdreg $0xFFFFFFFF;
	(pc) =	sbr.abs _section_cstart, $3  }
0xc1: {  	[dreg:$0x1] =	wrdreg $0xFFFFFFFF  }
0xc2: {  	_ =	task.clear_ibuf [dreg:s6], $0x2FFFF;
	_ =	strace $0x9FFFFFFF  }
0xc3: {  	(tm) =	ssettm $0x7FFFFFFF  }
tec
execute0_lowered:
.L_overlay_start_1:
0x0: {  	(tag) =	ssettag $0x1  }
0x1: {  	s0 =	rddreg [dreg:$0x0]  }
0x2: {  	s2 =	rddreg [dreg:$0x1]  }
0x3: {  	s3 =	rddreg [dreg:$0x2]  }
0x4: {  	s12 =	stileid.u32;
	s1 =	srdreg.scid  }
0x5: {  	s4 =	simm.s32 $0x0;
	s15 =	simm.s32 $0x2800;
	s16 =	simm.s32 $0x80  }
0x6: {  	s17 =	simm.s32 $0x5000;
	s18 =	simm.s32 $0x5800;
	s20 =	simm.s32 $0x6000  }
0x7: {  	s22 =	simm.s32 $0x6800;
	s29 =	simm.s32 $0x8000;
	s31 =	simm.s32 $0x8800  }
0x8: {  	s30 =	simm.s32 $0x2;
	s6 =	smul.u32 $0x2800, s12;
	s1 =	sand.u32 $0x1, s1  }
0x9: {  	s7 =	smul.u32 $0x500, s12;
	[smem:$0x7FF] =	sst s4;
	s28 =	sshll.u32 s12, $0x6  }
0xa: {  	s5 =	sshll.u32 s1, $0x4;
	s8 =	smul.u32 $0x5000, s1;
	_ =	strace $0x8000004D  }
0xb: {  	s1 =	ssub.s32 $0x2, s1;
	s13 =	sor.u32 $0x1C03, s28;
	s5 =	sor.u32 s12, s5  }
0xc: {  	s9 =	sshrl.u32 s6, $0x3;
	s25 =	sshrl.u32 s1, $0x1;
	s11 =	sadd.s32 s6, s3  }
0xd: {  	s12 =	simm.s32 $0x3;
	s5 =	smul.u32 $0x500, s5;
	s9 =	sadd.s32 s9, s0  }
0xe: {  	s7 =	sadd.s32 s7, s8;
	s1 =	ssub.s32 s1, s25;
	s14 =	sshrl.u32 s11, $0x3  }
0xf: {  	s26 =	sadd.s32 $0x16000, s9;
	s10 =	smax.u32 s1, $0x1;
	s24 =	sadd.s32 s5, s0  }
0x10: {  	s0 =	sadd.s32 s7, s0;
	s5 =	sadd.s32 s6, s2;
	[dreg:$0x4] =	wrdreg s26  }
0x11: {  	s26 =	simm.s32 $0x7800;
	s7 =	sadd.s32 $0xC000, s24;
	s8 =	sadd.s32 $0x2000, s24  }
0x12: {  	v0 =	vimm.f32 $0.0e+00;
	s9 =	sadd.s32 $0x1B000, s0;
	s24 =	simm.s32 $0x7000;
	s0 =	simm.s32 $0x1  }
.LBB2_1:
0x13: {  	s1 =	simm.s32 $0x40;
	s11 =	simm.s32 $0x0  }
.LBB2_2:
0x14: {  	p0 =	sne.s32 s1, $0x9FC0;
	[tilespmem:s11+$0xD000] =	vst v0;
	s11 =	smov.u32 s1;
	s1 =	sadd.s32 $0x40, s1  }
.Ltmp0:
0x15: {  	(pc) =	sbr.rel @p0 .LBB2_2-.Ltmp0, $2  }
0x16: {  	_ =	sdelay $0x2  }
0x17: {  	s11 =	sshra.s32 s11, $0x2  }
0x18: {  	[tilespmem:s11+$0xD000] =	vst v0;
	s1 =	simm.s32 $0xD000  }
0x19: {  	[spmem:s5] =	stream.linear.scatter [tilespmem:s1], [sflag:$0x3], $0x2800, $0x38;
	[tilespmem:$0x14800] =	vst v63  }
0x1a: {  	_ =	swait.ge [sflag:s12], $0x2800  }
0x1b: {  	[sflag:s12] =	ssyncset.done $0x0  }
0x1c: {  	s25 =	rddreg [dreg:$0x4];
	[sflag:s12] =	ssyncadd.s32 $0xFFFFD800  }
0x1d: {  	[spmem:s14], [sflag:s13] =	dma.local [hbm:s25], $0x500  }
0x1e: {  	_ =	swait.ge [sflag:s12], $0x500  }
0x1f: {  	[sflag:s12] =	ssyncset.done $0x0  }
0x20: {  	s28 =	simm.s32 $0x0;
	[sflag:s12] =	ssyncadd.s32 $0xFFFFFB00  }
0x21: {  	[tilespmem:s28], [sflag:$0x3] =	stream.linear.gather [hbm4b:s7+s28], $0x2800, $0x38;
	[tilespmem:$0x14800] =	vst v63  }
0x22: {  	_ =	swait.ge [sflag:s12], $0x2800  }
0x23: {  	[sflag:s12] =	ssyncset.done $0x0  }
0x24: {  	[sflag:s12] =	ssyncadd.s32 $0xFFFFD800  }
0x25: {  	[tilespmem:s15], [sflag:$0x3] =	stream.linear.gather [hbm4b:s8+s28], $0x2800, $0x38;
	[tilespmem:$0x14800] =	vst v63  }
0x26: {  	_ =	swait.ge [sflag:s12], $0x2800  }
0x27: {  	[sflag:s12] =	ssyncset.done $0x0  }
0x28: {  	[sflag:s12] =	ssyncadd.s32 $0xFFFFD800  }
0x29: {  	[bflag:$0x0] =	sbarrier.arrive $0xFFFF  }
0x2a: {  	[tilespmem:s17], [sflag:$0x1] =	stream.indirect.gather [spmem:s3], $0x10, s28, s16, $0xb8;
	[tilespmem:$0x14800] =	vst v63  }
0x2b: {  	_ = 	snop  }
0x2c: {  	[tilespmem:s18], [sflag:$0x1] =	stream.indirect.gather [spmem:s3], $0x10, s16, s16, $0xb8;
	[tilespmem:$0x14800] =	vst v63  }
0x2d: {  	s6 =	simm.s32 $0x100  }
0x2e: {  	[tilespmem:s20], [sflag:$0x1] =	stream.indirect.gather [spmem:s3], $0x10, s6, s16, $0xb8;
	[tilespmem:$0x14800] =	vst v63  }
0x2f: {  	s11 =	simm.s32 $0x180  }
0x30: {  	[tilespmem:s22], [sflag:$0x1] =	stream.indirect.gather [spmem:s3], $0x10, s11, s16, $0xb8;
	[tilespmem:$0x14800] =	vst v63  }
0x31: {  	s19 =	simm.s32 $0x200  }
0x32: {  	[tilespmem:s24], [sflag:$0x1] =	stream.indirect.gather [spmem:s3], $0x10, s19, s16, $0xb8;
	[tilespmem:$0x14800] =	vst v63  }
0x33: {  	s21 =	simm.s32 $0x280  }
0x34: {  	[tilespmem:s26], [sflag:$0x1] =	stream.indirect.gather [spmem:s3], $0x10, s21, s16, $0xb8;
	[tilespmem:$0x14800] =	vst v63  }
0x35: {  	s23 =	simm.s32 $0x300  }
0x36: {  	[tilespmem:s29], [sflag:$0x1] =	stream.indirect.gather [spmem:s3], $0x10, s23, s16, $0xb8;
	[tilespmem:$0x14800] =	vst v63  }
0x37: {  	s25 =	simm.s32 $0x380  }
0x38: {  	[tilespmem:s31], [sflag:$0x1] =	stream.indirect.gather [spmem:s3], $0x10, s25, s16, $0xb8;
	[tilespmem:$0x14800] =	vst v63  }
0x39: {  	_ =	swait.ge [sflag:s0], $0x800  }
0x3a: {  	[sflag:s0] =	ssyncset.done $0x0  }
0x3b: {  	[sflag:s0] =	ssyncadd.s32 $0xFFFFF800  }
0x3c: {  	_ =	swait.ge [sflag:s0], $0x800  }
0x3d: {  	[sflag:s0] =	ssyncset.done $0x0  }
0x3e: {  	[sflag:s0] =	ssyncadd.s32 $0xFFFFF800  }
0x3f: {  	_ =	swait.ge [sflag:s0], $0x800  }
0x40: {  	[sflag:s0] =	ssyncset.done $0x0  }
0x41: {  	[sflag:s0] =	ssyncadd.s32 $0xFFFFF800  }
0x42: {  	_ =	swait.ge [sflag:s0], $0x800  }
0x43: {  	[sflag:s0] =	ssyncset.done $0x0  }
0x44: {  	[sflag:s0] =	ssyncadd.s32 $0xFFFFF800  }
0x45: {  	_ =	swait.ge [sflag:s0], $0x800  }
0x46: {  	[sflag:s0] =	ssyncset.done $0x0  }
0x47: {  	[sflag:s0] =	ssyncadd.s32 $0xFFFFF800  }
0x48: {  	_ =	swait.ge [sflag:s0], $0x800  }
0x49: {  	[sflag:s0] =	ssyncset.done $0x0  }
0x4a: {  	[sflag:s0] =	ssyncadd.s32 $0xFFFFF800  }
0x4b: {  	_ =	swait.ge [sflag:s0], $0x800  }
0x4c: {  	[sflag:s0] =	ssyncset.done $0x0  }
0x4d: {  	[sflag:s0] =	ssyncadd.s32 $0xFFFFF800  }
0x4e: {  	_ =	swait.ge [sflag:s0], $0x800  }
0x4f: {  	[sflag:s0] =	ssyncset.done $0x0  }
0x50: {  	[sflag:s0] =	ssyncadd.s32 $0xFFFFF800  }
0x51: {  	[spmem:s2] =	stream.indirect.scatter.add.f32 [tilespmem:s17], [sflag:$0x2], $0x10, s15, s16, $0xb8;
	[tilespmem:$0x14800] =	vst v63  }
0x52: {  	s28 =	simm.s32 $0x2880  }
0x53: {  	[spmem:s2] =	stream.indirect.scatter.add.f32 [tilespmem:s18], [sflag:$0x2], $0x10, s28, s16, $0xb8;
	[tilespmem:$0x14800] =	vst v63  }
0x54: {  	s6 =	simm.s32 $0x2900  }
0x55: {  	[spmem:s2] =	stream.indirect.scatter.add.f32 [tilespmem:s20], [sflag:$0x2], $0x10, s6, s16, $0xb8;
	[tilespmem:$0x14800] =	vst v63  }
0x56: {  	s11 =	simm.s32 $0x2980  }
0x57: {  	[spmem:s2] =	stream.indirect.scatter.add.f32 [tilespmem:s22], [sflag:$0x2], $0x10, s11, s16, $0xb8;
	[tilespmem:$0x14800] =	vst v63  }
0x58: {  	s19 =	simm.s32 $0x2A00  }
0x59: {  	[spmem:s2] =	stream.indirect.scatter.add.f32 [tilespmem:s24], [sflag:$0x2], $0x10, s19, s16, $0xb8;
	[tilespmem:$0x14800] =	vst v63  }
0x5a: {  	s21 =	simm.s32 $0x2A80  }
0x5b: {  	[spmem:s2] =	stream.indirect.scatter.add.f32 [tilespmem:s26], [sflag:$0x2], $0x10, s21, s16, $0xb8;
	[tilespmem:$0x14800] =	vst v63  }
0x5c: {  	s23 =	simm.s32 $0x2B00  }
0x5d: {  	[spmem:s2] =	stream.indirect.scatter.add.f32 [tilespmem:s29], [sflag:$0x2], $0x10, s23, s16, $0xb8;
	[tilespmem:$0x14800] =	vst v63  }
0x5e: {  	s25 =	simm.s32 $0x2B80  }
0x5f: {  	[spmem:s2] =	stream.indirect.scatter.add.f32 [tilespmem:s31], [sflag:$0x2], $0x10, s25, s16, $0xb8;
	[tilespmem:$0x14800] =	vst v63  }
0x60: {  	s28 =	simm.s32 $0x400;
	s6 =	simm.s32 $0x9000  }
0x61: {  	[tilespmem:s6], [sflag:$0x1] =	stream.indirect.gather [spmem:s3], $0x10, s28, s16, $0xb8;
	[tilespmem:$0x14800] =	vst v63  }
0x62: {  	s11 =	simm.s32 $0x480;
	s19 =	simm.s32 $0x9800  }
0x63: {  	[tilespmem:s19], [sflag:$0x1] =	stream.indirect.gather [spmem:s3], $0x10, s11, s16, $0xb8;
	[tilespmem:$0x14800] =	vst v63  }
0x64: {  	s21 =	simm.s32 $0x500;
	s23 =	simm.s32 $0xA000  }
0x65: {  	[tilespmem:s23], [sflag:$0x1] =	stream.indirect.gather [spmem:s3], $0x10, s21, s16, $0xb8;
	[tilespmem:$0x14800] =	vst v63  }
0x66: {  	s25 =	simm.s32 $0x580;
	s28 =	simm.s32 $0xA800  }
0x67: {  	[tilespmem:s28], [sflag:$0x1] =	stream.indirect.gather [spmem:s3], $0x10, s25, s16, $0xb8;
	[tilespmem:$0x14800] =	vst v63  }
0x68: {  	s11 =	simm.s32 $0x600;
	s19 =	simm.s32 $0xB000  }
0x69: {  	[tilespmem:s19], [sflag:$0x1] =	stream.indirect.gather [spmem:s3], $0x10, s11, s16, $0xb8;
	[tilespmem:$0x14800] =	vst v63  }
0x6a: {  	s21 =	simm.s32 $0x680;
	s23 =	simm.s32 $0xB800  }
0x6b: {  	[tilespmem:s23], [sflag:$0x1] =	stream.indirect.gather [spmem:s3], $0x10, s21, s16, $0xb8;
	[tilespmem:$0x14800] =	vst v63  }
0x6c: {  	s25 =	simm.s32 $0x700;
	s28 =	simm.s32 $0xC000  }
0x6d: {  	[tilespmem:s28], [sflag:$0x1] =	stream.indirect.gather [spmem:s3], $0x10, s25, s16, $0xb8;
	[tilespmem:$0x14800] =	vst v63  }
0x6e: {  	s11 =	simm.s32 $0x780;
	s19 =	simm.s32 $0xC800  }
0x6f: {  	[tilespmem:s19], [sflag:$0x1] =	stream.indirect.gather [spmem:s3], $0x10, s11, s16, $0xb8;
	[tilespmem:$0x14800] =	vst v63  }
0x70: {  	_ =	swait.ge [sflag:s0], $0x800  }
0x71: {  	[sflag:s0] =	ssyncset.done $0x0  }
0x72: {  	[sflag:s0] =	ssyncadd.s32 $0xFFFFF800  }
0x73: {  	_ =	swait.ge [sflag:s0], $0x800  }
0x74: {  	[sflag:s0] =	ssyncset.done $0x0  }
0x75: {  	[sflag:s0] =	ssyncadd.s32 $0xFFFFF800  }
0x76: {  	_ =	swait.ge [sflag:s0], $0x800  }
0x77: {  	[sflag:s0] =	ssyncset.done $0x0  }
0x78: {  	[sflag:s0] =	ssyncadd.s32 $0xFFFFF800  }
0x79: {  	_ =	swait.ge [sflag:s0], $0x800  }
0x7a: {  	[sflag:s0] =	ssyncset.done $0x0  }
0x7b: {  	[sflag:s0] =	ssyncadd.s32 $0xFFFFF800  }
0x7c: {  	_ =	swait.ge [sflag:s0], $0x800  }
0x7d: {  	[sflag:s0] =	ssyncset.done $0x0  }
0x7e: {  	[sflag:s0] =	ssyncadd.s32 $0xFFFFF800  }
0x7f: {  	_ =	swait.ge [sflag:s0], $0x800  }
0x80: {  	[sflag:s0] =	ssyncset.done $0x0  }
0x81: {  	[sflag:s0] =	ssyncadd.s32 $0xFFFFF800  }
0x82: {  	_ =	swait.ge [sflag:s0], $0x800  }
0x83: {  	[sflag:s0] =	ssyncset.done $0x0  }
0x84: {  	[sflag:s0] =	ssyncadd.s32 $0xFFFFF800  }
0x85: {  	_ =	swait.ge [sflag:s0], $0x800  }
0x86: {  	[sflag:s0] =	ssyncset.done $0x0  }
0x87: {  	[sflag:s0] =	ssyncadd.s32 $0xFFFFF800  }
0x88: {  	_ =	swait.ge [sflag:s30], $0x800  }
0x89: {  	[sflag:s30] =	ssyncset.done $0x0  }
0x8a: {  	[sflag:s30] =	ssyncadd.s32 $0xFFFFF800  }
0x8b: {  	_ =	swait.ge [sflag:s30], $0x800  }
0x8c: {  	[sflag:s30] =	ssyncset.done $0x0  }
0x8d: {  	[sflag:s30] =	ssyncadd.s32 $0xFFFFF800  }
0x8e: {  	_ =	swait.ge [sflag:s30], $0x800  }
0x8f: {  	[sflag:s30] =	ssyncset.done $0x0  }
0x90: {  	[sflag:s30] =	ssyncadd.s32 $0xFFFFF800  }
0x91: {  	_ =	swait.ge [sflag:s30], $0x800  }
0x92: {  	[sflag:s30] =	ssyncset.done $0x0  }
0x93: {  	[sflag:s30] =	ssyncadd.s32 $0xFFFFF800  }
0x94: {  	_ =	swait.ge [sflag:s30], $0x800  }
0x95: {  	[sflag:s30] =	ssyncset.done $0x0  }
0x96: {  	[sflag:s30] =	ssyncadd.s32 $0xFFFFF800  }
0x97: {  	_ =	swait.ge [sflag:s30], $0x800  }
0x98: {  	[sflag:s30] =	ssyncset.done $0x0  }
0x99: {  	[sflag:s30] =	ssyncadd.s32 $0xFFFFF800  }
0x9a: {  	_ =	swait.ge [sflag:s30], $0x800  }
0x9b: {  	[sflag:s30] =	ssyncset.done $0x0  }
0x9c: {  	s1 =	simm.s32 $0x10000;
	[sflag:s30] =	ssyncadd.s32 $0xFFFFF800  }
0x9d: {  	s21 =	sand.u32 $0x10000, s1;
	_ =	swait.ge [sflag:s30], $0x800  }
0x9e: {  	s11 =	sshrl.u32 s21, $0x2;
	[sflag:s30] =	ssyncset.done $0x0  }
0x9f: {  	s21 =	simm.s32 $0x2C00;
	s19 =	sadd.s32 $0x5000, s11;
	[sflag:s30] =	ssyncadd.s32 $0xFFFFF800  }
0xa0: {  	[spmem:s2] =	stream.indirect.scatter.add.f32 [tilespmem:s19], [sflag:$0x2], $0x10, s21, s16, $0xb8;
	[tilespmem:$0x14800] =	vst v63  }
0xa1: {  	s25 =	simm.s32 $0x2C80;
	s23 =	sadd.s32 $0x5800, s11  }
0xa2: {  	[spmem:s2] =	stream.indirect.scatter.add.f32 [tilespmem:s23], [sflag:$0x2], $0x10, s25, s16, $0xb8;
	[tilespmem:$0x14800] =	vst v63  }
0xa3: {  	s6 =	simm.s32 $0x2D00;
	s28 =	sadd.s32 $0x6000, s11  }
0xa4: {  	[spmem:s2] =	stream.indirect.scatter.add.f32 [tilespmem:s28], [sflag:$0x2], $0x10, s6, s16, $0xb8;
	[tilespmem:$0x14800] =	vst v63  }
0xa5: {  	p0 =	por $0x0, $0x0;
	s23 =	sadd.s32 $0x6800, s11;
	s25 =	simm.s32 $0x2D80  }
0xa6: {  	[spmem:s2] =	stream.indirect.scatter.add.f32 [tilespmem:s23], [sflag:$0x2], $0x10, s25, s16, $0xb8;
	[tilespmem:$0x14800] =	vst v63  }
0xa7: {  	s19 =	simm.s32 $0x2000;
	s28 =	sadd.s32 $0x7000, s11;
	s6 =	simm.s32 $0x2E00  }
0xa8: {  	[spmem:s2] =	stream.indirect.scatter.add.f32 [tilespmem:s28], [sflag:$0x2], $0x10, s6, s16, $0xb8;
	[tilespmem:$0x14800] =	vst v63  }
0xa9: {  	s21 =	sadd.s32 $0x7800, s11;
	s19 =	simm.s32 @p0 $0x0;
	s23 =	simm.s32 $0x2E80  }
0xaa: {  	[spmem:s2] =	stream.indirect.scatter.add.f32 [tilespmem:s21], [sflag:$0x2], $0x10, s23, s16, $0xb8;
	[tilespmem:$0x14800] =	vst v63  }
0xab: {  	s25 =	sor.u32 $0x8000, s11;
	s28 =	simm.s32 $0x2F00;
	s6 =	simm.s32 $0x0  }
0xac: {  	[spmem:s2] =	stream.indirect.scatter.add.f32 [tilespmem:s25], [sflag:$0x2], $0x10, s28, s16, $0xb8;
	[tilespmem:$0x14800] =	vst v63  }
0xad: {  	s11 =	sor.u32 $0x8800, s11;
	s23 =	simm.s32 $0x2F80;
	s21 =	sand.u32 $0x4000, s6  }
0xae: {  	[spmem:s2] =	stream.indirect.scatter.add.f32 [tilespmem:s11], [sflag:$0x2], $0x10, s23, s16, $0xb8;
	[tilespmem:$0x14800] =	vst v63  }
0xaf: {  	s19 =	sshra.s32 s19, $0x2;
	s25 =	sadd.s32 $0x5000, s21  }
0xb0: {  	[tilespmem:s25], [sflag:$0x1] =	stream.indirect.gather [spmem:s3], $0x10, s19, s16, $0xb8;
	[tilespmem:$0x14800] =	vst v63  }
0xb1: {  	s6 =	sadd.s32 $0x80, s19;
	s28 =	sadd.s32 $0x5800, s21  }
0xb2: {  	[tilespmem:s28], [sflag:$0x1] =	stream.indirect.gather [spmem:s3], $0x10, s6, s16, $0xb8;
	[tilespmem:$0x14800] =	vst v63  }
0xb3: {  	s23 =	sadd.s32 $0x6000, s21;
	s25 =	sadd.s32 $0x100, s19  }
0xb4: {  	[tilespmem:s23], [sflag:$0x1] =	stream.indirect.gather [spmem:s3], $0x10, s25, s16, $0xb8;
	[tilespmem:$0x14800] =	vst v63  }
0xb5: {  	s28 =	sadd.s32 $0x6800, s21;
	s6 =	sadd.s32 $0x180, s19  }
0xb6: {  	[tilespmem:s28], [sflag:$0x1] =	stream.indirect.gather [spmem:s3], $0x10, s6, s16, $0xb8;
	[tilespmem:$0x14800] =	vst v63  }
0xb7: {  	s11 =	simm.s32 $0x3000;
	s23 =	sadd.s32 $0x7000, s21;
	s25 =	sadd.s32 $0x200, s19  }
0xb8: {  	[tilespmem:s23], [sflag:$0x1] =	stream.indirect.gather [spmem:s3], $0x10, s25, s16, $0xb8;
	[tilespmem:$0x14800] =	vst v63  }
0xb9: {  	s28 =	sadd.s32 $0x7800, s21;
	s6 =	sadd.s32 $0x280, s19;
	s25 =	sor.u32 $0x8000, s21  }
0xba: {  	[tilespmem:s28], [sflag:$0x1] =	stream.indirect.gather [spmem:s3], $0x10, s6, s16, $0xb8;
	[tilespmem:$0x14800] =	vst v63  }
0xbb: {  	s21 =	sor.u32 $0x8800, s21;
	s23 =	sadd.s32 $0x380, s19;
	s28 =	sadd.s32 $0x300, s19  }
0xbc: {  	[tilespmem:s25], [sflag:$0x1] =	stream.indirect.gather [spmem:s3], $0x10, s28, s16, $0xb8;
	[tilespmem:$0x14800] =	vst v63  }
.LBB2_4:
0xbd: {  	p0 =	sne.s32 s11, $0xA000;
	s19 =	smov.u32 s11;
	s11 =	sadd.s32 $0x1000, s11  }
0xbe: {  	[tilespmem:s21], [sflag:$0x1] =	stream.indirect.gather [spmem:s3], $0x10, s23, s16, $0xb8;
	[tilespmem:$0x14800] =	vst v63  }
0xbf: {  	s21 =	smov.u32 s1;
	_ =	swait.ge [sflag:s0], $0x800  }
0xc0: {  	[sflag:s0] =	ssyncset.done $0x0  }
0xc1: {  	[sflag:s0] =	ssyncadd.s32 $0xFFFFF800  }
0xc2: {  	_ =	swait.ge [sflag:s0], $0x800  }
0xc3: {  	[sflag:s0] =	ssyncset.done $0x0  }
0xc4: {  	[sflag:s0] =	ssyncadd.s32 $0xFFFFF800  }
0xc5: {  	_ =	swait.ge [sflag:s0], $0x800  }
0xc6: {  	[sflag:s0] =	ssyncset.done $0x0  }
0xc7: {  	[sflag:s0] =	ssyncadd.s32 $0xFFFFF800  }
0xc8: {  	_ =	swait.ge [sflag:s0], $0x800  }
0xc9: {  	[sflag:s0] =	ssyncset.done $0x0  }
0xca: {  	[sflag:s0] =	ssyncadd.s32 $0xFFFFF800  }
0xcb: {  	_ =	swait.ge [sflag:s0], $0x800  }
0xcc: {  	[sflag:s0] =	ssyncset.done $0x0  }
0xcd: {  	[sflag:s0] =	ssyncadd.s32 $0xFFFFF800  }
0xce: {  	_ =	swait.ge [sflag:s0], $0x800  }
0xcf: {  	[sflag:s0] =	ssyncset.done $0x0  }
0xd0: {  	[sflag:s0] =	ssyncadd.s32 $0xFFFFF800  }
0xd1: {  	_ =	swait.ge [sflag:s0], $0x800  }
0xd2: {  	[sflag:s0] =	ssyncset.done $0x0  }
0xd3: {  	[sflag:s0] =	ssyncadd.s32 $0xFFFFF800  }
0xd4: {  	_ =	swait.ge [sflag:s0], $0x800  }
0xd5: {  	[sflag:s0] =	ssyncset.done $0x0  }
0xd6: {  	[sflag:s0] =	ssyncadd.s32 $0xFFFFF800  }
0xd7: {  	_ =	swait.ge [sflag:s30], $0x800  }
0xd8: {  	[sflag:s30] =	ssyncset.done $0x0  }
0xd9: {  	[sflag:s30] =	ssyncadd.s32 $0xFFFFF800  }
0xda: {  	_ =	swait.ge [sflag:s30], $0x800  }
0xdb: {  	[sflag:s30] =	ssyncset.done $0x0  }
0xdc: {  	[sflag:s30] =	ssyncadd.s32 $0xFFFFF800  }
0xdd: {  	_ =	swait.ge [sflag:s30], $0x800  }
0xde: {  	[sflag:s30] =	ssyncset.done $0x0  }
0xdf: {  	[sflag:s30] =	ssyncadd.s32 $0xFFFFF800  }
0xe0: {  	_ =	swait.ge [sflag:s30], $0x800  }
0xe1: {  	[sflag:s30] =	ssyncset.done $0x0  }
0xe2: {  	[sflag:s30] =	ssyncadd.s32 $0xFFFFF800  }
0xe3: {  	_ =	swait.ge [sflag:s30], $0x800  }
0xe4: {  	[sflag:s30] =	ssyncset.done $0x0  }
0xe5: {  	[sflag:s30] =	ssyncadd.s32 $0xFFFFF800  }
0xe6: {  	_ =	swait.ge [sflag:s30], $0x800  }
0xe7: {  	[sflag:s30] =	ssyncset.done $0x0  }
0xe8: {  	[sflag:s30] =	ssyncadd.s32 $0xFFFFF800  }
0xe9: {  	_ =	swait.ge [sflag:s30], $0x800  }
0xea: {  	[sflag:s30] =	ssyncset.done $0x0  }
0xeb: {  	s1 =	sadd.s32 $0x10000, s1;
	[sflag:s30] =	ssyncadd.s32 $0xFFFFF800  }
0xec: {  	s23 =	sand.u32 $0x10000, s1;
	_ =	swait.ge [sflag:s30], $0x800  }
0xed: {  	s25 =	sshra.s32 s19, $0x2;
	s23 =	sshrl.u32 s23, $0x2;
	[sflag:s30] =	ssyncset.done $0x0  }
0xee: {  	s6 =	sadd.s32 $0x2400, s25;
	s28 =	sadd.s32 $0x5000, s23;
	[sflag:s30] =	ssyncadd.s32 $0xFFFFF800  }
0xef: {  	[spmem:s2] =	stream.indirect.scatter.add.f32 [tilespmem:s28], [sflag:$0x2], $0x10, s6, s16, $0xb8;
	[tilespmem:$0x14800] =	vst v63  }
0xf0: {  	s6 =	sadd.s32 $0x5800, s23;
	s28 =	sadd.s32 $0x2480, s25  }
0xf1: {  	[spmem:s2] =	stream.indirect.scatter.add.f32 [tilespmem:s6], [sflag:$0x2], $0x10, s28, s16, $0xb8;
	[tilespmem:$0x14800] =	vst v63  }
0xf2: {  	s6 =	sadd.s32 $0x6000, s23;
	s28 =	sadd.s32 $0x2500, s25  }
0xf3: {  	[spmem:s2] =	stream.indirect.scatter.add.f32 [tilespmem:s6], [sflag:$0x2], $0x10, s28, s16, $0xb8;
	[tilespmem:$0x14800] =	vst v63  }
0xf4: {  	s6 =	sadd.s32 $0x6800, s23;
	s28 =	sadd.s32 $0x2580, s25  }
0xf5: {  	[spmem:s2] =	stream.indirect.scatter.add.f32 [tilespmem:s6], [sflag:$0x2], $0x10, s28, s16, $0xb8;
	[tilespmem:$0x14800] =	vst v63  }
0xf6: {  	s6 =	sadd.s32 $0x7000, s23;
	s28 =	sadd.s32 $0x2600, s25  }
0xf7: {  	[spmem:s2] =	stream.indirect.scatter.add.f32 [tilespmem:s6], [sflag:$0x2], $0x10, s28, s16, $0xb8;
	[tilespmem:$0x14800] =	vst v63  }
0xf8: {  	s6 =	sadd.s32 $0x7800, s23;
	s28 =	sadd.s32 $0x2680, s25  }
0xf9: {  	[spmem:s2] =	stream.indirect.scatter.add.f32 [tilespmem:s6], [sflag:$0x2], $0x10, s28, s16, $0xb8;
	[tilespmem:$0x14800] =	vst v63  }
0xfa: {  	s21 =	sshrl.u32 s21, $0x2;
	s6 =	sor.u32 $0x8000, s23;
	s28 =	sadd.s32 $0x2700, s25  }
0xfb: {  	[spmem:s2] =	stream.indirect.scatter.add.f32 [tilespmem:s6], [sflag:$0x2], $0x10, s28, s16, $0xb8;
	[tilespmem:$0x14800] =	vst v63  }
0xfc: {  	p1 =	seq.s32 s19, $0xA000;
	s6 =	sor.u32 $0x8800, s23;
	s23 =	sadd.s32 $0x2780, s25  }
0xfd: {  	[spmem:s2] =	stream.indirect.scatter.add.f32 [tilespmem:s6], [sflag:$0x2], $0x10, s23, s16, $0xb8;
	[tilespmem:$0x14800] =	vst v63  }
0xfe: {  	s19 =	simm.s32 @p1 $0x0;
	s6 =	sand.u32 $0x4000, s21  }
0xff: {  	s19 =	sshra.s32 s19, $0x2;
	s21 =	sadd.s32 $0x5000, s6;
	s23 =	sadd.s32 $0x5800, s6  }
0x100: {  	[tilespmem:s21], [sflag:$0x1] =	stream.indirect.gather [spmem:s3], $0x10, s19, s16, $0xb8;
	[tilespmem:$0x14800] =	vst v63  }
0x101: {  	s28 =	sadd.s32 $0x100, s19;
	s25 =	sadd.s32 $0x6000, s6;
	s21 =	sadd.s32 $0x80, s19  }
0x102: {  	[tilespmem:s23], [sflag:$0x1] =	stream.indirect.gather [spmem:s3], $0x10, s21, s16, $0xb8;
	[tilespmem:$0x14800] =	vst v63  }
0x103: {  	s21 =	sadd.s32 $0x6800, s6;
	s23 =	sadd.s32 $0x180, s19  }
0x104: {  	[tilespmem:s25], [sflag:$0x1] =	stream.indirect.gather [spmem:s3], $0x10, s28, s16, $0xb8;
	[tilespmem:$0x14800] =	vst v63  }
0x105: {  	s25 =	sadd.s32 $0x7000, s6;
	s28 =	sadd.s32 $0x200, s19  }
0x106: {  	[tilespmem:s21], [sflag:$0x1] =	stream.indirect.gather [spmem:s3], $0x10, s23, s16, $0xb8;
	[tilespmem:$0x14800] =	vst v63  }
0x107: {  	s21 =	sadd.s32 $0x7800, s6;
	s23 =	sadd.s32 $0x280, s19  }
0x108: {  	[tilespmem:s25], [sflag:$0x1] =	stream.indirect.gather [spmem:s3], $0x10, s28, s16, $0xb8;
	[tilespmem:$0x14800] =	vst v63  }
.Ltmp1:
0x109: {  	_ = 	snop;
	(pc) =	sbr.rel @p0 .LBB2_4-.Ltmp1, $4  }
0x10a: {  	s25 =	sor.u32 $0x8000, s6;
	s28 =	sadd.s32 $0x300, s19  }
0x10b: {  	[tilespmem:s21], [sflag:$0x1] =	stream.indirect.gather [spmem:s3], $0x10, s23, s16, $0xb8;
	[tilespmem:$0x14800] =	vst v63  }
0x10c: {  	s21 =	sor.u32 $0x8800, s6;
	s23 =	sadd.s32 $0x380, s19  }
0x10d: {  	[tilespmem:s25], [sflag:$0x1] =	stream.indirect.gather [spmem:s3], $0x10, s28, s16, $0xb8;
	[tilespmem:$0x14800] =	vst v63  }
0x10e: {  	[tilespmem:s21], [sflag:$0x1] =	stream.indirect.gather [spmem:s3], $0x10, s23, s16, $0xb8;
	[tilespmem:$0x14800] =	vst v63  }
0x10f: {  	_ =	swait.ge [sflag:s0], $0x800  }
0x110: {  	[sflag:s0] =	ssyncset.done $0x0  }
0x111: {  	[sflag:s0] =	ssyncadd.s32 $0xFFFFF800  }
0x112: {  	_ =	swait.ge [sflag:s0], $0x800  }
0x113: {  	[sflag:s0] =	ssyncset.done $0x0  }
0x114: {  	[sflag:s0] =	ssyncadd.s32 $0xFFFFF800  }
0x115: {  	_ =	swait.ge [sflag:s0], $0x800  }
0x116: {  	[sflag:s0] =	ssyncset.done $0x0  }
0x117: {  	[sflag:s0] =	ssyncadd.s32 $0xFFFFF800  }
0x118: {  	_ =	swait.ge [sflag:s0], $0x800  }
0x119: {  	[sflag:s0] =	ssyncset.done $0x0  }
0x11a: {  	[sflag:s0] =	ssyncadd.s32 $0xFFFFF800  }
0x11b: {  	_ =	swait.ge [sflag:s0], $0x800  }
0x11c: {  	[sflag:s0] =	ssyncset.done $0x0  }
0x11d: {  	[sflag:s0] =	ssyncadd.s32 $0xFFFFF800  }
0x11e: {  	_ =	swait.ge [sflag:s0], $0x800  }
0x11f: {  	[sflag:s0] =	ssyncset.done $0x0  }
0x120: {  	[sflag:s0] =	ssyncadd.s32 $0xFFFFF800  }
0x121: {  	_ =	swait.ge [sflag:s0], $0x800  }
0x122: {  	[sflag:s0] =	ssyncset.done $0x0  }
0x123: {  	[sflag:s0] =	ssyncadd.s32 $0xFFFFF800  }
0x124: {  	_ =	swait.ge [sflag:s0], $0x800  }
0x125: {  	[sflag:s0] =	ssyncset.done $0x0  }
0x126: {  	[sflag:s0] =	ssyncadd.s32 $0xFFFFF800  }
0x127: {  	_ =	swait.ge [sflag:s30], $0x800  }
0x128: {  	[sflag:s30] =	ssyncset.done $0x0  }
0x129: {  	[sflag:s30] =	ssyncadd.s32 $0xFFFFF800  }
0x12a: {  	_ =	swait.ge [sflag:s30], $0x800  }
0x12b: {  	[sflag:s30] =	ssyncset.done $0x0  }
0x12c: {  	[sflag:s30] =	ssyncadd.s32 $0xFFFFF800  }
0x12d: {  	_ =	swait.ge [sflag:s30], $0x800  }
0x12e: {  	[sflag:s30] =	ssyncset.done $0x0  }
0x12f: {  	[sflag:s30] =	ssyncadd.s32 $0xFFFFF800  }
0x130: {  	_ =	swait.ge [sflag:s30], $0x800  }
0x131: {  	[sflag:s30] =	ssyncset.done $0x0  }
0x132: {  	[sflag:s30] =	ssyncadd.s32 $0xFFFFF800  }
0x133: {  	_ =	swait.ge [sflag:s30], $0x800  }
0x134: {  	[sflag:s30] =	ssyncset.done $0x0  }
0x135: {  	[sflag:s30] =	ssyncadd.s32 $0xFFFFF800  }
0x136: {  	_ =	swait.ge [sflag:s30], $0x800  }
0x137: {  	[sflag:s30] =	ssyncset.done $0x0  }
0x138: {  	[sflag:s30] =	ssyncadd.s32 $0xFFFFF800  }
0x139: {  	_ =	swait.ge [sflag:s30], $0x800  }
0x13a: {  	[sflag:s30] =	ssyncset.done $0x0  }
0x13b: {  	[sflag:s30] =	ssyncadd.s32 $0xFFFFF800  }
0x13c: {  	_ =	swait.ge [sflag:s30], $0x800  }
0x13d: {  	s4 =	sadd.s32 $0x1, s4;
	[sflag:s30] =	ssyncset.done $0x0  }
0x13e: {  	p0 =	sne.s32 s4, s10;
	[sflag:s30] =	ssyncadd.s32 $0xFFFFF800  }
.Ltmp2:
0x13f: {  	s1 =	sshrl.u32 s5, $0x3;
	[bflag:$0x0] =	sbarrier.arrive $0xFFFF;
	(pc) =	sbr.rel @p0 .LBB2_1-.Ltmp2, $4  }
0x140: {  	[hbm:s9], [sflag:s13] =	dma.local [spmem:s1], $0x500  }
0x141: {  	_ =	swait.ge [sflag:s12], $0x500  }
0x142: {  	[sflag:s12] =	ssyncset.done $0x0  }
0x143: {  	[sflag:s12] =	ssyncadd.s32 $0xFFFFFB00  }
0x144: {  	_ =	sfence.sel $0x180000  }
0x145: {  	[bflag:$0x0] =	sbarrier.arrive $0xFFFF  }
0x146: {  	_ =	strace $0x9000004D  }
0x147: {  	s0 =	stileid.u32;
	[bflag:$0x2] =	sbarrier.arrive $0xFFFF  }
0x148: {  	p0 =	sne.s32 s0, $0x0;
	s0 =	rddreg [dreg:$0x3]  }
0x149: {  	s0 =	sadd.s32 @!p0 $0x100000, s0  }
0x14a: {  	[sflag:s0] =	ssyncadd.tile.s32 @!p0 $0x1;
	_ =	shalt  }
.Lfunc_end2:
_tile_overlayer_lowered:
.L_overlay_start_2:
0x14b: {  	(tag) =	ssettag $0x2  }
0x14c: {  	s0 =	rddreg [dreg:$0x0];
	s2 =	stileid.u32  }
0x14d: {  	s1 =	rddreg [dreg:$0x1];
	p0 =	sne.s32 s2, $0x0  }
0x14e: {  	s3 =	rddreg [dreg:$0x2];
	[bflag:$0x3] =	sbarrier.arrive $0xFFFF;
	s2 =	simm.s32 @!p0 $0x1C03  }
0x14f: {  	[timem:s3], [sflag:s2] =	dma.local @!p0 [hbm:s0], s1  }
0x150: {  	s0 =	simm.s32 @!p0 $0x3  }
0x151: {  	_ =	swait.ge @!p0 [sflag:s0], s1  }
0x152: {  	s1 =	ssub.s32 @!p0 $0x0, s1;
	[sflag:s0] =	ssyncset.done @!p0 $0x0  }
0x153: {  	[sflag:s0] =	ssyncadd.s32 @!p0 s1  }
0x154: {  	[bflag:$0x3] =	sbarrier.arrive $0xFFFF  }
0x155: {  	_ =	shalt  }

// kernel: kernel.9.cloned.1.call-start
scs
__scs_entry_jumppad:
0x0: {  	(pc) =	sbr.rel $0x88, $3  }
0x1: {  	(tag) =	ssettag $0x0;
	lr =	simm.s32 $0x1  }
0x2: {  	[smem:$0x3F9B] =	sst lr;
	_ =	strace $0xD0000000  }
0x3: {  	_ = 	snop  }
0x4: {  	_ = 	snop  }
0x5: {  	_ = 	snop  }
0x6: {  	_ = 	snop  }
0x7: {  	_ = 	snop  }
__scs_overlays_trampoline_lowered:
0x8: {  	[smem:$0x3FAA] =	sst s0  }
0x9: {  	[smem:$0x3FAB] =	sst s1  }
0xa: {  	[smem:$0x3FAC] =	sst s2  }
0xb: {  	[smem:$0x3FAD] =	sst s3  }
0xc: {  	[smem:$0x3FAE] =	sst s4  }
0xd: {  	[smem:$0x3FAF] =	sst s5  }
0xe: {  	[smem:$0x3FB0] =	sst s6  }
0xf: {  	[smem:$0x3FB1] =	sst s7  }
0x10: {  	[smem:$0x3FB2] =	sst s8  }
0x11: {  	[smem:$0x3FB3] =	sst s9;
	s0 =	simm.s32 @!p0 $0x0  }
0x12: {  	s1 =	sld [smem:$0x3F99];
	s0 =	simm.s32 @p0 $0x1  }
0x13: {  	[smem:$0x3FB4] =	sst s0;
	s0 =	simm.s32 @!p1 $0x0  }
0x14: {  	s2 =	sld [smem:$0x3F98];
	s0 =	simm.s32 @p1 $0x1  }
0x15: {  	[smem:$0x3FB5] =	sst s0;
	s0 =	simm.s32 @!p2 $0x0  }
0x16: {  	s3 =	sld [smem:$0x3FDB];
	s0 =	simm.s32 @p2 $0x1  }
0x17: {  	s4 =	simm.s32 $0x1BF5;
	[smem:$0x3FB7] =	sst s0  }
0x18: {  	s0 =	sld [smem:$0x3F9A];
	_ =	swait.ge [sflag:s4], $0x0  }
0x19: {  	s7 =	sld [smem:$0x3F9B]  }
0x1a: {  	s8 =	sadd.s32 $0xFFFFE003, lr  }
0x1b: {  	s9 =	sadd.s32 $0xFFFFFEF7, lr;
	s5 =	simm.s32 $0xFFFFFFFF;
	p2 =	slt.u32 s8, $0xFFFFF086  }
0x1c: {  	p1 =	slt.u32 s9, $0xF7A;
	s5 =	simm.s32 @!p2 $0x0  }
0x1d: {  	s5 =	simm.s32 @p1 $0x1;
	p0 =	seq.s32 s7, s2  }
0x1e: {  	s7 =	smul.u32 @!p0 $0xF7A, s2;
	p2 =	seq.s32 @!p0 s5, $0x0  }
0x1f: {  	s9 =	smul.u32 $0xF7A, s1;
	s8 =	simm.s32 @!p0 $0x1BF5;
	p2 =	por !p2, p0  }
0x20: {  	[sflag:s8] =	ssyncset.s32 @!p0 $0xFFFFF086;
	s6 =	sadd.s32 @!p0 s3, s7;
	s7 =	simm.s32 @!p0 $0x108  }
0x21: {  	s3 =	sadd.s32 s3, s9;
	s6 =	sadd.s32 @!p0 $0x88, s6;
	s7 =	simm.s32 @p2 $0x1082  }
0x22: {  	[simem:s7], [sflag:s8] =	dma.local @!p0 [hbm:s6], $0xF7A  }
0x23: {  	s9 =	sor.u32 $0xD0000000, s2;
	s6 =	simm.s32 $0x108;
	_ =	swait.ge @!p0 [sflag:s8], $0x0  }
0x24: {  	s3 =	sadd.s32 $0x88, s3;
	s6 =	simm.s32 @!p1 $0x1082;
	[sflag:s4] =	ssyncset.s32 $0xFFFFF086  }
0x25: {  	[simem:s6], [sflag:s4] =	dma.local [hbm:s3], $0xF7A  }
0x26: {  	[smem:$0x3F9B] =	sst s1;
	(tag) =	ssettag s2;
	_ =	strace s9  }
0x27: {  	s1 =	sld [smem:$0x3FAB]  }
0x28: {  	s2 =	sld [smem:$0x3FAC]  }
0x29: {  	s4 =	sld [smem:$0x3FAE]  }
0x2a: {  	p0 =	seq.s32 s5, $0x0;
	s5 =	sld [smem:$0x3FAF]  }
0x2b: {  	s6 =	sld [smem:$0x3FB0]  }
0x2c: {  	s7 =	sld [smem:$0x3FB1]  }
0x2d: {  	s3 =	simm.s32 $0x108;
	s8 =	sld [smem:$0x3FB2]  }
0x2e: {  	s3 =	simm.s32 @!p0 $0x1082;
	s9 =	sld [smem:$0x3FB3]  }
0x2f: {  	lr =	sadd.s32 s0, s3;
	s0 =	sld [smem:$0x3FAA]  }
0x30: {  	s3 =	sld [smem:$0x3FAD]  }
0x31: {  	[smem:$0x3FB6] =	sst s10  }
0x32: {  	s10 =	sld [smem:$0x3FB4];
	_ =	sdelay $0x3  }
0x33: {  	p0 =	seq.s32 s10, $0x1;
	s10 =	sld [smem:$0x3FB6];
	_ =	sdelay $0x3  }
0x34: {  	[smem:$0x3FB6] =	sst s10  }
0x35: {  	s10 =	sld [smem:$0x3FB5];
	_ =	sdelay $0x3  }
0x36: {  	p1 =	seq.s32 s10, $0x1;
	s10 =	sld [smem:$0x3FB6];
	_ =	sdelay $0x3  }
0x37: {  	[smem:$0x3FB6] =	sst s10  }
0x38: {  	s10 =	sld [smem:$0x3FB7]  }
0x39: {  	_ = 	snop;
	(pc) =	sbr.ind lr, $3  }
0x3a: {  	_ = 	snop  }
0x3b: {  	_ = 	snop  }
0x3c: {  	p2 =	seq.s32 s10, $0x1;
	s10 =	sld [smem:$0x3FB6]  }
0x3d: {  	_ =	shalt  }
0x3e: {  	_ =	shalt  }
0x3f: {  	_ =	shalt  }
0x40: {  	_ =	shalt  }
0x41: {  	_ =	shalt  }
0x42: {  	_ =	shalt  }
0x43: {  	_ =	shalt  }
0x44: {  	_ =	shalt  }
0x45: {  	_ =	shalt  }
0x46: {  	_ =	shalt  }
0x47: {  	_ =	shalt  }
0x48: {  	_ =	shalt  }
0x49: {  	_ =	shalt  }
0x4a: {  	_ =	shalt  }
0x4b: {  	_ =	shalt  }
0x4c: {  	_ =	shalt  }
0x4d: {  	_ =	shalt  }
0x4e: {  	_ =	shalt  }
0x4f: {  	_ =	shalt  }
0x50: {  	_ =	shalt  }
0x51: {  	_ =	shalt  }
0x52: {  	_ =	shalt  }
0x53: {  	_ =	shalt  }
0x54: {  	_ =	shalt  }
0x55: {  	_ =	shalt  }
0x56: {  	_ =	shalt  }
0x57: {  	_ =	shalt  }
0x58: {  	_ =	shalt  }
0x59: {  	_ =	shalt  }
0x5a: {  	_ =	shalt  }
0x5b: {  	_ =	shalt  }
0x5c: {  	_ =	shalt  }
0x5d: {  	_ =	shalt  }
0x5e: {  	_ =	shalt  }
0x5f: {  	_ =	shalt  }
0x60: {  	_ =	shalt  }
0x61: {  	_ =	shalt  }
0x62: {  	_ =	shalt  }
0x63: {  	_ =	shalt  }
0x64: {  	_ =	shalt  }
0x65: {  	_ =	shalt  }
0x66: {  	_ =	shalt  }
0x67: {  	_ =	shalt  }
0x68: {  	_ =	shalt  }
0x69: {  	_ =	shalt  }
0x6a: {  	_ =	shalt  }
0x6b: {  	_ =	shalt  }
0x6c: {  	_ =	shalt  }
0x6d: {  	_ =	shalt  }
0x6e: {  	_ =	shalt  }
0x6f: {  	_ =	shalt  }
0x70: {  	_ =	shalt  }
0x71: {  	_ =	shalt  }
0x72: {  	_ =	shalt  }
0x73: {  	_ =	shalt  }
0x74: {  	_ =	shalt  }
0x75: {  	_ =	shalt  }
0x76: {  	_ =	shalt  }
0x77: {  	_ =	shalt  }
0x78: {  	_ =	shalt  }
0x79: {  	_ =	shalt  }
0x7a: {  	_ =	shalt  }
0x7b: {  	_ =	shalt  }
0x7c: {  	_ =	shalt  }
0x7d: {  	_ =	shalt  }
0x7e: {  	_ =	shalt  }
0x7f: {  	_ =	shalt  }
0x80: {  	_ =	shalt  }
0x81: {  	_ =	shalt  }
0x82: {  	_ =	shalt  }
0x83: {  	_ =	shalt  }
0x84: {  	_ =	shalt  }
0x85: {  	_ =	shalt  }
0x86: {  	_ =	shalt  }
0x87: {  	_ =	shalt  }
.Lfunc_end0:
.L_simem_size_0:
called_computation_lowered:
.L_overlay_start_0:
0x88: {  	s2 =	sld [smem:$0x3FD9]  }
0x89: {  	s3 =	sld [smem:$0x3FFE];
	_ =	sdelay $0x1  }
0x8a: {  	s1 =	srdreg.scid  }
0x8b: {  	s0 =	sand.u32 $0x1, s1  }
0x8c: {  	s16 =	sshll.u32 s0, $0xA;
	s2 =	sadd.s32 s3, s2  }
0x8d: {  	s2 =	sadd.s32 s2, s16  }
0x8e: {  	[smem:$0x3FC2] =	sst s2  }
0x8f: {  	_ = 	snop  }
0x90: {  	(tm) =	ssettm $0x1  }
0x91: {  	s17 =	sld [smem:$0x3FFB];
	_ =	sdelay $0x3  }
0x92: {  	_ =	strace s17  }
0x93: {  	s2 =	sld [smem:$0x3FFC];
	_ =	sdelay $0x3  }
0x94: {  	_ =	strace s2  }
0x95: {  	s2 =	sld [smem:$0x3FFD];
	_ =	sdelay $0x3  }
0x96: {  	_ =	strace s2  }
0x97: {  	_ =	strace $0x8FFFFFFF  }
0x98: {  	s18 =	sld [smem:$0x3FDB];
	_ =	sdelay $0x1  }
0x99: {  	s19 =	simm.s32 $_scs_section_size  }
0x9a: {  	s4 =	simm.s32 $_size__tile_overlayer_lowered;
	s5 =	simm.s32 $_tile_overlayer_lowered  }
0x9b: {  	s22 =	simm.s32 $0x1BFF;
	s21 =	sshll.u32 s5, $0x1;
	s2 =	sadd.s32 s19, s18  }
0x9c: {  	s6 =	simm.s32 $0x0;
	s20 =	sshll.u32 s4, $0x1;
	s4 =	sadd.s32 s21, s2  }
0x9d: {  	[timem:s6], [sflag:s22] =	dma.local [hbm:s4], s20  }
0x9e: {  	_ =	swait.ge [sflag:s22], s20  }
0x9f: {  	s3 =	ssub.s32 $0x0, s20;
	[sflag:s22] =	ssyncset.done $0x0  }
0xa0: {  	[sflag:s22] =	ssyncadd.s32 s3;
	_ =	sdelay $0x1  }
0xa1: {  	s23 =	simm.s32 $0x1B8B  }
0xa2: {  	_ =	swait.ge [sflag:s23], $0x1  }
0xa3: {  	[sflag:s23] =	ssyncset.done $0x0  }
0xa4: {  	s25 =	simm.s32 $0x1B8E;
	s24 =	sld [smem:$0x3FFE];
	[sflag:s23] =	ssyncadd.s32 $0xFFFFFFFF  }
0xa5: {  	s26 =	simm.s32 $execute0_lowered;
	[smem:$0x3FD2] =	sst s25  }
0xa6: {  	s4 =	sshll.u32 s26, $0x1;
	_ =	strace $0x80000046;
	[dreg:$0x1] =	wrdreg $0xFFFFFFFF  }
0xa7: {  	s28 =	simm.s32 $_size_execute0_lowered;
	s2 =	sadd.s32 s2, s4;
	[dreg:$0x0] =	wrdreg $0x0  }
0xa8: {  	s4 =	sshll.u32 s28, $0x1;
	[dreg:$0x2] =	wrdreg s2  }
0xa9: {  	[dreg:$0x3] =	wrdreg s4  }
0xaa: {  	[dreg:$0x4] =	wrdreg $0xC0  }
0xab: {  	_ =	task [dreg:s6], $0x5FFFF  }
0xac: {  	[dreg:$0x1] =	wrdreg $0xFFFFFFFF  }
0xad: {  	[dreg:$0x0] =	wrdreg $0x60  }
0xae: {  	[dreg:$0x2] =	wrdreg s24  }
0xaf: {  	[dreg:$0x3] =	wrdreg $0x58000  }
0xb0: {  	[dreg:$0x4] =	wrdreg $0x9  }
0xb1: {  	_ =	task.clear_ibuf [dreg:s6], $0x5FFFF;
	_ =	strace $0x90000046  }
0xb2: {  	s29 =	simm.s32 $0x9;
	_ =	strace $0x80000048  }
0xb3: {  	_ =	swait.ge [sflag:s29], $0x1  }
0xb4: {  	[sflag:s29] =	ssyncadd.s32 $0xFFFFFFFF  }
0xb5: {  	_ =	strace $0x90000048  }
0xb6: {  	_ =	sfence  }
0xb7: {  	s30 =	sld [smem:$0x0];
	_ =	sdelay $0x2  }
0xb8: {  	s31 =	sshll.u32 s1, $0xD;
	s1 =	sshrl.u32 s1, $0x2  }
0xb9: {  	s3 =	sand.u32 $0x4000, s31;
	s1 =	sadd.s32 s1, s30  }
0xba: {  	s0 =	sor.u32 s3, s0;
	s1 =	sshll.u32 s1, $0x11  }
0xbb: {  	s0 =	sor.u32 s1, s0  }
0xbc: {  	s0 =	sadd.s32 $0x8F2B, s0  }
0xbd: {  	[sflag:s0] =	ssyncadd.remote.s32 $0x1  }
0xbe: {  	_ =	sfence.sel $0xFFFF  }
0xbf: {  	[dreg:$0x0] =	wrdreg $0xFFFFFFFF;
	(pc) =	sbr.abs _section_cstart, $3  }
0xc0: {  	[dreg:$0x1] =	wrdreg $0xFFFFFFFF  }
0xc1: {  	_ =	task.clear_ibuf [dreg:s6], $0x2FFFF;
	_ =	strace $0x9FFFFFFF  }
0xc2: {  	(tm) =	ssettm $0x7FFFFFFF  }
0xc3: {  	_ =	shalt  }
tec
execute0_lowered:
.L_overlay_start_1:
0x0: {  	(tag) =	ssettag $0x1  }
0x1: {  	s0 =	srdreg.scid;
	s5 =	rddreg [dreg:$0x0]  }
0x2: {  	s2 =	rddreg [dreg:$0x1];
	s3 =	simm.s32 $0x0;
	s10 =	simm.s32 $0x800  }
0x3: {  	s11 =	simm.s32 $0x80;
	s4 =	sand.u32 $0x1, s0;
	s0 =	stileid.u32  }
0x4: {  	s12 =	simm.s32 $0x1;
	s15 =	simm.s32 $0x0;
	s7 =	smul.u32 $0x500, s0  }
0x5: {  	[smem:$0x7FF] =	sst s3;
	s1 =	sshll.u32 s4, $0x4;
	s8 =	smul.u32 $0x5000, s4  }
0x6: {  	s9 =	smul.u32 $0xA000, s0;
	s4 =	ssub.s32 $0x2, s4;
	s13 =	sshll.u32 s0, $0x6  }
0x7: {  	s1 =	sor.u32 s0, s1;
	s31 =	sshrl.u32 s4, $0x1;
	s13 =	sor.u32 $0x1C02, s13  }
0x8: {  	s6 =	smul.u32 $0x500, s1;
	s1 =	rddreg [dreg:$0x2];
	_ =	strace $0x80000047  }
0x9: {  	s7 =	sadd.s32 s7, s8;
	s9 =	sshrl.u32 s9, $0x2;
	s8 =	ssub.s32 s4, s31  }
0xa: {  	s7 =	sadd.s32 s7, s5;
	s4 =	sadd.s32 s9, s2;
	s6 =	sadd.s32 s6, s5  }
0xb: {  	s9 =	simm.s32 $0x2;
	s14 =	sshrl.u32 s4, $0x3;
	s5 =	sadd.s32 $0xC000, s6  }
0xc: {  	v0 =	vimm.f32 $1.000000000e+00;
	v1 =	vimm.f32 $0.0e+00;
	s6 =	sadd.s32 $0x16000, s7;
	s7 =	smax.u32 s8, $0x1;
	s8 =	simm.s32 $0x3000  }
.LBB2_1:
0xd: {  	s16 =	simm.s32 $0x0  }
.LBB2_2:
0xe: {  	p0 =	sne.s32 s16, $0x1FC0  }
.Ltmp0:
0xf: {  	_ = 	snop;
	(pc) =	sbr.rel @p0 .LBB2_2-.Ltmp0, $3  }
0x10: {  	_ =	sdelay $0x1  }
0x11: {  	s17 =	sshra.s32 s16, $0x2  }
0x12: {  	s16 =	sadd.s32 $0x40, s16;
	[tilespmem:s17+$0x0] =	vst v0  }
0x13: {  	s16 =	simm.s32 $0x40;
	s17 =	simm.s32 $0x0  }
.LBB2_4:
0x14: {  	p0 =	sne.s32 s16, $0x9FC0;
	[tilespmem:s17+$0x3000] =	vst v1;
	s17 =	smov.u32 s16;
	s16 =	sadd.s32 $0x40, s16  }
.Ltmp1:
0x15: {  	(pc) =	sbr.rel @p0 .LBB2_4-.Ltmp1, $2  }
0x16: {  	_ =	sdelay $0x2  }
0x17: {  	s17 =	sshra.s32 s17, $0x2  }
0x18: {  	[tilespmem:s17+$0x3000] =	vst v1  }
0x19: {  	[spmem:s4] =	stream.linear.scatter [tilespmem:s8], [sflag:$0x2], $0x2800, $0x38;
	[tilespmem:$0x8000] =	vst v63  }
0x1a: {  	_ =	swait.ge [sflag:s9], $0x2800  }
0x1b: {  	[sflag:s9] =	ssyncset.done $0x0  }
0x1c: {  	s16 =	simm.s32 $0x0;
	[sflag:s9] =	ssyncadd.s32 $0xFFFFD800  }
0x1d: {  	[tilespmem:s10], [sflag:$0x2] =	stream.linear.gather [hbm4b:s5+s16], $0x2800, $0x38;
	[tilespmem:$0x8000] =	vst v63  }
0x1e: {  	_ =	swait.ge [sflag:s9], $0x2800  }
0x1f: {  	[sflag:s9] =	ssyncset.done $0x0  }
0x20: {  	[sflag:s9] =	ssyncadd.s32 $0xFFFFD800  }
0x21: {  	[bflag:$0x0] =	sbarrier.arrive $0xFFFF  }
.LBB2_6:
0x22: {  	p0 =	sne.s32 s16, $0x9E00  }
.Ltmp2:
0x23: {  	_ = 	snop;
	(pc) =	sbr.rel @p0 .LBB2_6-.Ltmp2, $4  }
0x24: {  	_ = 	snop  }
0x25: {  	s17 =	sshra.s32 s16, $0x2  }
0x26: {  	s16 =	sadd.s32 $0x200, s16;
	s17 =	sadd.s32 $0x800, s17  }
0x27: {  	[spmem:s2] =	stream.indirect.scatter.add.f32 [tilespmem:s3], [sflag:$0x1], $0x10, s17, s11, $0xb8;
	[tilespmem:$0x8000] =	vst v63  }
0x28: {  	_ =	swait.ge [sflag:s12], $0x800  }
0x29: {  	s16 =	simm.s32 $0x4F;
	[sflag:s12] =	ssyncset.done $0x0  }
.LBB2_8:
0x2a: {  	p0 =	sne.s32 s16, $0x1;
	s16 =	sadd.s32 $0xFFFFFFFF, s16;
	[sflag:s12] =	ssyncadd.s32 $0xFFFFF800  }
.Ltmp3:
0x2b: {  	(pc) =	sbr.rel @p0 .LBB2_8-.Ltmp3, $3  }
0x2c: {  	_ =	sdelay $0x1  }
0x2d: {  	_ =	swait.ge [sflag:s12], $0x800  }
0x2e: {  	[sflag:s12] =	ssyncset.done $0x0  }
0x2f: {  	s15 =	sadd.s32 $0x1, s15  }
0x30: {  	[sflag:s12] =	ssyncadd.s32 $0xFFFFF800;
	p0 =	sne.s32 s15, s7  }
.Ltmp4:
0x31: {  	[bflag:$0x0] =	sbarrier.arrive $0xFFFF;
	(pc) =	sbr.rel @p0 .LBB2_1-.Ltmp4, $4  }
0x32: {  	[hbm:s6], [sflag:s13] =	dma.local [spmem:s14], $0x500  }
0x33: {  	_ =	swait.ge [sflag:s9], $0x500  }
0x34: {  	[sflag:s9] =	ssyncset.done $0x0  }
0x35: {  	[sflag:s9] =	ssyncadd.s32 $0xFFFFFB00  }
0x36: {  	_ =	sfence.sel $0x180000  }
0x37: {  	[bflag:$0x0] =	sbarrier.arrive $0xFFFF  }
0x38: {  	p0 =	sne.s32 s0, $0x0;
	_ =	strace $0x90000047  }
0x39: {  	s0 =	sadd.s32 @!p0 $0x100000, s1;
	[bflag:$0x2] =	sbarrier.arrive $0xFFFF  }
0x3a: {  	[sflag:s0] =	ssyncadd.tile.s32 @!p0 $0x1;
	_ =	shalt  }
.Lfunc_end2:
_tile_overlayer_lowered:
.L_overlay_start_2:
0x3b: {  	(tag) =	ssettag $0x2  }
0x3c: {  	s0 =	rddreg [dreg:$0x0];
	s2 =	stileid.u32  }
0x3d: {  	s1 =	rddreg [dreg:$0x1];
	p0 =	sne.s32 s2, $0x0  }
0x3e: {  	s3 =	rddreg [dreg:$0x2];
	[bflag:$0x3] =	sbarrier.arrive $0xFFFF;
	s2 =	simm.s32 @!p0 $0x1C02  }
0x3f: {  	[timem:s3], [sflag:s2] =	dma.local @!p0 [hbm:s0], s1  }
0x40: {  	s0 =	simm.s32 @!p0 $0x2  }
0x41: {  	_ =	swait.ge @!p0 [sflag:s0], s1  }
0x42: {  	s1 =	ssub.s32 @!p0 $0x0, s1;
	[sflag:s0] =	ssyncset.done @!p0 $0x0  }
0x43: {  	[sflag:s0] =	ssyncadd.s32 @!p0 s1  }
0x44: {  	[bflag:$0x3] =	sbarrier.arrive $0xFFFF  }
0x45: {  	_ =	shalt  }

</sc_bundles>
